<compile_context>
chip_gen: v7x
topology: tpu7x:2x2x1
jax: 0.10.2.dev20260603
libtpu: 0.0.44.dev20260713+nightly
codegen_flags: <defaults>
</compile_context>

<pallas_src>
import functools

import numpy as np
import jax
import jax.numpy as jnp
from jax import lax
from jax.experimental import pallas as pl
from jax.experimental.pallas import tpu as pltpu
from jax.experimental.pallas import tpu_sc as plsc

N = 10000
E = 320000
IN_DIM = 128
H1 = 8
C1 = 8
NCLASS = 10

NC = 2
NS = 16
NW = NC * NS
EPW = E // NW
K = 80
NCHUNK = EPW // K
RPT = N // NS

_f32 = jnp.float32
_i32 = jnp.int32



def _edge_tables(row_w, H, C):
    hc = H * C
    as_w0 = row_w - 16 if hc >= 16 else 0
    lane0 = hc - as_w0
    q = np.arange(K * row_w, dtype=np.int32)
    e = q // row_w
    col = q % row_w
    head = np.where(col < hc, col // C,
                    np.where(col < hc + H, col - hc, 0))
    t_all = e * 16 + lane0 + head
    return as_w0, lane0, t_all.astype(np.int32)


def _make_edge_pass(row_w, H, C, stage_tables=False):
    W16 = row_w // 16
    AS_W0, _, _ = _edge_tables(row_w, H, C)
    assert NCHUNK % 2 == 1
    mesh = plsc.VectorSubcoreMesh(core_axis_name="c", subcore_axis_name="s")
    shared_scratch = (
        [pltpu.VMEM_SHARED((N, row_w), _f32),
         pltpu.VMEM_SHARED((N, 16), _f32)]
        if stage_tables else [])

    @functools.partial(
        pl.kernel,
        mesh=mesh,
        out_type=jax.ShapeDtypeStruct((NC, N, row_w), _f32),
        compiler_params=pltpu.CompilerParams(
            use_tc_tiling_on_sc=False, needs_layout_passes=False),
        scratch_types=shared_scratch + [
            pltpu.VMEM_SHARED((N, row_w), _f32),
            pltpu.VMEM((EPW,), _i32),
            pltpu.VMEM((EPW,), _i32),
            pltpu.VMEM((K, row_w), _f32),
            pltpu.VMEM((K, row_w), _f32),
            pltpu.VMEM((K, row_w), _f32),
            pltpu.VMEM((K, row_w), _f32),
            pltpu.VMEM((K, 16), _f32),
            pltpu.VMEM((K, 16), _f32),
            pltpu.VMEM((K, 16), _f32),
            pltpu.VMEM((K, 16), _f32),
            pltpu.VMEM((K * 16,), _f32),
            pltpu.VMEM((K, row_w), _f32),
            pltpu.VMEM((K, row_w), _f32),
            pltpu.VMEM((16,), _f32),
            pltpu.VMEM((K * row_w,), _i32),
            pltpu.SemaphoreType.DMA,
            pltpu.SemaphoreType.DMA,
            pltpu.SemaphoreType.DMA,
            pltpu.SemaphoreType.DMA,
            pltpu.SemaphoreType.DMA,
            pltpu.SemaphoreType.DMA,
        ],
    )
    def edge_pass(src_hbm, dst_hbm, tab_hbm, adt_hbm, bound_hbm,
                  tall_hbm,
                  out_hbm,
                  *scratch):
        if stage_tables:
            (tab_src, adt_src, acc_sh, sidx_all, didx_all,
             srows_0, srows_1, srows_2, srows_3,
             adrows_0, adrows_1, adrows_2, adrows_3,
             exbuf, staging_a, staging_b, boundv, tall,
             sem_0, sem_1, sem_2, sem_3, sem_sa, sem_sb) = scratch
        else:
            (acc_sh, sidx_all, didx_all,
             srows_0, srows_1, srows_2, srows_3,
             adrows_0, adrows_1, adrows_2, adrows_3,
             exbuf, staging_a, staging_b, boundv, tall,
             sem_0, sem_1, sem_2, sem_3, sem_sa, sem_sb) = scratch
            tab_src, adt_src = tab_hbm, adt_hbm
        cid = lax.axis_index("c")
        sid = lax.axis_index("s")
        wid = sid * NC + cid
        row0 = sid * RPT
        ebase = wid * EPW

        pltpu.sync_copy(bound_hbm, boundv)
        pltpu.sync_copy(tall_hbm, tall)
        pltpu.sync_copy(src_hbm.at[pl.ds(ebase, EPW)], sidx_all)
        pltpu.sync_copy(dst_hbm.at[pl.ds(ebase, EPW)], didx_all)
        if stage_tables:
            pltpu.sync_copy(tab_hbm.at[pl.ds(row0, RPT)],
                            tab_src.at[pl.ds(row0, RPT)])
            pltpu.sync_copy(adt_hbm.at[pl.ds(row0, RPT)],
                            adt_src.at[pl.ds(row0, RPT)])

        zero16 = jnp.zeros((16,), _f32)

        def zrow(r, carry):
            for j in range(W16):
                staging_a[r, pl.ds(j * 16, 16)] = zero16
            return carry

        lax.fori_loop(0, K, zrow, 0)
        nfull = RPT // K
        rem = RPT - nfull * K
        for r in range(nfull):
            pltpu.sync_copy(staging_a, acc_sh.at[pl.ds(row0 + r * K, K)])
        if rem:
            pltpu.sync_copy(staging_a.at[pl.ds(0, rem)],
                            acc_sh.at[pl.ds(row0 + nfull * K, rem)])
        plsc.subcore_barrier()

        bvec = boundv[...]
        lane = lax.broadcasted_iota(_i32, (16,), 0)

        def fire(c, srows, adrows, sem):
            sl = pl.ds(c * K, K)
            pltpu.async_copy(tab_src.at[sidx_all.at[sl]], srows, sem)
            pltpu.async_copy(adt_src.at[didx_all.at[sl]], adrows, sem)

        def drain(srows, adrows, sem):
            pltpu.make_async_copy(tab_hbm.at[pl.ds(0, K)], srows, sem).wait()
            pltpu.make_async_copy(adt_hbm.at[pl.ds(0, K)], adrows, sem).wait()

        def scat(c, staging, sem_s):
            return pltpu.make_async_copy(
                staging, acc_sh.at[didx_all.at[pl.ds(c * K, K)]], sem_s)

        def compute_scatter(c, srows, adrows, staging, sem_s, guard):
            @pl.when(guard)
            def _():
                scat(c, staging, sem_s).wait()

            @plsc.parallel_loop(0, K, unroll=4)
            def exphase(e):
                asv = srows[e, pl.ds(AS_W0, 16)]
                adv = adrows[e, pl.ds(0, 16)]
                ev = asv + adv
                ev = jnp.where(ev > 0, ev, 0.2 * ev)
                exbuf[pl.ds(e * 16, 16)] = jnp.exp(ev - bvec)

            @plsc.parallel_loop(0, K, unroll=4)
            def msg(e):
                for j in range(W16):
                    lo = j * 16
                    colv = lane + lo
                    idxv = tall[pl.ds(e * row_w + lo, 16)]
                    exg = plsc.load_gather(exbuf, [idxv])
                    if lo + 16 <= H * C:
                        val = srows[e, pl.ds(lo, 16)] * exg
                    elif lo >= H * C:
                        val = jnp.where(colv < H * C + H, exg, 0.0)
                    else:
                        hv = srows[e, pl.ds(lo, 16)]
                        val = jnp.where(colv < H * C, hv * exg,
                                        jnp.where(colv < H * C + H, exg, 0.0))
                    staging[e, pl.ds(lo, 16)] = val

            pltpu.async_copy(staging,
                             acc_sh.at[didx_all.at[pl.ds(c * K, K)]],
                             sem_s, add=True)

        bufs = [(srows_0, adrows_0, sem_0), (srows_1, adrows_1, sem_1),
                (srows_2, adrows_2, sem_2), (srows_3, adrows_3, sem_3)]
        stgs = [(staging_a, sem_sa), (staging_b, sem_sb)]
        DEPTH = 4
        for b in range(DEPTH):
            fire(b, *bufs[b])

        def quad(i, carry):
            for b in range(DEPTH):
                c = DEPTH * i + b
                drain(*bufs[b])
                stg, ssem = stgs[b % 2]
                guard = (i > 0) if b < 2 else jnp.bool_(True)
                compute_scatter(c, bufs[b][0], bufs[b][1], stg, ssem, guard)

                @pl.when(c + DEPTH < NCHUNK)
                def _(sb=bufs[b], cc=c):
                    fire(cc + DEPTH, *sb)
            return carry

        nquad = NCHUNK // DEPTH
        lax.fori_loop(0, nquad, quad, 0)
        for b in range(NCHUNK - DEPTH * nquad):
            c = DEPTH * nquad + b
            drain(*bufs[b])
            stg, ssem = stgs[b % 2]
            compute_scatter(c, bufs[b][0], bufs[b][1], stg, ssem,
                            jnp.bool_(True))
        scat(0, staging_a, sem_sa).wait()
        scat(0, staging_b, sem_sb).wait()

        plsc.subcore_barrier()
        pltpu.sync_copy(acc_sh.at[pl.ds(row0, RPT)],
                        out_hbm.at[cid, pl.ds(row0, RPT)])

    return edge_pass


def _make_edge_pass_1head(row_w, C):
    assert NCHUNK % 2 == 1
    mesh = plsc.VectorSubcoreMesh(core_axis_name="c", subcore_axis_name="s")

    @functools.partial(
        pl.kernel,
        mesh=mesh,
        out_type=jax.ShapeDtypeStruct((NC, N, row_w), _f32),
        compiler_params=pltpu.CompilerParams(
            use_tc_tiling_on_sc=False, needs_layout_passes=False),
        scratch_types=[
            pltpu.VMEM_SHARED((N, row_w), _f32),
            pltpu.VMEM((EPW,), _i32),
            pltpu.VMEM((EPW,), _i32),
            pltpu.VMEM((K, row_w), _f32),
            pltpu.VMEM((K, row_w), _f32),
            pltpu.VMEM((K, row_w), _f32),
            pltpu.VMEM((K, row_w), _f32),
            pltpu.VMEM((N,), _f32),
            pltpu.VMEM((N,), _f32),
            pltpu.VMEM((K,), _f32),
            pltpu.VMEM((K, row_w), _f32),
            pltpu.VMEM((K, row_w), _f32),
            pltpu.VMEM((16,), _f32),
            pltpu.SemaphoreType.DMA,
            pltpu.SemaphoreType.DMA,
            pltpu.SemaphoreType.DMA,
            pltpu.SemaphoreType.DMA,
            pltpu.SemaphoreType.DMA,
            pltpu.SemaphoreType.DMA,
        ],
    )
    def edge_pass(src_hbm, dst_hbm, tab_hbm, asf_hbm, adf_hbm, bound_hbm,
                  out_hbm,
                  acc_sh, sidx_all, didx_all,
                  srows_0, srows_1, srows_2, srows_3,
                  asf, adf, exbuf, staging_a, staging_b, boundv,
                  sem_0, sem_1, sem_2, sem_3, sem_sa, sem_sb):
        cid = lax.axis_index("c")
        sid = lax.axis_index("s")
        wid = sid * NC + cid
        row0 = sid * RPT
        ebase = wid * EPW

        pltpu.sync_copy(bound_hbm, boundv)
        pltpu.sync_copy(src_hbm.at[pl.ds(ebase, EPW)], sidx_all)
        pltpu.sync_copy(dst_hbm.at[pl.ds(ebase, EPW)], didx_all)
        pltpu.sync_copy(asf_hbm, asf)
        pltpu.sync_copy(adf_hbm, adf)

        zero16 = jnp.zeros((16,), _f32)

        def zrow(r, carry):
            staging_a[r, pl.ds(0, 16)] = zero16
            return carry

        lax.fori_loop(0, K, zrow, 0)
        nfull = RPT // K
        rem = RPT - nfull * K
        for r in range(nfull):
            pltpu.sync_copy(staging_a, acc_sh.at[pl.ds(row0 + r * K, K)])
        if rem:
            pltpu.sync_copy(staging_a.at[pl.ds(0, rem)],
                            acc_sh.at[pl.ds(row0 + nfull * K, rem)])
        plsc.subcore_barrier()

        bvec = boundv[...]
        lane = lax.broadcasted_iota(_i32, (16,), 0)

        def fire(c, srows, sem):
            pltpu.async_copy(tab_hbm.at[sidx_all.at[pl.ds(c * K, K)]],
                             srows, sem)

        def drain(srows, sem):
            pltpu.make_async_copy(tab_hbm.at[pl.ds(0, K)], srows, sem).wait()

        def scat(c, staging, sem_s):
            return pltpu.make_async_copy(
                staging, acc_sh.at[didx_all.at[pl.ds(c * K, K)]], sem_s)

        def compute_scatter(c, srows, staging, sem_s, guard):
            @pl.when(guard)
            def _():
                scat(c, staging, sem_s).wait()

            @plsc.parallel_loop(0, K // 16, unroll=2)
            def exphase(g):
                sl16 = pl.ds(c * K + g * 16, 16)
                sv = plsc.load_gather(asf, [sidx_all[sl16]])
                dv = plsc.load_gather(adf, [didx_all[sl16]])
                ev = sv + dv
                ev = jnp.where(ev > 0, ev, 0.2 * ev)
                exbuf[pl.ds(g * 16, 16)] = jnp.exp(ev - bvec)

            @plsc.parallel_loop(0, K, unroll=4)
            def msg(e):
                exg = plsc.load_gather(exbuf, [jnp.broadcast_to(e, (16,))])
                hv = srows[e, pl.ds(0, 16)]
                val = jnp.where(lane < C, hv * exg,
                                jnp.where(lane < C + 1, exg, 0.0))
                staging[e, pl.ds(0, 16)] = val

            pltpu.async_copy(staging,
                             acc_sh.at[didx_all.at[pl.ds(c * K, K)]],
                             sem_s, add=True)

        bufs = [(srows_0, sem_0), (srows_1, sem_1),
                (srows_2, sem_2), (srows_3, sem_3)]
        stgs = [(staging_a, sem_sa), (staging_b, sem_sb)]
        DEPTH = 4
        for b in range(DEPTH):
            fire(b, *bufs[b])

        def quad(i, carry):
            for b in range(DEPTH):
                c = DEPTH * i + b
                drain(*bufs[b])
                stg, ssem = stgs[b % 2]
                guard = (i > 0) if b < 2 else jnp.bool_(True)
                compute_scatter(c, bufs[b][0], stg, ssem, guard)

                @pl.when(c + DEPTH < NCHUNK)
                def _(sb=bufs[b], cc=c):
                    fire(cc + DEPTH, *sb)
            return carry

        nquad = NCHUNK // DEPTH
        lax.fori_loop(0, nquad, quad, 0)
        for b in range(NCHUNK - DEPTH * nquad):
            c = DEPTH * nquad + b
            drain(*bufs[b])
            stg, ssem = stgs[b % 2]
            compute_scatter(c, bufs[b][0], stg, ssem, jnp.bool_(True))
        scat(0, staging_a, sem_sa).wait()
        scat(0, staging_b, sem_sb).wait()

        plsc.subcore_barrier()
        pltpu.sync_copy(acc_sh.at[pl.ds(row0, RPT)],
                        out_hbm.at[cid, pl.ds(row0, RPT)])

    return edge_pass


_edge_pass1 = _make_edge_pass(80, H1, C1, stage_tables=False)
_edge_pass2 = _make_edge_pass_1head(16, NCLASS)
_, _, _TALL1 = _edge_tables(80, H1, C1)



BK = 2000
NBLK = N // BK


def _tcA_body(z_ref, w_ref, as_ref, ad_ref, tab_ref, adt_ref, ms_ref, md_ref):
    i = pl.program_id(0)
    h = jnp.dot(z_ref[...], w_ref[...], preferred_element_type=_f32)
    rows = lax.broadcasted_iota(_i32, (H1 * C1, H1), 0)
    cols = lax.broadcasted_iota(_i32, (H1 * C1, H1), 1)
    G = jnp.where(rows // C1 == cols, 1.0, 0.0).astype(_f32)
    asn = jnp.dot(h * as_ref[...], G, preferred_element_type=_f32)
    adn = jnp.dot(h * ad_ref[...], G, preferred_element_type=_f32)
    tab_ref[...] = jnp.concatenate(
        [h, asn, jnp.zeros((BK, 8), _f32)], axis=1)
    adt_ref[...] = jnp.concatenate([adn, jnp.zeros((BK, 8), _f32)], axis=1)
    mva = jnp.max(asn, axis=0, keepdims=True)
    mvd = jnp.max(adn, axis=0, keepdims=True)

    @pl.when(i == 0)
    def _():
        ms_ref[...] = mva
        md_ref[...] = mvd

    @pl.when(i > 0)
    def _():
        ms_ref[...] = jnp.maximum(ms_ref[...], mva)
        md_ref[...] = jnp.maximum(md_ref[...], mvd)


def _tcA(z, w1, a_s_flat, a_d_flat):
    return pl.pallas_call(
        _tcA_body,
        grid=(NBLK,),
        in_specs=[
            pl.BlockSpec((BK, IN_DIM), lambda i: (i, 0)),
            pl.BlockSpec((IN_DIM, H1 * C1), lambda i: (0, 0)),
            pl.BlockSpec((1, H1 * C1), lambda i: (0, 0)),
            pl.BlockSpec((1, H1 * C1), lambda i: (0, 0)),
        ],
        out_specs=[
            pl.BlockSpec((BK, 80), lambda i: (i, 0)),
            pl.BlockSpec((BK, 16), lambda i: (i, 0)),
            pl.BlockSpec((1, H1), lambda i: (0, 0)),
            pl.BlockSpec((1, H1), lambda i: (0, 0)),
        ],
        out_shape=[
            jax.ShapeDtypeStruct((N, 80), _f32),
            jax.ShapeDtypeStruct((N, 16), _f32),
            jax.ShapeDtypeStruct((1, H1), _f32),
            jax.ShapeDtypeStruct((1, H1), _f32),
        ],
    )(z, w1, a_s_flat, a_d_flat)


def _tcB_body(acc_ref, b1_ref, w2_ref, as2_ref, ad2_ref,
              tab2_ref, asc_ref, adc_ref, ms_ref, md_ref):
    i = pl.program_id(0)
    s = acc_ref[0] + acc_ref[1]
    num = s[:, :H1 * C1]
    den = s[:, H1 * C1:H1 * C1 + H1]
    rows = lax.broadcasted_iota(_i32, (H1, H1 * C1), 0)
    cols = lax.broadcasted_iota(_i32, (H1, H1 * C1), 1)
    P = jnp.where(rows == cols // C1, 1.0, 0.0).astype(_f32)
    denb = jnp.dot(den, P, preferred_element_type=_f32)
    x = num / (denb + 1e-16) + b1_ref[...]
    x = jnp.where(x > 0, x, jnp.exp(x) - 1.0)
    h2 = jnp.dot(x, w2_ref[...], preferred_element_type=_f32)
    as2 = jnp.sum(h2 * as2_ref[...], axis=1, keepdims=True)
    ad2 = jnp.sum(h2 * ad2_ref[...], axis=1, keepdims=True)
    tab2_ref[...] = jnp.concatenate(
        [h2, jnp.zeros((BK, 6), _f32)], axis=1)
    asc_ref[...] = as2
    adc_ref[...] = ad2
    mva = jnp.max(as2).reshape(1, 1)
    mvd = jnp.max(ad2).reshape(1, 1)

    @pl.when(i == 0)
    def _():
        ms_ref[...] = mva
        md_ref[...] = mvd

    @pl.when(i > 0)
    def _():
        ms_ref[...] = jnp.maximum(ms_ref[...], mva)
        md_ref[...] = jnp.maximum(md_ref[...], mvd)


def _tcB(acc1, b1_row, w2, a_src2, a_dst2):
    return pl.pallas_call(
        _tcB_body,
        grid=(NBLK,),
        in_specs=[
            pl.BlockSpec((NC, BK, 80), lambda i: (0, i, 0)),
            pl.BlockSpec((1, H1 * C1), lambda i: (0, 0)),
            pl.BlockSpec((H1 * C1, NCLASS), lambda i: (0, 0)),
            pl.BlockSpec((1, NCLASS), lambda i: (0, 0)),
            pl.BlockSpec((1, NCLASS), lambda i: (0, 0)),
        ],
        out_specs=[
            pl.BlockSpec((BK, 16), lambda i: (i, 0)),
            pl.BlockSpec((BK, 1), lambda i: (i, 0)),
            pl.BlockSpec((BK, 1), lambda i: (i, 0)),
            pl.BlockSpec((1, 1), lambda i: (0, 0)),
            pl.BlockSpec((1, 1), lambda i: (0, 0)),
        ],
        out_shape=[
            jax.ShapeDtypeStruct((N, 16), _f32),
            jax.ShapeDtypeStruct((N, 1), _f32),
            jax.ShapeDtypeStruct((N, 1), _f32),
            jax.ShapeDtypeStruct((1, 1), _f32),
            jax.ShapeDtypeStruct((1, 1), _f32),
        ],
    )(acc1, b1_row, w2, a_src2, a_dst2)


def _tcC_body(acc_ref, b2_ref, out_ref):
    s = acc_ref[0] + acc_ref[1]
    lanes = lax.broadcasted_iota(_i32, (BK, 16), 1)
    den = jnp.sum(jnp.where(lanes == NCLASS, s, 0.0), axis=1, keepdims=True)
    o = s / (den + 1e-16) + b2_ref[...]
    om = jnp.where(lanes < NCLASS, o, -1e30)
    m = jnp.max(om, axis=1, keepdims=True)
    ssum = jnp.sum(jnp.where(lanes < NCLASS, jnp.exp(o - m), 0.0),
                   axis=1, keepdims=True)
    out_ref[...] = (o - (m + jnp.log(ssum)))[:, :NCLASS]


def _tcC(acc2, b2_row):
    return pl.pallas_call(
        _tcC_body,
        grid=(NBLK,),
        in_specs=[
            pl.BlockSpec((NC, BK, 16), lambda i: (0, i, 0)),
            pl.BlockSpec((1, 16), lambda i: (0, 0)),
        ],
        out_specs=pl.BlockSpec((BK, NCLASS), lambda i: (i, 0)),
        out_shape=jax.ShapeDtypeStruct((N, NCLASS), _f32),
    )(acc2, b2_row)



def kernel(z, edge_index, W1, a_src1, a_dst1, b1, W2, a_src2, a_dst2, b2):
    src = edge_index[0]
    dst = edge_index[1]

    tab1, ad1t, ms1, md1 = _tcA(z, W1, a_src1.reshape(1, H1 * C1),
                                a_dst1.reshape(1, H1 * C1))
    m1 = ms1 + md1
    bound1 = jnp.where(m1 > 0, m1, 0.2 * m1).reshape(H1)
    b1_16 = jnp.tile(bound1, 2)
    acc1 = _edge_pass1(src, dst, tab1, ad1t, b1_16, _TALL1)

    tab2, asc, adc, ms2, md2 = _tcB(acc1, b1.reshape(1, H1 * C1),
                                    W2, a_src2, a_dst2)
    m2 = ms2 + md2
    bound2 = jnp.where(m2 > 0, m2, 0.2 * m2)
    b2_16 = jnp.broadcast_to(bound2.reshape(1), (16,))
    acc2 = _edge_pass2(src, dst, tab2, asc.reshape(N), adc.reshape(N), b2_16)

    b2_row = jnp.concatenate([b2, jnp.zeros((6,), _f32)]).reshape(1, 16)
    return _tcC(acc2, b2_row)

# --- scband reference (transcript-rebuilt; emitter-appended) ---
"""Pipeline reference for scband-class-net-55533927137974 (READ-ONLY COPY).

The authoritative reference and input builder live on the scoring server;
editing this copy changes nothing except your own understanding.
"""

import jax, jax.numpy as jnp
import numpy as np

N = 10000
E = 320000
IN_DIM = 128
H1 = 8
C1 = 8
NCLASS = 10


def setup_inputs(seed: int = 0) -> dict:
    key = jax.random.key(seed)
    ks = jax.random.split(key, 10)
    z = jax.random.normal(ks[0], (N, IN_DIM), dtype=jnp.float32)
    edge_index = jax.random.randint(ks[1], (2, E), 0, N, dtype=jnp.int32)
    W1 = jax.random.normal(ks[2], (IN_DIM, H1 * C1), dtype=jnp.float32) * 0.1
    a_src1 = jax.random.normal(ks[3], (H1, C1), dtype=jnp.float32) * 0.1
    a_dst1 = jax.random.normal(ks[4], (H1, C1), dtype=jnp.float32) * 0.1
    b1 = jnp.zeros((H1 * C1,), dtype=jnp.float32)
    W2 = jax.random.normal(ks[5], (H1 * C1, NCLASS), dtype=jnp.float32) * 0.1
    a_src2 = jax.random.normal(ks[6], (1, NCLASS), dtype=jnp.float32) * 0.1
    a_dst2 = jax.random.normal(ks[7], (1, NCLASS), dtype=jnp.float32) * 0.1
    b2 = jnp.zeros((NCLASS,), dtype=jnp.float32)
    return {"z": z, "edge_index": edge_index, "W1": W1, "a_src1": a_src1, "a_dst1": a_dst1, "b1": b1, "W2": W2, "a_src2": a_src2, "a_dst2": a_dst2, "b2": b2}


def _gat_layer(x, src, dst, W, a_s, a_d, b, concat):
    # GATConv (torch_geometric semantics), eval mode (dropout = identity)
    n = x.shape[0]
    H, C = a_s.shape
    h = (x @ W).reshape(n, H, C)
    alpha_src = jnp.sum(h * a_s[None, :, :], axis=-1)  # [N, H]
    alpha_dst = jnp.sum(h * a_d[None, :, :], axis=-1)  # [N, H]
    e = alpha_src[src] + alpha_dst[dst]                # [E, H]
    e = jnp.where(e > 0, e, 0.2 * e)                   # LeakyReLU(0.2)
    emax = jax.ops.segment_max(e, dst, num_segments=n)
    emax = jax.lax.stop_gradient(emax)
    ex = jnp.exp(e - emax[dst])
    denom = jax.ops.segment_sum(ex, dst, num_segments=n)
    alpha = ex / (denom[dst] + 1e-16)                  # softmax over incoming edges
    msg = h[src] * alpha[:, :, None]                   # [E, H, C]
    out = jax.ops.segment_sum(msg, dst, num_segments=n)  # [N, H, C]
    if concat:
        out = out.reshape(n, H * C)
    else:
        out = out.mean(axis=1)
    return out + b


def reference(z, edge_index, W1, a_src1, a_dst1, b1, W2, a_src2, a_dst2, b2):
    src = edge_index[0]
    dst = edge_index[1]
    # dropout(p=0.6) is identity in eval mode
    h = _gat_layer(z, src, dst, W1, a_src1, a_dst1, b1, True)
    h = jax.nn.elu(h)
    out = _gat_layer(h, src, dst, W2, a_src2, a_dst2, b2, False)
    return jax.nn.log_softmax(out, axis=1)

if __name__ == "__main__":
    import jax
    _d = setup_inputs()
    print(jax.jit(kernel)(*tuple(_d.values())))

</pallas_src>

<mosaic_0001>
#map = affine_map<(d0, d1) -> (0)>
#map1 = affine_map<(d0, d1) -> (0, 0)>
#map2 = affine_map<(d0, d1) -> (0, 0, 0)>
module attributes {stable_mosaic.version = 14 : i64} {
  func.func @edge_pass(%arg0: i32, %arg1: i32, %arg2: memref<320000xi32, #tpu.memory_space<hbm>>, %arg3: memref<320000xi32, #tpu.memory_space<hbm>>, %arg4: memref<10000x80xf32, #tpu.memory_space<hbm>>, %arg5: memref<10000x16xf32, #tpu.memory_space<hbm>>, %arg6: memref<16xf32, #tpu.memory_space<hbm>>, %arg7: memref<6400xi32, #tpu.memory_space<hbm>>, %arg8: memref<2x10000x80xf32, #tpu.memory_space<hbm>>, %arg9: memref<10000x80xf32, #tpu.memory_space<vmem_shared>>, %arg10: memref<10000xi32, #tpu.memory_space<vmem>>, %arg11: memref<10000xi32, #tpu.memory_space<vmem>>, %arg12: memref<80x80xf32, #tpu.memory_space<vmem>>, %arg13: memref<80x80xf32, #tpu.memory_space<vmem>>, %arg14: memref<80x80xf32, #tpu.memory_space<vmem>>, %arg15: memref<80x80xf32, #tpu.memory_space<vmem>>, %arg16: memref<80x16xf32, #tpu.memory_space<vmem>>, %arg17: memref<80x16xf32, #tpu.memory_space<vmem>>, %arg18: memref<80x16xf32, #tpu.memory_space<vmem>>, %arg19: memref<80x16xf32, #tpu.memory_space<vmem>>, %arg20: memref<1280xf32, #tpu.memory_space<vmem>>, %arg21: memref<80x80xf32, #tpu.memory_space<vmem>>, %arg22: memref<80x80xf32, #tpu.memory_space<vmem>>, %arg23: memref<16xf32, #tpu.memory_space<vmem>>, %arg24: memref<6400xi32, #tpu.memory_space<vmem>>, %arg25: memref<!tpu.dma_semaphore, #tpu.memory_space<semaphore_mem>>, %arg26: memref<!tpu.dma_semaphore, #tpu.memory_space<semaphore_mem>>, %arg27: memref<!tpu.dma_semaphore, #tpu.memory_space<semaphore_mem>>, %arg28: memref<!tpu.dma_semaphore, #tpu.memory_space<semaphore_mem>>, %arg29: memref<!tpu.dma_semaphore, #tpu.memory_space<semaphore_mem>>, %arg30: memref<!tpu.dma_semaphore, #tpu.memory_space<semaphore_mem>>) attributes {dimension_semantics = [#tpu.dimension_semantics<core_parallel>, #tpu.dimension_semantics<subcore_parallel>], iteration_bounds = array<i64: 2, 16>, scalar_prefetch = 0 : i64, scratch_operands = 22 : i64, tpu.core_type = #tpu.core_type<sc_vector_subcore>, window_params = [{transform_indices = #map}, {transform_indices = #map}, {transform_indices = #map1}, {transform_indices = #map1}, {transform_indices = #map}, {transform_indices = #map}, {transform_indices = #map2}]} {
    %mul3A = arith.constant 2 : i32
    %mul3A_0 = arith.muli %arg1, %mul3A : i32
    %add3A = arith.addi %mul3A_0, %arg0 : i32
    %mul3A_1 = arith.constant 625 : i32
    %mul3A_2 = arith.muli %arg1, %mul3A_1 : i32
    %mul3A_3 = arith.constant 10000 : i32
    %mul3A_4 = arith.muli %add3A, %mul3A_3 : i32
    "tpu.region"() ({
      %run_scoped3A = tpu.sem_alloc : memref<!tpu.dma_semaphore, #tpu.memory_space<semaphore_mem>>
      tpu.enqueue_dma source(%arg6 : memref<16xf32, #tpu.memory_space<hbm>>) target(%arg23 : memref<16xf32, #tpu.memory_space<vmem>>) target_semaphore(%run_scoped3A : memref<!tpu.dma_semaphore, #tpu.memory_space<semaphore_mem>>)
      tpu.wait_dma2 semaphore(%run_scoped3A : memref<!tpu.dma_semaphore, #tpu.memory_space<semaphore_mem>>) src(%arg6 : memref<16xf32, #tpu.memory_space<hbm>>) dst(%arg23 : memref<16xf32, #tpu.memory_space<vmem>>)
      tpu.yield
    }) : () -> ()
    "tpu.region"() ({
      %run_scoped3A = tpu.sem_alloc : memref<!tpu.dma_semaphore, #tpu.memory_space<semaphore_mem>>
      tpu.enqueue_dma source(%arg7 : memref<6400xi32, #tpu.memory_space<hbm>>) target(%arg24 : memref<6400xi32, #tpu.memory_space<vmem>>) target_semaphore(%run_scoped3A : memref<!tpu.dma_semaphore, #tpu.memory_space<semaphore_mem>>)
      tpu.wait_dma2 semaphore(%run_scoped3A : memref<!tpu.dma_semaphore, #tpu.memory_space<semaphore_mem>>) src(%arg7 : memref<6400xi32, #tpu.memory_space<hbm>>) dst(%arg24 : memref<6400xi32, #tpu.memory_space<vmem>>)
      tpu.yield
    }) : () -> ()
    "tpu.region"() ({
      %run_scoped3A = tpu.sem_alloc : memref<!tpu.dma_semaphore, #tpu.memory_space<semaphore_mem>>
      %dma_start3A_110 = tpu.memref_slice %arg2[%mul3A_4] : memref<320000xi32, #tpu.memory_space<hbm>> -> memref<10000xi32, #tpu.memory_space<hbm>>
      %dma_start3A_111 = tpu.memref_slice %arg2[%mul3A_4] : memref<320000xi32, #tpu.memory_space<hbm>> -> memref<10000xi32, #tpu.memory_space<hbm>>
      tpu.enqueue_dma source(%dma_start3A_111 : memref<10000xi32, #tpu.memory_space<hbm>>) target(%arg10 : memref<10000xi32, #tpu.memory_space<vmem>>) target_semaphore(%run_scoped3A : memref<!tpu.dma_semaphore, #tpu.memory_space<semaphore_mem>>)
      %dma_wait3A_112 = tpu.memref_slice %arg2[%mul3A_4] : memref<320000xi32, #tpu.memory_space<hbm>> -> memref<10000xi32, #tpu.memory_space<hbm>>
      %dma_wait3A_113 = tpu.memref_slice %arg2[%mul3A_4] : memref<320000xi32, #tpu.memory_space<hbm>> -> memref<10000xi32, #tpu.memory_space<hbm>>
      tpu.wait_dma2 semaphore(%run_scoped3A : memref<!tpu.dma_semaphore, #tpu.memory_space<semaphore_mem>>) src(%dma_wait3A_113 : memref<10000xi32, #tpu.memory_space<hbm>>) dst(%arg10 : memref<10000xi32, #tpu.memory_space<vmem>>)
      tpu.yield
    }) : () -> ()
    "tpu.region"() ({
      %run_scoped3A = tpu.sem_alloc : memref<!tpu.dma_semaphore, #tpu.memory_space<semaphore_mem>>
      %dma_start3A_110 = tpu.memref_slice %arg3[%mul3A_4] : memref<320000xi32, #tpu.memory_space<hbm>> -> memref<10000xi32, #tpu.memory_space<hbm>>
      %dma_start3A_111 = tpu.memref_slice %arg3[%mul3A_4] : memref<320000xi32, #tpu.memory_space<hbm>> -> memref<10000xi32, #tpu.memory_space<hbm>>
      tpu.enqueue_dma source(%dma_start3A_111 : memref<10000xi32, #tpu.memory_space<hbm>>) target(%arg11 : memref<10000xi32, #tpu.memory_space<vmem>>) target_semaphore(%run_scoped3A : memref<!tpu.dma_semaphore, #tpu.memory_space<semaphore_mem>>)
      %dma_wait3A_112 = tpu.memref_slice %arg3[%mul3A_4] : memref<320000xi32, #tpu.memory_space<hbm>> -> memref<10000xi32, #tpu.memory_space<hbm>>
      %dma_wait3A_113 = tpu.memref_slice %arg3[%mul3A_4] : memref<320000xi32, #tpu.memory_space<hbm>> -> memref<10000xi32, #tpu.memory_space<hbm>>
      tpu.wait_dma2 semaphore(%run_scoped3A : memref<!tpu.dma_semaphore, #tpu.memory_space<semaphore_mem>>) src(%dma_wait3A_113 : memref<10000xi32, #tpu.memory_space<hbm>>) dst(%arg11 : memref<10000xi32, #tpu.memory_space<vmem>>)
      tpu.yield
    }) : () -> ()
    %broadcast_in_dim3A = arith.constant 0.000000e+00 : f32
    %broadcast_in_dim3A_5 = vector.broadcast %broadcast_in_dim3A : f32 to vector<16xf32>
    %scan3A = arith.constant 0 : i32
    %scan3A_6 = arith.constant 0 : i32
    %scan3A_7 = arith.constant 80 : i32
    %scan3A_8 = arith.addi %scan3A_6, %scan3A_7 : i32
    %scan3A_9 = arith.constant 1 : i32
    scf.for %scan3A_110 = %scan3A_6 to %scan3A_8 step %scan3A_9  : i32 {
      %swap3A = arith.index_cast %scan3A_110 : i32 to index
      %swap3A_111 = arith.constant 0 : index
      %swap3A_112 = tpu.vector_load %arg21[%swap3A, %swap3A_111] {strides = array<i32>} : memref<80x80xf32, #tpu.memory_space<vmem>>, vector<16xf32>,
      tpu.vector_store %arg21[%swap3A, %swap3A_111], %broadcast_in_dim3A_5 {strides = array<i32>} : memref<80x80xf32, #tpu.memory_space<vmem>>, vector<16xf32>,
      %swap3A_113 = arith.index_cast %scan3A_110 : i32 to index
      %swap3A_114 = arith.constant 16 : index
      %swap3A_115 = tpu.vector_load %arg21[%swap3A_113, %swap3A_114] {strides = array<i32>} : memref<80x80xf32, #tpu.memory_space<vmem>>, vector<16xf32>,
      tpu.vector_store %arg21[%swap3A_113, %swap3A_114], %broadcast_in_dim3A_5 {strides = array<i32>} : memref<80x80xf32, #tpu.memory_space<vmem>>, vector<16xf32>,
      %swap3A_116 = arith.index_cast %scan3A_110 : i32 to index
      %swap3A_117 = arith.constant 32 : index
      %swap3A_118 = tpu.vector_load %arg21[%swap3A_116, %swap3A_117] {strides = array<i32>} : memref<80x80xf32, #tpu.memory_space<vmem>>, vector<16xf32>,
      tpu.vector_store %arg21[%swap3A_116, %swap3A_117], %broadcast_in_dim3A_5 {strides = array<i32>} : memref<80x80xf32, #tpu.memory_space<vmem>>, vector<16xf32>,
      %swap3A_119 = arith.index_cast %scan3A_110 : i32 to index
      %swap3A_120 = arith.constant 48 : index
      %swap3A_121 = tpu.vector_load %arg21[%swap3A_119, %swap3A_120] {strides = array<i32>} : memref<80x80xf32, #tpu.memory_space<vmem>>, vector<16xf32>,
      tpu.vector_store %arg21[%swap3A_119, %swap3A_120], %broadcast_in_dim3A_5 {strides = array<i32>} : memref<80x80xf32, #tpu.memory_space<vmem>>, vector<16xf32>,
      %swap3A_122 = arith.index_cast %scan3A_110 : i32 to index
      %swap3A_123 = arith.constant 64 : index
      %swap3A_124 = tpu.vector_load %arg21[%swap3A_122, %swap3A_123] {strides = array<i32>} : memref<80x80xf32, #tpu.memory_space<vmem>>, vector<16xf32>,
      tpu.vector_store %arg21[%swap3A_122, %swap3A_123], %broadcast_in_dim3A_5 {strides = array<i32>} : memref<80x80xf32, #tpu.memory_space<vmem>>, vector<16xf32>,
    }
    %scan3A_10 = arith.constant 80 : i32
    %add3A_11 = arith.constant 0 : i32
    %add3A_12 = arith.addi %mul3A_2, %add3A_11 : i32
    "tpu.region"() ({
      %run_scoped3A = tpu.sem_alloc : memref<!tpu.dma_semaphore, #tpu.memory_space<semaphore_mem>>
      %dma_start3A_110 = arith.constant 0 : i32
      %dma_start3A_111 = tpu.memref_slice %arg9[%add3A_12, %dma_start3A_110] : memref<10000x80xf32, #tpu.memory_space<vmem_shared>> -> memref<80x80xf32, #tpu.memory_space<vmem_shared>>
      %dma_start3A_112 = arith.constant 0 : i32
      %dma_start3A_113 = tpu.memref_slice %arg9[%add3A_12, %dma_start3A_112] : memref<10000x80xf32, #tpu.memory_space<vmem_shared>> -> memref<80x80xf32, #tpu.memory_space<vmem_shared>>
      tpu.enqueue_dma source(%arg21 : memref<80x80xf32, #tpu.memory_space<vmem>>) target(%dma_start3A_113 : memref<80x80xf32, #tpu.memory_space<vmem_shared>>) target_semaphore(%run_scoped3A : memref<!tpu.dma_semaphore, #tpu.memory_space<semaphore_mem>>)
      %dma_wait3A_114 = arith.constant 0 : i32
      %dma_wait3A_115 = tpu.memref_slice %arg9[%add3A_12, %dma_wait3A_114] : memref<10000x80xf32, #tpu.memory_space<vmem_shared>> -> memref<80x80xf32, #tpu.memory_space<vmem_shared>>
      %dma_wait3A_116 = arith.constant 0 : i32
      %dma_wait3A_117 = tpu.memref_slice %arg9[%add3A_12, %dma_wait3A_116] : memref<10000x80xf32, #tpu.memory_space<vmem_shared>> -> memref<80x80xf32, #tpu.memory_space<vmem_shared>>
      tpu.wait_dma2 semaphore(%run_scoped3A : memref<!tpu.dma_semaphore, #tpu.memory_space<semaphore_mem>>) src(%arg21 : memref<80x80xf32, #tpu.memory_space<vmem>>) dst(%dma_wait3A_117 : memref<80x80xf32, #tpu.memory_space<vmem_shared>>)
      tpu.yield
    }) : () -> ()
    %add3A_13 = arith.constant 80 : i32
    %add3A_14 = arith.addi %mul3A_2, %add3A_13 : i32
    "tpu.region"() ({
      %run_scoped3A = tpu.sem_alloc : memref<!tpu.dma_semaphore, #tpu.memory_space<semaphore_mem>>
      %dma_start3A_110 = arith.constant 0 : i32
      %dma_start3A_111 = tpu.memref_slice %arg9[%add3A_14, %dma_start3A_110] : memref<10000x80xf32, #tpu.memory_space<vmem_shared>> -> memref<80x80xf32, #tpu.memory_space<vmem_shared>>
      %dma_start3A_112 = arith.constant 0 : i32
      %dma_start3A_113 = tpu.memref_slice %arg9[%add3A_14, %dma_start3A_112] : memref<10000x80xf32, #tpu.memory_space<vmem_shared>> -> memref<80x80xf32, #tpu.memory_space<vmem_shared>>
      tpu.enqueue_dma source(%arg21 : memref<80x80xf32, #tpu.memory_space<vmem>>) target(%dma_start3A_113 : memref<80x80xf32, #tpu.memory_space<vmem_shared>>) target_semaphore(%run_scoped3A : memref<!tpu.dma_semaphore, #tpu.memory_space<semaphore_mem>>)
      %dma_wait3A_114 = arith.constant 0 : i32
      %dma_wait3A_115 = tpu.memref_slice %arg9[%add3A_14, %dma_wait3A_114] : memref<10000x80xf32, #tpu.memory_space<vmem_shared>> -> memref<80x80xf32, #tpu.memory_space<vmem_shared>>
      %dma_wait3A_116 = arith.constant 0 : i32
      %dma_wait3A_117 = tpu.memref_slice %arg9[%add3A_14, %dma_wait3A_116] : memref<10000x80xf32, #tpu.memory_space<vmem_shared>> -> memref<80x80xf32, #tpu.memory_space<vmem_shared>>
      tpu.wait_dma2 semaphore(%run_scoped3A : memref<!tpu.dma_semaphore, #tpu.memory_space<semaphore_mem>>) src(%arg21 : memref<80x80xf32, #tpu.memory_space<vmem>>) dst(%dma_wait3A_117 : memref<80x80xf32, #tpu.memory_space<vmem_shared>>)
      tpu.yield
    }) : () -> ()
    %add3A_15 = arith.constant 160 : i32
    %add3A_16 = arith.addi %mul3A_2, %add3A_15 : i32
    "tpu.region"() ({
      %run_scoped3A = tpu.sem_alloc : memref<!tpu.dma_semaphore, #tpu.memory_space<semaphore_mem>>
      %dma_start3A_110 = arith.constant 0 : i32
      %dma_start3A_111 = tpu.memref_slice %arg9[%add3A_16, %dma_start3A_110] : memref<10000x80xf32, #tpu.memory_space<vmem_shared>> -> memref<80x80xf32, #tpu.memory_space<vmem_shared>>
      %dma_start3A_112 = arith.constant 0 : i32
      %dma_start3A_113 = tpu.memref_slice %arg9[%add3A_16, %dma_start3A_112] : memref<10000x80xf32, #tpu.memory_space<vmem_shared>> -> memref<80x80xf32, #tpu.memory_space<vmem_shared>>
      tpu.enqueue_dma source(%arg21 : memref<80x80xf32, #tpu.memory_space<vmem>>) target(%dma_start3A_113 : memref<80x80xf32, #tpu.memory_space<vmem_shared>>) target_semaphore(%run_scoped3A : memref<!tpu.dma_semaphore, #tpu.memory_space<semaphore_mem>>)
      %dma_wait3A_114 = arith.constant 0 : i32
      %dma_wait3A_115 = tpu.memref_slice %arg9[%add3A_16, %dma_wait3A_114] : memref<10000x80xf32, #tpu.memory_space<vmem_shared>> -> memref<80x80xf32, #tpu.memory_space<vmem_shared>>
      %dma_wait3A_116 = arith.constant 0 : i32
      %dma_wait3A_117 = tpu.memref_slice %arg9[%add3A_16, %dma_wait3A_116] : memref<10000x80xf32, #tpu.memory_space<vmem_shared>> -> memref<80x80xf32, #tpu.memory_space<vmem_shared>>
      tpu.wait_dma2 semaphore(%run_scoped3A : memref<!tpu.dma_semaphore, #tpu.memory_space<semaphore_mem>>) src(%arg21 : memref<80x80xf32, #tpu.memory_space<vmem>>) dst(%dma_wait3A_117 : memref<80x80xf32, #tpu.memory_space<vmem_shared>>)
      tpu.yield
    }) : () -> ()
    %add3A_17 = arith.constant 240 : i32
    %add3A_18 = arith.addi %mul3A_2, %add3A_17 : i32
    "tpu.region"() ({
      %run_scoped3A = tpu.sem_alloc : memref<!tpu.dma_semaphore, #tpu.memory_space<semaphore_mem>>
      %dma_start3A_110 = arith.constant 0 : i32
      %dma_start3A_111 = tpu.memref_slice %arg9[%add3A_18, %dma_start3A_110] : memref<10000x80xf32, #tpu.memory_space<vmem_shared>> -> memref<80x80xf32, #tpu.memory_space<vmem_shared>>
      %dma_start3A_112 = arith.constant 0 : i32
      %dma_start3A_113 = tpu.memref_slice %arg9[%add3A_18, %dma_start3A_112] : memref<10000x80xf32, #tpu.memory_space<vmem_shared>> -> memref<80x80xf32, #tpu.memory_space<vmem_shared>>
      tpu.enqueue_dma source(%arg21 : memref<80x80xf32, #tpu.memory_space<vmem>>) target(%dma_start3A_113 : memref<80x80xf32, #tpu.memory_space<vmem_shared>>) target_semaphore(%run_scoped3A : memref<!tpu.dma_semaphore, #tpu.memory_space<semaphore_mem>>)
      %dma_wait3A_114 = arith.constant 0 : i32
      %dma_wait3A_115 = tpu.memref_slice %arg9[%add3A_18, %dma_wait3A_114] : memref<10000x80xf32, #tpu.memory_space<vmem_shared>> -> memref<80x80xf32, #tpu.memory_space<vmem_shared>>
      %dma_wait3A_116 = arith.constant 0 : i32
      %dma_wait3A_117 = tpu.memref_slice %arg9[%add3A_18, %dma_wait3A_116] : memref<10000x80xf32, #tpu.memory_space<vmem_shared>> -> memref<80x80xf32, #tpu.memory_space<vmem_shared>>
      tpu.wait_dma2 semaphore(%run_scoped3A : memref<!tpu.dma_semaphore, #tpu.memory_space<semaphore_mem>>) src(%arg21 : memref<80x80xf32, #tpu.memory_space<vmem>>) dst(%dma_wait3A_117 : memref<80x80xf32, #tpu.memory_space<vmem_shared>>)
      tpu.yield
    }) : () -> ()
    %add3A_19 = arith.constant 320 : i32
    %add3A_20 = arith.addi %mul3A_2, %add3A_19 : i32
    "tpu.region"() ({
      %run_scoped3A = tpu.sem_alloc : memref<!tpu.dma_semaphore, #tpu.memory_space<semaphore_mem>>
      %dma_start3A_110 = arith.constant 0 : i32
      %dma_start3A_111 = tpu.memref_slice %arg9[%add3A_20, %dma_start3A_110] : memref<10000x80xf32, #tpu.memory_space<vmem_shared>> -> memref<80x80xf32, #tpu.memory_space<vmem_shared>>
      %dma_start3A_112 = arith.constant 0 : i32
      %dma_start3A_113 = tpu.memref_slice %arg9[%add3A_20, %dma_start3A_112] : memref<10000x80xf32, #tpu.memory_space<vmem_shared>> -> memref<80x80xf32, #tpu.memory_space<vmem_shared>>
      tpu.enqueue_dma source(%arg21 : memref<80x80xf32, #tpu.memory_space<vmem>>) target(%dma_start3A_113 : memref<80x80xf32, #tpu.memory_space<vmem_shared>>) target_semaphore(%run_scoped3A : memref<!tpu.dma_semaphore, #tpu.memory_space<semaphore_mem>>)
      %dma_wait3A_114 = arith.constant 0 : i32
      %dma_wait3A_115 = tpu.memref_slice %arg9[%add3A_20, %dma_wait3A_114] : memref<10000x80xf32, #tpu.memory_space<vmem_shared>> -> memref<80x80xf32, #tpu.memory_space<vmem_shared>>
      %dma_wait3A_116 = arith.constant 0 : i32
      %dma_wait3A_117 = tpu.memref_slice %arg9[%add3A_20, %dma_wait3A_116] : memref<10000x80xf32, #tpu.memory_space<vmem_shared>> -> memref<80x80xf32, #tpu.memory_space<vmem_shared>>
      tpu.wait_dma2 semaphore(%run_scoped3A : memref<!tpu.dma_semaphore, #tpu.memory_space<semaphore_mem>>) src(%arg21 : memref<80x80xf32, #tpu.memory_space<vmem>>) dst(%dma_wait3A_117 : memref<80x80xf32, #tpu.memory_space<vmem_shared>>)
      tpu.yield
    }) : () -> ()
    %add3A_21 = arith.constant 400 : i32
    %add3A_22 = arith.addi %mul3A_2, %add3A_21 : i32
    "tpu.region"() ({
      %run_scoped3A = tpu.sem_alloc : memref<!tpu.dma_semaphore, #tpu.memory_space<semaphore_mem>>
      %dma_start3A_110 = arith.constant 0 : i32
      %dma_start3A_111 = tpu.memref_slice %arg9[%add3A_22, %dma_start3A_110] : memref<10000x80xf32, #tpu.memory_space<vmem_shared>> -> memref<80x80xf32, #tpu.memory_space<vmem_shared>>
      %dma_start3A_112 = arith.constant 0 : i32
      %dma_start3A_113 = tpu.memref_slice %arg9[%add3A_22, %dma_start3A_112] : memref<10000x80xf32, #tpu.memory_space<vmem_shared>> -> memref<80x80xf32, #tpu.memory_space<vmem_shared>>
      tpu.enqueue_dma source(%arg21 : memref<80x80xf32, #tpu.memory_space<vmem>>) target(%dma_start3A_113 : memref<80x80xf32, #tpu.memory_space<vmem_shared>>) target_semaphore(%run_scoped3A : memref<!tpu.dma_semaphore, #tpu.memory_space<semaphore_mem>>)
      %dma_wait3A_114 = arith.constant 0 : i32
      %dma_wait3A_115 = tpu.memref_slice %arg9[%add3A_22, %dma_wait3A_114] : memref<10000x80xf32, #tpu.memory_space<vmem_shared>> -> memref<80x80xf32, #tpu.memory_space<vmem_shared>>
      %dma_wait3A_116 = arith.constant 0 : i32
      %dma_wait3A_117 = tpu.memref_slice %arg9[%add3A_22, %dma_wait3A_116] : memref<10000x80xf32, #tpu.memory_space<vmem_shared>> -> memref<80x80xf32, #tpu.memory_space<vmem_shared>>
      tpu.wait_dma2 semaphore(%run_scoped3A : memref<!tpu.dma_semaphore, #tpu.memory_space<semaphore_mem>>) src(%arg21 : memref<80x80xf32, #tpu.memory_space<vmem>>) dst(%dma_wait3A_117 : memref<80x80xf32, #tpu.memory_space<vmem_shared>>)
      tpu.yield
    }) : () -> ()
    %add3A_23 = arith.constant 480 : i32
    %add3A_24 = arith.addi %mul3A_2, %add3A_23 : i32
    "tpu.region"() ({
      %run_scoped3A = tpu.sem_alloc : memref<!tpu.dma_semaphore, #tpu.memory_space<semaphore_mem>>
      %dma_start3A_110 = arith.constant 0 : i32
      %dma_start3A_111 = tpu.memref_slice %arg9[%add3A_24, %dma_start3A_110] : memref<10000x80xf32, #tpu.memory_space<vmem_shared>> -> memref<80x80xf32, #tpu.memory_space<vmem_shared>>
      %dma_start3A_112 = arith.constant 0 : i32
      %dma_start3A_113 = tpu.memref_slice %arg9[%add3A_24, %dma_start3A_112] : memref<10000x80xf32, #tpu.memory_space<vmem_shared>> -> memref<80x80xf32, #tpu.memory_space<vmem_shared>>
      tpu.enqueue_dma source(%arg21 : memref<80x80xf32, #tpu.memory_space<vmem>>) target(%dma_start3A_113 : memref<80x80xf32, #tpu.memory_space<vmem_shared>>) target_semaphore(%run_scoped3A : memref<!tpu.dma_semaphore, #tpu.memory_space<semaphore_mem>>)
      %dma_wait3A_114 = arith.constant 0 : i32
      %dma_wait3A_115 = tpu.memref_slice %arg9[%add3A_24, %dma_wait3A_114] : memref<10000x80xf32, #tpu.memory_space<vmem_shared>> -> memref<80x80xf32, #tpu.memory_space<vmem_shared>>
      %dma_wait3A_116 = arith.constant 0 : i32
      %dma_wait3A_117 = tpu.memref_slice %arg9[%add3A_24, %dma_wait3A_116] : memref<10000x80xf32, #tpu.memory_space<vmem_shared>> -> memref<80x80xf32, #tpu.memory_space<vmem_shared>>
      tpu.wait_dma2 semaphore(%run_scoped3A : memref<!tpu.dma_semaphore, #tpu.memory_space<semaphore_mem>>) src(%arg21 : memref<80x80xf32, #tpu.memory_space<vmem>>) dst(%dma_wait3A_117 : memref<80x80xf32, #tpu.memory_space<vmem_shared>>)
      tpu.yield
    }) : () -> ()
    %add3A_25 = arith.constant 560 : i32
    %add3A_26 = arith.addi %mul3A_2, %add3A_25 : i32
    "tpu.region"() ({
      %run_scoped3A = tpu.sem_alloc : memref<!tpu.dma_semaphore, #tpu.memory_space<semaphore_mem>>
      %dma_start3A_110 = arith.constant 0 : i32
      %dma_start3A_111 = arith.constant 0 : i32
      %dma_start3A_112 = tpu.memref_slice %arg21[%dma_start3A_110, %dma_start3A_111] : memref<80x80xf32, #tpu.memory_space<vmem>> -> memref<65x80xf32, #tpu.memory_space<vmem>>
      %dma_start3A_113 = arith.constant 0 : i32
      %dma_start3A_114 = tpu.memref_slice %arg9[%add3A_26, %dma_start3A_113] : memref<10000x80xf32, #tpu.memory_space<vmem_shared>> -> memref<65x80xf32, #tpu.memory_space<vmem_shared>>
      %dma_start3A_115 = arith.constant 0 : i32
      %dma_start3A_116 = tpu.memref_slice %arg9[%add3A_26, %dma_start3A_115] : memref<10000x80xf32, #tpu.memory_space<vmem_shared>> -> memref<65x80xf32, #tpu.memory_space<vmem_shared>>
      %dma_start3A_117 = arith.constant 0 : i32
      %dma_start3A_118 = arith.constant 0 : i32
      %dma_start3A_119 = tpu.memref_slice %arg21[%dma_start3A_117, %dma_start3A_118] : memref<80x80xf32, #tpu.memory_space<vmem>> -> memref<65x80xf32, #tpu.memory_space<vmem>>
      tpu.enqueue_dma source(%dma_start3A_119 : memref<65x80xf32, #tpu.memory_space<vmem>>) target(%dma_start3A_116 : memref<65x80xf32, #tpu.memory_space<vmem_shared>>) target_semaphore(%run_scoped3A : memref<!tpu.dma_semaphore, #tpu.memory_space<semaphore_mem>>)
      %dma_wait3A_120 = arith.constant 0 : i32
      %dma_wait3A_121 = arith.constant 0 : i32
      %dma_wait3A_122 = tpu.memref_slice %arg21[%dma_wait3A_120, %dma_wait3A_121] : memref<80x80xf32, #tpu.memory_space<vmem>> -> memref<65x80xf32, #tpu.memory_space<vmem>>
      %dma_wait3A_123 = arith.constant 0 : i32
      %dma_wait3A_124 = tpu.memref_slice %arg9[%add3A_26, %dma_wait3A_123] : memref<10000x80xf32, #tpu.memory_space<vmem_shared>> -> memref<65x80xf32, #tpu.memory_space<vmem_shared>>
      %dma_wait3A_125 = arith.constant 0 : i32
      %dma_wait3A_126 = tpu.memref_slice %arg9[%add3A_26, %dma_wait3A_125] : memref<10000x80xf32, #tpu.memory_space<vmem_shared>> -> memref<65x80xf32, #tpu.memory_space<vmem_shared>>
      %dma_wait3A_127 = arith.constant 0 : i32
      %dma_wait3A_128 = arith.constant 0 : i32
      %dma_wait3A_129 = tpu.memref_slice %arg21[%dma_wait3A_127, %dma_wait3A_128] : memref<80x80xf32, #tpu.memory_space<vmem>> -> memref<65x80xf32, #tpu.memory_space<vmem>>
      tpu.wait_dma2 semaphore(%run_scoped3A : memref<!tpu.dma_semaphore, #tpu.memory_space<semaphore_mem>>) src(%dma_wait3A_129 : memref<65x80xf32, #tpu.memory_space<vmem>>) dst(%dma_wait3A_126 : memref<65x80xf32, #tpu.memory_space<vmem_shared>>)
      tpu.yield
    }) : () -> ()
    %barrier3A = arith.constant 0 : index
    tpu.barrier barrier_id(%barrier3A)
    %get3A = arith.constant 0 : index
    %get3A_27 = tpu.vector_load %arg23[%get3A] {strides = array<i32>} : memref<16xf32, #tpu.memory_space<vmem>>, vector<16xf32>,
    %iota3A = tpu.iota {dimensions = array<i32: 0>} : vector<16xi32>
    %dma_start3A = arith.constant 0 : i32
    %dma_start3A_28 = tpu.memref_slice %arg10[%dma_start3A] : memref<10000xi32, #tpu.memory_space<vmem>> -> memref<80xi32, #tpu.memory_space<vmem>>
    %dma_start3A_29 = arith.constant 0 : i32
    %dma_start3A_30 = arith.constant 0 : i32
    %dma_start3A_31 = tpu.memref_slice %arg4[%dma_start3A_29, %dma_start3A_30] : memref<10000x80xf32, #tpu.memory_space<hbm>> -> memref<10000x80xf32, #tpu.memory_space<hbm>>
    tpu.enqueue_indirect_dma source(%dma_start3A_31 : memref<10000x80xf32, #tpu.memory_space<hbm>>) target(%arg12 : memref<80x80xf32, #tpu.memory_space<vmem>>) offsets(%dma_start3A_28 : memref<80xi32, #tpu.memory_space<vmem>>) semaphore(%arg25 : memref<!tpu.dma_semaphore, #tpu.memory_space<semaphore_mem>>)
    %dma_start3A_32 = arith.constant 0 : i32
    %dma_start3A_33 = tpu.memref_slice %arg11[%dma_start3A_32] : memref<10000xi32, #tpu.memory_space<vmem>> -> memref<80xi32, #tpu.memory_space<vmem>>
    %dma_start3A_34 = arith.constant 0 : i32
    %dma_start3A_35 = arith.constant 0 : i32
    %dma_start3A_36 = tpu.memref_slice %arg5[%dma_start3A_34, %dma_start3A_35] : memref<10000x16xf32, #tpu.memory_space<hbm>> -> memref<10000x16xf32, #tpu.memory_space<hbm>>
    tpu.enqueue_indirect_dma source(%dma_start3A_36 : memref<10000x16xf32, #tpu.memory_space<hbm>>) target(%arg16 : memref<80x16xf32, #tpu.memory_space<vmem>>) offsets(%dma_start3A_33 : memref<80xi32, #tpu.memory_space<vmem>>) semaphore(%arg25 : memref<!tpu.dma_semaphore, #tpu.memory_space<semaphore_mem>>)
    %dma_start3A_37 = arith.constant 80 : i32
    %dma_start3A_38 = tpu.memref_slice %arg10[%dma_start3A_37] : memref<10000xi32, #tpu.memory_space<vmem>> -> memref<80xi32, #tpu.memory_space<vmem>>
    %dma_start3A_39 = arith.constant 0 : i32
    %dma_start3A_40 = arith.constant 0 : i32
    %dma_start3A_41 = tpu.memref_slice %arg4[%dma_start3A_39, %dma_start3A_40] : memref<10000x80xf32, #tpu.memory_space<hbm>> -> memref<10000x80xf32, #tpu.memory_space<hbm>>
    tpu.enqueue_indirect_dma source(%dma_start3A_41 : memref<10000x80xf32, #tpu.memory_space<hbm>>) target(%arg13 : memref<80x80xf32, #tpu.memory_space<vmem>>) offsets(%dma_start3A_38 : memref<80xi32, #tpu.memory_space<vmem>>) semaphore(%arg26 : memref<!tpu.dma_semaphore, #tpu.memory_space<semaphore_mem>>)
    %dma_start3A_42 = arith.constant 80 : i32
    %dma_start3A_43 = tpu.memref_slice %arg11[%dma_start3A_42] : memref<10000xi32, #tpu.memory_space<vmem>> -> memref<80xi32, #tpu.memory_space<vmem>>
    %dma_start3A_44 = arith.constant 0 : i32
    %dma_start3A_45 = arith.constant 0 : i32
    %dma_start3A_46 = tpu.memref_slice %arg5[%dma_start3A_44, %dma_start3A_45] : memref<10000x16xf32, #tpu.memory_space<hbm>> -> memref<10000x16xf32, #tpu.memory_space<hbm>>
    tpu.enqueue_indirect_dma source(%dma_start3A_46 : memref<10000x16xf32, #tpu.memory_space<hbm>>) target(%arg17 : memref<80x16xf32, #tpu.memory_space<vmem>>) offsets(%dma_start3A_43 : memref<80xi32, #tpu.memory_space<vmem>>) semaphore(%arg26 : memref<!tpu.dma_semaphore, #tpu.memory_space<semaphore_mem>>)
    %dma_start3A_47 = arith.constant 160 : i32
    %dma_start3A_48 = tpu.memref_slice %arg10[%dma_start3A_47] : memref<10000xi32, #tpu.memory_space<vmem>> -> memref<80xi32, #tpu.memory_space<vmem>>
    %dma_start3A_49 = arith.constant 0 : i32
    %dma_start3A_50 = arith.constant 0 : i32
    %dma_start3A_51 = tpu.memref_slice %arg4[%dma_start3A_49, %dma_start3A_50] : memref<10000x80xf32, #tpu.memory_space<hbm>> -> memref<10000x80xf32, #tpu.memory_space<hbm>>
    tpu.enqueue_indirect_dma source(%dma_start3A_51 : memref<10000x80xf32, #tpu.memory_space<hbm>>) target(%arg14 : memref<80x80xf32, #tpu.memory_space<vmem>>) offsets(%dma_start3A_48 : memref<80xi32, #tpu.memory_space<vmem>>) semaphore(%arg27 : memref<!tpu.dma_semaphore, #tpu.memory_space<semaphore_mem>>)
    %dma_start3A_52 = arith.constant 160 : i32
    %dma_start3A_53 = tpu.memref_slice %arg11[%dma_start3A_52] : memref<10000xi32, #tpu.memory_space<vmem>> -> memref<80xi32, #tpu.memory_space<vmem>>
    %dma_start3A_54 = arith.constant 0 : i32
    %dma_start3A_55 = arith.constant 0 : i32
    %dma_start3A_56 = tpu.memref_slice %arg5[%dma_start3A_54, %dma_start3A_55] : memref<10000x16xf32, #tpu.memory_space<hbm>> -> memref<10000x16xf32, #tpu.memory_space<hbm>>
    tpu.enqueue_indirect_dma source(%dma_start3A_56 : memref<10000x16xf32, #tpu.memory_space<hbm>>) target(%arg18 : memref<80x16xf32, #tpu.memory_space<vmem>>) offsets(%dma_start3A_53 : memref<80xi32, #tpu.memory_space<vmem>>) semaphore(%arg27 : memref<!tpu.dma_semaphore, #tpu.memory_space<semaphore_mem>>)
    %dma_start3A_57 = arith.constant 240 : i32
    %dma_start3A_58 = tpu.memref_slice %arg10[%dma_start3A_57] : memref<10000xi32, #tpu.memory_space<vmem>> -> memref<80xi32, #tpu.memory_space<vmem>>
    %dma_start3A_59 = arith.constant 0 : i32
    %dma_start3A_60 = arith.constant 0 : i32
    %dma_start3A_61 = tpu.memref_slice %arg4[%dma_start3A_59, %dma_start3A_60] : memref<10000x80xf32, #tpu.memory_space<hbm>> -> memref<10000x80xf32, #tpu.memory_space<hbm>>
    tpu.enqueue_indirect_dma source(%dma_start3A_61 : memref<10000x80xf32, #tpu.memory_space<hbm>>) target(%arg15 : memref<80x80xf32, #tpu.memory_space<vmem>>) offsets(%dma_start3A_58 : memref<80xi32, #tpu.memory_space<vmem>>) semaphore(%arg28 : memref<!tpu.dma_semaphore, #tpu.memory_space<semaphore_mem>>)
    %dma_start3A_62 = arith.constant 240 : i32
    %dma_start3A_63 = tpu.memref_slice %arg11[%dma_start3A_62] : memref<10000xi32, #tpu.memory_space<vmem>> -> memref<80xi32, #tpu.memory_space<vmem>>
    %dma_start3A_64 = arith.constant 0 : i32
    %dma_start3A_65 = arith.constant 0 : i32
    %dma_start3A_66 = tpu.memref_slice %arg5[%dma_start3A_64, %dma_start3A_65] : memref<10000x16xf32, #tpu.memory_space<hbm>> -> memref<10000x16xf32, #tpu.memory_space<hbm>>
    tpu.enqueue_indirect_dma source(%dma_start3A_66 : memref<10000x16xf32, #tpu.memory_space<hbm>>) target(%arg19 : memref<80x16xf32, #tpu.memory_space<vmem>>) offsets(%dma_start3A_63 : memref<80xi32, #tpu.memory_space<vmem>>) semaphore(%arg28 : memref<!tpu.dma_semaphore, #tpu.memory_space<semaphore_mem>>)
    %scan3A_67 = arith.constant 0 : i32
    %scan3A_68 = arith.constant 0 : i32
    %scan3A_69 = arith.constant 31 : i32
    %scan3A_70 = arith.addi %scan3A_68, %scan3A_69 : i32
    %scan3A_71 = arith.constant 1 : i32
    scf.for %scan3A_110 = %scan3A_68 to %scan3A_70 step %scan3A_71  : i32 {
      %mul3A_111 = arith.constant 4 : i32
      %mul3A_112 = arith.muli %mul3A_111, %scan3A_110 : i32
      %add3A_113 = arith.constant 0 : i32
      %add3A_114 = arith.addi %mul3A_112, %add3A_113 : i32
      %dma_wait3A_115 = arith.constant 0 : i32
      %dma_wait3A_116 = arith.constant 0 : i32
      %dma_wait3A_117 = tpu.memref_slice %arg4[%dma_wait3A_115, %dma_wait3A_116] : memref<10000x80xf32, #tpu.memory_space<hbm>> -> memref<80x80xf32, #tpu.memory_space<hbm>>
      %dma_wait3A_118 = arith.constant 0 : i32
      %dma_wait3A_119 = arith.constant 0 : i32
      %dma_wait3A_120 = tpu.memref_slice %arg4[%dma_wait3A_118, %dma_wait3A_119] : memref<10000x80xf32, #tpu.memory_space<hbm>> -> memref<80x80xf32, #tpu.memory_space<hbm>>
      tpu.wait_dma2 semaphore(%arg25 : memref<!tpu.dma_semaphore, #tpu.memory_space<semaphore_mem>>) src(%dma_wait3A_120 : memref<80x80xf32, #tpu.memory_space<hbm>>) dst(%arg12 : memref<80x80xf32, #tpu.memory_space<vmem>>)
      %dma_wait3A_121 = arith.constant 0 : i32
      %dma_wait3A_122 = arith.constant 0 : i32
      %dma_wait3A_123 = tpu.memref_slice %arg5[%dma_wait3A_121, %dma_wait3A_122] : memref<10000x16xf32, #tpu.memory_space<hbm>> -> memref<80x16xf32, #tpu.memory_space<hbm>>
      %dma_wait3A_124 = arith.constant 0 : i32
      %dma_wait3A_125 = arith.constant 0 : i32
      %dma_wait3A_126 = tpu.memref_slice %arg5[%dma_wait3A_124, %dma_wait3A_125] : memref<10000x16xf32, #tpu.memory_space<hbm>> -> memref<80x16xf32, #tpu.memory_space<hbm>>
      tpu.wait_dma2 semaphore(%arg25 : memref<!tpu.dma_semaphore, #tpu.memory_space<semaphore_mem>>) src(%dma_wait3A_126 : memref<80x16xf32, #tpu.memory_space<hbm>>) dst(%arg16 : memref<80x16xf32, #tpu.memory_space<vmem>>)
      %gt3A = arith.constant 0 : i32
      %gt3A_127 = arith.cmpi sgt, %scan3A_110, %gt3A : i32
      %convert_element_type3A = arith.extui %gt3A_127 : i1 to i32
      %cond3A_128 = arith.constant 0 : i32
      %cond3A_129 = arith.cmpi ne, %convert_element_type3A, %cond3A_128 : i32
      scf.if %cond3A_129 {
        %mul3A_272 = arith.constant 80 : i32
        %mul3A_273 = arith.muli %add3A_114, %mul3A_272 : i32
        %dma_wait3A_274 = tpu.memref_slice %arg11[%mul3A_273] : memref<10000xi32, #tpu.memory_space<vmem>> -> memref<80xi32, #tpu.memory_space<vmem>>
        %dma_wait3A_275 = arith.constant 0 : i32
        %dma_wait3A_276 = arith.constant 0 : i32
        %dma_wait3A_277 = tpu.memref_slice %arg9[%dma_wait3A_275, %dma_wait3A_276] : memref<10000x80xf32, #tpu.memory_space<vmem_shared>> -> memref<10000x80xf32, #tpu.memory_space<vmem_shared>>
        tpu.wait_indirect_dma semaphore(%arg29 : memref<!tpu.dma_semaphore, #tpu.memory_space<semaphore_mem>>) src(%arg21 : memref<80x80xf32, #tpu.memory_space<vmem>>) dst(%dma_wait3A_277 : memref<10000x80xf32, #tpu.memory_space<vmem_shared>>)
      } else {
      }
      %parallel_loop3A_130 = arith.constant 0 : i32
      %parallel_loop3A_131 = arith.constant 80 : i32
      %parallel_loop3A_132 = arith.constant 1 : i32
      scf.for %parallel_loop3A_272 = %parallel_loop3A_130 to %parallel_loop3A_131 step %parallel_loop3A_132  : i32 {
        %parallel_loop3A_273 = arith.index_cast %parallel_loop3A_272 : i32 to index
        %parallel_loop3A_274 = arith.constant 64 : index
        %parallel_loop3A_275 = tpu.vector_load %arg12[%parallel_loop3A_273, %parallel_loop3A_274] {strides = array<i32>} : memref<80x80xf32, #tpu.memory_space<vmem>>, vector<16xf32>,
        %parallel_loop3A_276 = arith.index_cast %parallel_loop3A_272 : i32 to index
        %parallel_loop3A_277 = arith.constant 0 : index
        %parallel_loop3A_278 = tpu.vector_load %arg16[%parallel_loop3A_276, %parallel_loop3A_277] {strides = array<i32>} : memref<80x16xf32, #tpu.memory_space<vmem>>, vector<16xf32>,
        %parallel_loop3A_279 = arith.addf %parallel_loop3A_275, %parallel_loop3A_278 : vector<16xf32>
        %parallel_loop3A_280 = arith.constant 0.000000e+00 : f32
        %parallel_loop3A_281 = vector.broadcast %parallel_loop3A_280 : f32 to vector<16xf32>
        %parallel_loop3A_282 = arith.cmpf ogt, %parallel_loop3A_279, %parallel_loop3A_281 : vector<16xf32>
        %parallel_loop3A_283 = arith.constant 2.000000e-01 : f32
        %parallel_loop3A_284 = vector.broadcast %parallel_loop3A_283 : f32 to vector<16xf32>
        %parallel_loop3A_285 = arith.mulf %parallel_loop3A_284, %parallel_loop3A_279 : vector<16xf32>
        %parallel_loop3A_286 = arith.select %parallel_loop3A_282, %parallel_loop3A_279, %parallel_loop3A_285 : vector<16xi1>, vector<16xf32>
        %parallel_loop3A_287 = arith.subf %parallel_loop3A_286, %get3A_27 : vector<16xf32>
        %parallel_loop3A_288 = math.exp %parallel_loop3A_287 : vector<16xf32>
        %parallel_loop3A_289 = arith.constant 16 : i32
        %parallel_loop3A_290 = arith.muli %parallel_loop3A_272, %parallel_loop3A_289 : i32
        %parallel_loop3A_291 = arith.index_cast %parallel_loop3A_290 : i32 to index
        %parallel_loop3A_292 = tpu.vector_load %arg20[%parallel_loop3A_291] {strides = array<i32>} : memref<1280xf32, #tpu.memory_space<vmem>>, vector<16xf32>,
        tpu.vector_store %arg20[%parallel_loop3A_291], %parallel_loop3A_288 {strides = array<i32>} : memref<1280xf32, #tpu.memory_space<vmem>>, vector<16xf32>,
      } {sc.loop_unroll_factor = 4 : i64, sc.parallel_access}
      %parallel_loop3A_133 = arith.constant 0 : i32
      %parallel_loop3A_134 = arith.constant 80 : i32
      %parallel_loop3A_135 = arith.constant 1 : i32
      scf.for %parallel_loop3A_272 = %parallel_loop3A_133 to %parallel_loop3A_134 step %parallel_loop3A_135  : i32 {
        %parallel_loop3A_273 = arith.constant 0 : i32
        %parallel_loop3A_274 = vector.broadcast %parallel_loop3A_273 : i32 to vector<16xi32>
        %parallel_loop3A_275 = arith.addi %iota3A, %parallel_loop3A_274 : vector<16xi32>
        %parallel_loop3A_276 = arith.constant 80 : i32
        %parallel_loop3A_277 = arith.muli %parallel_loop3A_272, %parallel_loop3A_276 : i32
        %parallel_loop3A_278 = arith.constant 0 : i32
        %parallel_loop3A_279 = arith.addi %parallel_loop3A_277, %parallel_loop3A_278 : i32
        %parallel_loop3A_280 = arith.index_cast %parallel_loop3A_279 : i32 to index
        %parallel_loop3A_281 = tpu.vector_load %arg24[%parallel_loop3A_280] {strides = array<i32>} : memref<6400xi32, #tpu.memory_space<vmem>>, vector<16xi32>,
        %parallel_loop3A_282 = tpu.vector_load_idx %arg20[%parallel_loop3A_281] : memref<1280xf32, #tpu.memory_space<vmem>>[vector<16xi32>], vector<16xf32>,
        %parallel_loop3A_283 = arith.index_cast %parallel_loop3A_272 : i32 to index
        %parallel_loop3A_284 = arith.constant 0 : index
        %parallel_loop3A_285 = tpu.vector_load %arg12[%parallel_loop3A_283, %parallel_loop3A_284] {strides = array<i32>} : memref<80x80xf32, #tpu.memory_space<vmem>>, vector<16xf32>,
        %parallel_loop3A_286 = arith.mulf %parallel_loop3A_285, %parallel_loop3A_282 : vector<16xf32>
        %parallel_loop3A_287 = arith.index_cast %parallel_loop3A_272 : i32 to index
        %parallel_loop3A_288 = arith.constant 0 : index
        %parallel_loop3A_289 = tpu.vector_load %arg21[%parallel_loop3A_287, %parallel_loop3A_288] {strides = array<i32>} : memref<80x80xf32, #tpu.memory_space<vmem>>, vector<16xf32>,
        tpu.vector_store %arg21[%parallel_loop3A_287, %parallel_loop3A_288], %parallel_loop3A_286 {strides = array<i32>} : memref<80x80xf32, #tpu.memory_space<vmem>>, vector<16xf32>,
        %parallel_loop3A_290 = arith.constant 16 : i32
        %parallel_loop3A_291 = vector.broadcast %parallel_loop3A_290 : i32 to vector<16xi32>
        %parallel_loop3A_292 = arith.addi %iota3A, %parallel_loop3A_291 : vector<16xi32>
        %parallel_loop3A_293 = arith.constant 80 : i32
        %parallel_loop3A_294 = arith.muli %parallel_loop3A_272, %parallel_loop3A_293 : i32
        %parallel_loop3A_295 = arith.constant 16 : i32
        %parallel_loop3A_296 = arith.addi %parallel_loop3A_294, %parallel_loop3A_295 : i32
        %parallel_loop3A_297 = arith.index_cast %parallel_loop3A_296 : i32 to index
        %parallel_loop3A_298 = tpu.vector_load %arg24[%parallel_loop3A_297] {strides = array<i32>} : memref<6400xi32, #tpu.memory_space<vmem>>, vector<16xi32>,
        %parallel_loop3A_299 = tpu.vector_load_idx %arg20[%parallel_loop3A_298] : memref<1280xf32, #tpu.memory_space<vmem>>[vector<16xi32>], vector<16xf32>,
        %parallel_loop3A_300 = arith.index_cast %parallel_loop3A_272 : i32 to index
        %parallel_loop3A_301 = arith.constant 16 : index
        %parallel_loop3A_302 = tpu.vector_load %arg12[%parallel_loop3A_300, %parallel_loop3A_301] {strides = array<i32>} : memref<80x80xf32, #tpu.memory_space<vmem>>, vector<16xf32>,
        %parallel_loop3A_303 = arith.mulf %parallel_loop3A_302, %parallel_loop3A_299 : vector<16xf32>
        %parallel_loop3A_304 = arith.index_cast %parallel_loop3A_272 : i32 to index
        %parallel_loop3A_305 = arith.constant 16 : index
        %parallel_loop3A_306 = tpu.vector_load %arg21[%parallel_loop3A_304, %parallel_loop3A_305] {strides = array<i32>} : memref<80x80xf32, #tpu.memory_space<vmem>>, vector<16xf32>,
        tpu.vector_store %arg21[%parallel_loop3A_304, %parallel_loop3A_305], %parallel_loop3A_303 {strides = array<i32>} : memref<80x80xf32, #tpu.memory_space<vmem>>, vector<16xf32>,
        %parallel_loop3A_307 = arith.constant 32 : i32
        %parallel_loop3A_308 = vector.broadcast %parallel_loop3A_307 : i32 to vector<16xi32>
        %parallel_loop3A_309 = arith.addi %iota3A, %parallel_loop3A_308 : vector<16xi32>
        %parallel_loop3A_310 = arith.constant 80 : i32
        %parallel_loop3A_311 = arith.muli %parallel_loop3A_272, %parallel_loop3A_310 : i32
        %parallel_loop3A_312 = arith.constant 32 : i32
        %parallel_loop3A_313 = arith.addi %parallel_loop3A_311, %parallel_loop3A_312 : i32
        %parallel_loop3A_314 = arith.index_cast %parallel_loop3A_313 : i32 to index
        %parallel_loop3A_315 = tpu.vector_load %arg24[%parallel_loop3A_314] {strides = array<i32>} : memref<6400xi32, #tpu.memory_space<vmem>>, vector<16xi32>,
        %parallel_loop3A_316 = tpu.vector_load_idx %arg20[%parallel_loop3A_315] : memref<1280xf32, #tpu.memory_space<vmem>>[vector<16xi32>], vector<16xf32>,
        %parallel_loop3A_317 = arith.index_cast %parallel_loop3A_272 : i32 to index
        %parallel_loop3A_318 = arith.constant 32 : index
        %parallel_loop3A_319 = tpu.vector_load %arg12[%parallel_loop3A_317, %parallel_loop3A_318] {strides = array<i32>} : memref<80x80xf32, #tpu.memory_space<vmem>>, vector<16xf32>,
        %parallel_loop3A_320 = arith.mulf %parallel_loop3A_319, %parallel_loop3A_316 : vector<16xf32>
        %parallel_loop3A_321 = arith.index_cast %parallel_loop3A_272 : i32 to index
        %parallel_loop3A_322 = arith.constant 32 : index
        %parallel_loop3A_323 = tpu.vector_load %arg21[%parallel_loop3A_321, %parallel_loop3A_322] {strides = array<i32>} : memref<80x80xf32, #tpu.memory_space<vmem>>, vector<16xf32>,
        tpu.vector_store %arg21[%parallel_loop3A_321, %parallel_loop3A_322], %parallel_loop3A_320 {strides = array<i32>} : memref<80x80xf32, #tpu.memory_space<vmem>>, vector<16xf32>,
        %parallel_loop3A_324 = arith.constant 48 : i32
        %parallel_loop3A_325 = vector.broadcast %parallel_loop3A_324 : i32 to vector<16xi32>
        %parallel_loop3A_326 = arith.addi %iota3A, %parallel_loop3A_325 : vector<16xi32>
        %parallel_loop3A_327 = arith.constant 80 : i32
        %parallel_loop3A_328 = arith.muli %parallel_loop3A_272, %parallel_loop3A_327 : i32
        %parallel_loop3A_329 = arith.constant 48 : i32
        %parallel_loop3A_330 = arith.addi %parallel_loop3A_328, %parallel_loop3A_329 : i32
        %parallel_loop3A_331 = arith.index_cast %parallel_loop3A_330 : i32 to index
        %parallel_loop3A_332 = tpu.vector_load %arg24[%parallel_loop3A_331] {strides = array<i32>} : memref<6400xi32, #tpu.memory_space<vmem>>, vector<16xi32>,
        %parallel_loop3A_333 = tpu.vector_load_idx %arg20[%parallel_loop3A_332] : memref<1280xf32, #tpu.memory_space<vmem>>[vector<16xi32>], vector<16xf32>,
        %parallel_loop3A_334 = arith.index_cast %parallel_loop3A_272 : i32 to index
        %parallel_loop3A_335 = arith.constant 48 : index
        %parallel_loop3A_336 = tpu.vector_load %arg12[%parallel_loop3A_334, %parallel_loop3A_335] {strides = array<i32>} : memref<80x80xf32, #tpu.memory_space<vmem>>, vector<16xf32>,
        %parallel_loop3A_337 = arith.mulf %parallel_loop3A_336, %parallel_loop3A_333 : vector<16xf32>
        %parallel_loop3A_338 = arith.index_cast %parallel_loop3A_272 : i32 to index
        %parallel_loop3A_339 = arith.constant 48 : index
        %parallel_loop3A_340 = tpu.vector_load %arg21[%parallel_loop3A_338, %parallel_loop3A_339] {strides = array<i32>} : memref<80x80xf32, #tpu.memory_space<vmem>>, vector<16xf32>,
        tpu.vector_store %arg21[%parallel_loop3A_338, %parallel_loop3A_339], %parallel_loop3A_337 {strides = array<i32>} : memref<80x80xf32, #tpu.memory_space<vmem>>, vector<16xf32>,
        %parallel_loop3A_341 = arith.constant 64 : i32
        %parallel_loop3A_342 = vector.broadcast %parallel_loop3A_341 : i32 to vector<16xi32>
        %parallel_loop3A_343 = arith.addi %iota3A, %parallel_loop3A_342 : vector<16xi32>
        %parallel_loop3A_344 = arith.constant 80 : i32
        %parallel_loop3A_345 = arith.muli %parallel_loop3A_272, %parallel_loop3A_344 : i32
        %parallel_loop3A_346 = arith.constant 64 : i32
        %parallel_loop3A_347 = arith.addi %parallel_loop3A_345, %parallel_loop3A_346 : i32
        %parallel_loop3A_348 = arith.index_cast %parallel_loop3A_347 : i32 to index
        %parallel_loop3A_349 = tpu.vector_load %arg24[%parallel_loop3A_348] {strides = array<i32>} : memref<6400xi32, #tpu.memory_space<vmem>>, vector<16xi32>,
        %parallel_loop3A_350 = tpu.vector_load_idx %arg20[%parallel_loop3A_349] : memref<1280xf32, #tpu.memory_space<vmem>>[vector<16xi32>], vector<16xf32>,
        %parallel_loop3A_351 = arith.constant 72 : i32
        %parallel_loop3A_352 = vector.broadcast %parallel_loop3A_351 : i32 to vector<16xi32>
        %parallel_loop3A_353 = arith.cmpi slt, %parallel_loop3A_343, %parallel_loop3A_352 : vector<16xi32>
        %parallel_loop3A_354 = arith.constant 0.000000e+00 : f32
        %parallel_loop3A_355 = vector.broadcast %parallel_loop3A_354 : f32 to vector<16xf32>
        %parallel_loop3A_356 = arith.select %parallel_loop3A_353, %parallel_loop3A_350, %parallel_loop3A_355 : vector<16xi1>, vector<16xf32>
        %parallel_loop3A_357 = arith.index_cast %parallel_loop3A_272 : i32 to index
        %parallel_loop3A_358 = arith.constant 64 : index
        %parallel_loop3A_359 = tpu.vector_load %arg21[%parallel_loop3A_357, %parallel_loop3A_358] {strides = array<i32>} : memref<80x80xf32, #tpu.memory_space<vmem>>, vector<16xf32>,
        tpu.vector_store %arg21[%parallel_loop3A_357, %parallel_loop3A_358], %parallel_loop3A_356 {strides = array<i32>} : memref<80x80xf32, #tpu.memory_space<vmem>>, vector<16xf32>,
      } {sc.loop_unroll_factor = 4 : i64, sc.parallel_access}
      %mul3A_136 = arith.constant 80 : i32
      %mul3A_137 = arith.muli %add3A_114, %mul3A_136 : i32
      %dma_start3A_138 = tpu.memref_slice %arg11[%mul3A_137] : memref<10000xi32, #tpu.memory_space<vmem>> -> memref<80xi32, #tpu.memory_space<vmem>>
      %dma_start3A_139 = arith.constant 0 : i32
      %dma_start3A_140 = arith.constant 0 : i32
      %dma_start3A_141 = tpu.memref_slice %arg9[%dma_start3A_139, %dma_start3A_140] : memref<10000x80xf32, #tpu.memory_space<vmem_shared>> -> memref<10000x80xf32, #tpu.memory_space<vmem_shared>>
      tpu.enqueue_indirect_dma source(%arg21 : memref<80x80xf32, #tpu.memory_space<vmem>>) target(%dma_start3A_141 : memref<10000x80xf32, #tpu.memory_space<vmem_shared>>) offsets(%dma_start3A_138 : memref<80xi32, #tpu.memory_space<vmem>>) semaphore(%arg29 : memref<!tpu.dma_semaphore, #tpu.memory_space<semaphore_mem>>) {add = true}
      %add3A_142 = arith.constant 4 : i32
      %add3A_143 = arith.addi %add3A_114, %add3A_142 : i32
      %lt3A = arith.constant 125 : i32
      %lt3A_144 = arith.cmpi slt, %add3A_143, %lt3A : i32
      %convert_element_type3A_145 = arith.extui %lt3A_144 : i1 to i32
      %cond3A_146 = arith.constant 0 : i32
      %cond3A_147 = arith.cmpi ne, %convert_element_type3A_145, %cond3A_146 : i32
      scf.if %cond3A_147 {
        %add3A_272 = arith.constant 4 : i32
        %add3A_273 = arith.addi %add3A_114, %add3A_272 : i32
        %mul3A_274 = arith.constant 80 : i32
        %mul3A_275 = arith.muli %add3A_273, %mul3A_274 : i32
        %dma_start3A_276 = tpu.memref_slice %arg10[%mul3A_275] : memref<10000xi32, #tpu.memory_space<vmem>> -> memref<80xi32, #tpu.memory_space<vmem>>
        %dma_start3A_277 = arith.constant 0 : i32
        %dma_start3A_278 = arith.constant 0 : i32
        %dma_start3A_279 = tpu.memref_slice %arg4[%dma_start3A_277, %dma_start3A_278] : memref<10000x80xf32, #tpu.memory_space<hbm>> -> memref<10000x80xf32, #tpu.memory_space<hbm>>
        tpu.enqueue_indirect_dma source(%dma_start3A_279 : memref<10000x80xf32, #tpu.memory_space<hbm>>) target(%arg12 : memref<80x80xf32, #tpu.memory_space<vmem>>) offsets(%dma_start3A_276 : memref<80xi32, #tpu.memory_space<vmem>>) semaphore(%arg25 : memref<!tpu.dma_semaphore, #tpu.memory_space<semaphore_mem>>)
        %dma_start3A_280 = tpu.memref_slice %arg11[%mul3A_275] : memref<10000xi32, #tpu.memory_space<vmem>> -> memref<80xi32, #tpu.memory_space<vmem>>
        %dma_start3A_281 = arith.constant 0 : i32
        %dma_start3A_282 = arith.constant 0 : i32
        %dma_start3A_283 = tpu.memref_slice %arg5[%dma_start3A_281, %dma_start3A_282] : memref<10000x16xf32, #tpu.memory_space<hbm>> -> memref<10000x16xf32, #tpu.memory_space<hbm>>
        tpu.enqueue_indirect_dma source(%dma_start3A_283 : memref<10000x16xf32, #tpu.memory_space<hbm>>) target(%arg16 : memref<80x16xf32, #tpu.memory_space<vmem>>) offsets(%dma_start3A_280 : memref<80xi32, #tpu.memory_space<vmem>>) semaphore(%arg25 : memref<!tpu.dma_semaphore, #tpu.memory_space<semaphore_mem>>)
      } else {
      }
      %mul3A_148 = arith.constant 4 : i32
      %mul3A_149 = arith.muli %mul3A_148, %scan3A_110 : i32
      %add3A_150 = arith.constant 1 : i32
      %add3A_151 = arith.addi %mul3A_149, %add3A_150 : i32
      %dma_wait3A_152 = arith.constant 0 : i32
      %dma_wait3A_153 = arith.constant 0 : i32
      %dma_wait3A_154 = tpu.memref_slice %arg4[%dma_wait3A_152, %dma_wait3A_153] : memref<10000x80xf32, #tpu.memory_space<hbm>> -> memref<80x80xf32, #tpu.memory_space<hbm>>
      %dma_wait3A_155 = arith.constant 0 : i32
      %dma_wait3A_156 = arith.constant 0 : i32
      %dma_wait3A_157 = tpu.memref_slice %arg4[%dma_wait3A_155, %dma_wait3A_156] : memref<10000x80xf32, #tpu.memory_space<hbm>> -> memref<80x80xf32, #tpu.memory_space<hbm>>
      tpu.wait_dma2 semaphore(%arg26 : memref<!tpu.dma_semaphore, #tpu.memory_space<semaphore_mem>>) src(%dma_wait3A_157 : memref<80x80xf32, #tpu.memory_space<hbm>>) dst(%arg13 : memref<80x80xf32, #tpu.memory_space<vmem>>)
      %dma_wait3A_158 = arith.constant 0 : i32
      %dma_wait3A_159 = arith.constant 0 : i32
      %dma_wait3A_160 = tpu.memref_slice %arg5[%dma_wait3A_158, %dma_wait3A_159] : memref<10000x16xf32, #tpu.memory_space<hbm>> -> memref<80x16xf32, #tpu.memory_space<hbm>>
      %dma_wait3A_161 = arith.constant 0 : i32
      %dma_wait3A_162 = arith.constant 0 : i32
      %dma_wait3A_163 = tpu.memref_slice %arg5[%dma_wait3A_161, %dma_wait3A_162] : memref<10000x16xf32, #tpu.memory_space<hbm>> -> memref<80x16xf32, #tpu.memory_space<hbm>>
      tpu.wait_dma2 semaphore(%arg26 : memref<!tpu.dma_semaphore, #tpu.memory_space<semaphore_mem>>) src(%dma_wait3A_163 : memref<80x16xf32, #tpu.memory_space<hbm>>) dst(%arg17 : memref<80x16xf32, #tpu.memory_space<vmem>>)
      %gt3A_164 = arith.constant 0 : i32
      %gt3A_165 = arith.cmpi sgt, %scan3A_110, %gt3A_164 : i32
      %convert_element_type3A_166 = arith.extui %gt3A_165 : i1 to i32
      %cond3A_167 = arith.constant 0 : i32
      %cond3A_168 = arith.cmpi ne, %convert_element_type3A_166, %cond3A_167 : i32
      scf.if %cond3A_168 {
        %mul3A_272 = arith.constant 80 : i32
        %mul3A_273 = arith.muli %add3A_151, %mul3A_272 : i32
        %dma_wait3A_274 = tpu.memref_slice %arg11[%mul3A_273] : memref<10000xi32, #tpu.memory_space<vmem>> -> memref<80xi32, #tpu.memory_space<vmem>>
        %dma_wait3A_275 = arith.constant 0 : i32
        %dma_wait3A_276 = arith.constant 0 : i32
        %dma_wait3A_277 = tpu.memref_slice %arg9[%dma_wait3A_275, %dma_wait3A_276] : memref<10000x80xf32, #tpu.memory_space<vmem_shared>> -> memref<10000x80xf32, #tpu.memory_space<vmem_shared>>
        tpu.wait_indirect_dma semaphore(%arg30 : memref<!tpu.dma_semaphore, #tpu.memory_space<semaphore_mem>>) src(%arg22 : memref<80x80xf32, #tpu.memory_space<vmem>>) dst(%dma_wait3A_277 : memref<10000x80xf32, #tpu.memory_space<vmem_shared>>)
      } else {
      }
      %parallel_loop3A_169 = arith.constant 0 : i32
      %parallel_loop3A_170 = arith.constant 80 : i32
      %parallel_loop3A_171 = arith.constant 1 : i32
      scf.for %parallel_loop3A_272 = %parallel_loop3A_169 to %parallel_loop3A_170 step %parallel_loop3A_171  : i32 {
        %parallel_loop3A_273 = arith.index_cast %parallel_loop3A_272 : i32 to index
        %parallel_loop3A_274 = arith.constant 64 : index
        %parallel_loop3A_275 = tpu.vector_load %arg13[%parallel_loop3A_273, %parallel_loop3A_274] {strides = array<i32>} : memref<80x80xf32, #tpu.memory_space<vmem>>, vector<16xf32>,
        %parallel_loop3A_276 = arith.index_cast %parallel_loop3A_272 : i32 to index
        %parallel_loop3A_277 = arith.constant 0 : index
        %parallel_loop3A_278 = tpu.vector_load %arg17[%parallel_loop3A_276, %parallel_loop3A_277] {strides = array<i32>} : memref<80x16xf32, #tpu.memory_space<vmem>>, vector<16xf32>,
        %parallel_loop3A_279 = arith.addf %parallel_loop3A_275, %parallel_loop3A_278 : vector<16xf32>
        %parallel_loop3A_280 = arith.constant 0.000000e+00 : f32
        %parallel_loop3A_281 = vector.broadcast %parallel_loop3A_280 : f32 to vector<16xf32>
        %parallel_loop3A_282 = arith.cmpf ogt, %parallel_loop3A_279, %parallel_loop3A_281 : vector<16xf32>
        %parallel_loop3A_283 = arith.constant 2.000000e-01 : f32
        %parallel_loop3A_284 = vector.broadcast %parallel_loop3A_283 : f32 to vector<16xf32>
        %parallel_loop3A_285 = arith.mulf %parallel_loop3A_284, %parallel_loop3A_279 : vector<16xf32>
        %parallel_loop3A_286 = arith.select %parallel_loop3A_282, %parallel_loop3A_279, %parallel_loop3A_285 : vector<16xi1>, vector<16xf32>
        %parallel_loop3A_287 = arith.subf %parallel_loop3A_286, %get3A_27 : vector<16xf32>
        %parallel_loop3A_288 = math.exp %parallel_loop3A_287 : vector<16xf32>
        %parallel_loop3A_289 = arith.constant 16 : i32
        %parallel_loop3A_290 = arith.muli %parallel_loop3A_272, %parallel_loop3A_289 : i32
        %parallel_loop3A_291 = arith.index_cast %parallel_loop3A_290 : i32 to index
        %parallel_loop3A_292 = tpu.vector_load %arg20[%parallel_loop3A_291] {strides = array<i32>} : memref<1280xf32, #tpu.memory_space<vmem>>, vector<16xf32>,
        tpu.vector_store %arg20[%parallel_loop3A_291], %parallel_loop3A_288 {strides = array<i32>} : memref<1280xf32, #tpu.memory_space<vmem>>, vector<16xf32>,
      } {sc.loop_unroll_factor = 4 : i64, sc.parallel_access}
      %parallel_loop3A_172 = arith.constant 0 : i32
      %parallel_loop3A_173 = arith.constant 80 : i32
      %parallel_loop3A_174 = arith.constant 1 : i32
      scf.for %parallel_loop3A_272 = %parallel_loop3A_172 to %parallel_loop3A_173 step %parallel_loop3A_174  : i32 {
        %parallel_loop3A_273 = arith.constant 0 : i32
        %parallel_loop3A_274 = vector.broadcast %parallel_loop3A_273 : i32 to vector<16xi32>
        %parallel_loop3A_275 = arith.addi %iota3A, %parallel_loop3A_274 : vector<16xi32>
        %parallel_loop3A_276 = arith.constant 80 : i32
        %parallel_loop3A_277 = arith.muli %parallel_loop3A_272, %parallel_loop3A_276 : i32
        %parallel_loop3A_278 = arith.constant 0 : i32
        %parallel_loop3A_279 = arith.addi %parallel_loop3A_277, %parallel_loop3A_278 : i32
        %parallel_loop3A_280 = arith.index_cast %parallel_loop3A_279 : i32 to index
        %parallel_loop3A_281 = tpu.vector_load %arg24[%parallel_loop3A_280] {strides = array<i32>} : memref<6400xi32, #tpu.memory_space<vmem>>, vector<16xi32>,
        %parallel_loop3A_282 = tpu.vector_load_idx %arg20[%parallel_loop3A_281] : memref<1280xf32, #tpu.memory_space<vmem>>[vector<16xi32>], vector<16xf32>,
        %parallel_loop3A_283 = arith.index_cast %parallel_loop3A_272 : i32 to index
        %parallel_loop3A_284 = arith.constant 0 : index
        %parallel_loop3A_285 = tpu.vector_load %arg13[%parallel_loop3A_283, %parallel_loop3A_284] {strides = array<i32>} : memref<80x80xf32, #tpu.memory_space<vmem>>, vector<16xf32>,
        %parallel_loop3A_286 = arith.mulf %parallel_loop3A_285, %parallel_loop3A_282 : vector<16xf32>
        %parallel_loop3A_287 = arith.index_cast %parallel_loop3A_272 : i32 to index
        %parallel_loop3A_288 = arith.constant 0 : index
        %parallel_loop3A_289 = tpu.vector_load %arg22[%parallel_loop3A_287, %parallel_loop3A_288] {strides = array<i32>} : memref<80x80xf32, #tpu.memory_space<vmem>>, vector<16xf32>,
        tpu.vector_store %arg22[%parallel_loop3A_287, %parallel_loop3A_288], %parallel_loop3A_286 {strides = array<i32>} : memref<80x80xf32, #tpu.memory_space<vmem>>, vector<16xf32>,
        %parallel_loop3A_290 = arith.constant 16 : i32
        %parallel_loop3A_291 = vector.broadcast %parallel_loop3A_290 : i32 to vector<16xi32>
        %parallel_loop3A_292 = arith.addi %iota3A, %parallel_loop3A_291 : vector<16xi32>
        %parallel_loop3A_293 = arith.constant 80 : i32
        %parallel_loop3A_294 = arith.muli %parallel_loop3A_272, %parallel_loop3A_293 : i32
        %parallel_loop3A_295 = arith.constant 16 : i32
        %parallel_loop3A_296 = arith.addi %parallel_loop3A_294, %parallel_loop3A_295 : i32
        %parallel_loop3A_297 = arith.index_cast %parallel_loop3A_296 : i32 to index
        %parallel_loop3A_298 = tpu.vector_load %arg24[%parallel_loop3A_297] {strides = array<i32>} : memref<6400xi32, #tpu.memory_space<vmem>>, vector<16xi32>,
        %parallel_loop3A_299 = tpu.vector_load_idx %arg20[%parallel_loop3A_298] : memref<1280xf32, #tpu.memory_space<vmem>>[vector<16xi32>], vector<16xf32>,
        %parallel_loop3A_300 = arith.index_cast %parallel_loop3A_272 : i32 to index
        %parallel_loop3A_301 = arith.constant 16 : index
        %parallel_loop3A_302 = tpu.vector_load %arg13[%parallel_loop3A_300, %parallel_loop3A_301] {strides = array<i32>} : memref<80x80xf32, #tpu.memory_space<vmem>>, vector<16xf32>,
        %parallel_loop3A_303 = arith.mulf %parallel_loop3A_302, %parallel_loop3A_299 : vector<16xf32>
        %parallel_loop3A_304 = arith.index_cast %parallel_loop3A_272 : i32 to index
        %parallel_loop3A_305 = arith.constant 16 : index
        %parallel_loop3A_306 = tpu.vector_load %arg22[%parallel_loop3A_304, %parallel_loop3A_305] {strides = array<i32>} : memref<80x80xf32, #tpu.memory_space<vmem>>, vector<16xf32>,
        tpu.vector_store %arg22[%parallel_loop3A_304, %parallel_loop3A_305], %parallel_loop3A_303 {strides = array<i32>} : memref<80x80xf32, #tpu.memory_space<vmem>>, vector<16xf32>,
        %parallel_loop3A_307 = arith.constant 32 : i32
        %parallel_loop3A_308 = vector.broadcast %parallel_loop3A_307 : i32 to vector<16xi32>
        %parallel_loop3A_309 = arith.addi %iota3A, %parallel_loop3A_308 : vector<16xi32>
        %parallel_loop3A_310 = arith.constant 80 : i32
        %parallel_loop3A_311 = arith.muli %parallel_loop3A_272, %parallel_loop3A_310 : i32
        %parallel_loop3A_312 = arith.constant 32 : i32
        %parallel_loop3A_313 = arith.addi %parallel_loop3A_311, %parallel_loop3A_312 : i32
        %parallel_loop3A_314 = arith.index_cast %parallel_loop3A_313 : i32 to index
        %parallel_loop3A_315 = tpu.vector_load %arg24[%parallel_loop3A_314] {strides = array<i32>} : memref<6400xi32, #tpu.memory_space<vmem>>, vector<16xi32>,
        %parallel_loop3A_316 = tpu.vector_load_idx %arg20[%parallel_loop3A_315] : memref<1280xf32, #tpu.memory_space<vmem>>[vector<16xi32>], vector<16xf32>,
        %parallel_loop3A_317 = arith.index_cast %parallel_loop3A_272 : i32 to index
        %parallel_loop3A_318 = arith.constant 32 : index
        %parallel_loop3A_319 = tpu.vector_load %arg13[%parallel_loop3A_317, %parallel_loop3A_318] {strides = array<i32>} : memref<80x80xf32, #tpu.memory_space<vmem>>, vector<16xf32>,
        %parallel_loop3A_320 = arith.mulf %parallel_loop3A_319, %parallel_loop3A_316 : vector<16xf32>
        %parallel_loop3A_321 = arith.index_cast %parallel_loop3A_272 : i32 to index
        %parallel_loop3A_322 = arith.constant 32 : index
        %parallel_loop3A_323 = tpu.vector_load %arg22[%parallel_loop3A_321, %parallel_loop3A_322] {strides = array<i32>} : memref<80x80xf32, #tpu.memory_space<vmem>>, vector<16xf32>,
        tpu.vector_store %arg22[%parallel_loop3A_321, %parallel_loop3A_322], %parallel_loop3A_320 {strides = array<i32>} : memref<80x80xf32, #tpu.memory_space<vmem>>, vector<16xf32>,
        %parallel_loop3A_324 = arith.constant 48 : i32
        %parallel_loop3A_325 = vector.broadcast %parallel_loop3A_324 : i32 to vector<16xi32>
        %parallel_loop3A_326 = arith.addi %iota3A, %parallel_loop3A_325 : vector<16xi32>
        %parallel_loop3A_327 = arith.constant 80 : i32
        %parallel_loop3A_328 = arith.muli %parallel_loop3A_272, %parallel_loop3A_327 : i32
        %parallel_loop3A_329 = arith.constant 48 : i32
        %parallel_loop3A_330 = arith.addi %parallel_loop3A_328, %parallel_loop3A_329 : i32
        %parallel_loop3A_331 = arith.index_cast %parallel_loop3A_330 : i32 to index
        %parallel_loop3A_332 = tpu.vector_load %arg24[%parallel_loop3A_331] {strides = array<i32>} : memref<6400xi32, #tpu.memory_space<vmem>>, vector<16xi32>,
        %parallel_loop3A_333 = tpu.vector_load_idx %arg20[%parallel_loop3A_332] : memref<1280xf32, #tpu.memory_space<vmem>>[vector<16xi32>], vector<16xf32>,
        %parallel_loop3A_334 = arith.index_cast %parallel_loop3A_272 : i32 to index
        %parallel_loop3A_335 = arith.constant 48 : index
        %parallel_loop3A_336 = tpu.vector_load %arg13[%parallel_loop3A_334, %parallel_loop3A_335] {strides = array<i32>} : memref<80x80xf32, #tpu.memory_space<vmem>>, vector<16xf32>,
        %parallel_loop3A_337 = arith.mulf %parallel_loop3A_336, %parallel_loop3A_333 : vector<16xf32>
        %parallel_loop3A_338 = arith.index_cast %parallel_loop3A_272 : i32 to index
        %parallel_loop3A_339 = arith.constant 48 : index
        %parallel_loop3A_340 = tpu.vector_load %arg22[%parallel_loop3A_338, %parallel_loop3A_339] {strides = array<i32>} : memref<80x80xf32, #tpu.memory_space<vmem>>, vector<16xf32>,
        tpu.vector_store %arg22[%parallel_loop3A_338, %parallel_loop3A_339], %parallel_loop3A_337 {strides = array<i32>} : memref<80x80xf32, #tpu.memory_space<vmem>>, vector<16xf32>,
        %parallel_loop3A_341 = arith.constant 64 : i32
        %parallel_loop3A_342 = vector.broadcast %parallel_loop3A_341 : i32 to vector<16xi32>
        %parallel_loop3A_343 = arith.addi %iota3A, %parallel_loop3A_342 : vector<16xi32>
        %parallel_loop3A_344 = arith.constant 80 : i32
        %parallel_loop3A_345 = arith.muli %parallel_loop3A_272, %parallel_loop3A_344 : i32
        %parallel_loop3A_346 = arith.constant 64 : i32
        %parallel_loop3A_347 = arith.addi %parallel_loop3A_345, %parallel_loop3A_346 : i32
        %parallel_loop3A_348 = arith.index_cast %parallel_loop3A_347 : i32 to index
        %parallel_loop3A_349 = tpu.vector_load %arg24[%parallel_loop3A_348] {strides = array<i32>} : memref<6400xi32, #tpu.memory_space<vmem>>, vector<16xi32>,
        %parallel_loop3A_350 = tpu.vector_load_idx %arg20[%parallel_loop3A_349] : memref<1280xf32, #tpu.memory_space<vmem>>[vector<16xi32>], vector<16xf32>,
        %parallel_loop3A_351 = arith.constant 72 : i32
        %parallel_loop3A_352 = vector.broadcast %parallel_loop3A_351 : i32 to vector<16xi32>
        %parallel_loop3A_353 = arith.cmpi slt, %parallel_loop3A_343, %parallel_loop3A_352 : vector<16xi32>
        %parallel_loop3A_354 = arith.constant 0.000000e+00 : f32
        %parallel_loop3A_355 = vector.broadcast %parallel_loop3A_354 : f32 to vector<16xf32>
        %parallel_loop3A_356 = arith.select %parallel_loop3A_353, %parallel_loop3A_350, %parallel_loop3A_355 : vector<16xi1>, vector<16xf32>
        %parallel_loop3A_357 = arith.index_cast %parallel_loop3A_272 : i32 to index
        %parallel_loop3A_358 = arith.constant 64 : index
        %parallel_loop3A_359 = tpu.vector_load %arg22[%parallel_loop3A_357, %parallel_loop3A_358] {strides = array<i32>} : memref<80x80xf32, #tpu.memory_space<vmem>>, vector<16xf32>,
        tpu.vector_store %arg22[%parallel_loop3A_357, %parallel_loop3A_358], %parallel_loop3A_356 {strides = array<i32>} : memref<80x80xf32, #tpu.memory_space<vmem>>, vector<16xf32>,
      } {sc.loop_unroll_factor = 4 : i64, sc.parallel_access}
      %mul3A_175 = arith.constant 80 : i32
      %mul3A_176 = arith.muli %add3A_151, %mul3A_175 : i32
      %dma_start3A_177 = tpu.memref_slice %arg11[%mul3A_176] : memref<10000xi32, #tpu.memory_space<vmem>> -> memref<80xi32, #tpu.memory_space<vmem>>
      %dma_start3A_178 = arith.constant 0 : i32
      %dma_start3A_179 = arith.constant 0 : i32
      %dma_start3A_180 = tpu.memref_slice %arg9[%dma_start3A_178, %dma_start3A_179] : memref<10000x80xf32, #tpu.memory_space<vmem_shared>> -> memref<10000x80xf32, #tpu.memory_space<vmem_shared>>
      tpu.enqueue_indirect_dma source(%arg22 : memref<80x80xf32, #tpu.memory_space<vmem>>) target(%dma_start3A_180 : memref<10000x80xf32, #tpu.memory_space<vmem_shared>>) offsets(%dma_start3A_177 : memref<80xi32, #tpu.memory_space<vmem>>) semaphore(%arg30 : memref<!tpu.dma_semaphore, #tpu.memory_space<semaphore_mem>>) {add = true}
      %add3A_181 = arith.constant 4 : i32
      %add3A_182 = arith.addi %add3A_151, %add3A_181 : i32
      %lt3A_183 = arith.constant 125 : i32
      %lt3A_184 = arith.cmpi slt, %add3A_182, %lt3A_183 : i32
      %convert_element_type3A_185 = arith.extui %lt3A_184 : i1 to i32
      %cond3A_186 = arith.constant 0 : i32
      %cond3A_187 = arith.cmpi ne, %convert_element_type3A_185, %cond3A_186 : i32
      scf.if %cond3A_187 {
        %add3A_272 = arith.constant 4 : i32
        %add3A_273 = arith.addi %add3A_151, %add3A_272 : i32
        %mul3A_274 = arith.constant 80 : i32
        %mul3A_275 = arith.muli %add3A_273, %mul3A_274 : i32
        %dma_start3A_276 = tpu.memref_slice %arg10[%mul3A_275] : memref<10000xi32, #tpu.memory_space<vmem>> -> memref<80xi32, #tpu.memory_space<vmem>>
        %dma_start3A_277 = arith.constant 0 : i32
        %dma_start3A_278 = arith.constant 0 : i32
        %dma_start3A_279 = tpu.memref_slice %arg4[%dma_start3A_277, %dma_start3A_278] : memref<10000x80xf32, #tpu.memory_space<hbm>> -> memref<10000x80xf32, #tpu.memory_space<hbm>>
        tpu.enqueue_indirect_dma source(%dma_start3A_279 : memref<10000x80xf32, #tpu.memory_space<hbm>>) target(%arg13 : memref<80x80xf32, #tpu.memory_space<vmem>>) offsets(%dma_start3A_276 : memref<80xi32, #tpu.memory_space<vmem>>) semaphore(%arg26 : memref<!tpu.dma_semaphore, #tpu.memory_space<semaphore_mem>>)
        %dma_start3A_280 = tpu.memref_slice %arg11[%mul3A_275] : memref<10000xi32, #tpu.memory_space<vmem>> -> memref<80xi32, #tpu.memory_space<vmem>>
        %dma_start3A_281 = arith.constant 0 : i32
        %dma_start3A_282 = arith.constant 0 : i32
        %dma_start3A_283 = tpu.memref_slice %arg5[%dma_start3A_281, %dma_start3A_282] : memref<10000x16xf32, #tpu.memory_space<hbm>> -> memref<10000x16xf32, #tpu.memory_space<hbm>>
        tpu.enqueue_indirect_dma source(%dma_start3A_283 : memref<10000x16xf32, #tpu.memory_space<hbm>>) target(%arg17 : memref<80x16xf32, #tpu.memory_space<vmem>>) offsets(%dma_start3A_280 : memref<80xi32, #tpu.memory_space<vmem>>) semaphore(%arg26 : memref<!tpu.dma_semaphore, #tpu.memory_space<semaphore_mem>>)
      } else {
      }
      %mul3A_188 = arith.constant 4 : i32
      %mul3A_189 = arith.muli %mul3A_188, %scan3A_110 : i32
      %add3A_190 = arith.constant 2 : i32
      %add3A_191 = arith.addi %mul3A_189, %add3A_190 : i32
      %dma_wait3A_192 = arith.constant 0 : i32
      %dma_wait3A_193 = arith.constant 0 : i32
      %dma_wait3A_194 = tpu.memref_slice %arg4[%dma_wait3A_192, %dma_wait3A_193] : memref<10000x80xf32, #tpu.memory_space<hbm>> -> memref<80x80xf32, #tpu.memory_space<hbm>>
      %dma_wait3A_195 = arith.constant 0 : i32
      %dma_wait3A_196 = arith.constant 0 : i32
      %dma_wait3A_197 = tpu.memref_slice %arg4[%dma_wait3A_195, %dma_wait3A_196] : memref<10000x80xf32, #tpu.memory_space<hbm>> -> memref<80x80xf32, #tpu.memory_space<hbm>>
      tpu.wait_dma2 semaphore(%arg27 : memref<!tpu.dma_semaphore, #tpu.memory_space<semaphore_mem>>) src(%dma_wait3A_197 : memref<80x80xf32, #tpu.memory_space<hbm>>) dst(%arg14 : memref<80x80xf32, #tpu.memory_space<vmem>>)
      %dma_wait3A_198 = arith.constant 0 : i32
      %dma_wait3A_199 = arith.constant 0 : i32
      %dma_wait3A_200 = tpu.memref_slice %arg5[%dma_wait3A_198, %dma_wait3A_199] : memref<10000x16xf32, #tpu.memory_space<hbm>> -> memref<80x16xf32, #tpu.memory_space<hbm>>
      %dma_wait3A_201 = arith.constant 0 : i32
      %dma_wait3A_202 = arith.constant 0 : i32
      %dma_wait3A_203 = tpu.memref_slice %arg5[%dma_wait3A_201, %dma_wait3A_202] : memref<10000x16xf32, #tpu.memory_space<hbm>> -> memref<80x16xf32, #tpu.memory_space<hbm>>
      tpu.wait_dma2 semaphore(%arg27 : memref<!tpu.dma_semaphore, #tpu.memory_space<semaphore_mem>>) src(%dma_wait3A_203 : memref<80x16xf32, #tpu.memory_space<hbm>>) dst(%arg18 : memref<80x16xf32, #tpu.memory_space<vmem>>)
      %cond3A_204 = arith.constant 1 : i32
      %mul3A_205 = arith.constant 80 : i32
      %mul3A_206 = arith.muli %add3A_191, %mul3A_205 : i32
      %dma_wait3A_207 = tpu.memref_slice %arg11[%mul3A_206] : memref<10000xi32, #tpu.memory_space<vmem>> -> memref<80xi32, #tpu.memory_space<vmem>>
      %dma_wait3A_208 = arith.constant 0 : i32
      %dma_wait3A_209 = arith.constant 0 : i32
      %dma_wait3A_210 = tpu.memref_slice %arg9[%dma_wait3A_208, %dma_wait3A_209] : memref<10000x80xf32, #tpu.memory_space<vmem_shared>> -> memref<10000x80xf32, #tpu.memory_space<vmem_shared>>
      tpu.wait_indirect_dma semaphore(%arg29 : memref<!tpu.dma_semaphore, #tpu.memory_space<semaphore_mem>>) src(%arg21 : memref<80x80xf32, #tpu.memory_space<vmem>>) dst(%dma_wait3A_210 : memref<10000x80xf32, #tpu.memory_space<vmem_shared>>)
      %parallel_loop3A_211 = arith.constant 0 : i32
      %parallel_loop3A_212 = arith.constant 80 : i32
      %parallel_loop3A_213 = arith.constant 1 : i32
      scf.for %parallel_loop3A_272 = %parallel_loop3A_211 to %parallel_loop3A_212 step %parallel_loop3A_213  : i32 {
        %parallel_loop3A_273 = arith.index_cast %parallel_loop3A_272 : i32 to index
        %parallel_loop3A_274 = arith.constant 64 : index
        %parallel_loop3A_275 = tpu.vector_load %arg14[%parallel_loop3A_273, %parallel_loop3A_274] {strides = array<i32>} : memref<80x80xf32, #tpu.memory_space<vmem>>, vector<16xf32>,
        %parallel_loop3A_276 = arith.index_cast %parallel_loop3A_272 : i32 to index
        %parallel_loop3A_277 = arith.constant 0 : index
        %parallel_loop3A_278 = tpu.vector_load %arg18[%parallel_loop3A_276, %parallel_loop3A_277] {strides = array<i32>} : memref<80x16xf32, #tpu.memory_space<vmem>>, vector<16xf32>,
        %parallel_loop3A_279 = arith.addf %parallel_loop3A_275, %parallel_loop3A_278 : vector<16xf32>
        %parallel_loop3A_280 = arith.constant 0.000000e+00 : f32
        %parallel_loop3A_281 = vector.broadcast %parallel_loop3A_280 : f32 to vector<16xf32>
        %parallel_loop3A_282 = arith.cmpf ogt, %parallel_loop3A_279, %parallel_loop3A_281 : vector<16xf32>
        %parallel_loop3A_283 = arith.constant 2.000000e-01 : f32
        %parallel_loop3A_284 = vector.broadcast %parallel_loop3A_283 : f32 to vector<16xf32>
        %parallel_loop3A_285 = arith.mulf %parallel_loop3A_284, %parallel_loop3A_279 : vector<16xf32>
        %parallel_loop3A_286 = arith.select %parallel_loop3A_282, %parallel_loop3A_279, %parallel_loop3A_285 : vector<16xi1>, vector<16xf32>
        %parallel_loop3A_287 = arith.subf %parallel_loop3A_286, %get3A_27 : vector<16xf32>
        %parallel_loop3A_288 = math.exp %parallel_loop3A_287 : vector<16xf32>
        %parallel_loop3A_289 = arith.constant 16 : i32
        %parallel_loop3A_290 = arith.muli %parallel_loop3A_272, %parallel_loop3A_289 : i32
        %parallel_loop3A_291 = arith.index_cast %parallel_loop3A_290 : i32 to index
        %parallel_loop3A_292 = tpu.vector_load %arg20[%parallel_loop3A_291] {strides = array<i32>} : memref<1280xf32, #tpu.memory_space<vmem>>, vector<16xf32>,
        tpu.vector_store %arg20[%parallel_loop3A_291], %parallel_loop3A_288 {strides = array<i32>} : memref<1280xf32, #tpu.memory_space<vmem>>, vector<16xf32>,
      } {sc.loop_unroll_factor = 4 : i64, sc.parallel_access}
      %parallel_loop3A_214 = arith.constant 0 : i32
      %parallel_loop3A_215 = arith.constant 80 : i32
      %parallel_loop3A_216 = arith.constant 1 : i32
      scf.for %parallel_loop3A_272 = %parallel_loop3A_214 to %parallel_loop3A_215 step %parallel_loop3A_216  : i32 {
        %parallel_loop3A_273 = arith.constant 0 : i32
        %parallel_loop3A_274 = vector.broadcast %parallel_loop3A_273 : i32 to vector<16xi32>
        %parallel_loop3A_275 = arith.addi %iota3A, %parallel_loop3A_274 : vector<16xi32>
        %parallel_loop3A_276 = arith.constant 80 : i32
        %parallel_loop3A_277 = arith.muli %parallel_loop3A_272, %parallel_loop3A_276 : i32
        %parallel_loop3A_278 = arith.constant 0 : i32
        %parallel_loop3A_279 = arith.addi %parallel_loop3A_277, %parallel_loop3A_278 : i32
        %parallel_loop3A_280 = arith.index_cast %parallel_loop3A_279 : i32 to index
        %parallel_loop3A_281 = tpu.vector_load %arg24[%parallel_loop3A_280] {strides = array<i32>} : memref<6400xi32, #tpu.memory_space<vmem>>, vector<16xi32>,
        %parallel_loop3A_282 = tpu.vector_load_idx %arg20[%parallel_loop3A_281] : memref<1280xf32, #tpu.memory_space<vmem>>[vector<16xi32>], vector<16xf32>,
        %parallel_loop3A_283 = arith.index_cast %parallel_loop3A_272 : i32 to index
        %parallel_loop3A_284 = arith.constant 0 : index
        %parallel_loop3A_285 = tpu.vector_load %arg14[%parallel_loop3A_283, %parallel_loop3A_284] {strides = array<i32>} : memref<80x80xf32, #tpu.memory_space<vmem>>, vector<16xf32>,
        %parallel_loop3A_286 = arith.mulf %parallel_loop3A_285, %parallel_loop3A_282 : vector<16xf32>
        %parallel_loop3A_287 = arith.index_cast %parallel_loop3A_272 : i32 to index
        %parallel_loop3A_288 = arith.constant 0 : index
        %parallel_loop3A_289 = tpu.vector_load %arg21[%parallel_loop3A_287, %parallel_loop3A_288] {strides = array<i32>} : memref<80x80xf32, #tpu.memory_space<vmem>>, vector<16xf32>,
        tpu.vector_store %arg21[%parallel_loop3A_287, %parallel_loop3A_288], %parallel_loop3A_286 {strides = array<i32>} : memref<80x80xf32, #tpu.memory_space<vmem>>, vector<16xf32>,
        %parallel_loop3A_290 = arith.constant 16 : i32
        %parallel_loop3A_291 = vector.broadcast %parallel_loop3A_290 : i32 to vector<16xi32>
        %parallel_loop3A_292 = arith.addi %iota3A, %parallel_loop3A_291 : vector<16xi32>
        %parallel_loop3A_293 = arith.constant 80 : i32
        %parallel_loop3A_294 = arith.muli %parallel_loop3A_272, %parallel_loop3A_293 : i32
        %parallel_loop3A_295 = arith.constant 16 : i32
        %parallel_loop3A_296 = arith.addi %parallel_loop3A_294, %parallel_loop3A_295 : i32
        %parallel_loop3A_297 = arith.index_cast %parallel_loop3A_296 : i32 to index
        %parallel_loop3A_298 = tpu.vector_load %arg24[%parallel_loop3A_297] {strides = array<i32>} : memref<6400xi32, #tpu.memory_space<vmem>>, vector<16xi32>,
        %parallel_loop3A_299 = tpu.vector_load_idx %arg20[%parallel_loop3A_298] : memref<1280xf32, #tpu.memory_space<vmem>>[vector<16xi32>], vector<16xf32>,
        %parallel_loop3A_300 = arith.index_cast %parallel_loop3A_272 : i32 to index
        %parallel_loop3A_301 = arith.constant 16 : index
        %parallel_loop3A_302 = tpu.vector_load %arg14[%parallel_loop3A_300, %parallel_loop3A_301] {strides = array<i32>} : memref<80x80xf32, #tpu.memory_space<vmem>>, vector<16xf32>,
        %parallel_loop3A_303 = arith.mulf %parallel_loop3A_302, %parallel_loop3A_299 : vector<16xf32>
        %parallel_loop3A_304 = arith.index_cast %parallel_loop3A_272 : i32 to index
        %parallel_loop3A_305 = arith.constant 16 : index
        %parallel_loop3A_306 = tpu.vector_load %arg21[%parallel_loop3A_304, %parallel_loop3A_305] {strides = array<i32>} : memref<80x80xf32, #tpu.memory_space<vmem>>, vector<16xf32>,
        tpu.vector_store %arg21[%parallel_loop3A_304, %parallel_loop3A_305], %parallel_loop3A_303 {strides = array<i32>} : memref<80x80xf32, #tpu.memory_space<vmem>>, vector<16xf32>,
        %parallel_loop3A_307 = arith.constant 32 : i32
        %parallel_loop3A_308 = vector.broadcast %parallel_loop3A_307 : i32 to vector<16xi32>
        %parallel_loop3A_309 = arith.addi %iota3A, %parallel_loop3A_308 : vector<16xi32>
        %parallel_loop3A_310 = arith.constant 80 : i32
        %parallel_loop3A_311 = arith.muli %parallel_loop3A_272, %parallel_loop3A_310 : i32
        %parallel_loop3A_312 = arith.constant 32 : i32
        %parallel_loop3A_313 = arith.addi %parallel_loop3A_311, %parallel_loop3A_312 : i32
        %parallel_loop3A_314 = arith.index_cast %parallel_loop3A_313 : i32 to index
        %parallel_loop3A_315 = tpu.vector_load %arg24[%parallel_loop3A_314] {strides = array<i32>} : memref<6400xi32, #tpu.memory_space<vmem>>, vector<16xi32>,
        %parallel_loop3A_316 = tpu.vector_load_idx %arg20[%parallel_loop3A_315] : memref<1280xf32, #tpu.memory_space<vmem>>[vector<16xi32>], vector<16xf32>,
        %parallel_loop3A_317 = arith.index_cast %parallel_loop3A_272 : i32 to index
        %parallel_loop3A_318 = arith.constant 32 : index
        %parallel_loop3A_319 = tpu.vector_load %arg14[%parallel_loop3A_317, %parallel_loop3A_318] {strides = array<i32>} : memref<80x80xf32, #tpu.memory_space<vmem>>, vector<16xf32>,
        %parallel_loop3A_320 = arith.mulf %parallel_loop3A_319, %parallel_loop3A_316 : vector<16xf32>
        %parallel_loop3A_321 = arith.index_cast %parallel_loop3A_272 : i32 to index
        %parallel_loop3A_322 = arith.constant 32 : index
        %parallel_loop3A_323 = tpu.vector_load %arg21[%parallel_loop3A_321, %parallel_loop3A_322] {strides = array<i32>} : memref<80x80xf32, #tpu.memory_space<vmem>>, vector<16xf32>,
        tpu.vector_store %arg21[%parallel_loop3A_321, %parallel_loop3A_322], %parallel_loop3A_320 {strides = array<i32>} : memref<80x80xf32, #tpu.memory_space<vmem>>, vector<16xf32>,
        %parallel_loop3A_324 = arith.constant 48 : i32
        %parallel_loop3A_325 = vector.broadcast %parallel_loop3A_324 : i32 to vector<16xi32>
        %parallel_loop3A_326 = arith.addi %iota3A, %parallel_loop3A_325 : vector<16xi32>
        %parallel_loop3A_327 = arith.constant 80 : i32
        %parallel_loop3A_328 = arith.muli %parallel_loop3A_272, %parallel_loop3A_327 : i32
        %parallel_loop3A_329 = arith.constant 48 : i32
        %parallel_loop3A_330 = arith.addi %parallel_loop3A_328, %parallel_loop3A_329 : i32
        %parallel_loop3A_331 = arith.index_cast %parallel_loop3A_330 : i32 to index
        %parallel_loop3A_332 = tpu.vector_load %arg24[%parallel_loop3A_331] {strides = array<i32>} : memref<6400xi32, #tpu.memory_space<vmem>>, vector<16xi32>,
        %parallel_loop3A_333 = tpu.vector_load_idx %arg20[%parallel_loop3A_332] : memref<1280xf32, #tpu.memory_space<vmem>>[vector<16xi32>], vector<16xf32>,
        %parallel_loop3A_334 = arith.index_cast %parallel_loop3A_272 : i32 to index
        %parallel_loop3A_335 = arith.constant 48 : index
        %parallel_loop3A_336 = tpu.vector_load %arg14[%parallel_loop3A_334, %parallel_loop3A_335] {strides = array<i32>} : memref<80x80xf32, #tpu.memory_space<vmem>>, vector<16xf32>,
        %parallel_loop3A_337 = arith.mulf %parallel_loop3A_336, %parallel_loop3A_333 : vector<16xf32>
        %parallel_loop3A_338 = arith.index_cast %parallel_loop3A_272 : i32 to index
        %parallel_loop3A_339 = arith.constant 48 : index
        %parallel_loop3A_340 = tpu.vector_load %arg21[%parallel_loop3A_338, %parallel_loop3A_339] {strides = array<i32>} : memref<80x80xf32, #tpu.memory_space<vmem>>, vector<16xf32>,
        tpu.vector_store %arg21[%parallel_loop3A_338, %parallel_loop3A_339], %parallel_loop3A_337 {strides = array<i32>} : memref<80x80xf32, #tpu.memory_space<vmem>>, vector<16xf32>,
        %parallel_loop3A_341 = arith.constant 64 : i32
        %parallel_loop3A_342 = vector.broadcast %parallel_loop3A_341 : i32 to vector<16xi32>
        %parallel_loop3A_343 = arith.addi %iota3A, %parallel_loop3A_342 : vector<16xi32>
        %parallel_loop3A_344 = arith.constant 80 : i32
        %parallel_loop3A_345 = arith.muli %parallel_loop3A_272, %parallel_loop3A_344 : i32
        %parallel_loop3A_346 = arith.constant 64 : i32
        %parallel_loop3A_347 = arith.addi %parallel_loop3A_345, %parallel_loop3A_346 : i32
        %parallel_loop3A_348 = arith.index_cast %parallel_loop3A_347 : i32 to index
        %parallel_loop3A_349 = tpu.vector_load %arg24[%parallel_loop3A_348] {strides = array<i32>} : memref<6400xi32, #tpu.memory_space<vmem>>, vector<16xi32>,
        %parallel_loop3A_350 = tpu.vector_load_idx %arg20[%parallel_loop3A_349] : memref<1280xf32, #tpu.memory_space<vmem>>[vector<16xi32>], vector<16xf32>,
        %parallel_loop3A_351 = arith.constant 72 : i32
        %parallel_loop3A_352 = vector.broadcast %parallel_loop3A_351 : i32 to vector<16xi32>
        %parallel_loop3A_353 = arith.cmpi slt, %parallel_loop3A_343, %parallel_loop3A_352 : vector<16xi32>
        %parallel_loop3A_354 = arith.constant 0.000000e+00 : f32
        %parallel_loop3A_355 = vector.broadcast %parallel_loop3A_354 : f32 to vector<16xf32>
        %parallel_loop3A_356 = arith.select %parallel_loop3A_353, %parallel_loop3A_350, %parallel_loop3A_355 : vector<16xi1>, vector<16xf32>
        %parallel_loop3A_357 = arith.index_cast %parallel_loop3A_272 : i32 to index
        %parallel_loop3A_358 = arith.constant 64 : index
        %parallel_loop3A_359 = tpu.vector_load %arg21[%parallel_loop3A_357, %parallel_loop3A_358] {strides = array<i32>} : memref<80x80xf32, #tpu.memory_space<vmem>>, vector<16xf32>,
        tpu.vector_store %arg21[%parallel_loop3A_357, %parallel_loop3A_358], %parallel_loop3A_356 {strides = array<i32>} : memref<80x80xf32, #tpu.memory_space<vmem>>, vector<16xf32>,
      } {sc.loop_unroll_factor = 4 : i64, sc.parallel_access}
      %mul3A_217 = arith.constant 80 : i32
      %mul3A_218 = arith.muli %add3A_191, %mul3A_217 : i32
      %dma_start3A_219 = tpu.memref_slice %arg11[%mul3A_218] : memref<10000xi32, #tpu.memory_space<vmem>> -> memref<80xi32, #tpu.memory_space<vmem>>
      %dma_start3A_220 = arith.constant 0 : i32
      %dma_start3A_221 = arith.constant 0 : i32
      %dma_start3A_222 = tpu.memref_slice %arg9[%dma_start3A_220, %dma_start3A_221] : memref<10000x80xf32, #tpu.memory_space<vmem_shared>> -> memref<10000x80xf32, #tpu.memory_space<vmem_shared>>
      tpu.enqueue_indirect_dma source(%arg21 : memref<80x80xf32, #tpu.memory_space<vmem>>) target(%dma_start3A_222 : memref<10000x80xf32, #tpu.memory_space<vmem_shared>>) offsets(%dma_start3A_219 : memref<80xi32, #tpu.memory_space<vmem>>) semaphore(%arg29 : memref<!tpu.dma_semaphore, #tpu.memory_space<semaphore_mem>>) {add = true}
      %add3A_223 = arith.constant 4 : i32
      %add3A_224 = arith.addi %add3A_191, %add3A_223 : i32
      %lt3A_225 = arith.constant 125 : i32
      %lt3A_226 = arith.cmpi slt, %add3A_224, %lt3A_225 : i32
      %convert_element_type3A_227 = arith.extui %lt3A_226 : i1 to i32
      %cond3A_228 = arith.constant 0 : i32
      %cond3A_229 = arith.cmpi ne, %convert_element_type3A_227, %cond3A_228 : i32
      scf.if %cond3A_229 {
        %add3A_272 = arith.constant 4 : i32
        %add3A_273 = arith.addi %add3A_191, %add3A_272 : i32
        %mul3A_274 = arith.constant 80 : i32
        %mul3A_275 = arith.muli %add3A_273, %mul3A_274 : i32
        %dma_start3A_276 = tpu.memref_slice %arg10[%mul3A_275] : memref<10000xi32, #tpu.memory_space<vmem>> -> memref<80xi32, #tpu.memory_space<vmem>>
        %dma_start3A_277 = arith.constant 0 : i32
        %dma_start3A_278 = arith.constant 0 : i32
        %dma_start3A_279 = tpu.memref_slice %arg4[%dma_start3A_277, %dma_start3A_278] : memref<10000x80xf32, #tpu.memory_space<hbm>> -> memref<10000x80xf32, #tpu.memory_space<hbm>>
        tpu.enqueue_indirect_dma source(%dma_start3A_279 : memref<10000x80xf32, #tpu.memory_space<hbm>>) target(%arg14 : memref<80x80xf32, #tpu.memory_space<vmem>>) offsets(%dma_start3A_276 : memref<80xi32, #tpu.memory_space<vmem>>) semaphore(%arg27 : memref<!tpu.dma_semaphore, #tpu.memory_space<semaphore_mem>>)
        %dma_start3A_280 = tpu.memref_slice %arg11[%mul3A_275] : memref<10000xi32, #tpu.memory_space<vmem>> -> memref<80xi32, #tpu.memory_space<vmem>>
        %dma_start3A_281 = arith.constant 0 : i32
        %dma_start3A_282 = arith.constant 0 : i32
        %dma_start3A_283 = tpu.memref_slice %arg5[%dma_start3A_281, %dma_start3A_282] : memref<10000x16xf32, #tpu.memory_space<hbm>> -> memref<10000x16xf32, #tpu.memory_space<hbm>>
        tpu.enqueue_indirect_dma source(%dma_start3A_283 : memref<10000x16xf32, #tpu.memory_space<hbm>>) target(%arg18 : memref<80x16xf32, #tpu.memory_space<vmem>>) offsets(%dma_start3A_280 : memref<80xi32, #tpu.memory_space<vmem>>) semaphore(%arg27 : memref<!tpu.dma_semaphore, #tpu.memory_space<semaphore_mem>>)
      } else {
      }
      %mul3A_230 = arith.constant 4 : i32
      %mul3A_231 = arith.muli %mul3A_230, %scan3A_110 : i32
      %add3A_232 = arith.constant 3 : i32
      %add3A_233 = arith.addi %mul3A_231, %add3A_232 : i32
      %dma_wait3A_234 = arith.constant 0 : i32
      %dma_wait3A_235 = arith.constant 0 : i32
      %dma_wait3A_236 = tpu.memref_slice %arg4[%dma_wait3A_234, %dma_wait3A_235] : memref<10000x80xf32, #tpu.memory_space<hbm>> -> memref<80x80xf32, #tpu.memory_space<hbm>>
      %dma_wait3A_237 = arith.constant 0 : i32
      %dma_wait3A_238 = arith.constant 0 : i32
      %dma_wait3A_239 = tpu.memref_slice %arg4[%dma_wait3A_237, %dma_wait3A_238] : memref<10000x80xf32, #tpu.memory_space<hbm>> -> memref<80x80xf32, #tpu.memory_space<hbm>>
      tpu.wait_dma2 semaphore(%arg28 : memref<!tpu.dma_semaphore, #tpu.memory_space<semaphore_mem>>) src(%dma_wait3A_239 : memref<80x80xf32, #tpu.memory_space<hbm>>) dst(%arg15 : memref<80x80xf32, #tpu.memory_space<vmem>>)
      %dma_wait3A_240 = arith.constant 0 : i32
      %dma_wait3A_241 = arith.constant 0 : i32
      %dma_wait3A_242 = tpu.memref_slice %arg5[%dma_wait3A_240, %dma_wait3A_241] : memref<10000x16xf32, #tpu.memory_space<hbm>> -> memref<80x16xf32, #tpu.memory_space<hbm>>
      %dma_wait3A_243 = arith.constant 0 : i32
      %dma_wait3A_244 = arith.constant 0 : i32
      %dma_wait3A_245 = tpu.memref_slice %arg5[%dma_wait3A_243, %dma_wait3A_244] : memref<10000x16xf32, #tpu.memory_space<hbm>> -> memref<80x16xf32, #tpu.memory_space<hbm>>
      tpu.wait_dma2 semaphore(%arg28 : memref<!tpu.dma_semaphore, #tpu.memory_space<semaphore_mem>>) src(%dma_wait3A_245 : memref<80x16xf32, #tpu.memory_space<hbm>>) dst(%arg19 : memref<80x16xf32, #tpu.memory_space<vmem>>)
      %cond3A_246 = arith.constant 1 : i32
      %mul3A_247 = arith.constant 80 : i32
      %mul3A_248 = arith.muli %add3A_233, %mul3A_247 : i32
      %dma_wait3A_249 = tpu.memref_slice %arg11[%mul3A_248] : memref<10000xi32, #tpu.memory_space<vmem>> -> memref<80xi32, #tpu.memory_space<vmem>>
      %dma_wait3A_250 = arith.constant 0 : i32
      %dma_wait3A_251 = arith.constant 0 : i32
      %dma_wait3A_252 = tpu.memref_slice %arg9[%dma_wait3A_250, %dma_wait3A_251] : memref<10000x80xf32, #tpu.memory_space<vmem_shared>> -> memref<10000x80xf32, #tpu.memory_space<vmem_shared>>
      tpu.wait_indirect_dma semaphore(%arg30 : memref<!tpu.dma_semaphore, #tpu.memory_space<semaphore_mem>>) src(%arg22 : memref<80x80xf32, #tpu.memory_space<vmem>>) dst(%dma_wait3A_252 : memref<10000x80xf32, #tpu.memory_space<vmem_shared>>)
      %parallel_loop3A_253 = arith.constant 0 : i32
      %parallel_loop3A_254 = arith.constant 80 : i32
      %parallel_loop3A_255 = arith.constant 1 : i32
      scf.for %parallel_loop3A_272 = %parallel_loop3A_253 to %parallel_loop3A_254 step %parallel_loop3A_255  : i32 {
        %parallel_loop3A_273 = arith.index_cast %parallel_loop3A_272 : i32 to index
        %parallel_loop3A_274 = arith.constant 64 : index
        %parallel_loop3A_275 = tpu.vector_load %arg15[%parallel_loop3A_273, %parallel_loop3A_274] {strides = array<i32>} : memref<80x80xf32, #tpu.memory_space<vmem>>, vector<16xf32>,
        %parallel_loop3A_276 = arith.index_cast %parallel_loop3A_272 : i32 to index
        %parallel_loop3A_277 = arith.constant 0 : index
        %parallel_loop3A_278 = tpu.vector_load %arg19[%parallel_loop3A_276, %parallel_loop3A_277] {strides = array<i32>} : memref<80x16xf32, #tpu.memory_space<vmem>>, vector<16xf32>,
        %parallel_loop3A_279 = arith.addf %parallel_loop3A_275, %parallel_loop3A_278 : vector<16xf32>
        %parallel_loop3A_280 = arith.constant 0.000000e+00 : f32
        %parallel_loop3A_281 = vector.broadcast %parallel_loop3A_280 : f32 to vector<16xf32>
        %parallel_loop3A_282 = arith.cmpf ogt, %parallel_loop3A_279, %parallel_loop3A_281 : vector<16xf32>
        %parallel_loop3A_283 = arith.constant 2.000000e-01 : f32
        %parallel_loop3A_284 = vector.broadcast %parallel_loop3A_283 : f32 to vector<16xf32>
        %parallel_loop3A_285 = arith.mulf %parallel_loop3A_284, %parallel_loop3A_279 : vector<16xf32>
        %parallel_loop3A_286 = arith.select %parallel_loop3A_282, %parallel_loop3A_279, %parallel_loop3A_285 : vector<16xi1>, vector<16xf32>
        %parallel_loop3A_287 = arith.subf %parallel_loop3A_286, %get3A_27 : vector<16xf32>
        %parallel_loop3A_288 = math.exp %parallel_loop3A_287 : vector<16xf32>
        %parallel_loop3A_289 = arith.constant 16 : i32
        %parallel_loop3A_290 = arith.muli %parallel_loop3A_272, %parallel_loop3A_289 : i32
        %parallel_loop3A_291 = arith.index_cast %parallel_loop3A_290 : i32 to index
        %parallel_loop3A_292 = tpu.vector_load %arg20[%parallel_loop3A_291] {strides = array<i32>} : memref<1280xf32, #tpu.memory_space<vmem>>, vector<16xf32>,
        tpu.vector_store %arg20[%parallel_loop3A_291], %parallel_loop3A_288 {strides = array<i32>} : memref<1280xf32, #tpu.memory_space<vmem>>, vector<16xf32>,
      } {sc.loop_unroll_factor = 4 : i64, sc.parallel_access}
      %parallel_loop3A_256 = arith.constant 0 : i32
      %parallel_loop3A_257 = arith.constant 80 : i32
      %parallel_loop3A_258 = arith.constant 1 : i32
      scf.for %parallel_loop3A_272 = %parallel_loop3A_256 to %parallel_loop3A_257 step %parallel_loop3A_258  : i32 {
        %parallel_loop3A_273 = arith.constant 0 : i32
        %parallel_loop3A_274 = vector.broadcast %parallel_loop3A_273 : i32 to vector<16xi32>
        %parallel_loop3A_275 = arith.addi %iota3A, %parallel_loop3A_274 : vector<16xi32>
        %parallel_loop3A_276 = arith.constant 80 : i32
        %parallel_loop3A_277 = arith.muli %parallel_loop3A_272, %parallel_loop3A_276 : i32
        %parallel_loop3A_278 = arith.constant 0 : i32
        %parallel_loop3A_279 = arith.addi %parallel_loop3A_277, %parallel_loop3A_278 : i32
        %parallel_loop3A_280 = arith.index_cast %parallel_loop3A_279 : i32 to index
        %parallel_loop3A_281 = tpu.vector_load %arg24[%parallel_loop3A_280] {strides = array<i32>} : memref<6400xi32, #tpu.memory_space<vmem>>, vector<16xi32>,
        %parallel_loop3A_282 = tpu.vector_load_idx %arg20[%parallel_loop3A_281] : memref<1280xf32, #tpu.memory_space<vmem>>[vector<16xi32>], vector<16xf32>,
        %parallel_loop3A_283 = arith.index_cast %parallel_loop3A_272 : i32 to index
        %parallel_loop3A_284 = arith.constant 0 : index
        %parallel_loop3A_285 = tpu.vector_load %arg15[%parallel_loop3A_283, %parallel_loop3A_284] {strides = array<i32>} : memref<80x80xf32, #tpu.memory_space<vmem>>, vector<16xf32>,
        %parallel_loop3A_286 = arith.mulf %parallel_loop3A_285, %parallel_loop3A_282 : vector<16xf32>
        %parallel_loop3A_287 = arith.index_cast %parallel_loop3A_272 : i32 to index
        %parallel_loop3A_288 = arith.constant 0 : index
        %parallel_loop3A_289 = tpu.vector_load %arg22[%parallel_loop3A_287, %parallel_loop3A_288] {strides = array<i32>} : memref<80x80xf32, #tpu.memory_space<vmem>>, vector<16xf32>,
        tpu.vector_store %arg22[%parallel_loop3A_287, %parallel_loop3A_288], %parallel_loop3A_286 {strides = array<i32>} : memref<80x80xf32, #tpu.memory_space<vmem>>, vector<16xf32>,
        %parallel_loop3A_290 = arith.constant 16 : i32
        %parallel_loop3A_291 = vector.broadcast %parallel_loop3A_290 : i32 to vector<16xi32>
        %parallel_loop3A_292 = arith.addi %iota3A, %parallel_loop3A_291 : vector<16xi32>
        %parallel_loop3A_293 = arith.constant 80 : i32
        %parallel_loop3A_294 = arith.muli %parallel_loop3A_272, %parallel_loop3A_293 : i32
        %parallel_loop3A_295 = arith.constant 16 : i32
        %parallel_loop3A_296 = arith.addi %parallel_loop3A_294, %parallel_loop3A_295 : i32
        %parallel_loop3A_297 = arith.index_cast %parallel_loop3A_296 : i32 to index
        %parallel_loop3A_298 = tpu.vector_load %arg24[%parallel_loop3A_297] {strides = array<i32>} : memref<6400xi32, #tpu.memory_space<vmem>>, vector<16xi32>,
        %parallel_loop3A_299 = tpu.vector_load_idx %arg20[%parallel_loop3A_298] : memref<1280xf32, #tpu.memory_space<vmem>>[vector<16xi32>], vector<16xf32>,
        %parallel_loop3A_300 = arith.index_cast %parallel_loop3A_272 : i32 to index
        %parallel_loop3A_301 = arith.constant 16 : index
        %parallel_loop3A_302 = tpu.vector_load %arg15[%parallel_loop3A_300, %parallel_loop3A_301] {strides = array<i32>} : memref<80x80xf32, #tpu.memory_space<vmem>>, vector<16xf32>,
        %parallel_loop3A_303 = arith.mulf %parallel_loop3A_302, %parallel_loop3A_299 : vector<16xf32>
        %parallel_loop3A_304 = arith.index_cast %parallel_loop3A_272 : i32 to index
        %parallel_loop3A_305 = arith.constant 16 : index
        %parallel_loop3A_306 = tpu.vector_load %arg22[%parallel_loop3A_304, %parallel_loop3A_305] {strides = array<i32>} : memref<80x80xf32, #tpu.memory_space<vmem>>, vector<16xf32>,
        tpu.vector_store %arg22[%parallel_loop3A_304, %parallel_loop3A_305], %parallel_loop3A_303 {strides = array<i32>} : memref<80x80xf32, #tpu.memory_space<vmem>>, vector<16xf32>,
        %parallel_loop3A_307 = arith.constant 32 : i32
        %parallel_loop3A_308 = vector.broadcast %parallel_loop3A_307 : i32 to vector<16xi32>
        %parallel_loop3A_309 = arith.addi %iota3A, %parallel_loop3A_308 : vector<16xi32>
        %parallel_loop3A_310 = arith.constant 80 : i32
        %parallel_loop3A_311 = arith.muli %parallel_loop3A_272, %parallel_loop3A_310 : i32
        %parallel_loop3A_312 = arith.constant 32 : i32
        %parallel_loop3A_313 = arith.addi %parallel_loop3A_311, %parallel_loop3A_312 : i32
        %parallel_loop3A_314 = arith.index_cast %parallel_loop3A_313 : i32 to index
        %parallel_loop3A_315 = tpu.vector_load %arg24[%parallel_loop3A_314] {strides = array<i32>} : memref<6400xi32, #tpu.memory_space<vmem>>, vector<16xi32>,
        %parallel_loop3A_316 = tpu.vector_load_idx %arg20[%parallel_loop3A_315] : memref<1280xf32, #tpu.memory_space<vmem>>[vector<16xi32>], vector<16xf32>,
        %parallel_loop3A_317 = arith.index_cast %parallel_loop3A_272 : i32 to index
        %parallel_loop3A_318 = arith.constant 32 : index
        %parallel_loop3A_319 = tpu.vector_load %arg15[%parallel_loop3A_317, %parallel_loop3A_318] {strides = array<i32>} : memref<80x80xf32, #tpu.memory_space<vmem>>, vector<16xf32>,
        %parallel_loop3A_320 = arith.mulf %parallel_loop3A_319, %parallel_loop3A_316 : vector<16xf32>
        %parallel_loop3A_321 = arith.index_cast %parallel_loop3A_272 : i32 to index
        %parallel_loop3A_322 = arith.constant 32 : index
        %parallel_loop3A_323 = tpu.vector_load %arg22[%parallel_loop3A_321, %parallel_loop3A_322] {strides = array<i32>} : memref<80x80xf32, #tpu.memory_space<vmem>>, vector<16xf32>,
        tpu.vector_store %arg22[%parallel_loop3A_321, %parallel_loop3A_322], %parallel_loop3A_320 {strides = array<i32>} : memref<80x80xf32, #tpu.memory_space<vmem>>, vector<16xf32>,
        %parallel_loop3A_324 = arith.constant 48 : i32
        %parallel_loop3A_325 = vector.broadcast %parallel_loop3A_324 : i32 to vector<16xi32>
        %parallel_loop3A_326 = arith.addi %iota3A, %parallel_loop3A_325 : vector<16xi32>
        %parallel_loop3A_327 = arith.constant 80 : i32
        %parallel_loop3A_328 = arith.muli %parallel_loop3A_272, %parallel_loop3A_327 : i32
        %parallel_loop3A_329 = arith.constant 48 : i32
        %parallel_loop3A_330 = arith.addi %parallel_loop3A_328, %parallel_loop3A_329 : i32
        %parallel_loop3A_331 = arith.index_cast %parallel_loop3A_330 : i32 to index
        %parallel_loop3A_332 = tpu.vector_load %arg24[%parallel_loop3A_331] {strides = array<i32>} : memref<6400xi32, #tpu.memory_space<vmem>>, vector<16xi32>,
        %parallel_loop3A_333 = tpu.vector_load_idx %arg20[%parallel_loop3A_332] : memref<1280xf32, #tpu.memory_space<vmem>>[vector<16xi32>], vector<16xf32>,
        %parallel_loop3A_334 = arith.index_cast %parallel_loop3A_272 : i32 to index
        %parallel_loop3A_335 = arith.constant 48 : index
        %parallel_loop3A_336 = tpu.vector_load %arg15[%parallel_loop3A_334, %parallel_loop3A_335] {strides = array<i32>} : memref<80x80xf32, #tpu.memory_space<vmem>>, vector<16xf32>,
        %parallel_loop3A_337 = arith.mulf %parallel_loop3A_336, %parallel_loop3A_333 : vector<16xf32>
        %parallel_loop3A_338 = arith.index_cast %parallel_loop3A_272 : i32 to index
        %parallel_loop3A_339 = arith.constant 48 : index
        %parallel_loop3A_340 = tpu.vector_load %arg22[%parallel_loop3A_338, %parallel_loop3A_339] {strides = array<i32>} : memref<80x80xf32, #tpu.memory_space<vmem>>, vector<16xf32>,
        tpu.vector_store %arg22[%parallel_loop3A_338, %parallel_loop3A_339], %parallel_loop3A_337 {strides = array<i32>} : memref<80x80xf32, #tpu.memory_space<vmem>>, vector<16xf32>,
        %parallel_loop3A_341 = arith.constant 64 : i32
        %parallel_loop3A_342 = vector.broadcast %parallel_loop3A_341 : i32 to vector<16xi32>
        %parallel_loop3A_343 = arith.addi %iota3A, %parallel_loop3A_342 : vector<16xi32>
        %parallel_loop3A_344 = arith.constant 80 : i32
        %parallel_loop3A_345 = arith.muli %parallel_loop3A_272, %parallel_loop3A_344 : i32
        %parallel_loop3A_346 = arith.constant 64 : i32
        %parallel_loop3A_347 = arith.addi %parallel_loop3A_345, %parallel_loop3A_346 : i32
        %parallel_loop3A_348 = arith.index_cast %parallel_loop3A_347 : i32 to index
        %parallel_loop3A_349 = tpu.vector_load %arg24[%parallel_loop3A_348] {strides = array<i32>} : memref<6400xi32, #tpu.memory_space<vmem>>, vector<16xi32>,
        %parallel_loop3A_350 = tpu.vector_load_idx %arg20[%parallel_loop3A_349] : memref<1280xf32, #tpu.memory_space<vmem>>[vector<16xi32>], vector<16xf32>,
        %parallel_loop3A_351 = arith.constant 72 : i32
        %parallel_loop3A_352 = vector.broadcast %parallel_loop3A_351 : i32 to vector<16xi32>
        %parallel_loop3A_353 = arith.cmpi slt, %parallel_loop3A_343, %parallel_loop3A_352 : vector<16xi32>
        %parallel_loop3A_354 = arith.constant 0.000000e+00 : f32
        %parallel_loop3A_355 = vector.broadcast %parallel_loop3A_354 : f32 to vector<16xf32>
        %parallel_loop3A_356 = arith.select %parallel_loop3A_353, %parallel_loop3A_350, %parallel_loop3A_355 : vector<16xi1>, vector<16xf32>
        %parallel_loop3A_357 = arith.index_cast %parallel_loop3A_272 : i32 to index
        %parallel_loop3A_358 = arith.constant 64 : index
        %parallel_loop3A_359 = tpu.vector_load %arg22[%parallel_loop3A_357, %parallel_loop3A_358] {strides = array<i32>} : memref<80x80xf32, #tpu.memory_space<vmem>>, vector<16xf32>,
        tpu.vector_store %arg22[%parallel_loop3A_357, %parallel_loop3A_358], %parallel_loop3A_356 {strides = array<i32>} : memref<80x80xf32, #tpu.memory_space<vmem>>, vector<16xf32>,
      } {sc.loop_unroll_factor = 4 : i64, sc.parallel_access}
      %mul3A_259 = arith.constant 80 : i32
      %mul3A_260 = arith.muli %add3A_233, %mul3A_259 : i32
      %dma_start3A_261 = tpu.memref_slice %arg11[%mul3A_260] : memref<10000xi32, #tpu.memory_space<vmem>> -> memref<80xi32, #tpu.memory_space<vmem>>
      %dma_start3A_262 = arith.constant 0 : i32
      %dma_start3A_263 = arith.constant 0 : i32
      %dma_start3A_264 = tpu.memref_slice %arg9[%dma_start3A_262, %dma_start3A_263] : memref<10000x80xf32, #tpu.memory_space<vmem_shared>> -> memref<10000x80xf32, #tpu.memory_space<vmem_shared>>
      tpu.enqueue_indirect_dma source(%arg22 : memref<80x80xf32, #tpu.memory_space<vmem>>) target(%dma_start3A_264 : memref<10000x80xf32, #tpu.memory_space<vmem_shared>>) offsets(%dma_start3A_261 : memref<80xi32, #tpu.memory_space<vmem>>) semaphore(%arg30 : memref<!tpu.dma_semaphore, #tpu.memory_space<semaphore_mem>>) {add = true}
      %add3A_265 = arith.constant 4 : i32
      %add3A_266 = arith.addi %add3A_233, %add3A_265 : i32
      %lt3A_267 = arith.constant 125 : i32
      %lt3A_268 = arith.cmpi slt, %add3A_266, %lt3A_267 : i32
      %convert_element_type3A_269 = arith.extui %lt3A_268 : i1 to i32
      %cond3A_270 = arith.constant 0 : i32
      %cond3A_271 = arith.cmpi ne, %convert_element_type3A_269, %cond3A_270 : i32
      scf.if %cond3A_271 {
        %add3A_272 = arith.constant 4 : i32
        %add3A_273 = arith.addi %add3A_233, %add3A_272 : i32
        %mul3A_274 = arith.constant 80 : i32
        %mul3A_275 = arith.muli %add3A_273, %mul3A_274 : i32
        %dma_start3A_276 = tpu.memref_slice %arg10[%mul3A_275] : memref<10000xi32, #tpu.memory_space<vmem>> -> memref<80xi32, #tpu.memory_space<vmem>>
        %dma_start3A_277 = arith.constant 0 : i32
        %dma_start3A_278 = arith.constant 0 : i32
        %dma_start3A_279 = tpu.memref_slice %arg4[%dma_start3A_277, %dma_start3A_278] : memref<10000x80xf32, #tpu.memory_space<hbm>> -> memref<10000x80xf32, #tpu.memory_space<hbm>>
        tpu.enqueue_indirect_dma source(%dma_start3A_279 : memref<10000x80xf32, #tpu.memory_space<hbm>>) target(%arg15 : memref<80x80xf32, #tpu.memory_space<vmem>>) offsets(%dma_start3A_276 : memref<80xi32, #tpu.memory_space<vmem>>) semaphore(%arg28 : memref<!tpu.dma_semaphore, #tpu.memory_space<semaphore_mem>>)
        %dma_start3A_280 = tpu.memref_slice %arg11[%mul3A_275] : memref<10000xi32, #tpu.memory_space<vmem>> -> memref<80xi32, #tpu.memory_space<vmem>>
        %dma_start3A_281 = arith.constant 0 : i32
        %dma_start3A_282 = arith.constant 0 : i32
        %dma_start3A_283 = tpu.memref_slice %arg5[%dma_start3A_281, %dma_start3A_282] : memref<10000x16xf32, #tpu.memory_space<hbm>> -> memref<10000x16xf32, #tpu.memory_space<hbm>>
        tpu.enqueue_indirect_dma source(%dma_start3A_283 : memref<10000x16xf32, #tpu.memory_space<hbm>>) target(%arg19 : memref<80x16xf32, #tpu.memory_space<vmem>>) offsets(%dma_start3A_280 : memref<80xi32, #tpu.memory_space<vmem>>) semaphore(%arg28 : memref<!tpu.dma_semaphore, #tpu.memory_space<semaphore_mem>>)
      } else {
      }
    }
    %scan3A_72 = arith.constant 31 : i32
    %dma_wait3A = arith.constant 0 : i32
    %dma_wait3A_73 = arith.constant 0 : i32
    %dma_wait3A_74 = tpu.memref_slice %arg4[%dma_wait3A, %dma_wait3A_73] : memref<10000x80xf32, #tpu.memory_space<hbm>> -> memref<80x80xf32, #tpu.memory_space<hbm>>
    %dma_wait3A_75 = arith.constant 0 : i32
    %dma_wait3A_76 = arith.constant 0 : i32
    %dma_wait3A_77 = tpu.memref_slice %arg4[%dma_wait3A_75, %dma_wait3A_76] : memref<10000x80xf32, #tpu.memory_space<hbm>> -> memref<80x80xf32, #tpu.memory_space<hbm>>
    tpu.wait_dma2 semaphore(%arg25 : memref<!tpu.dma_semaphore, #tpu.memory_space<semaphore_mem>>) src(%dma_wait3A_77 : memref<80x80xf32, #tpu.memory_space<hbm>>) dst(%arg12 : memref<80x80xf32, #tpu.memory_space<vmem>>)
    %dma_wait3A_78 = arith.constant 0 : i32
    %dma_wait3A_79 = arith.constant 0 : i32
    %dma_wait3A_80 = tpu.memref_slice %arg5[%dma_wait3A_78, %dma_wait3A_79] : memref<10000x16xf32, #tpu.memory_space<hbm>> -> memref<80x16xf32, #tpu.memory_space<hbm>>
    %dma_wait3A_81 = arith.constant 0 : i32
    %dma_wait3A_82 = arith.constant 0 : i32
    %dma_wait3A_83 = tpu.memref_slice %arg5[%dma_wait3A_81, %dma_wait3A_82] : memref<10000x16xf32, #tpu.memory_space<hbm>> -> memref<80x16xf32, #tpu.memory_space<hbm>>
    tpu.wait_dma2 semaphore(%arg25 : memref<!tpu.dma_semaphore, #tpu.memory_space<semaphore_mem>>) src(%dma_wait3A_83 : memref<80x16xf32, #tpu.memory_space<hbm>>) dst(%arg16 : memref<80x16xf32, #tpu.memory_space<vmem>>)
    %cond3A = arith.constant 1 : i32
    %dma_wait3A_84 = arith.constant 9920 : i32
    %dma_wait3A_85 = tpu.memref_slice %arg11[%dma_wait3A_84] : memref<10000xi32, #tpu.memory_space<vmem>> -> memref<80xi32, #tpu.memory_space<vmem>>
    %dma_wait3A_86 = arith.constant 0 : i32
    %dma_wait3A_87 = arith.constant 0 : i32
    %dma_wait3A_88 = tpu.memref_slice %arg9[%dma_wait3A_86, %dma_wait3A_87] : memref<10000x80xf32, #tpu.memory_space<vmem_shared>> -> memref<10000x80xf32, #tpu.memory_space<vmem_shared>>
    tpu.wait_indirect_dma semaphore(%arg29 : memref<!tpu.dma_semaphore, #tpu.memory_space<semaphore_mem>>) src(%arg21 : memref<80x80xf32, #tpu.memory_space<vmem>>) dst(%dma_wait3A_88 : memref<10000x80xf32, #tpu.memory_space<vmem_shared>>)
    %parallel_loop3A = arith.constant 0 : i32
    %parallel_loop3A_89 = arith.constant 80 : i32
    %parallel_loop3A_90 = arith.constant 1 : i32
    scf.for %parallel_loop3A_110 = %parallel_loop3A to %parallel_loop3A_89 step %parallel_loop3A_90  : i32 {
      %parallel_loop3A_111 = arith.index_cast %parallel_loop3A_110 : i32 to index
      %parallel_loop3A_112 = arith.constant 64 : index
      %parallel_loop3A_113 = tpu.vector_load %arg12[%parallel_loop3A_111, %parallel_loop3A_112] {strides = array<i32>} : memref<80x80xf32, #tpu.memory_space<vmem>>, vector<16xf32>,
      %parallel_loop3A_114 = arith.index_cast %parallel_loop3A_110 : i32 to index
      %parallel_loop3A_115 = arith.constant 0 : index
      %parallel_loop3A_116 = tpu.vector_load %arg16[%parallel_loop3A_114, %parallel_loop3A_115] {strides = array<i32>} : memref<80x16xf32, #tpu.memory_space<vmem>>, vector<16xf32>,
      %parallel_loop3A_117 = arith.addf %parallel_loop3A_113, %parallel_loop3A_116 : vector<16xf32>
      %parallel_loop3A_118 = arith.constant 0.000000e+00 : f32
      %parallel_loop3A_119 = vector.broadcast %parallel_loop3A_118 : f32 to vector<16xf32>
      %parallel_loop3A_120 = arith.cmpf ogt, %parallel_loop3A_117, %parallel_loop3A_119 : vector<16xf32>
      %parallel_loop3A_121 = arith.constant 2.000000e-01 : f32
      %parallel_loop3A_122 = vector.broadcast %parallel_loop3A_121 : f32 to vector<16xf32>
      %parallel_loop3A_123 = arith.mulf %parallel_loop3A_122, %parallel_loop3A_117 : vector<16xf32>
      %parallel_loop3A_124 = arith.select %parallel_loop3A_120, %parallel_loop3A_117, %parallel_loop3A_123 : vector<16xi1>, vector<16xf32>
      %parallel_loop3A_125 = arith.subf %parallel_loop3A_124, %get3A_27 : vector<16xf32>
      %parallel_loop3A_126 = math.exp %parallel_loop3A_125 : vector<16xf32>
      %parallel_loop3A_127 = arith.constant 16 : i32
      %parallel_loop3A_128 = arith.muli %parallel_loop3A_110, %parallel_loop3A_127 : i32
      %parallel_loop3A_129 = arith.index_cast %parallel_loop3A_128 : i32 to index
      %parallel_loop3A_130 = tpu.vector_load %arg20[%parallel_loop3A_129] {strides = array<i32>} : memref<1280xf32, #tpu.memory_space<vmem>>, vector<16xf32>,
      tpu.vector_store %arg20[%parallel_loop3A_129], %parallel_loop3A_126 {strides = array<i32>} : memref<1280xf32, #tpu.memory_space<vmem>>, vector<16xf32>,
    } {sc.loop_unroll_factor = 4 : i64, sc.parallel_access}
    %parallel_loop3A_91 = arith.constant 0 : i32
    %parallel_loop3A_92 = arith.constant 80 : i32
    %parallel_loop3A_93 = arith.constant 1 : i32
    scf.for %parallel_loop3A_110 = %parallel_loop3A_91 to %parallel_loop3A_92 step %parallel_loop3A_93  : i32 {
      %parallel_loop3A_111 = arith.constant 0 : i32
      %parallel_loop3A_112 = vector.broadcast %parallel_loop3A_111 : i32 to vector<16xi32>
      %parallel_loop3A_113 = arith.addi %iota3A, %parallel_loop3A_112 : vector<16xi32>
      %parallel_loop3A_114 = arith.constant 80 : i32
      %parallel_loop3A_115 = arith.muli %parallel_loop3A_110, %parallel_loop3A_114 : i32
      %parallel_loop3A_116 = arith.constant 0 : i32
      %parallel_loop3A_117 = arith.addi %parallel_loop3A_115, %parallel_loop3A_116 : i32
      %parallel_loop3A_118 = arith.index_cast %parallel_loop3A_117 : i32 to index
      %parallel_loop3A_119 = tpu.vector_load %arg24[%parallel_loop3A_118] {strides = array<i32>} : memref<6400xi32, #tpu.memory_space<vmem>>, vector<16xi32>,
      %parallel_loop3A_120 = tpu.vector_load_idx %arg20[%parallel_loop3A_119] : memref<1280xf32, #tpu.memory_space<vmem>>[vector<16xi32>], vector<16xf32>,
      %parallel_loop3A_121 = arith.index_cast %parallel_loop3A_110 : i32 to index
      %parallel_loop3A_122 = arith.constant 0 : index
      %parallel_loop3A_123 = tpu.vector_load %arg12[%parallel_loop3A_121, %parallel_loop3A_122] {strides = array<i32>} : memref<80x80xf32, #tpu.memory_space<vmem>>, vector<16xf32>,
      %parallel_loop3A_124 = arith.mulf %parallel_loop3A_123, %parallel_loop3A_120 : vector<16xf32>
      %parallel_loop3A_125 = arith.index_cast %parallel_loop3A_110 : i32 to index
      %parallel_loop3A_126 = arith.constant 0 : index
      %parallel_loop3A_127 = tpu.vector_load %arg21[%parallel_loop3A_125, %parallel_loop3A_126] {strides = array<i32>} : memref<80x80xf32, #tpu.memory_space<vmem>>, vector<16xf32>,
      tpu.vector_store %arg21[%parallel_loop3A_125, %parallel_loop3A_126], %parallel_loop3A_124 {strides = array<i32>} : memref<80x80xf32, #tpu.memory_space<vmem>>, vector<16xf32>,
      %parallel_loop3A_128 = arith.constant 16 : i32
      %parallel_loop3A_129 = vector.broadcast %parallel_loop3A_128 : i32 to vector<16xi32>
      %parallel_loop3A_130 = arith.addi %iota3A, %parallel_loop3A_129 : vector<16xi32>
      %parallel_loop3A_131 = arith.constant 80 : i32
      %parallel_loop3A_132 = arith.muli %parallel_loop3A_110, %parallel_loop3A_131 : i32
      %parallel_loop3A_133 = arith.constant 16 : i32
      %parallel_loop3A_134 = arith.addi %parallel_loop3A_132, %parallel_loop3A_133 : i32
      %parallel_loop3A_135 = arith.index_cast %parallel_loop3A_134 : i32 to index
      %parallel_loop3A_136 = tpu.vector_load %arg24[%parallel_loop3A_135] {strides = array<i32>} : memref<6400xi32, #tpu.memory_space<vmem>>, vector<16xi32>,
      %parallel_loop3A_137 = tpu.vector_load_idx %arg20[%parallel_loop3A_136] : memref<1280xf32, #tpu.memory_space<vmem>>[vector<16xi32>], vector<16xf32>,
      %parallel_loop3A_138 = arith.index_cast %parallel_loop3A_110 : i32 to index
      %parallel_loop3A_139 = arith.constant 16 : index
      %parallel_loop3A_140 = tpu.vector_load %arg12[%parallel_loop3A_138, %parallel_loop3A_139] {strides = array<i32>} : memref<80x80xf32, #tpu.memory_space<vmem>>, vector<16xf32>,
      %parallel_loop3A_141 = arith.mulf %parallel_loop3A_140, %parallel_loop3A_137 : vector<16xf32>
      %parallel_loop3A_142 = arith.index_cast %parallel_loop3A_110 : i32 to index
      %parallel_loop3A_143 = arith.constant 16 : index
      %parallel_loop3A_144 = tpu.vector_load %arg21[%parallel_loop3A_142, %parallel_loop3A_143] {strides = array<i32>} : memref<80x80xf32, #tpu.memory_space<vmem>>, vector<16xf32>,
      tpu.vector_store %arg21[%parallel_loop3A_142, %parallel_loop3A_143], %parallel_loop3A_141 {strides = array<i32>} : memref<80x80xf32, #tpu.memory_space<vmem>>, vector<16xf32>,
      %parallel_loop3A_145 = arith.constant 32 : i32
      %parallel_loop3A_146 = vector.broadcast %parallel_loop3A_145 : i32 to vector<16xi32>
      %parallel_loop3A_147 = arith.addi %iota3A, %parallel_loop3A_146 : vector<16xi32>
      %parallel_loop3A_148 = arith.constant 80 : i32
      %parallel_loop3A_149 = arith.muli %parallel_loop3A_110, %parallel_loop3A_148 : i32
      %parallel_loop3A_150 = arith.constant 32 : i32
      %parallel_loop3A_151 = arith.addi %parallel_loop3A_149, %parallel_loop3A_150 : i32
      %parallel_loop3A_152 = arith.index_cast %parallel_loop3A_151 : i32 to index
      %parallel_loop3A_153 = tpu.vector_load %arg24[%parallel_loop3A_152] {strides = array<i32>} : memref<6400xi32, #tpu.memory_space<vmem>>, vector<16xi32>,
      %parallel_loop3A_154 = tpu.vector_load_idx %arg20[%parallel_loop3A_153] : memref<1280xf32, #tpu.memory_space<vmem>>[vector<16xi32>], vector<16xf32>,
      %parallel_loop3A_155 = arith.index_cast %parallel_loop3A_110 : i32 to index
      %parallel_loop3A_156 = arith.constant 32 : index
      %parallel_loop3A_157 = tpu.vector_load %arg12[%parallel_loop3A_155, %parallel_loop3A_156] {strides = array<i32>} : memref<80x80xf32, #tpu.memory_space<vmem>>, vector<16xf32>,
      %parallel_loop3A_158 = arith.mulf %parallel_loop3A_157, %parallel_loop3A_154 : vector<16xf32>
      %parallel_loop3A_159 = arith.index_cast %parallel_loop3A_110 : i32 to index
      %parallel_loop3A_160 = arith.constant 32 : index
      %parallel_loop3A_161 = tpu.vector_load %arg21[%parallel_loop3A_159, %parallel_loop3A_160] {strides = array<i32>} : memref<80x80xf32, #tpu.memory_space<vmem>>, vector<16xf32>,
      tpu.vector_store %arg21[%parallel_loop3A_159, %parallel_loop3A_160], %parallel_loop3A_158 {strides = array<i32>} : memref<80x80xf32, #tpu.memory_space<vmem>>, vector<16xf32>,
      %parallel_loop3A_162 = arith.constant 48 : i32
      %parallel_loop3A_163 = vector.broadcast %parallel_loop3A_162 : i32 to vector<16xi32>
      %parallel_loop3A_164 = arith.addi %iota3A, %parallel_loop3A_163 : vector<16xi32>
      %parallel_loop3A_165 = arith.constant 80 : i32
      %parallel_loop3A_166 = arith.muli %parallel_loop3A_110, %parallel_loop3A_165 : i32
      %parallel_loop3A_167 = arith.constant 48 : i32
      %parallel_loop3A_168 = arith.addi %parallel_loop3A_166, %parallel_loop3A_167 : i32
      %parallel_loop3A_169 = arith.index_cast %parallel_loop3A_168 : i32 to index
      %parallel_loop3A_170 = tpu.vector_load %arg24[%parallel_loop3A_169] {strides = array<i32>} : memref<6400xi32, #tpu.memory_space<vmem>>, vector<16xi32>,
      %parallel_loop3A_171 = tpu.vector_load_idx %arg20[%parallel_loop3A_170] : memref<1280xf32, #tpu.memory_space<vmem>>[vector<16xi32>], vector<16xf32>,
      %parallel_loop3A_172 = arith.index_cast %parallel_loop3A_110 : i32 to index
      %parallel_loop3A_173 = arith.constant 48 : index
      %parallel_loop3A_174 = tpu.vector_load %arg12[%parallel_loop3A_172, %parallel_loop3A_173] {strides = array<i32>} : memref<80x80xf32, #tpu.memory_space<vmem>>, vector<16xf32>,
      %parallel_loop3A_175 = arith.mulf %parallel_loop3A_174, %parallel_loop3A_171 : vector<16xf32>
      %parallel_loop3A_176 = arith.index_cast %parallel_loop3A_110 : i32 to index
      %parallel_loop3A_177 = arith.constant 48 : index
      %parallel_loop3A_178 = tpu.vector_load %arg21[%parallel_loop3A_176, %parallel_loop3A_177] {strides = array<i32>} : memref<80x80xf32, #tpu.memory_space<vmem>>, vector<16xf32>,
      tpu.vector_store %arg21[%parallel_loop3A_176, %parallel_loop3A_177], %parallel_loop3A_175 {strides = array<i32>} : memref<80x80xf32, #tpu.memory_space<vmem>>, vector<16xf32>,
      %parallel_loop3A_179 = arith.constant 64 : i32
      %parallel_loop3A_180 = vector.broadcast %parallel_loop3A_179 : i32 to vector<16xi32>
      %parallel_loop3A_181 = arith.addi %iota3A, %parallel_loop3A_180 : vector<16xi32>
      %parallel_loop3A_182 = arith.constant 80 : i32
      %parallel_loop3A_183 = arith.muli %parallel_loop3A_110, %parallel_loop3A_182 : i32
      %parallel_loop3A_184 = arith.constant 64 : i32
      %parallel_loop3A_185 = arith.addi %parallel_loop3A_183, %parallel_loop3A_184 : i32
      %parallel_loop3A_186 = arith.index_cast %parallel_loop3A_185 : i32 to index
      %parallel_loop3A_187 = tpu.vector_load %arg24[%parallel_loop3A_186] {strides = array<i32>} : memref<6400xi32, #tpu.memory_space<vmem>>, vector<16xi32>,
      %parallel_loop3A_188 = tpu.vector_load_idx %arg20[%parallel_loop3A_187] : memref<1280xf32, #tpu.memory_space<vmem>>[vector<16xi32>], vector<16xf32>,
      %parallel_loop3A_189 = arith.constant 72 : i32
      %parallel_loop3A_190 = vector.broadcast %parallel_loop3A_189 : i32 to vector<16xi32>
      %parallel_loop3A_191 = arith.cmpi slt, %parallel_loop3A_181, %parallel_loop3A_190 : vector<16xi32>
      %parallel_loop3A_192 = arith.constant 0.000000e+00 : f32
      %parallel_loop3A_193 = vector.broadcast %parallel_loop3A_192 : f32 to vector<16xf32>
      %parallel_loop3A_194 = arith.select %parallel_loop3A_191, %parallel_loop3A_188, %parallel_loop3A_193 : vector<16xi1>, vector<16xf32>
      %parallel_loop3A_195 = arith.index_cast %parallel_loop3A_110 : i32 to index
      %parallel_loop3A_196 = arith.constant 64 : index
      %parallel_loop3A_197 = tpu.vector_load %arg21[%parallel_loop3A_195, %parallel_loop3A_196] {strides = array<i32>} : memref<80x80xf32, #tpu.memory_space<vmem>>, vector<16xf32>,
      tpu.vector_store %arg21[%parallel_loop3A_195, %parallel_loop3A_196], %parallel_loop3A_194 {strides = array<i32>} : memref<80x80xf32, #tpu.memory_space<vmem>>, vector<16xf32>,
    } {sc.loop_unroll_factor = 4 : i64, sc.parallel_access}
    %dma_start3A_94 = arith.constant 9920 : i32
    %dma_start3A_95 = tpu.memref_slice %arg11[%dma_start3A_94] : memref<10000xi32, #tpu.memory_space<vmem>> -> memref<80xi32, #tpu.memory_space<vmem>>
    %dma_start3A_96 = arith.constant 0 : i32
    %dma_start3A_97 = arith.constant 0 : i32
    %dma_start3A_98 = tpu.memref_slice %arg9[%dma_start3A_96, %dma_start3A_97] : memref<10000x80xf32, #tpu.memory_space<vmem_shared>> -> memref<10000x80xf32, #tpu.memory_space<vmem_shared>>
    tpu.enqueue_indirect_dma source(%arg21 : memref<80x80xf32, #tpu.memory_space<vmem>>) target(%dma_start3A_98 : memref<10000x80xf32, #tpu.memory_space<vmem_shared>>) offsets(%dma_start3A_95 : memref<80xi32, #tpu.memory_space<vmem>>) semaphore(%arg29 : memref<!tpu.dma_semaphore, #tpu.memory_space<semaphore_mem>>) {add = true}
    %dma_wait3A_99 = arith.constant 0 : i32
    %dma_wait3A_100 = tpu.memref_slice %arg11[%dma_wait3A_99] : memref<10000xi32, #tpu.memory_space<vmem>> -> memref<80xi32, #tpu.memory_space<vmem>>
    %dma_wait3A_101 = arith.constant 0 : i32
    %dma_wait3A_102 = arith.constant 0 : i32
    %dma_wait3A_103 = tpu.memref_slice %arg9[%dma_wait3A_101, %dma_wait3A_102] : memref<10000x80xf32, #tpu.memory_space<vmem_shared>> -> memref<10000x80xf32, #tpu.memory_space<vmem_shared>>
    tpu.wait_indirect_dma semaphore(%arg29 : memref<!tpu.dma_semaphore, #tpu.memory_space<semaphore_mem>>) src(%arg21 : memref<80x80xf32, #tpu.memory_space<vmem>>) dst(%dma_wait3A_103 : memref<10000x80xf32, #tpu.memory_space<vmem_shared>>)
    %dma_wait3A_104 = arith.constant 0 : i32
    %dma_wait3A_105 = tpu.memref_slice %arg11[%dma_wait3A_104] : memref<10000xi32, #tpu.memory_space<vmem>> -> memref<80xi32, #tpu.memory_space<vmem>>
    %dma_wait3A_106 = arith.constant 0 : i32
    %dma_wait3A_107 = arith.constant 0 : i32
    %dma_wait3A_108 = tpu.memref_slice %arg9[%dma_wait3A_106, %dma_wait3A_107] : memref<10000x80xf32, #tpu.memory_space<vmem_shared>> -> memref<10000x80xf32, #tpu.memory_space<vmem_shared>>
    tpu.wait_indirect_dma semaphore(%arg30 : memref<!tpu.dma_semaphore, #tpu.memory_space<semaphore_mem>>) src(%arg22 : memref<80x80xf32, #tpu.memory_space<vmem>>) dst(%dma_wait3A_108 : memref<10000x80xf32, #tpu.memory_space<vmem_shared>>)
    %barrier3A_109 = arith.constant 0 : index
    tpu.barrier barrier_id(%barrier3A_109)
    "tpu.region"() ({
      %run_scoped3A = tpu.sem_alloc : memref<!tpu.dma_semaphore, #tpu.memory_space<semaphore_mem>>
      %dma_start3A_110 = arith.constant 0 : i32
      %dma_start3A_111 = tpu.memref_slice %arg8[%arg0, %mul3A_2, %dma_start3A_110] : memref<2x10000x80xf32, #tpu.memory_space<hbm>> -> memref<1x625x80xf32, #tpu.memory_space<hbm>>
      %dma_start3A_112 = tpu.memref_squeeze %dma_start3A_111 : memref<1x625x80xf32, #tpu.memory_space<hbm>> -> memref<625x80xf32, #tpu.memory_space<hbm>>
      %dma_start3A_113 = arith.constant 0 : i32
      %dma_start3A_114 = tpu.memref_slice %arg9[%mul3A_2, %dma_start3A_113] : memref<10000x80xf32, #tpu.memory_space<vmem_shared>> -> memref<625x80xf32, #tpu.memory_space<vmem_shared>>
      tpu.enqueue_dma source(%dma_start3A_114 : memref<625x80xf32, #tpu.memory_space<vmem_shared>>) target(%dma_start3A_112 : memref<625x80xf32, #tpu.memory_space<hbm>>) target_semaphore(%run_scoped3A : memref<!tpu.dma_semaphore, #tpu.memory_space<semaphore_mem>>)
      %dma_wait3A_115 = arith.constant 0 : i32
      %dma_wait3A_116 = tpu.memref_slice %arg8[%arg0, %mul3A_2, %dma_wait3A_115] : memref<2x10000x80xf32, #tpu.memory_space<hbm>> -> memref<1x625x80xf32, #tpu.memory_space<hbm>>
      %dma_wait3A_117 = tpu.memref_squeeze %dma_wait3A_116 : memref<1x625x80xf32, #tpu.memory_space<hbm>> -> memref<625x80xf32, #tpu.memory_space<hbm>>
      %dma_wait3A_118 = arith.constant 0 : i32
      %dma_wait3A_119 = tpu.memref_slice %arg9[%mul3A_2, %dma_wait3A_118] : memref<10000x80xf32, #tpu.memory_space<vmem_shared>> -> memref<625x80xf32, #tpu.memory_space<vmem_shared>>
      tpu.wait_dma2 semaphore(%run_scoped3A : memref<!tpu.dma_semaphore, #tpu.memory_space<semaphore_mem>>) src(%dma_wait3A_119 : memref<625x80xf32, #tpu.memory_space<vmem_shared>>) dst(%dma_wait3A_117 : memref<625x80xf32, #tpu.memory_space<hbm>>)
      tpu.yield
    }) : () -> ()
    return
  }
}

#map = affine_map<(d0, d1) -> (0)>
#map1 = affine_map<(d0, d1) -> (0, 0)>
#map2 = affine_map<(d0, d1) -> (0, 0, 0)>
module attributes {stable_mosaic.version = 14 : i64} {
  func.func @edge_pass(%arg0: i32, %arg1: i32, %arg2: memref<320000xi32, #tpu.memory_space<hbm>>, %arg3: memref<320000xi32, #tpu.memory_space<hbm>>, %arg4: memref<10000x16xf32, #tpu.memory_space<hbm>>, %arg5: memref<10000xf32, #tpu.memory_space<hbm>>, %arg6: memref<10000xf32, #tpu.memory_space<hbm>>, %arg7: memref<16xf32, #tpu.memory_space<hbm>>, %arg8: memref<2x10000x16xf32, #tpu.memory_space<hbm>>, %arg9: memref<10000x16xf32, #tpu.memory_space<vmem_shared>>, %arg10: memref<10000xi32, #tpu.memory_space<vmem>>, %arg11: memref<10000xi32, #tpu.memory_space<vmem>>, %arg12: memref<80x16xf32, #tpu.memory_space<vmem>>, %arg13: memref<80x16xf32, #tpu.memory_space<vmem>>, %arg14: memref<80x16xf32, #tpu.memory_space<vmem>>, %arg15: memref<80x16xf32, #tpu.memory_space<vmem>>, %arg16: memref<10000xf32, #tpu.memory_space<vmem>>, %arg17: memref<10000xf32, #tpu.memory_space<vmem>>, %arg18: memref<80xf32, #tpu.memory_space<vmem>>, %arg19: memref<80x16xf32, #tpu.memory_space<vmem>>, %arg20: memref<80x16xf32, #tpu.memory_space<vmem>>, %arg21: memref<16xf32, #tpu.memory_space<vmem>>, %arg22: memref<!tpu.dma_semaphore, #tpu.memory_space<semaphore_mem>>, %arg23: memref<!tpu.dma_semaphore, #tpu.memory_space<semaphore_mem>>, %arg24: memref<!tpu.dma_semaphore, #tpu.memory_space<semaphore_mem>>, %arg25: memref<!tpu.dma_semaphore, #tpu.memory_space<semaphore_mem>>, %arg26: memref<!tpu.dma_semaphore, #tpu.memory_space<semaphore_mem>>, %arg27: memref<!tpu.dma_semaphore, #tpu.memory_space<semaphore_mem>>) attributes {dimension_semantics = [#tpu.dimension_semantics<core_parallel>, #tpu.dimension_semantics<subcore_parallel>], iteration_bounds = array<i64: 2, 16>, scalar_prefetch = 0 : i64, scratch_operands = 19 : i64, tpu.core_type = #tpu.core_type<sc_vector_subcore>, window_params = [{transform_indices = #map}, {transform_indices = #map}, {transform_indices = #map1}, {transform_indices = #map}, {transform_indices = #map}, {transform_indices = #map}, {transform_indices = #map2}]} {
    %mul3A = arith.constant 2 : i32
    %mul3A_0 = arith.muli %arg1, %mul3A : i32
    %add3A = arith.addi %mul3A_0, %arg0 : i32
    %mul3A_1 = arith.constant 625 : i32
    %mul3A_2 = arith.muli %arg1, %mul3A_1 : i32
    %mul3A_3 = arith.constant 10000 : i32
    %mul3A_4 = arith.muli %add3A, %mul3A_3 : i32
    "tpu.region"() ({
      %run_scoped3A = tpu.sem_alloc : memref<!tpu.dma_semaphore, #tpu.memory_space<semaphore_mem>>
      tpu.enqueue_dma source(%arg7 : memref<16xf32, #tpu.memory_space<hbm>>) target(%arg21 : memref<16xf32, #tpu.memory_space<vmem>>) target_semaphore(%run_scoped3A : memref<!tpu.dma_semaphore, #tpu.memory_space<semaphore_mem>>)
      tpu.wait_dma2 semaphore(%run_scoped3A : memref<!tpu.dma_semaphore, #tpu.memory_space<semaphore_mem>>) src(%arg7 : memref<16xf32, #tpu.memory_space<hbm>>) dst(%arg21 : memref<16xf32, #tpu.memory_space<vmem>>)
      tpu.yield
    }) : () -> ()
    "tpu.region"() ({
      %run_scoped3A = tpu.sem_alloc : memref<!tpu.dma_semaphore, #tpu.memory_space<semaphore_mem>>
      %dma_start3A_84 = tpu.memref_slice %arg2[%mul3A_4] : memref<320000xi32, #tpu.memory_space<hbm>> -> memref<10000xi32, #tpu.memory_space<hbm>>
      %dma_start3A_85 = tpu.memref_slice %arg2[%mul3A_4] : memref<320000xi32, #tpu.memory_space<hbm>> -> memref<10000xi32, #tpu.memory_space<hbm>>
      tpu.enqueue_dma source(%dma_start3A_85 : memref<10000xi32, #tpu.memory_space<hbm>>) target(%arg10 : memref<10000xi32, #tpu.memory_space<vmem>>) target_semaphore(%run_scoped3A : memref<!tpu.dma_semaphore, #tpu.memory_space<semaphore_mem>>)
      %dma_wait3A_86 = tpu.memref_slice %arg2[%mul3A_4] : memref<320000xi32, #tpu.memory_space<hbm>> -> memref<10000xi32, #tpu.memory_space<hbm>>
      %dma_wait3A_87 = tpu.memref_slice %arg2[%mul3A_4] : memref<320000xi32, #tpu.memory_space<hbm>> -> memref<10000xi32, #tpu.memory_space<hbm>>
      tpu.wait_dma2 semaphore(%run_scoped3A : memref<!tpu.dma_semaphore, #tpu.memory_space<semaphore_mem>>) src(%dma_wait3A_87 : memref<10000xi32, #tpu.memory_space<hbm>>) dst(%arg10 : memref<10000xi32, #tpu.memory_space<vmem>>)
      tpu.yield
    }) : () -> ()
    "tpu.region"() ({
      %run_scoped3A = tpu.sem_alloc : memref<!tpu.dma_semaphore, #tpu.memory_space<semaphore_mem>>
      %dma_start3A_84 = tpu.memref_slice %arg3[%mul3A_4] : memref<320000xi32, #tpu.memory_space<hbm>> -> memref<10000xi32, #tpu.memory_space<hbm>>
      %dma_start3A_85 = tpu.memref_slice %arg3[%mul3A_4] : memref<320000xi32, #tpu.memory_space<hbm>> -> memref<10000xi32, #tpu.memory_space<hbm>>
      tpu.enqueue_dma source(%dma_start3A_85 : memref<10000xi32, #tpu.memory_space<hbm>>) target(%arg11 : memref<10000xi32, #tpu.memory_space<vmem>>) target_semaphore(%run_scoped3A : memref<!tpu.dma_semaphore, #tpu.memory_space<semaphore_mem>>)
      %dma_wait3A_86 = tpu.memref_slice %arg3[%mul3A_4] : memref<320000xi32, #tpu.memory_space<hbm>> -> memref<10000xi32, #tpu.memory_space<hbm>>
      %dma_wait3A_87 = tpu.memref_slice %arg3[%mul3A_4] : memref<320000xi32, #tpu.memory_space<hbm>> -> memref<10000xi32, #tpu.memory_space<hbm>>
      tpu.wait_dma2 semaphore(%run_scoped3A : memref<!tpu.dma_semaphore, #tpu.memory_space<semaphore_mem>>) src(%dma_wait3A_87 : memref<10000xi32, #tpu.memory_space<hbm>>) dst(%arg11 : memref<10000xi32, #tpu.memory_space<vmem>>)
      tpu.yield
    }) : () -> ()
    "tpu.region"() ({
      %run_scoped3A = tpu.sem_alloc : memref<!tpu.dma_semaphore, #tpu.memory_space<semaphore_mem>>
      tpu.enqueue_dma source(%arg5 : memref<10000xf32, #tpu.memory_space<hbm>>) target(%arg16 : memref<10000xf32, #tpu.memory_space<vmem>>) target_semaphore(%run_scoped3A : memref<!tpu.dma_semaphore, #tpu.memory_space<semaphore_mem>>)
      tpu.wait_dma2 semaphore(%run_scoped3A : memref<!tpu.dma_semaphore, #tpu.memory_space<semaphore_mem>>) src(%arg5 : memref<10000xf32, #tpu.memory_space<hbm>>) dst(%arg16 : memref<10000xf32, #tpu.memory_space<vmem>>)
      tpu.yield
    }) : () -> ()
    "tpu.region"() ({
      %run_scoped3A = tpu.sem_alloc : memref<!tpu.dma_semaphore, #tpu.memory_space<semaphore_mem>>
      tpu.enqueue_dma source(%arg6 : memref<10000xf32, #tpu.memory_space<hbm>>) target(%arg17 : memref<10000xf32, #tpu.memory_space<vmem>>) target_semaphore(%run_scoped3A : memref<!tpu.dma_semaphore, #tpu.memory_space<semaphore_mem>>)
      tpu.wait_dma2 semaphore(%run_scoped3A : memref<!tpu.dma_semaphore, #tpu.memory_space<semaphore_mem>>) src(%arg6 : memref<10000xf32, #tpu.memory_space<hbm>>) dst(%arg17 : memref<10000xf32, #tpu.memory_space<vmem>>)
      tpu.yield
    }) : () -> ()
    %broadcast_in_dim3A = arith.constant 0.000000e+00 : f32
    %broadcast_in_dim3A_5 = vector.broadcast %broadcast_in_dim3A : f32 to vector<16xf32>
    %scan3A = arith.constant 0 : i32
    %scan3A_6 = arith.constant 0 : i32
    %scan3A_7 = arith.constant 80 : i32
    %scan3A_8 = arith.addi %scan3A_6, %scan3A_7 : i32
    %scan3A_9 = arith.constant 1 : i32
    scf.for %scan3A_84 = %scan3A_6 to %scan3A_8 step %scan3A_9  : i32 {
      %swap3A = arith.index_cast %scan3A_84 : i32 to index
      %swap3A_85 = arith.constant 0 : index
      %swap3A_86 = tpu.vector_load %arg19[%swap3A, %swap3A_85] {strides = array<i32>} : memref<80x16xf32, #tpu.memory_space<vmem>>, vector<16xf32>,
      tpu.vector_store %arg19[%swap3A, %swap3A_85], %broadcast_in_dim3A_5 {strides = array<i32>} : memref<80x16xf32, #tpu.memory_space<vmem>>, vector<16xf32>,
    }
    %scan3A_10 = arith.constant 80 : i32
    %add3A_11 = arith.constant 0 : i32
    %add3A_12 = arith.addi %mul3A_2, %add3A_11 : i32
    "tpu.region"() ({
      %run_scoped3A = tpu.sem_alloc : memref<!tpu.dma_semaphore, #tpu.memory_space<semaphore_mem>>
      %dma_start3A_84 = arith.constant 0 : i32
      %dma_start3A_85 = tpu.memref_slice %arg9[%add3A_12, %dma_start3A_84] : memref<10000x16xf32, #tpu.memory_space<vmem_shared>> -> memref<80x16xf32, #tpu.memory_space<vmem_shared>>
      %dma_start3A_86 = arith.constant 0 : i32
      %dma_start3A_87 = tpu.memref_slice %arg9[%add3A_12, %dma_start3A_86] : memref<10000x16xf32, #tpu.memory_space<vmem_shared>> -> memref<80x16xf32, #tpu.memory_space<vmem_shared>>
      tpu.enqueue_dma source(%arg19 : memref<80x16xf32, #tpu.memory_space<vmem>>) target(%dma_start3A_87 : memref<80x16xf32, #tpu.memory_space<vmem_shared>>) target_semaphore(%run_scoped3A : memref<!tpu.dma_semaphore, #tpu.memory_space<semaphore_mem>>)
      %dma_wait3A_88 = arith.constant 0 : i32
      %dma_wait3A_89 = tpu.memref_slice %arg9[%add3A_12, %dma_wait3A_88] : memref<10000x16xf32, #tpu.memory_space<vmem_shared>> -> memref<80x16xf32, #tpu.memory_space<vmem_shared>>
      %dma_wait3A_90 = arith.constant 0 : i32
      %dma_wait3A_91 = tpu.memref_slice %arg9[%add3A_12, %dma_wait3A_90] : memref<10000x16xf32, #tpu.memory_space<vmem_shared>> -> memref<80x16xf32, #tpu.memory_space<vmem_shared>>
      tpu.wait_dma2 semaphore(%run_scoped3A : memref<!tpu.dma_semaphore, #tpu.memory_space<semaphore_mem>>) src(%arg19 : memref<80x16xf32, #tpu.memory_space<vmem>>) dst(%dma_wait3A_91 : memref<80x16xf32, #tpu.memory_space<vmem_shared>>)
      tpu.yield
    }) : () -> ()
    %add3A_13 = arith.constant 80 : i32
    %add3A_14 = arith.addi %mul3A_2, %add3A_13 : i32
    "tpu.region"() ({
      %run_scoped3A = tpu.sem_alloc : memref<!tpu.dma_semaphore, #tpu.memory_space<semaphore_mem>>
      %dma_start3A_84 = arith.constant 0 : i32
      %dma_start3A_85 = tpu.memref_slice %arg9[%add3A_14, %dma_start3A_84] : memref<10000x16xf32, #tpu.memory_space<vmem_shared>> -> memref<80x16xf32, #tpu.memory_space<vmem_shared>>
      %dma_start3A_86 = arith.constant 0 : i32
      %dma_start3A_87 = tpu.memref_slice %arg9[%add3A_14, %dma_start3A_86] : memref<10000x16xf32, #tpu.memory_space<vmem_shared>> -> memref<80x16xf32, #tpu.memory_space<vmem_shared>>
      tpu.enqueue_dma source(%arg19 : memref<80x16xf32, #tpu.memory_space<vmem>>) target(%dma_start3A_87 : memref<80x16xf32, #tpu.memory_space<vmem_shared>>) target_semaphore(%run_scoped3A : memref<!tpu.dma_semaphore, #tpu.memory_space<semaphore_mem>>)
      %dma_wait3A_88 = arith.constant 0 : i32
      %dma_wait3A_89 = tpu.memref_slice %arg9[%add3A_14, %dma_wait3A_88] : memref<10000x16xf32, #tpu.memory_space<vmem_shared>> -> memref<80x16xf32, #tpu.memory_space<vmem_shared>>
      %dma_wait3A_90 = arith.constant 0 : i32
      %dma_wait3A_91 = tpu.memref_slice %arg9[%add3A_14, %dma_wait3A_90] : memref<10000x16xf32, #tpu.memory_space<vmem_shared>> -> memref<80x16xf32, #tpu.memory_space<vmem_shared>>
      tpu.wait_dma2 semaphore(%run_scoped3A : memref<!tpu.dma_semaphore, #tpu.memory_space<semaphore_mem>>) src(%arg19 : memref<80x16xf32, #tpu.memory_space<vmem>>) dst(%dma_wait3A_91 : memref<80x16xf32, #tpu.memory_space<vmem_shared>>)
      tpu.yield
    }) : () -> ()
    %add3A_15 = arith.constant 160 : i32
    %add3A_16 = arith.addi %mul3A_2, %add3A_15 : i32
    "tpu.region"() ({
      %run_scoped3A = tpu.sem_alloc : memref<!tpu.dma_semaphore, #tpu.memory_space<semaphore_mem>>
      %dma_start3A_84 = arith.constant 0 : i32
      %dma_start3A_85 = tpu.memref_slice %arg9[%add3A_16, %dma_start3A_84] : memref<10000x16xf32, #tpu.memory_space<vmem_shared>> -> memref<80x16xf32, #tpu.memory_space<vmem_shared>>
      %dma_start3A_86 = arith.constant 0 : i32
      %dma_start3A_87 = tpu.memref_slice %arg9[%add3A_16, %dma_start3A_86] : memref<10000x16xf32, #tpu.memory_space<vmem_shared>> -> memref<80x16xf32, #tpu.memory_space<vmem_shared>>
      tpu.enqueue_dma source(%arg19 : memref<80x16xf32, #tpu.memory_space<vmem>>) target(%dma_start3A_87 : memref<80x16xf32, #tpu.memory_space<vmem_shared>>) target_semaphore(%run_scoped3A : memref<!tpu.dma_semaphore, #tpu.memory_space<semaphore_mem>>)
      %dma_wait3A_88 = arith.constant 0 : i32
      %dma_wait3A_89 = tpu.memref_slice %arg9[%add3A_16, %dma_wait3A_88] : memref<10000x16xf32, #tpu.memory_space<vmem_shared>> -> memref<80x16xf32, #tpu.memory_space<vmem_shared>>
      %dma_wait3A_90 = arith.constant 0 : i32
      %dma_wait3A_91 = tpu.memref_slice %arg9[%add3A_16, %dma_wait3A_90] : memref<10000x16xf32, #tpu.memory_space<vmem_shared>> -> memref<80x16xf32, #tpu.memory_space<vmem_shared>>
      tpu.wait_dma2 semaphore(%run_scoped3A : memref<!tpu.dma_semaphore, #tpu.memory_space<semaphore_mem>>) src(%arg19 : memref<80x16xf32, #tpu.memory_space<vmem>>) dst(%dma_wait3A_91 : memref<80x16xf32, #tpu.memory_space<vmem_shared>>)
      tpu.yield
    }) : () -> ()
    %add3A_17 = arith.constant 240 : i32
    %add3A_18 = arith.addi %mul3A_2, %add3A_17 : i32
    "tpu.region"() ({
      %run_scoped3A = tpu.sem_alloc : memref<!tpu.dma_semaphore, #tpu.memory_space<semaphore_mem>>
      %dma_start3A_84 = arith.constant 0 : i32
      %dma_start3A_85 = tpu.memref_slice %arg9[%add3A_18, %dma_start3A_84] : memref<10000x16xf32, #tpu.memory_space<vmem_shared>> -> memref<80x16xf32, #tpu.memory_space<vmem_shared>>
      %dma_start3A_86 = arith.constant 0 : i32
      %dma_start3A_87 = tpu.memref_slice %arg9[%add3A_18, %dma_start3A_86] : memref<10000x16xf32, #tpu.memory_space<vmem_shared>> -> memref<80x16xf32, #tpu.memory_space<vmem_shared>>
      tpu.enqueue_dma source(%arg19 : memref<80x16xf32, #tpu.memory_space<vmem>>) target(%dma_start3A_87 : memref<80x16xf32, #tpu.memory_space<vmem_shared>>) target_semaphore(%run_scoped3A : memref<!tpu.dma_semaphore, #tpu.memory_space<semaphore_mem>>)
      %dma_wait3A_88 = arith.constant 0 : i32
      %dma_wait3A_89 = tpu.memref_slice %arg9[%add3A_18, %dma_wait3A_88] : memref<10000x16xf32, #tpu.memory_space<vmem_shared>> -> memref<80x16xf32, #tpu.memory_space<vmem_shared>>
      %dma_wait3A_90 = arith.constant 0 : i32
      %dma_wait3A_91 = tpu.memref_slice %arg9[%add3A_18, %dma_wait3A_90] : memref<10000x16xf32, #tpu.memory_space<vmem_shared>> -> memref<80x16xf32, #tpu.memory_space<vmem_shared>>
      tpu.wait_dma2 semaphore(%run_scoped3A : memref<!tpu.dma_semaphore, #tpu.memory_space<semaphore_mem>>) src(%arg19 : memref<80x16xf32, #tpu.memory_space<vmem>>) dst(%dma_wait3A_91 : memref<80x16xf32, #tpu.memory_space<vmem_shared>>)
      tpu.yield
    }) : () -> ()
    %add3A_19 = arith.constant 320 : i32
    %add3A_20 = arith.addi %mul3A_2, %add3A_19 : i32
    "tpu.region"() ({
      %run_scoped3A = tpu.sem_alloc : memref<!tpu.dma_semaphore, #tpu.memory_space<semaphore_mem>>
      %dma_start3A_84 = arith.constant 0 : i32
      %dma_start3A_85 = tpu.memref_slice %arg9[%add3A_20, %dma_start3A_84] : memref<10000x16xf32, #tpu.memory_space<vmem_shared>> -> memref<80x16xf32, #tpu.memory_space<vmem_shared>>
      %dma_start3A_86 = arith.constant 0 : i32
      %dma_start3A_87 = tpu.memref_slice %arg9[%add3A_20, %dma_start3A_86] : memref<10000x16xf32, #tpu.memory_space<vmem_shared>> -> memref<80x16xf32, #tpu.memory_space<vmem_shared>>
      tpu.enqueue_dma source(%arg19 : memref<80x16xf32, #tpu.memory_space<vmem>>) target(%dma_start3A_87 : memref<80x16xf32, #tpu.memory_space<vmem_shared>>) target_semaphore(%run_scoped3A : memref<!tpu.dma_semaphore, #tpu.memory_space<semaphore_mem>>)
      %dma_wait3A_88 = arith.constant 0 : i32
      %dma_wait3A_89 = tpu.memref_slice %arg9[%add3A_20, %dma_wait3A_88] : memref<10000x16xf32, #tpu.memory_space<vmem_shared>> -> memref<80x16xf32, #tpu.memory_space<vmem_shared>>
      %dma_wait3A_90 = arith.constant 0 : i32
      %dma_wait3A_91 = tpu.memref_slice %arg9[%add3A_20, %dma_wait3A_90] : memref<10000x16xf32, #tpu.memory_space<vmem_shared>> -> memref<80x16xf32, #tpu.memory_space<vmem_shared>>
      tpu.wait_dma2 semaphore(%run_scoped3A : memref<!tpu.dma_semaphore, #tpu.memory_space<semaphore_mem>>) src(%arg19 : memref<80x16xf32, #tpu.memory_space<vmem>>) dst(%dma_wait3A_91 : memref<80x16xf32, #tpu.memory_space<vmem_shared>>)
      tpu.yield
    }) : () -> ()
    %add3A_21 = arith.constant 400 : i32
    %add3A_22 = arith.addi %mul3A_2, %add3A_21 : i32
    "tpu.region"() ({
      %run_scoped3A = tpu.sem_alloc : memref<!tpu.dma_semaphore, #tpu.memory_space<semaphore_mem>>
      %dma_start3A_84 = arith.constant 0 : i32
      %dma_start3A_85 = tpu.memref_slice %arg9[%add3A_22, %dma_start3A_84] : memref<10000x16xf32, #tpu.memory_space<vmem_shared>> -> memref<80x16xf32, #tpu.memory_space<vmem_shared>>
      %dma_start3A_86 = arith.constant 0 : i32
      %dma_start3A_87 = tpu.memref_slice %arg9[%add3A_22, %dma_start3A_86] : memref<10000x16xf32, #tpu.memory_space<vmem_shared>> -> memref<80x16xf32, #tpu.memory_space<vmem_shared>>
      tpu.enqueue_dma source(%arg19 : memref<80x16xf32, #tpu.memory_space<vmem>>) target(%dma_start3A_87 : memref<80x16xf32, #tpu.memory_space<vmem_shared>>) target_semaphore(%run_scoped3A : memref<!tpu.dma_semaphore, #tpu.memory_space<semaphore_mem>>)
      %dma_wait3A_88 = arith.constant 0 : i32
      %dma_wait3A_89 = tpu.memref_slice %arg9[%add3A_22, %dma_wait3A_88] : memref<10000x16xf32, #tpu.memory_space<vmem_shared>> -> memref<80x16xf32, #tpu.memory_space<vmem_shared>>
      %dma_wait3A_90 = arith.constant 0 : i32
      %dma_wait3A_91 = tpu.memref_slice %arg9[%add3A_22, %dma_wait3A_90] : memref<10000x16xf32, #tpu.memory_space<vmem_shared>> -> memref<80x16xf32, #tpu.memory_space<vmem_shared>>
      tpu.wait_dma2 semaphore(%run_scoped3A : memref<!tpu.dma_semaphore, #tpu.memory_space<semaphore_mem>>) src(%arg19 : memref<80x16xf32, #tpu.memory_space<vmem>>) dst(%dma_wait3A_91 : memref<80x16xf32, #tpu.memory_space<vmem_shared>>)
      tpu.yield
    }) : () -> ()
    %add3A_23 = arith.constant 480 : i32
    %add3A_24 = arith.addi %mul3A_2, %add3A_23 : i32
    "tpu.region"() ({
      %run_scoped3A = tpu.sem_alloc : memref<!tpu.dma_semaphore, #tpu.memory_space<semaphore_mem>>
      %dma_start3A_84 = arith.constant 0 : i32
      %dma_start3A_85 = tpu.memref_slice %arg9[%add3A_24, %dma_start3A_84] : memref<10000x16xf32, #tpu.memory_space<vmem_shared>> -> memref<80x16xf32, #tpu.memory_space<vmem_shared>>
      %dma_start3A_86 = arith.constant 0 : i32
      %dma_start3A_87 = tpu.memref_slice %arg9[%add3A_24, %dma_start3A_86] : memref<10000x16xf32, #tpu.memory_space<vmem_shared>> -> memref<80x16xf32, #tpu.memory_space<vmem_shared>>
      tpu.enqueue_dma source(%arg19 : memref<80x16xf32, #tpu.memory_space<vmem>>) target(%dma_start3A_87 : memref<80x16xf32, #tpu.memory_space<vmem_shared>>) target_semaphore(%run_scoped3A : memref<!tpu.dma_semaphore, #tpu.memory_space<semaphore_mem>>)
      %dma_wait3A_88 = arith.constant 0 : i32
      %dma_wait3A_89 = tpu.memref_slice %arg9[%add3A_24, %dma_wait3A_88] : memref<10000x16xf32, #tpu.memory_space<vmem_shared>> -> memref<80x16xf32, #tpu.memory_space<vmem_shared>>
      %dma_wait3A_90 = arith.constant 0 : i32
      %dma_wait3A_91 = tpu.memref_slice %arg9[%add3A_24, %dma_wait3A_90] : memref<10000x16xf32, #tpu.memory_space<vmem_shared>> -> memref<80x16xf32, #tpu.memory_space<vmem_shared>>
      tpu.wait_dma2 semaphore(%run_scoped3A : memref<!tpu.dma_semaphore, #tpu.memory_space<semaphore_mem>>) src(%arg19 : memref<80x16xf32, #tpu.memory_space<vmem>>) dst(%dma_wait3A_91 : memref<80x16xf32, #tpu.memory_space<vmem_shared>>)
      tpu.yield
    }) : () -> ()
    %add3A_25 = arith.constant 560 : i32
    %add3A_26 = arith.addi %mul3A_2, %add3A_25 : i32
    "tpu.region"() ({
      %run_scoped3A = tpu.sem_alloc : memref<!tpu.dma_semaphore, #tpu.memory_space<semaphore_mem>>
      %dma_start3A_84 = arith.constant 0 : i32
      %dma_start3A_85 = arith.constant 0 : i32
      %dma_start3A_86 = tpu.memref_slice %arg19[%dma_start3A_84, %dma_start3A_85] : memref<80x16xf32, #tpu.memory_space<vmem>> -> memref<65x16xf32, #tpu.memory_space<vmem>>
      %dma_start3A_87 = arith.constant 0 : i32
      %dma_start3A_88 = tpu.memref_slice %arg9[%add3A_26, %dma_start3A_87] : memref<10000x16xf32, #tpu.memory_space<vmem_shared>> -> memref<65x16xf32, #tpu.memory_space<vmem_shared>>
      %dma_start3A_89 = arith.constant 0 : i32
      %dma_start3A_90 = tpu.memref_slice %arg9[%add3A_26, %dma_start3A_89] : memref<10000x16xf32, #tpu.memory_space<vmem_shared>> -> memref<65x16xf32, #tpu.memory_space<vmem_shared>>
      %dma_start3A_91 = arith.constant 0 : i32
      %dma_start3A_92 = arith.constant 0 : i32
      %dma_start3A_93 = tpu.memref_slice %arg19[%dma_start3A_91, %dma_start3A_92] : memref<80x16xf32, #tpu.memory_space<vmem>> -> memref<65x16xf32, #tpu.memory_space<vmem>>
      tpu.enqueue_dma source(%dma_start3A_93 : memref<65x16xf32, #tpu.memory_space<vmem>>) target(%dma_start3A_90 : memref<65x16xf32, #tpu.memory_space<vmem_shared>>) target_semaphore(%run_scoped3A : memref<!tpu.dma_semaphore, #tpu.memory_space<semaphore_mem>>)
      %dma_wait3A_94 = arith.constant 0 : i32
      %dma_wait3A_95 = arith.constant 0 : i32
      %dma_wait3A_96 = tpu.memref_slice %arg19[%dma_wait3A_94, %dma_wait3A_95] : memref<80x16xf32, #tpu.memory_space<vmem>> -> memref<65x16xf32, #tpu.memory_space<vmem>>
      %dma_wait3A_97 = arith.constant 0 : i32
      %dma_wait3A_98 = tpu.memref_slice %arg9[%add3A_26, %dma_wait3A_97] : memref<10000x16xf32, #tpu.memory_space<vmem_shared>> -> memref<65x16xf32, #tpu.memory_space<vmem_shared>>
      %dma_wait3A_99 = arith.constant 0 : i32
      %dma_wait3A_100 = tpu.memref_slice %arg9[%add3A_26, %dma_wait3A_99] : memref<10000x16xf32, #tpu.memory_space<vmem_shared>> -> memref<65x16xf32, #tpu.memory_space<vmem_shared>>
      %dma_wait3A_101 = arith.constant 0 : i32
      %dma_wait3A_102 = arith.constant 0 : i32
      %dma_wait3A_103 = tpu.memref_slice %arg19[%dma_wait3A_101, %dma_wait3A_102] : memref<80x16xf32, #tpu.memory_space<vmem>> -> memref<65x16xf32, #tpu.memory_space<vmem>>
      tpu.wait_dma2 semaphore(%run_scoped3A : memref<!tpu.dma_semaphore, #tpu.memory_space<semaphore_mem>>) src(%dma_wait3A_103 : memref<65x16xf32, #tpu.memory_space<vmem>>) dst(%dma_wait3A_100 : memref<65x16xf32, #tpu.memory_space<vmem_shared>>)
      tpu.yield
    }) : () -> ()
    %barrier3A = arith.constant 0 : index
    tpu.barrier barrier_id(%barrier3A)
    %get3A = arith.constant 0 : index
    %get3A_27 = tpu.vector_load %arg21[%get3A] {strides = array<i32>} : memref<16xf32, #tpu.memory_space<vmem>>, vector<16xf32>,
    %iota3A = tpu.iota {dimensions = array<i32: 0>} : vector<16xi32>
    %dma_start3A = arith.constant 0 : i32
    %dma_start3A_28 = tpu.memref_slice %arg10[%dma_start3A] : memref<10000xi32, #tpu.memory_space<vmem>> -> memref<80xi32, #tpu.memory_space<vmem>>
    %dma_start3A_29 = arith.constant 0 : i32
    %dma_start3A_30 = arith.constant 0 : i32
    %dma_start3A_31 = tpu.memref_slice %arg4[%dma_start3A_29, %dma_start3A_30] : memref<10000x16xf32, #tpu.memory_space<hbm>> -> memref<10000x16xf32, #tpu.memory_space<hbm>>
    tpu.enqueue_indirect_dma source(%dma_start3A_31 : memref<10000x16xf32, #tpu.memory_space<hbm>>) target(%arg12 : memref<80x16xf32, #tpu.memory_space<vmem>>) offsets(%dma_start3A_28 : memref<80xi32, #tpu.memory_space<vmem>>) semaphore(%arg22 : memref<!tpu.dma_semaphore, #tpu.memory_space<semaphore_mem>>)
    %dma_start3A_32 = arith.constant 80 : i32
    %dma_start3A_33 = tpu.memref_slice %arg10[%dma_start3A_32] : memref<10000xi32, #tpu.memory_space<vmem>> -> memref<80xi32, #tpu.memory_space<vmem>>
    %dma_start3A_34 = arith.constant 0 : i32
    %dma_start3A_35 = arith.constant 0 : i32
    %dma_start3A_36 = tpu.memref_slice %arg4[%dma_start3A_34, %dma_start3A_35] : memref<10000x16xf32, #tpu.memory_space<hbm>> -> memref<10000x16xf32, #tpu.memory_space<hbm>>
    tpu.enqueue_indirect_dma source(%dma_start3A_36 : memref<10000x16xf32, #tpu.memory_space<hbm>>) target(%arg13 : memref<80x16xf32, #tpu.memory_space<vmem>>) offsets(%dma_start3A_33 : memref<80xi32, #tpu.memory_space<vmem>>) semaphore(%arg23 : memref<!tpu.dma_semaphore, #tpu.memory_space<semaphore_mem>>)
    %dma_start3A_37 = arith.constant 160 : i32
    %dma_start3A_38 = tpu.memref_slice %arg10[%dma_start3A_37] : memref<10000xi32, #tpu.memory_space<vmem>> -> memref<80xi32, #tpu.memory_space<vmem>>
    %dma_start3A_39 = arith.constant 0 : i32
    %dma_start3A_40 = arith.constant 0 : i32
    %dma_start3A_41 = tpu.memref_slice %arg4[%dma_start3A_39, %dma_start3A_40] : memref<10000x16xf32, #tpu.memory_space<hbm>> -> memref<10000x16xf32, #tpu.memory_space<hbm>>
    tpu.enqueue_indirect_dma source(%dma_start3A_41 : memref<10000x16xf32, #tpu.memory_space<hbm>>) target(%arg14 : memref<80x16xf32, #tpu.memory_space<vmem>>) offsets(%dma_start3A_38 : memref<80xi32, #tpu.memory_space<vmem>>) semaphore(%arg24 : memref<!tpu.dma_semaphore, #tpu.memory_space<semaphore_mem>>)
    %dma_start3A_42 = arith.constant 240 : i32
    %dma_start3A_43 = tpu.memref_slice %arg10[%dma_start3A_42] : memref<10000xi32, #tpu.memory_space<vmem>> -> memref<80xi32, #tpu.memory_space<vmem>>
    %dma_start3A_44 = arith.constant 0 : i32
    %dma_start3A_45 = arith.constant 0 : i32
    %dma_start3A_46 = tpu.memref_slice %arg4[%dma_start3A_44, %dma_start3A_45] : memref<10000x16xf32, #tpu.memory_space<hbm>> -> memref<10000x16xf32, #tpu.memory_space<hbm>>
    tpu.enqueue_indirect_dma source(%dma_start3A_46 : memref<10000x16xf32, #tpu.memory_space<hbm>>) target(%arg15 : memref<80x16xf32, #tpu.memory_space<vmem>>) offsets(%dma_start3A_43 : memref<80xi32, #tpu.memory_space<vmem>>) semaphore(%arg25 : memref<!tpu.dma_semaphore, #tpu.memory_space<semaphore_mem>>)
    %scan3A_47 = arith.constant 0 : i32
    %scan3A_48 = arith.constant 0 : i32
    %scan3A_49 = arith.constant 31 : i32
    %scan3A_50 = arith.addi %scan3A_48, %scan3A_49 : i32
    %scan3A_51 = arith.constant 1 : i32
    scf.for %scan3A_84 = %scan3A_48 to %scan3A_50 step %scan3A_51  : i32 {
      %mul3A_85 = arith.constant 4 : i32
      %mul3A_86 = arith.muli %mul3A_85, %scan3A_84 : i32
      %add3A_87 = arith.constant 0 : i32
      %add3A_88 = arith.addi %mul3A_86, %add3A_87 : i32
      %dma_wait3A_89 = arith.constant 0 : i32
      %dma_wait3A_90 = arith.constant 0 : i32
      %dma_wait3A_91 = tpu.memref_slice %arg4[%dma_wait3A_89, %dma_wait3A_90] : memref<10000x16xf32, #tpu.memory_space<hbm>> -> memref<80x16xf32, #tpu.memory_space<hbm>>
      %dma_wait3A_92 = arith.constant 0 : i32
      %dma_wait3A_93 = arith.constant 0 : i32
      %dma_wait3A_94 = tpu.memref_slice %arg4[%dma_wait3A_92, %dma_wait3A_93] : memref<10000x16xf32, #tpu.memory_space<hbm>> -> memref<80x16xf32, #tpu.memory_space<hbm>>
      tpu.wait_dma2 semaphore(%arg22 : memref<!tpu.dma_semaphore, #tpu.memory_space<semaphore_mem>>) src(%dma_wait3A_94 : memref<80x16xf32, #tpu.memory_space<hbm>>) dst(%arg12 : memref<80x16xf32, #tpu.memory_space<vmem>>)
      %gt3A = arith.constant 0 : i32
      %gt3A_95 = arith.cmpi sgt, %scan3A_84, %gt3A : i32
      %convert_element_type3A = arith.extui %gt3A_95 : i1 to i32
      %cond3A_96 = arith.constant 0 : i32
      %cond3A_97 = arith.cmpi ne, %convert_element_type3A, %cond3A_96 : i32
      scf.if %cond3A_97 {
        %mul3A_222 = arith.constant 80 : i32
        %mul3A_223 = arith.muli %add3A_88, %mul3A_222 : i32
        %dma_wait3A_224 = tpu.memref_slice %arg11[%mul3A_223] : memref<10000xi32, #tpu.memory_space<vmem>> -> memref<80xi32, #tpu.memory_space<vmem>>
        %dma_wait3A_225 = arith.constant 0 : i32
        %dma_wait3A_226 = arith.constant 0 : i32
        %dma_wait3A_227 = tpu.memref_slice %arg9[%dma_wait3A_225, %dma_wait3A_226] : memref<10000x16xf32, #tpu.memory_space<vmem_shared>> -> memref<10000x16xf32, #tpu.memory_space<vmem_shared>>
        tpu.wait_indirect_dma semaphore(%arg26 : memref<!tpu.dma_semaphore, #tpu.memory_space<semaphore_mem>>) src(%arg19 : memref<80x16xf32, #tpu.memory_space<vmem>>) dst(%dma_wait3A_227 : memref<10000x16xf32, #tpu.memory_space<vmem_shared>>)
      } else {
      }
      %parallel_loop3A_98 = arith.constant 0 : i32
      %parallel_loop3A_99 = arith.constant 5 : i32
      %parallel_loop3A_100 = arith.constant 1 : i32
      scf.for %parallel_loop3A_222 = %parallel_loop3A_98 to %parallel_loop3A_99 step %parallel_loop3A_100  : i32 {
        %parallel_loop3A_223 = arith.constant 80 : i32
        %parallel_loop3A_224 = arith.muli %add3A_88, %parallel_loop3A_223 : i32
        %parallel_loop3A_225 = arith.constant 16 : i32
        %parallel_loop3A_226 = arith.muli %parallel_loop3A_222, %parallel_loop3A_225 : i32
        %parallel_loop3A_227 = arith.addi %parallel_loop3A_224, %parallel_loop3A_226 : i32
        %parallel_loop3A_228 = arith.index_cast %parallel_loop3A_227 : i32 to index
        %parallel_loop3A_229 = tpu.vector_load %arg10[%parallel_loop3A_228] {strides = array<i32>} : memref<10000xi32, #tpu.memory_space<vmem>>, vector<16xi32>,
        %parallel_loop3A_230 = tpu.vector_load_idx %arg16[%parallel_loop3A_229] : memref<10000xf32, #tpu.memory_space<vmem>>[vector<16xi32>], vector<16xf32>,
        %parallel_loop3A_231 = arith.index_cast %parallel_loop3A_227 : i32 to index
        %parallel_loop3A_232 = tpu.vector_load %arg11[%parallel_loop3A_231] {strides = array<i32>} : memref<10000xi32, #tpu.memory_space<vmem>>, vector<16xi32>,
        %parallel_loop3A_233 = tpu.vector_load_idx %arg17[%parallel_loop3A_232] : memref<10000xf32, #tpu.memory_space<vmem>>[vector<16xi32>], vector<16xf32>,
        %parallel_loop3A_234 = arith.addf %parallel_loop3A_230, %parallel_loop3A_233 : vector<16xf32>
        %parallel_loop3A_235 = arith.constant 0.000000e+00 : f32
        %parallel_loop3A_236 = vector.broadcast %parallel_loop3A_235 : f32 to vector<16xf32>
        %parallel_loop3A_237 = arith.cmpf ogt, %parallel_loop3A_234, %parallel_loop3A_236 : vector<16xf32>
        %parallel_loop3A_238 = arith.constant 2.000000e-01 : f32
        %parallel_loop3A_239 = vector.broadcast %parallel_loop3A_238 : f32 to vector<16xf32>
        %parallel_loop3A_240 = arith.mulf %parallel_loop3A_239, %parallel_loop3A_234 : vector<16xf32>
        %parallel_loop3A_241 = arith.select %parallel_loop3A_237, %parallel_loop3A_234, %parallel_loop3A_240 : vector<16xi1>, vector<16xf32>
        %parallel_loop3A_242 = arith.subf %parallel_loop3A_241, %get3A_27 : vector<16xf32>
        %parallel_loop3A_243 = math.exp %parallel_loop3A_242 : vector<16xf32>
        %parallel_loop3A_244 = arith.constant 16 : i32
        %parallel_loop3A_245 = arith.muli %parallel_loop3A_222, %parallel_loop3A_244 : i32
        %parallel_loop3A_246 = arith.index_cast %parallel_loop3A_245 : i32 to index
        %parallel_loop3A_247 = tpu.vector_load %arg18[%parallel_loop3A_246] {strides = array<i32>} : memref<80xf32, #tpu.memory_space<vmem>>, vector<16xf32>,
        tpu.vector_store %arg18[%parallel_loop3A_246], %parallel_loop3A_243 {strides = array<i32>} : memref<80xf32, #tpu.memory_space<vmem>>, vector<16xf32>,
      } {sc.loop_unroll_factor = 2 : i64, sc.parallel_access}
      %parallel_loop3A_101 = arith.constant 0 : i32
      %parallel_loop3A_102 = arith.constant 80 : i32
      %parallel_loop3A_103 = arith.constant 1 : i32
      scf.for %parallel_loop3A_222 = %parallel_loop3A_101 to %parallel_loop3A_102 step %parallel_loop3A_103  : i32 {
        %parallel_loop3A_223 = vector.broadcast %parallel_loop3A_222 : i32 to vector<16xi32>
        %parallel_loop3A_224 = tpu.vector_load_idx %arg18[%parallel_loop3A_223] : memref<80xf32, #tpu.memory_space<vmem>>[vector<16xi32>], vector<16xf32>,
        %parallel_loop3A_225 = arith.index_cast %parallel_loop3A_222 : i32 to index
        %parallel_loop3A_226 = arith.constant 0 : index
        %parallel_loop3A_227 = tpu.vector_load %arg12[%parallel_loop3A_225, %parallel_loop3A_226] {strides = array<i32>} : memref<80x16xf32, #tpu.memory_space<vmem>>, vector<16xf32>,
        %parallel_loop3A_228 = arith.constant 10 : i32
        %parallel_loop3A_229 = vector.broadcast %parallel_loop3A_228 : i32 to vector<16xi32>
        %parallel_loop3A_230 = arith.cmpi slt, %iota3A, %parallel_loop3A_229 : vector<16xi32>
        %parallel_loop3A_231 = arith.mulf %parallel_loop3A_227, %parallel_loop3A_224 : vector<16xf32>
        %parallel_loop3A_232 = arith.constant 11 : i32
        %parallel_loop3A_233 = vector.broadcast %parallel_loop3A_232 : i32 to vector<16xi32>
        %parallel_loop3A_234 = arith.cmpi slt, %iota3A, %parallel_loop3A_233 : vector<16xi32>
        %parallel_loop3A_235 = arith.constant 0.000000e+00 : f32
        %parallel_loop3A_236 = vector.broadcast %parallel_loop3A_235 : f32 to vector<16xf32>
        %parallel_loop3A_237 = arith.select %parallel_loop3A_234, %parallel_loop3A_224, %parallel_loop3A_236 : vector<16xi1>, vector<16xf32>
        %parallel_loop3A_238 = arith.select %parallel_loop3A_230, %parallel_loop3A_231, %parallel_loop3A_237 : vector<16xi1>, vector<16xf32>
        %parallel_loop3A_239 = arith.index_cast %parallel_loop3A_222 : i32 to index
        %parallel_loop3A_240 = arith.constant 0 : index
        %parallel_loop3A_241 = tpu.vector_load %arg19[%parallel_loop3A_239, %parallel_loop3A_240] {strides = array<i32>} : memref<80x16xf32, #tpu.memory_space<vmem>>, vector<16xf32>,
        tpu.vector_store %arg19[%parallel_loop3A_239, %parallel_loop3A_240], %parallel_loop3A_238 {strides = array<i32>} : memref<80x16xf32, #tpu.memory_space<vmem>>, vector<16xf32>,
      } {sc.loop_unroll_factor = 4 : i64, sc.parallel_access}
      %mul3A_104 = arith.constant 80 : i32
      %mul3A_105 = arith.muli %add3A_88, %mul3A_104 : i32
      %dma_start3A_106 = tpu.memref_slice %arg11[%mul3A_105] : memref<10000xi32, #tpu.memory_space<vmem>> -> memref<80xi32, #tpu.memory_space<vmem>>
      %dma_start3A_107 = arith.constant 0 : i32
      %dma_start3A_108 = arith.constant 0 : i32
      %dma_start3A_109 = tpu.memref_slice %arg9[%dma_start3A_107, %dma_start3A_108] : memref<10000x16xf32, #tpu.memory_space<vmem_shared>> -> memref<10000x16xf32, #tpu.memory_space<vmem_shared>>
      tpu.enqueue_indirect_dma source(%arg19 : memref<80x16xf32, #tpu.memory_space<vmem>>) target(%dma_start3A_109 : memref<10000x16xf32, #tpu.memory_space<vmem_shared>>) offsets(%dma_start3A_106 : memref<80xi32, #tpu.memory_space<vmem>>) semaphore(%arg26 : memref<!tpu.dma_semaphore, #tpu.memory_space<semaphore_mem>>) {add = true}
      %add3A_110 = arith.constant 4 : i32
      %add3A_111 = arith.addi %add3A_88, %add3A_110 : i32
      %lt3A = arith.constant 125 : i32
      %lt3A_112 = arith.cmpi slt, %add3A_111, %lt3A : i32
      %convert_element_type3A_113 = arith.extui %lt3A_112 : i1 to i32
      %cond3A_114 = arith.constant 0 : i32
      %cond3A_115 = arith.cmpi ne, %convert_element_type3A_113, %cond3A_114 : i32
      scf.if %cond3A_115 {
        %add3A_222 = arith.constant 4 : i32
        %add3A_223 = arith.addi %add3A_88, %add3A_222 : i32
        %mul3A_224 = arith.constant 80 : i32
        %mul3A_225 = arith.muli %add3A_223, %mul3A_224 : i32
        %dma_start3A_226 = tpu.memref_slice %arg10[%mul3A_225] : memref<10000xi32, #tpu.memory_space<vmem>> -> memref<80xi32, #tpu.memory_space<vmem>>
        %dma_start3A_227 = arith.constant 0 : i32
        %dma_start3A_228 = arith.constant 0 : i32
        %dma_start3A_229 = tpu.memref_slice %arg4[%dma_start3A_227, %dma_start3A_228] : memref<10000x16xf32, #tpu.memory_space<hbm>> -> memref<10000x16xf32, #tpu.memory_space<hbm>>
        tpu.enqueue_indirect_dma source(%dma_start3A_229 : memref<10000x16xf32, #tpu.memory_space<hbm>>) target(%arg12 : memref<80x16xf32, #tpu.memory_space<vmem>>) offsets(%dma_start3A_226 : memref<80xi32, #tpu.memory_space<vmem>>) semaphore(%arg22 : memref<!tpu.dma_semaphore, #tpu.memory_space<semaphore_mem>>)
      } else {
      }
      %mul3A_116 = arith.constant 4 : i32
      %mul3A_117 = arith.muli %mul3A_116, %scan3A_84 : i32
      %add3A_118 = arith.constant 1 : i32
      %add3A_119 = arith.addi %mul3A_117, %add3A_118 : i32
      %dma_wait3A_120 = arith.constant 0 : i32
      %dma_wait3A_121 = arith.constant 0 : i32
      %dma_wait3A_122 = tpu.memref_slice %arg4[%dma_wait3A_120, %dma_wait3A_121] : memref<10000x16xf32, #tpu.memory_space<hbm>> -> memref<80x16xf32, #tpu.memory_space<hbm>>
      %dma_wait3A_123 = arith.constant 0 : i32
      %dma_wait3A_124 = arith.constant 0 : i32
      %dma_wait3A_125 = tpu.memref_slice %arg4[%dma_wait3A_123, %dma_wait3A_124] : memref<10000x16xf32, #tpu.memory_space<hbm>> -> memref<80x16xf32, #tpu.memory_space<hbm>>
      tpu.wait_dma2 semaphore(%arg23 : memref<!tpu.dma_semaphore, #tpu.memory_space<semaphore_mem>>) src(%dma_wait3A_125 : memref<80x16xf32, #tpu.memory_space<hbm>>) dst(%arg13 : memref<80x16xf32, #tpu.memory_space<vmem>>)
      %gt3A_126 = arith.constant 0 : i32
      %gt3A_127 = arith.cmpi sgt, %scan3A_84, %gt3A_126 : i32
      %convert_element_type3A_128 = arith.extui %gt3A_127 : i1 to i32
      %cond3A_129 = arith.constant 0 : i32
      %cond3A_130 = arith.cmpi ne, %convert_element_type3A_128, %cond3A_129 : i32
      scf.if %cond3A_130 {
        %mul3A_222 = arith.constant 80 : i32
        %mul3A_223 = arith.muli %add3A_119, %mul3A_222 : i32
        %dma_wait3A_224 = tpu.memref_slice %arg11[%mul3A_223] : memref<10000xi32, #tpu.memory_space<vmem>> -> memref<80xi32, #tpu.memory_space<vmem>>
        %dma_wait3A_225 = arith.constant 0 : i32
        %dma_wait3A_226 = arith.constant 0 : i32
        %dma_wait3A_227 = tpu.memref_slice %arg9[%dma_wait3A_225, %dma_wait3A_226] : memref<10000x16xf32, #tpu.memory_space<vmem_shared>> -> memref<10000x16xf32, #tpu.memory_space<vmem_shared>>
        tpu.wait_indirect_dma semaphore(%arg27 : memref<!tpu.dma_semaphore, #tpu.memory_space<semaphore_mem>>) src(%arg20 : memref<80x16xf32, #tpu.memory_space<vmem>>) dst(%dma_wait3A_227 : memref<10000x16xf32, #tpu.memory_space<vmem_shared>>)
      } else {
      }
      %parallel_loop3A_131 = arith.constant 0 : i32
      %parallel_loop3A_132 = arith.constant 5 : i32
      %parallel_loop3A_133 = arith.constant 1 : i32
      scf.for %parallel_loop3A_222 = %parallel_loop3A_131 to %parallel_loop3A_132 step %parallel_loop3A_133  : i32 {
        %parallel_loop3A_223 = arith.constant 80 : i32
        %parallel_loop3A_224 = arith.muli %add3A_119, %parallel_loop3A_223 : i32
        %parallel_loop3A_225 = arith.constant 16 : i32
        %parallel_loop3A_226 = arith.muli %parallel_loop3A_222, %parallel_loop3A_225 : i32
        %parallel_loop3A_227 = arith.addi %parallel_loop3A_224, %parallel_loop3A_226 : i32
        %parallel_loop3A_228 = arith.index_cast %parallel_loop3A_227 : i32 to index
        %parallel_loop3A_229 = tpu.vector_load %arg10[%parallel_loop3A_228] {strides = array<i32>} : memref<10000xi32, #tpu.memory_space<vmem>>, vector<16xi32>,
        %parallel_loop3A_230 = tpu.vector_load_idx %arg16[%parallel_loop3A_229] : memref<10000xf32, #tpu.memory_space<vmem>>[vector<16xi32>], vector<16xf32>,
        %parallel_loop3A_231 = arith.index_cast %parallel_loop3A_227 : i32 to index
        %parallel_loop3A_232 = tpu.vector_load %arg11[%parallel_loop3A_231] {strides = array<i32>} : memref<10000xi32, #tpu.memory_space<vmem>>, vector<16xi32>,
        %parallel_loop3A_233 = tpu.vector_load_idx %arg17[%parallel_loop3A_232] : memref<10000xf32, #tpu.memory_space<vmem>>[vector<16xi32>], vector<16xf32>,
        %parallel_loop3A_234 = arith.addf %parallel_loop3A_230, %parallel_loop3A_233 : vector<16xf32>
        %parallel_loop3A_235 = arith.constant 0.000000e+00 : f32
        %parallel_loop3A_236 = vector.broadcast %parallel_loop3A_235 : f32 to vector<16xf32>
        %parallel_loop3A_237 = arith.cmpf ogt, %parallel_loop3A_234, %parallel_loop3A_236 : vector<16xf32>
        %parallel_loop3A_238 = arith.constant 2.000000e-01 : f32
        %parallel_loop3A_239 = vector.broadcast %parallel_loop3A_238 : f32 to vector<16xf32>
        %parallel_loop3A_240 = arith.mulf %parallel_loop3A_239, %parallel_loop3A_234 : vector<16xf32>
        %parallel_loop3A_241 = arith.select %parallel_loop3A_237, %parallel_loop3A_234, %parallel_loop3A_240 : vector<16xi1>, vector<16xf32>
        %parallel_loop3A_242 = arith.subf %parallel_loop3A_241, %get3A_27 : vector<16xf32>
        %parallel_loop3A_243 = math.exp %parallel_loop3A_242 : vector<16xf32>
        %parallel_loop3A_244 = arith.constant 16 : i32
        %parallel_loop3A_245 = arith.muli %parallel_loop3A_222, %parallel_loop3A_244 : i32
        %parallel_loop3A_246 = arith.index_cast %parallel_loop3A_245 : i32 to index
        %parallel_loop3A_247 = tpu.vector_load %arg18[%parallel_loop3A_246] {strides = array<i32>} : memref<80xf32, #tpu.memory_space<vmem>>, vector<16xf32>,
        tpu.vector_store %arg18[%parallel_loop3A_246], %parallel_loop3A_243 {strides = array<i32>} : memref<80xf32, #tpu.memory_space<vmem>>, vector<16xf32>,
      } {sc.loop_unroll_factor = 2 : i64, sc.parallel_access}
      %parallel_loop3A_134 = arith.constant 0 : i32
      %parallel_loop3A_135 = arith.constant 80 : i32
      %parallel_loop3A_136 = arith.constant 1 : i32
      scf.for %parallel_loop3A_222 = %parallel_loop3A_134 to %parallel_loop3A_135 step %parallel_loop3A_136  : i32 {
        %parallel_loop3A_223 = vector.broadcast %parallel_loop3A_222 : i32 to vector<16xi32>
        %parallel_loop3A_224 = tpu.vector_load_idx %arg18[%parallel_loop3A_223] : memref<80xf32, #tpu.memory_space<vmem>>[vector<16xi32>], vector<16xf32>,
        %parallel_loop3A_225 = arith.index_cast %parallel_loop3A_222 : i32 to index
        %parallel_loop3A_226 = arith.constant 0 : index
        %parallel_loop3A_227 = tpu.vector_load %arg13[%parallel_loop3A_225, %parallel_loop3A_226] {strides = array<i32>} : memref<80x16xf32, #tpu.memory_space<vmem>>, vector<16xf32>,
        %parallel_loop3A_228 = arith.constant 10 : i32
        %parallel_loop3A_229 = vector.broadcast %parallel_loop3A_228 : i32 to vector<16xi32>
        %parallel_loop3A_230 = arith.cmpi slt, %iota3A, %parallel_loop3A_229 : vector<16xi32>
        %parallel_loop3A_231 = arith.mulf %parallel_loop3A_227, %parallel_loop3A_224 : vector<16xf32>
        %parallel_loop3A_232 = arith.constant 11 : i32
        %parallel_loop3A_233 = vector.broadcast %parallel_loop3A_232 : i32 to vector<16xi32>
        %parallel_loop3A_234 = arith.cmpi slt, %iota3A, %parallel_loop3A_233 : vector<16xi32>
        %parallel_loop3A_235 = arith.constant 0.000000e+00 : f32
        %parallel_loop3A_236 = vector.broadcast %parallel_loop3A_235 : f32 to vector<16xf32>
        %parallel_loop3A_237 = arith.select %parallel_loop3A_234, %parallel_loop3A_224, %parallel_loop3A_236 : vector<16xi1>, vector<16xf32>
        %parallel_loop3A_238 = arith.select %parallel_loop3A_230, %parallel_loop3A_231, %parallel_loop3A_237 : vector<16xi1>, vector<16xf32>
        %parallel_loop3A_239 = arith.index_cast %parallel_loop3A_222 : i32 to index
        %parallel_loop3A_240 = arith.constant 0 : index
        %parallel_loop3A_241 = tpu.vector_load %arg20[%parallel_loop3A_239, %parallel_loop3A_240] {strides = array<i32>} : memref<80x16xf32, #tpu.memory_space<vmem>>, vector<16xf32>,
        tpu.vector_store %arg20[%parallel_loop3A_239, %parallel_loop3A_240], %parallel_loop3A_238 {strides = array<i32>} : memref<80x16xf32, #tpu.memory_space<vmem>>, vector<16xf32>,
      } {sc.loop_unroll_factor = 4 : i64, sc.parallel_access}
      %mul3A_137 = arith.constant 80 : i32
      %mul3A_138 = arith.muli %add3A_119, %mul3A_137 : i32
      %dma_start3A_139 = tpu.memref_slice %arg11[%mul3A_138] : memref<10000xi32, #tpu.memory_space<vmem>> -> memref<80xi32, #tpu.memory_space<vmem>>
      %dma_start3A_140 = arith.constant 0 : i32
      %dma_start3A_141 = arith.constant 0 : i32
      %dma_start3A_142 = tpu.memref_slice %arg9[%dma_start3A_140, %dma_start3A_141] : memref<10000x16xf32, #tpu.memory_space<vmem_shared>> -> memref<10000x16xf32, #tpu.memory_space<vmem_shared>>
      tpu.enqueue_indirect_dma source(%arg20 : memref<80x16xf32, #tpu.memory_space<vmem>>) target(%dma_start3A_142 : memref<10000x16xf32, #tpu.memory_space<vmem_shared>>) offsets(%dma_start3A_139 : memref<80xi32, #tpu.memory_space<vmem>>) semaphore(%arg27 : memref<!tpu.dma_semaphore, #tpu.memory_space<semaphore_mem>>) {add = true}
      %add3A_143 = arith.constant 4 : i32
      %add3A_144 = arith.addi %add3A_119, %add3A_143 : i32
      %lt3A_145 = arith.constant 125 : i32
      %lt3A_146 = arith.cmpi slt, %add3A_144, %lt3A_145 : i32
      %convert_element_type3A_147 = arith.extui %lt3A_146 : i1 to i32
      %cond3A_148 = arith.constant 0 : i32
      %cond3A_149 = arith.cmpi ne, %convert_element_type3A_147, %cond3A_148 : i32
      scf.if %cond3A_149 {
        %add3A_222 = arith.constant 4 : i32
        %add3A_223 = arith.addi %add3A_119, %add3A_222 : i32
        %mul3A_224 = arith.constant 80 : i32
        %mul3A_225 = arith.muli %add3A_223, %mul3A_224 : i32
        %dma_start3A_226 = tpu.memref_slice %arg10[%mul3A_225] : memref<10000xi32, #tpu.memory_space<vmem>> -> memref<80xi32, #tpu.memory_space<vmem>>
        %dma_start3A_227 = arith.constant 0 : i32
        %dma_start3A_228 = arith.constant 0 : i32
        %dma_start3A_229 = tpu.memref_slice %arg4[%dma_start3A_227, %dma_start3A_228] : memref<10000x16xf32, #tpu.memory_space<hbm>> -> memref<10000x16xf32, #tpu.memory_space<hbm>>
        tpu.enqueue_indirect_dma source(%dma_start3A_229 : memref<10000x16xf32, #tpu.memory_space<hbm>>) target(%arg13 : memref<80x16xf32, #tpu.memory_space<vmem>>) offsets(%dma_start3A_226 : memref<80xi32, #tpu.memory_space<vmem>>) semaphore(%arg23 : memref<!tpu.dma_semaphore, #tpu.memory_space<semaphore_mem>>)
      } else {
      }
      %mul3A_150 = arith.constant 4 : i32
      %mul3A_151 = arith.muli %mul3A_150, %scan3A_84 : i32
      %add3A_152 = arith.constant 2 : i32
      %add3A_153 = arith.addi %mul3A_151, %add3A_152 : i32
      %dma_wait3A_154 = arith.constant 0 : i32
      %dma_wait3A_155 = arith.constant 0 : i32
      %dma_wait3A_156 = tpu.memref_slice %arg4[%dma_wait3A_154, %dma_wait3A_155] : memref<10000x16xf32, #tpu.memory_space<hbm>> -> memref<80x16xf32, #tpu.memory_space<hbm>>
      %dma_wait3A_157 = arith.constant 0 : i32
      %dma_wait3A_158 = arith.constant 0 : i32
      %dma_wait3A_159 = tpu.memref_slice %arg4[%dma_wait3A_157, %dma_wait3A_158] : memref<10000x16xf32, #tpu.memory_space<hbm>> -> memref<80x16xf32, #tpu.memory_space<hbm>>
      tpu.wait_dma2 semaphore(%arg24 : memref<!tpu.dma_semaphore, #tpu.memory_space<semaphore_mem>>) src(%dma_wait3A_159 : memref<80x16xf32, #tpu.memory_space<hbm>>) dst(%arg14 : memref<80x16xf32, #tpu.memory_space<vmem>>)
      %cond3A_160 = arith.constant 1 : i32
      %mul3A_161 = arith.constant 80 : i32
      %mul3A_162 = arith.muli %add3A_153, %mul3A_161 : i32
      %dma_wait3A_163 = tpu.memref_slice %arg11[%mul3A_162] : memref<10000xi32, #tpu.memory_space<vmem>> -> memref<80xi32, #tpu.memory_space<vmem>>
      %dma_wait3A_164 = arith.constant 0 : i32
      %dma_wait3A_165 = arith.constant 0 : i32
      %dma_wait3A_166 = tpu.memref_slice %arg9[%dma_wait3A_164, %dma_wait3A_165] : memref<10000x16xf32, #tpu.memory_space<vmem_shared>> -> memref<10000x16xf32, #tpu.memory_space<vmem_shared>>
      tpu.wait_indirect_dma semaphore(%arg26 : memref<!tpu.dma_semaphore, #tpu.memory_space<semaphore_mem>>) src(%arg19 : memref<80x16xf32, #tpu.memory_space<vmem>>) dst(%dma_wait3A_166 : memref<10000x16xf32, #tpu.memory_space<vmem_shared>>)
      %parallel_loop3A_167 = arith.constant 0 : i32
      %parallel_loop3A_168 = arith.constant 5 : i32
      %parallel_loop3A_169 = arith.constant 1 : i32
      scf.for %parallel_loop3A_222 = %parallel_loop3A_167 to %parallel_loop3A_168 step %parallel_loop3A_169  : i32 {
        %parallel_loop3A_223 = arith.constant 80 : i32
        %parallel_loop3A_224 = arith.muli %add3A_153, %parallel_loop3A_223 : i32
        %parallel_loop3A_225 = arith.constant 16 : i32
        %parallel_loop3A_226 = arith.muli %parallel_loop3A_222, %parallel_loop3A_225 : i32
        %parallel_loop3A_227 = arith.addi %parallel_loop3A_224, %parallel_loop3A_226 : i32
        %parallel_loop3A_228 = arith.index_cast %parallel_loop3A_227 : i32 to index
        %parallel_loop3A_229 = tpu.vector_load %arg10[%parallel_loop3A_228] {strides = array<i32>} : memref<10000xi32, #tpu.memory_space<vmem>>, vector<16xi32>,
        %parallel_loop3A_230 = tpu.vector_load_idx %arg16[%parallel_loop3A_229] : memref<10000xf32, #tpu.memory_space<vmem>>[vector<16xi32>], vector<16xf32>,
        %parallel_loop3A_231 = arith.index_cast %parallel_loop3A_227 : i32 to index
        %parallel_loop3A_232 = tpu.vector_load %arg11[%parallel_loop3A_231] {strides = array<i32>} : memref<10000xi32, #tpu.memory_space<vmem>>, vector<16xi32>,
        %parallel_loop3A_233 = tpu.vector_load_idx %arg17[%parallel_loop3A_232] : memref<10000xf32, #tpu.memory_space<vmem>>[vector<16xi32>], vector<16xf32>,
        %parallel_loop3A_234 = arith.addf %parallel_loop3A_230, %parallel_loop3A_233 : vector<16xf32>
        %parallel_loop3A_235 = arith.constant 0.000000e+00 : f32
        %parallel_loop3A_236 = vector.broadcast %parallel_loop3A_235 : f32 to vector<16xf32>
        %parallel_loop3A_237 = arith.cmpf ogt, %parallel_loop3A_234, %parallel_loop3A_236 : vector<16xf32>
        %parallel_loop3A_238 = arith.constant 2.000000e-01 : f32
        %parallel_loop3A_239 = vector.broadcast %parallel_loop3A_238 : f32 to vector<16xf32>
        %parallel_loop3A_240 = arith.mulf %parallel_loop3A_239, %parallel_loop3A_234 : vector<16xf32>
        %parallel_loop3A_241 = arith.select %parallel_loop3A_237, %parallel_loop3A_234, %parallel_loop3A_240 : vector<16xi1>, vector<16xf32>
        %parallel_loop3A_242 = arith.subf %parallel_loop3A_241, %get3A_27 : vector<16xf32>
        %parallel_loop3A_243 = math.exp %parallel_loop3A_242 : vector<16xf32>
        %parallel_loop3A_244 = arith.constant 16 : i32
        %parallel_loop3A_245 = arith.muli %parallel_loop3A_222, %parallel_loop3A_244 : i32
        %parallel_loop3A_246 = arith.index_cast %parallel_loop3A_245 : i32 to index
        %parallel_loop3A_247 = tpu.vector_load %arg18[%parallel_loop3A_246] {strides = array<i32>} : memref<80xf32, #tpu.memory_space<vmem>>, vector<16xf32>,
        tpu.vector_store %arg18[%parallel_loop3A_246], %parallel_loop3A_243 {strides = array<i32>} : memref<80xf32, #tpu.memory_space<vmem>>, vector<16xf32>,
      } {sc.loop_unroll_factor = 2 : i64, sc.parallel_access}
      %parallel_loop3A_170 = arith.constant 0 : i32
      %parallel_loop3A_171 = arith.constant 80 : i32
      %parallel_loop3A_172 = arith.constant 1 : i32
      scf.for %parallel_loop3A_222 = %parallel_loop3A_170 to %parallel_loop3A_171 step %parallel_loop3A_172  : i32 {
        %parallel_loop3A_223 = vector.broadcast %parallel_loop3A_222 : i32 to vector<16xi32>
        %parallel_loop3A_224 = tpu.vector_load_idx %arg18[%parallel_loop3A_223] : memref<80xf32, #tpu.memory_space<vmem>>[vector<16xi32>], vector<16xf32>,
        %parallel_loop3A_225 = arith.index_cast %parallel_loop3A_222 : i32 to index
        %parallel_loop3A_226 = arith.constant 0 : index
        %parallel_loop3A_227 = tpu.vector_load %arg14[%parallel_loop3A_225, %parallel_loop3A_226] {strides = array<i32>} : memref<80x16xf32, #tpu.memory_space<vmem>>, vector<16xf32>,
        %parallel_loop3A_228 = arith.constant 10 : i32
        %parallel_loop3A_229 = vector.broadcast %parallel_loop3A_228 : i32 to vector<16xi32>
        %parallel_loop3A_230 = arith.cmpi slt, %iota3A, %parallel_loop3A_229 : vector<16xi32>
        %parallel_loop3A_231 = arith.mulf %parallel_loop3A_227, %parallel_loop3A_224 : vector<16xf32>
        %parallel_loop3A_232 = arith.constant 11 : i32
        %parallel_loop3A_233 = vector.broadcast %parallel_loop3A_232 : i32 to vector<16xi32>
        %parallel_loop3A_234 = arith.cmpi slt, %iota3A, %parallel_loop3A_233 : vector<16xi32>
        %parallel_loop3A_235 = arith.constant 0.000000e+00 : f32
        %parallel_loop3A_236 = vector.broadcast %parallel_loop3A_235 : f32 to vector<16xf32>
        %parallel_loop3A_237 = arith.select %parallel_loop3A_234, %parallel_loop3A_224, %parallel_loop3A_236 : vector<16xi1>, vector<16xf32>
        %parallel_loop3A_238 = arith.select %parallel_loop3A_230, %parallel_loop3A_231, %parallel_loop3A_237 : vector<16xi1>, vector<16xf32>
        %parallel_loop3A_239 = arith.index_cast %parallel_loop3A_222 : i32 to index
        %parallel_loop3A_240 = arith.constant 0 : index
        %parallel_loop3A_241 = tpu.vector_load %arg19[%parallel_loop3A_239, %parallel_loop3A_240] {strides = array<i32>} : memref<80x16xf32, #tpu.memory_space<vmem>>, vector<16xf32>,
        tpu.vector_store %arg19[%parallel_loop3A_239, %parallel_loop3A_240], %parallel_loop3A_238 {strides = array<i32>} : memref<80x16xf32, #tpu.memory_space<vmem>>, vector<16xf32>,
      } {sc.loop_unroll_factor = 4 : i64, sc.parallel_access}
      %mul3A_173 = arith.constant 80 : i32
      %mul3A_174 = arith.muli %add3A_153, %mul3A_173 : i32
      %dma_start3A_175 = tpu.memref_slice %arg11[%mul3A_174] : memref<10000xi32, #tpu.memory_space<vmem>> -> memref<80xi32, #tpu.memory_space<vmem>>
      %dma_start3A_176 = arith.constant 0 : i32
      %dma_start3A_177 = arith.constant 0 : i32
      %dma_start3A_178 = tpu.memref_slice %arg9[%dma_start3A_176, %dma_start3A_177] : memref<10000x16xf32, #tpu.memory_space<vmem_shared>> -> memref<10000x16xf32, #tpu.memory_space<vmem_shared>>
      tpu.enqueue_indirect_dma source(%arg19 : memref<80x16xf32, #tpu.memory_space<vmem>>) target(%dma_start3A_178 : memref<10000x16xf32, #tpu.memory_space<vmem_shared>>) offsets(%dma_start3A_175 : memref<80xi32, #tpu.memory_space<vmem>>) semaphore(%arg26 : memref<!tpu.dma_semaphore, #tpu.memory_space<semaphore_mem>>) {add = true}
      %add3A_179 = arith.constant 4 : i32
      %add3A_180 = arith.addi %add3A_153, %add3A_179 : i32
      %lt3A_181 = arith.constant 125 : i32
      %lt3A_182 = arith.cmpi slt, %add3A_180, %lt3A_181 : i32
      %convert_element_type3A_183 = arith.extui %lt3A_182 : i1 to i32
      %cond3A_184 = arith.constant 0 : i32
      %cond3A_185 = arith.cmpi ne, %convert_element_type3A_183, %cond3A_184 : i32
      scf.if %cond3A_185 {
        %add3A_222 = arith.constant 4 : i32
        %add3A_223 = arith.addi %add3A_153, %add3A_222 : i32
        %mul3A_224 = arith.constant 80 : i32
        %mul3A_225 = arith.muli %add3A_223, %mul3A_224 : i32
        %dma_start3A_226 = tpu.memref_slice %arg10[%mul3A_225] : memref<10000xi32, #tpu.memory_space<vmem>> -> memref<80xi32, #tpu.memory_space<vmem>>
        %dma_start3A_227 = arith.constant 0 : i32
        %dma_start3A_228 = arith.constant 0 : i32
        %dma_start3A_229 = tpu.memref_slice %arg4[%dma_start3A_227, %dma_start3A_228] : memref<10000x16xf32, #tpu.memory_space<hbm>> -> memref<10000x16xf32, #tpu.memory_space<hbm>>
        tpu.enqueue_indirect_dma source(%dma_start3A_229 : memref<10000x16xf32, #tpu.memory_space<hbm>>) target(%arg14 : memref<80x16xf32, #tpu.memory_space<vmem>>) offsets(%dma_start3A_226 : memref<80xi32, #tpu.memory_space<vmem>>) semaphore(%arg24 : memref<!tpu.dma_semaphore, #tpu.memory_space<semaphore_mem>>)
      } else {
      }
      %mul3A_186 = arith.constant 4 : i32
      %mul3A_187 = arith.muli %mul3A_186, %scan3A_84 : i32
      %add3A_188 = arith.constant 3 : i32
      %add3A_189 = arith.addi %mul3A_187, %add3A_188 : i32
      %dma_wait3A_190 = arith.constant 0 : i32
      %dma_wait3A_191 = arith.constant 0 : i32
      %dma_wait3A_192 = tpu.memref_slice %arg4[%dma_wait3A_190, %dma_wait3A_191] : memref<10000x16xf32, #tpu.memory_space<hbm>> -> memref<80x16xf32, #tpu.memory_space<hbm>>
      %dma_wait3A_193 = arith.constant 0 : i32
      %dma_wait3A_194 = arith.constant 0 : i32
      %dma_wait3A_195 = tpu.memref_slice %arg4[%dma_wait3A_193, %dma_wait3A_194] : memref<10000x16xf32, #tpu.memory_space<hbm>> -> memref<80x16xf32, #tpu.memory_space<hbm>>
      tpu.wait_dma2 semaphore(%arg25 : memref<!tpu.dma_semaphore, #tpu.memory_space<semaphore_mem>>) src(%dma_wait3A_195 : memref<80x16xf32, #tpu.memory_space<hbm>>) dst(%arg15 : memref<80x16xf32, #tpu.memory_space<vmem>>)
      %cond3A_196 = arith.constant 1 : i32
      %mul3A_197 = arith.constant 80 : i32
      %mul3A_198 = arith.muli %add3A_189, %mul3A_197 : i32
      %dma_wait3A_199 = tpu.memref_slice %arg11[%mul3A_198] : memref<10000xi32, #tpu.memory_space<vmem>> -> memref<80xi32, #tpu.memory_space<vmem>>
      %dma_wait3A_200 = arith.constant 0 : i32
      %dma_wait3A_201 = arith.constant 0 : i32
      %dma_wait3A_202 = tpu.memref_slice %arg9[%dma_wait3A_200, %dma_wait3A_201] : memref<10000x16xf32, #tpu.memory_space<vmem_shared>> -> memref<10000x16xf32, #tpu.memory_space<vmem_shared>>
      tpu.wait_indirect_dma semaphore(%arg27 : memref<!tpu.dma_semaphore, #tpu.memory_space<semaphore_mem>>) src(%arg20 : memref<80x16xf32, #tpu.memory_space<vmem>>) dst(%dma_wait3A_202 : memref<10000x16xf32, #tpu.memory_space<vmem_shared>>)
      %parallel_loop3A_203 = arith.constant 0 : i32
      %parallel_loop3A_204 = arith.constant 5 : i32
      %parallel_loop3A_205 = arith.constant 1 : i32
      scf.for %parallel_loop3A_222 = %parallel_loop3A_203 to %parallel_loop3A_204 step %parallel_loop3A_205  : i32 {
        %parallel_loop3A_223 = arith.constant 80 : i32
        %parallel_loop3A_224 = arith.muli %add3A_189, %parallel_loop3A_223 : i32
        %parallel_loop3A_225 = arith.constant 16 : i32
        %parallel_loop3A_226 = arith.muli %parallel_loop3A_222, %parallel_loop3A_225 : i32
        %parallel_loop3A_227 = arith.addi %parallel_loop3A_224, %parallel_loop3A_226 : i32
        %parallel_loop3A_228 = arith.index_cast %parallel_loop3A_227 : i32 to index
        %parallel_loop3A_229 = tpu.vector_load %arg10[%parallel_loop3A_228] {strides = array<i32>} : memref<10000xi32, #tpu.memory_space<vmem>>, vector<16xi32>,
        %parallel_loop3A_230 = tpu.vector_load_idx %arg16[%parallel_loop3A_229] : memref<10000xf32, #tpu.memory_space<vmem>>[vector<16xi32>], vector<16xf32>,
        %parallel_loop3A_231 = arith.index_cast %parallel_loop3A_227 : i32 to index
        %parallel_loop3A_232 = tpu.vector_load %arg11[%parallel_loop3A_231] {strides = array<i32>} : memref<10000xi32, #tpu.memory_space<vmem>>, vector<16xi32>,
        %parallel_loop3A_233 = tpu.vector_load_idx %arg17[%parallel_loop3A_232] : memref<10000xf32, #tpu.memory_space<vmem>>[vector<16xi32>], vector<16xf32>,
        %parallel_loop3A_234 = arith.addf %parallel_loop3A_230, %parallel_loop3A_233 : vector<16xf32>
        %parallel_loop3A_235 = arith.constant 0.000000e+00 : f32
        %parallel_loop3A_236 = vector.broadcast %parallel_loop3A_235 : f32 to vector<16xf32>
        %parallel_loop3A_237 = arith.cmpf ogt, %parallel_loop3A_234, %parallel_loop3A_236 : vector<16xf32>
        %parallel_loop3A_238 = arith.constant 2.000000e-01 : f32
        %parallel_loop3A_239 = vector.broadcast %parallel_loop3A_238 : f32 to vector<16xf32>
        %parallel_loop3A_240 = arith.mulf %parallel_loop3A_239, %parallel_loop3A_234 : vector<16xf32>
        %parallel_loop3A_241 = arith.select %parallel_loop3A_237, %parallel_loop3A_234, %parallel_loop3A_240 : vector<16xi1>, vector<16xf32>
        %parallel_loop3A_242 = arith.subf %parallel_loop3A_241, %get3A_27 : vector<16xf32>
        %parallel_loop3A_243 = math.exp %parallel_loop3A_242 : vector<16xf32>
        %parallel_loop3A_244 = arith.constant 16 : i32
        %parallel_loop3A_245 = arith.muli %parallel_loop3A_222, %parallel_loop3A_244 : i32
        %parallel_loop3A_246 = arith.index_cast %parallel_loop3A_245 : i32 to index
        %parallel_loop3A_247 = tpu.vector_load %arg18[%parallel_loop3A_246] {strides = array<i32>} : memref<80xf32, #tpu.memory_space<vmem>>, vector<16xf32>,
        tpu.vector_store %arg18[%parallel_loop3A_246], %parallel_loop3A_243 {strides = array<i32>} : memref<80xf32, #tpu.memory_space<vmem>>, vector<16xf32>,
      } {sc.loop_unroll_factor = 2 : i64, sc.parallel_access}
      %parallel_loop3A_206 = arith.constant 0 : i32
      %parallel_loop3A_207 = arith.constant 80 : i32
      %parallel_loop3A_208 = arith.constant 1 : i32
      scf.for %parallel_loop3A_222 = %parallel_loop3A_206 to %parallel_loop3A_207 step %parallel_loop3A_208  : i32 {
        %parallel_loop3A_223 = vector.broadcast %parallel_loop3A_222 : i32 to vector<16xi32>
        %parallel_loop3A_224 = tpu.vector_load_idx %arg18[%parallel_loop3A_223] : memref<80xf32, #tpu.memory_space<vmem>>[vector<16xi32>], vector<16xf32>,
        %parallel_loop3A_225 = arith.index_cast %parallel_loop3A_222 : i32 to index
        %parallel_loop3A_226 = arith.constant 0 : index
        %parallel_loop3A_227 = tpu.vector_load %arg15[%parallel_loop3A_225, %parallel_loop3A_226] {strides = array<i32>} : memref<80x16xf32, #tpu.memory_space<vmem>>, vector<16xf32>,
        %parallel_loop3A_228 = arith.constant 10 : i32
        %parallel_loop3A_229 = vector.broadcast %parallel_loop3A_228 : i32 to vector<16xi32>
        %parallel_loop3A_230 = arith.cmpi slt, %iota3A, %parallel_loop3A_229 : vector<16xi32>
        %parallel_loop3A_231 = arith.mulf %parallel_loop3A_227, %parallel_loop3A_224 : vector<16xf32>
        %parallel_loop3A_232 = arith.constant 11 : i32
        %parallel_loop3A_233 = vector.broadcast %parallel_loop3A_232 : i32 to vector<16xi32>
        %parallel_loop3A_234 = arith.cmpi slt, %iota3A, %parallel_loop3A_233 : vector<16xi32>
        %parallel_loop3A_235 = arith.constant 0.000000e+00 : f32
        %parallel_loop3A_236 = vector.broadcast %parallel_loop3A_235 : f32 to vector<16xf32>
        %parallel_loop3A_237 = arith.select %parallel_loop3A_234, %parallel_loop3A_224, %parallel_loop3A_236 : vector<16xi1>, vector<16xf32>
        %parallel_loop3A_238 = arith.select %parallel_loop3A_230, %parallel_loop3A_231, %parallel_loop3A_237 : vector<16xi1>, vector<16xf32>
        %parallel_loop3A_239 = arith.index_cast %parallel_loop3A_222 : i32 to index
        %parallel_loop3A_240 = arith.constant 0 : index
        %parallel_loop3A_241 = tpu.vector_load %arg20[%parallel_loop3A_239, %parallel_loop3A_240] {strides = array<i32>} : memref<80x16xf32, #tpu.memory_space<vmem>>, vector<16xf32>,
        tpu.vector_store %arg20[%parallel_loop3A_239, %parallel_loop3A_240], %parallel_loop3A_238 {strides = array<i32>} : memref<80x16xf32, #tpu.memory_space<vmem>>, vector<16xf32>,
      } {sc.loop_unroll_factor = 4 : i64, sc.parallel_access}
      %mul3A_209 = arith.constant 80 : i32
      %mul3A_210 = arith.muli %add3A_189, %mul3A_209 : i32
      %dma_start3A_211 = tpu.memref_slice %arg11[%mul3A_210] : memref<10000xi32, #tpu.memory_space<vmem>> -> memref<80xi32, #tpu.memory_space<vmem>>
      %dma_start3A_212 = arith.constant 0 : i32
      %dma_start3A_213 = arith.constant 0 : i32
      %dma_start3A_214 = tpu.memref_slice %arg9[%dma_start3A_212, %dma_start3A_213] : memref<10000x16xf32, #tpu.memory_space<vmem_shared>> -> memref<10000x16xf32, #tpu.memory_space<vmem_shared>>
      tpu.enqueue_indirect_dma source(%arg20 : memref<80x16xf32, #tpu.memory_space<vmem>>) target(%dma_start3A_214 : memref<10000x16xf32, #tpu.memory_space<vmem_shared>>) offsets(%dma_start3A_211 : memref<80xi32, #tpu.memory_space<vmem>>) semaphore(%arg27 : memref<!tpu.dma_semaphore, #tpu.memory_space<semaphore_mem>>) {add = true}
      %add3A_215 = arith.constant 4 : i32
      %add3A_216 = arith.addi %add3A_189, %add3A_215 : i32
      %lt3A_217 = arith.constant 125 : i32
      %lt3A_218 = arith.cmpi slt, %add3A_216, %lt3A_217 : i32
      %convert_element_type3A_219 = arith.extui %lt3A_218 : i1 to i32
      %cond3A_220 = arith.constant 0 : i32
      %cond3A_221 = arith.cmpi ne, %convert_element_type3A_219, %cond3A_220 : i32
      scf.if %cond3A_221 {
        %add3A_222 = arith.constant 4 : i32
        %add3A_223 = arith.addi %add3A_189, %add3A_222 : i32
        %mul3A_224 = arith.constant 80 : i32
        %mul3A_225 = arith.muli %add3A_223, %mul3A_224 : i32
        %dma_start3A_226 = tpu.memref_slice %arg10[%mul3A_225] : memref<10000xi32, #tpu.memory_space<vmem>> -> memref<80xi32, #tpu.memory_space<vmem>>
        %dma_start3A_227 = arith.constant 0 : i32
        %dma_start3A_228 = arith.constant 0 : i32
        %dma_start3A_229 = tpu.memref_slice %arg4[%dma_start3A_227, %dma_start3A_228] : memref<10000x16xf32, #tpu.memory_space<hbm>> -> memref<10000x16xf32, #tpu.memory_space<hbm>>
        tpu.enqueue_indirect_dma source(%dma_start3A_229 : memref<10000x16xf32, #tpu.memory_space<hbm>>) target(%arg15 : memref<80x16xf32, #tpu.memory_space<vmem>>) offsets(%dma_start3A_226 : memref<80xi32, #tpu.memory_space<vmem>>) semaphore(%arg25 : memref<!tpu.dma_semaphore, #tpu.memory_space<semaphore_mem>>)
      } else {
      }
    }
    %scan3A_52 = arith.constant 31 : i32
    %dma_wait3A = arith.constant 0 : i32
    %dma_wait3A_53 = arith.constant 0 : i32
    %dma_wait3A_54 = tpu.memref_slice %arg4[%dma_wait3A, %dma_wait3A_53] : memref<10000x16xf32, #tpu.memory_space<hbm>> -> memref<80x16xf32, #tpu.memory_space<hbm>>
    %dma_wait3A_55 = arith.constant 0 : i32
    %dma_wait3A_56 = arith.constant 0 : i32
    %dma_wait3A_57 = tpu.memref_slice %arg4[%dma_wait3A_55, %dma_wait3A_56] : memref<10000x16xf32, #tpu.memory_space<hbm>> -> memref<80x16xf32, #tpu.memory_space<hbm>>
    tpu.wait_dma2 semaphore(%arg22 : memref<!tpu.dma_semaphore, #tpu.memory_space<semaphore_mem>>) src(%dma_wait3A_57 : memref<80x16xf32, #tpu.memory_space<hbm>>) dst(%arg12 : memref<80x16xf32, #tpu.memory_space<vmem>>)
    %cond3A = arith.constant 1 : i32
    %dma_wait3A_58 = arith.constant 9920 : i32
    %dma_wait3A_59 = tpu.memref_slice %arg11[%dma_wait3A_58] : memref<10000xi32, #tpu.memory_space<vmem>> -> memref<80xi32, #tpu.memory_space<vmem>>
    %dma_wait3A_60 = arith.constant 0 : i32
    %dma_wait3A_61 = arith.constant 0 : i32
    %dma_wait3A_62 = tpu.memref_slice %arg9[%dma_wait3A_60, %dma_wait3A_61] : memref<10000x16xf32, #tpu.memory_space<vmem_shared>> -> memref<10000x16xf32, #tpu.memory_space<vmem_shared>>
    tpu.wait_indirect_dma semaphore(%arg26 : memref<!tpu.dma_semaphore, #tpu.memory_space<semaphore_mem>>) src(%arg19 : memref<80x16xf32, #tpu.memory_space<vmem>>) dst(%dma_wait3A_62 : memref<10000x16xf32, #tpu.memory_space<vmem_shared>>)
    %parallel_loop3A = arith.constant 0 : i32
    %parallel_loop3A_63 = arith.constant 5 : i32
    %parallel_loop3A_64 = arith.constant 1 : i32
    scf.for %parallel_loop3A_84 = %parallel_loop3A to %parallel_loop3A_63 step %parallel_loop3A_64  : i32 {
      %parallel_loop3A_85 = arith.constant 16 : i32
      %parallel_loop3A_86 = arith.muli %parallel_loop3A_84, %parallel_loop3A_85 : i32
      %parallel_loop3A_87 = arith.constant 9920 : i32
      %parallel_loop3A_88 = arith.addi %parallel_loop3A_87, %parallel_loop3A_86 : i32
      %parallel_loop3A_89 = arith.index_cast %parallel_loop3A_88 : i32 to index
      %parallel_loop3A_90 = tpu.vector_load %arg10[%parallel_loop3A_89] {strides = array<i32>} : memref<10000xi32, #tpu.memory_space<vmem>>, vector<16xi32>,
      %parallel_loop3A_91 = tpu.vector_load_idx %arg16[%parallel_loop3A_90] : memref<10000xf32, #tpu.memory_space<vmem>>[vector<16xi32>], vector<16xf32>,
      %parallel_loop3A_92 = arith.index_cast %parallel_loop3A_88 : i32 to index
      %parallel_loop3A_93 = tpu.vector_load %arg11[%parallel_loop3A_92] {strides = array<i32>} : memref<10000xi32, #tpu.memory_space<vmem>>, vector<16xi32>,
      %parallel_loop3A_94 = tpu.vector_load_idx %arg17[%parallel_loop3A_93] : memref<10000xf32, #tpu.memory_space<vmem>>[vector<16xi32>], vector<16xf32>,
      %parallel_loop3A_95 = arith.addf %parallel_loop3A_91, %parallel_loop3A_94 : vector<16xf32>
      %parallel_loop3A_96 = arith.constant 0.000000e+00 : f32
      %parallel_loop3A_97 = vector.broadcast %parallel_loop3A_96 : f32 to vector<16xf32>
      %parallel_loop3A_98 = arith.cmpf ogt, %parallel_loop3A_95, %parallel_loop3A_97 : vector<16xf32>
      %parallel_loop3A_99 = arith.constant 2.000000e-01 : f32
      %parallel_loop3A_100 = vector.broadcast %parallel_loop3A_99 : f32 to vector<16xf32>
      %parallel_loop3A_101 = arith.mulf %parallel_loop3A_100, %parallel_loop3A_95 : vector<16xf32>
      %parallel_loop3A_102 = arith.select %parallel_loop3A_98, %parallel_loop3A_95, %parallel_loop3A_101 : vector<16xi1>, vector<16xf32>
      %parallel_loop3A_103 = arith.subf %parallel_loop3A_102, %get3A_27 : vector<16xf32>
      %parallel_loop3A_104 = math.exp %parallel_loop3A_103 : vector<16xf32>
      %parallel_loop3A_105 = arith.constant 16 : i32
      %parallel_loop3A_106 = arith.muli %parallel_loop3A_84, %parallel_loop3A_105 : i32
      %parallel_loop3A_107 = arith.index_cast %parallel_loop3A_106 : i32 to index
      %parallel_loop3A_108 = tpu.vector_load %arg18[%parallel_loop3A_107] {strides = array<i32>} : memref<80xf32, #tpu.memory_space<vmem>>, vector<16xf32>,
      tpu.vector_store %arg18[%parallel_loop3A_107], %parallel_loop3A_104 {strides = array<i32>} : memref<80xf32, #tpu.memory_space<vmem>>, vector<16xf32>,
    } {sc.loop_unroll_factor = 2 : i64, sc.parallel_access}
    %parallel_loop3A_65 = arith.constant 0 : i32
    %parallel_loop3A_66 = arith.constant 80 : i32
    %parallel_loop3A_67 = arith.constant 1 : i32
    scf.for %parallel_loop3A_84 = %parallel_loop3A_65 to %parallel_loop3A_66 step %parallel_loop3A_67  : i32 {
      %parallel_loop3A_85 = vector.broadcast %parallel_loop3A_84 : i32 to vector<16xi32>
      %parallel_loop3A_86 = tpu.vector_load_idx %arg18[%parallel_loop3A_85] : memref<80xf32, #tpu.memory_space<vmem>>[vector<16xi32>], vector<16xf32>,
      %parallel_loop3A_87 = arith.index_cast %parallel_loop3A_84 : i32 to index
      %parallel_loop3A_88 = arith.constant 0 : index
      %parallel_loop3A_89 = tpu.vector_load %arg12[%parallel_loop3A_87, %parallel_loop3A_88] {strides = array<i32>} : memref<80x16xf32, #tpu.memory_space<vmem>>, vector<16xf32>,
      %parallel_loop3A_90 = arith.constant 10 : i32
      %parallel_loop3A_91 = vector.broadcast %parallel_loop3A_90 : i32 to vector<16xi32>
      %parallel_loop3A_92 = arith.cmpi slt, %iota3A, %parallel_loop3A_91 : vector<16xi32>
      %parallel_loop3A_93 = arith.mulf %parallel_loop3A_89, %parallel_loop3A_86 : vector<16xf32>
      %parallel_loop3A_94 = arith.constant 11 : i32
      %parallel_loop3A_95 = vector.broadcast %parallel_loop3A_94 : i32 to vector<16xi32>
      %parallel_loop3A_96 = arith.cmpi slt, %iota3A, %parallel_loop3A_95 : vector<16xi32>
      %parallel_loop3A_97 = arith.constant 0.000000e+00 : f32
      %parallel_loop3A_98 = vector.broadcast %parallel_loop3A_97 : f32 to vector<16xf32>
      %parallel_loop3A_99 = arith.select %parallel_loop3A_96, %parallel_loop3A_86, %parallel_loop3A_98 : vector<16xi1>, vector<16xf32>
      %parallel_loop3A_100 = arith.select %parallel_loop3A_92, %parallel_loop3A_93, %parallel_loop3A_99 : vector<16xi1>, vector<16xf32>
      %parallel_loop3A_101 = arith.index_cast %parallel_loop3A_84 : i32 to index
      %parallel_loop3A_102 = arith.constant 0 : index
      %parallel_loop3A_103 = tpu.vector_load %arg19[%parallel_loop3A_101, %parallel_loop3A_102] {strides = array<i32>} : memref<80x16xf32, #tpu.memory_space<vmem>>, vector<16xf32>,
      tpu.vector_store %arg19[%parallel_loop3A_101, %parallel_loop3A_102], %parallel_loop3A_100 {strides = array<i32>} : memref<80x16xf32, #tpu.memory_space<vmem>>, vector<16xf32>,
    } {sc.loop_unroll_factor = 4 : i64, sc.parallel_access}
    %dma_start3A_68 = arith.constant 9920 : i32
    %dma_start3A_69 = tpu.memref_slice %arg11[%dma_start3A_68] : memref<10000xi32, #tpu.memory_space<vmem>> -> memref<80xi32, #tpu.memory_space<vmem>>
    %dma_start3A_70 = arith.constant 0 : i32
    %dma_start3A_71 = arith.constant 0 : i32
    %dma_start3A_72 = tpu.memref_slice %arg9[%dma_start3A_70, %dma_start3A_71] : memref<10000x16xf32, #tpu.memory_space<vmem_shared>> -> memref<10000x16xf32, #tpu.memory_space<vmem_shared>>
    tpu.enqueue_indirect_dma source(%arg19 : memref<80x16xf32, #tpu.memory_space<vmem>>) target(%dma_start3A_72 : memref<10000x16xf32, #tpu.memory_space<vmem_shared>>) offsets(%dma_start3A_69 : memref<80xi32, #tpu.memory_space<vmem>>) semaphore(%arg26 : memref<!tpu.dma_semaphore, #tpu.memory_space<semaphore_mem>>) {add = true}
    %dma_wait3A_73 = arith.constant 0 : i32
    %dma_wait3A_74 = tpu.memref_slice %arg11[%dma_wait3A_73] : memref<10000xi32, #tpu.memory_space<vmem>> -> memref<80xi32, #tpu.memory_space<vmem>>
    %dma_wait3A_75 = arith.constant 0 : i32
    %dma_wait3A_76 = arith.constant 0 : i32
    %dma_wait3A_77 = tpu.memref_slice %arg9[%dma_wait3A_75, %dma_wait3A_76] : memref<10000x16xf32, #tpu.memory_space<vmem_shared>> -> memref<10000x16xf32, #tpu.memory_space<vmem_shared>>
    tpu.wait_indirect_dma semaphore(%arg26 : memref<!tpu.dma_semaphore, #tpu.memory_space<semaphore_mem>>) src(%arg19 : memref<80x16xf32, #tpu.memory_space<vmem>>) dst(%dma_wait3A_77 : memref<10000x16xf32, #tpu.memory_space<vmem_shared>>)
    %dma_wait3A_78 = arith.constant 0 : i32
    %dma_wait3A_79 = tpu.memref_slice %arg11[%dma_wait3A_78] : memref<10000xi32, #tpu.memory_space<vmem>> -> memref<80xi32, #tpu.memory_space<vmem>>
    %dma_wait3A_80 = arith.constant 0 : i32
    %dma_wait3A_81 = arith.constant 0 : i32
    %dma_wait3A_82 = tpu.memref_slice %arg9[%dma_wait3A_80, %dma_wait3A_81] : memref<10000x16xf32, #tpu.memory_space<vmem_shared>> -> memref<10000x16xf32, #tpu.memory_space<vmem_shared>>
    tpu.wait_indirect_dma semaphore(%arg27 : memref<!tpu.dma_semaphore, #tpu.memory_space<semaphore_mem>>) src(%arg20 : memref<80x16xf32, #tpu.memory_space<vmem>>) dst(%dma_wait3A_82 : memref<10000x16xf32, #tpu.memory_space<vmem_shared>>)
    %barrier3A_83 = arith.constant 0 : index
    tpu.barrier barrier_id(%barrier3A_83)
    "tpu.region"() ({
      %run_scoped3A = tpu.sem_alloc : memref<!tpu.dma_semaphore, #tpu.memory_space<semaphore_mem>>
      %dma_start3A_84 = arith.constant 0 : i32
      %dma_start3A_85 = tpu.memref_slice %arg8[%arg0, %mul3A_2, %dma_start3A_84] : memref<2x10000x16xf32, #tpu.memory_space<hbm>> -> memref<1x625x16xf32, #tpu.memory_space<hbm>>
      %dma_start3A_86 = tpu.memref_squeeze %dma_start3A_85 : memref<1x625x16xf32, #tpu.memory_space<hbm>> -> memref<625x16xf32, #tpu.memory_space<hbm>>
      %dma_start3A_87 = arith.constant 0 : i32
      %dma_start3A_88 = tpu.memref_slice %arg9[%mul3A_2, %dma_start3A_87] : memref<10000x16xf32, #tpu.memory_space<vmem_shared>> -> memref<625x16xf32, #tpu.memory_space<vmem_shared>>
      tpu.enqueue_dma source(%dma_start3A_88 : memref<625x16xf32, #tpu.memory_space<vmem_shared>>) target(%dma_start3A_86 : memref<625x16xf32, #tpu.memory_space<hbm>>) target_semaphore(%run_scoped3A : memref<!tpu.dma_semaphore, #tpu.memory_space<semaphore_mem>>)
      %dma_wait3A_89 = arith.constant 0 : i32
      %dma_wait3A_90 = tpu.memref_slice %arg8[%arg0, %mul3A_2, %dma_wait3A_89] : memref<2x10000x16xf32, #tpu.memory_space<hbm>> -> memref<1x625x16xf32, #tpu.memory_space<hbm>>
      %dma_wait3A_91 = tpu.memref_squeeze %dma_wait3A_90 : memref<1x625x16xf32, #tpu.memory_space<hbm>> -> memref<625x16xf32, #tpu.memory_space<hbm>>
      %dma_wait3A_92 = arith.constant 0 : i32
      %dma_wait3A_93 = tpu.memref_slice %arg9[%mul3A_2, %dma_wait3A_92] : memref<10000x16xf32, #tpu.memory_space<vmem_shared>> -> memref<625x16xf32, #tpu.memory_space<vmem_shared>>
      tpu.wait_dma2 semaphore(%run_scoped3A : memref<!tpu.dma_semaphore, #tpu.memory_space<semaphore_mem>>) src(%dma_wait3A_93 : memref<625x16xf32, #tpu.memory_space<vmem_shared>>) dst(%dma_wait3A_91 : memref<625x16xf32, #tpu.memory_space<hbm>>)
      tpu.yield
    }) : () -> ()
    return
  }
}

module attributes {stable_mosaic.version = 14 : i64} {
  func.func @_tcA_body(%arg0: i32, %arg1: memref<2000x128xf32, #tpu.memory_space<vmem>>, %arg2: memref<128x64xf32, #tpu.memory_space<vmem>>, %arg3: memref<1x64xf32, #tpu.memory_space<vmem>>, %arg4: memref<1x64xf32, #tpu.memory_space<vmem>>, %arg5: memref<2000x80xf32, #tpu.memory_space<vmem>>, %arg6: memref<2000x16xf32, #tpu.memory_space<vmem>>, %arg7: memref<1x8xf32, #tpu.memory_space<vmem>>, %arg8: memref<1x8xf32, #tpu.memory_space<vmem>>) attributes {dimension_semantics = [#tpu.dimension_semantics<arbitrary>], iteration_bounds = array<i64: 5>, scalar_prefetch = 0 : i64, scratch_operands = 0 : i64, tpu.core_type = #tpu.core_type<tc>, window_params = [{transform_indices = @transform_0, window_bounds = array<i64: 2000, 128>}, {pipeline_mode = #tpu.pipeline_mode<synchronous>, transform_indices = @transform_1, window_bounds = array<i64: 128, 64>}, {pipeline_mode = #tpu.pipeline_mode<synchronous>, transform_indices = @transform_2, window_bounds = array<i64: 1, 64>}, {pipeline_mode = #tpu.pipeline_mode<synchronous>, transform_indices = @transform_3, window_bounds = array<i64: 1, 64>}, {transform_indices = @transform_4, window_bounds = array<i64: 2000, 80>}, {transform_indices = @transform_5, window_bounds = array<i64: 2000, 16>}, {pipeline_mode = #tpu.pipeline_mode<synchronous>, transform_indices = @transform_6, window_bounds = array<i64: 1, 8>}, {pipeline_mode = #tpu.pipeline_mode<synchronous>, transform_indices = @transform_7, window_bounds = array<i64: 1, 8>}]} {
    %get3A = arith.constant 0 : index
    %get3A_0 = arith.constant 0 : index
    %get3A_1 = vector.load %arg1[%get3A, %get3A_0] : memref<2000x128xf32, #tpu.memory_space<vmem>>, vector<2000x128xf32>
    %get3A_2 = arith.constant 0 : index
    %get3A_3 = arith.constant 0 : index
    %get3A_4 = vector.load %arg2[%get3A_2, %get3A_3] : memref<128x64xf32, #tpu.memory_space<vmem>>, vector<128x64xf32>
    %dot_general3A = arith.constant dense<0.000000e+00> : vector<2000x64xf32>
    %dot_general3A_5 = tpu.matmul %get3A_1, %get3A_4, %dot_general3A {dimension_numbers = #tpu.dot_dimension_numbers<[1], [0], [0], [1], [0, 0, 1, 1], [], []>, transpose_lhs_hint = false} : vector<2000x128xf32>, vector<128x64xf32>, vector<2000x64xf32> -> vector<2000x64xf32>
    %iota3A = tpu.iota {dimensions = array<i32: 0>} : vector<64x8xi32>
    %iota3A_6 = tpu.iota {dimensions = array<i32: 1>} : vector<64x8xi32>
    %jit3A = arith.constant 8 : i32
    %div3A = vector.broadcast %jit3A : i32 to vector<64x8xi32>
    %div3A_7 = arith.divsi %iota3A, %div3A : vector<64x8xi32>
    %sign3A = arith.constant 0 : i32
    %sign3A_8 = vector.broadcast %sign3A : i32 to vector<64x8xi32>
    %sign3A_9 = arith.cmpi sgt, %iota3A, %sign3A_8 : vector<64x8xi32>
    %sign3A_10 = arith.extui %sign3A_9 : vector<64x8xi1> to vector<64x8xi32>
    %sign3A_11 = arith.constant 0 : i32
    %sign3A_12 = vector.broadcast %sign3A_11 : i32 to vector<64x8xi32>
    %sign3A_13 = arith.cmpi slt, %iota3A, %sign3A_12 : vector<64x8xi32>
    %sign3A_14 = arith.extui %sign3A_13 : vector<64x8xi1> to vector<64x8xi32>
    %sign3A_15 = arith.subi %sign3A_10, %sign3A_14 : vector<64x8xi32>
    %sign3A_16 = arith.constant 0 : i32
    %sign3A_17 = arith.cmpi sgt, %jit3A, %sign3A_16 : i32
    %sign3A_18 = arith.extui %sign3A_17 : i1 to i32
    %sign3A_19 = arith.constant 0 : i32
    %sign3A_20 = arith.cmpi slt, %jit3A, %sign3A_19 : i32
    %sign3A_21 = arith.extui %sign3A_20 : i1 to i32
    %sign3A_22 = arith.subi %sign3A_18, %sign3A_21 : i32
    %ne3A = vector.broadcast %sign3A_22 : i32 to vector<64x8xi32>
    %ne3A_23 = arith.cmpi ne, %sign3A_15, %ne3A : vector<64x8xi32>
    %rem3A = vector.broadcast %jit3A : i32 to vector<64x8xi32>
    %rem3A_24 = arith.remsi %iota3A, %rem3A : vector<64x8xi32>
    %ne3A_25 = arith.constant 0 : i32
    %ne3A_26 = vector.broadcast %ne3A_25 : i32 to vector<64x8xi32>
    %ne3A_27 = arith.cmpi ne, %rem3A_24, %ne3A_26 : vector<64x8xi32>
    %and3A = arith.andi %ne3A_23, %ne3A_27 : vector<64x8xi1>
    %sub3A = arith.constant 1 : i32
    %sub3A_28 = vector.broadcast %sub3A : i32 to vector<64x8xi32>
    %sub3A_29 = arith.subi %div3A_7, %sub3A_28 : vector<64x8xi32>
    %select_n3A = arith.select %and3A, %sub3A_29, %div3A_7 : vector<64x8xi1>, vector<64x8xi32>
    %eq3A = arith.cmpi eq, %select_n3A, %iota3A_6 : vector<64x8xi32>
    %jit3A_30 = arith.constant 1.000000e+00 : f32
    %jit3A_31 = arith.constant 0.000000e+00 : f32
    %broadcast_in_dim3A = vector.broadcast %jit3A_30 : f32 to vector<64x8xf32>
    %broadcast_in_dim3A_32 = vector.broadcast %jit3A_31 : f32 to vector<64x8xf32>
    %select_n3A_33 = arith.select %eq3A, %broadcast_in_dim3A, %broadcast_in_dim3A_32 : vector<64x8xi1>, vector<64x8xf32>
    %get3A_34 = arith.constant 0 : index
    %get3A_35 = arith.constant 0 : index
    %get3A_36 = vector.load %arg3[%get3A_34, %get3A_35] : memref<1x64xf32, #tpu.memory_space<vmem>>, vector<1x64xf32>
    %mul3A = vector.broadcast %get3A_36 : vector<1x64xf32> to vector<2000x64xf32>
    %mul3A_37 = arith.mulf %dot_general3A_5, %mul3A : vector<2000x64xf32>
    %dot_general3A_38 = arith.constant dense<0.000000e+00> : vector<2000x8xf32>
    %dot_general3A_39 = tpu.matmul %mul3A_37, %select_n3A_33, %dot_general3A_38 {dimension_numbers = #tpu.dot_dimension_numbers<[1], [0], [0], [1], [0, 0, 1, 1], [], []>, transpose_lhs_hint = false} : vector<2000x64xf32>, vector<64x8xf32>, vector<2000x8xf32> -> vector<2000x8xf32>
    %get3A_40 = arith.constant 0 : index
    %get3A_41 = arith.constant 0 : index
    %get3A_42 = vector.load %arg4[%get3A_40, %get3A_41] : memref<1x64xf32, #tpu.memory_space<vmem>>, vector<1x64xf32>
    %mul3A_43 = vector.broadcast %get3A_42 : vector<1x64xf32> to vector<2000x64xf32>
    %mul3A_44 = arith.mulf %dot_general3A_5, %mul3A_43 : vector<2000x64xf32>
    %dot_general3A_45 = arith.constant dense<0.000000e+00> : vector<2000x8xf32>
    %dot_general3A_46 = tpu.matmul %mul3A_44, %select_n3A_33, %dot_general3A_45 {dimension_numbers = #tpu.dot_dimension_numbers<[1], [0], [0], [1], [0, 0, 1, 1], [], []>, transpose_lhs_hint = false} : vector<2000x64xf32>, vector<64x8xf32>, vector<2000x8xf32> -> vector<2000x8xf32>
    %broadcast_in_dim3A_47 = arith.constant 0.000000e+00 : f32
    %broadcast_in_dim3A_48 = vector.broadcast %broadcast_in_dim3A_47 : f32 to vector<2000x8xf32>
    %concatenate3A = tpu.concatenate %dot_general3A_5, %dot_general3A_39, %broadcast_in_dim3A_48 in 1 : vector<2000x64xf32>, vector<2000x8xf32>, vector<2000x8xf32> -> vector<2000x80xf32>
    %swap3A = arith.constant 0 : index
    %swap3A_49 = arith.constant 0 : index
    %swap3A_50 = vector.load %arg5[%swap3A, %swap3A_49] : memref<2000x80xf32, #tpu.memory_space<vmem>>, vector<2000x80xf32>
    tpu.vector_store %arg5[%swap3A, %swap3A_49], %concatenate3A {strides = array<i32>} : memref<2000x80xf32, #tpu.memory_space<vmem>>, vector<2000x80xf32>,
    %broadcast_in_dim3A_51 = arith.constant 0.000000e+00 : f32
    %broadcast_in_dim3A_52 = vector.broadcast %broadcast_in_dim3A_51 : f32 to vector<2000x8xf32>
    %concatenate3A_53 = tpu.concatenate %dot_general3A_46, %broadcast_in_dim3A_52 in 1 : vector<2000x8xf32>, vector<2000x8xf32> -> vector<2000x16xf32>
    %swap3A_54 = arith.constant 0 : index
    %swap3A_55 = arith.constant 0 : index
    %swap3A_56 = vector.load %arg6[%swap3A_54, %swap3A_55] : memref<2000x16xf32, #tpu.memory_space<vmem>>, vector<2000x16xf32>
    tpu.vector_store %arg6[%swap3A_54, %swap3A_55], %concatenate3A_53 {strides = array<i32>} : memref<2000x16xf32, #tpu.memory_space<vmem>>, vector<2000x16xf32>,
    %reduce_max3A = arith.constant dense<0xFF800000> : vector<8xf32>
    %reduce_max3A_57 = vector.multi_reduction <maximumf>, %dot_general3A_39, %reduce_max3A [0] : vector<2000x8xf32> to vector<8xf32>
    %broadcast_in_dim3A_58 = vector.shape_cast %reduce_max3A_57 : vector<8xf32> to vector<1x8xf32>
    %reduce_max3A_59 = arith.constant dense<0xFF800000> : vector<8xf32>
    %reduce_max3A_60 = vector.multi_reduction <maximumf>, %dot_general3A_46, %reduce_max3A_59 [0] : vector<2000x8xf32> to vector<8xf32>
    %broadcast_in_dim3A_61 = vector.shape_cast %reduce_max3A_60 : vector<8xf32> to vector<1x8xf32>
    %eq3A_62 = arith.constant 0 : i32
    %eq3A_63 = arith.cmpi eq, %arg0, %eq3A_62 : i32
    %convert_element_type3A = arith.extui %eq3A_63 : i1 to i32
    %cond3A = arith.constant 0 : i32
    %cond3A_64 = arith.cmpi ne, %convert_element_type3A, %cond3A : i32
    scf.if %cond3A_64 {
      %swap3A_69 = arith.constant 0 : index
      %swap3A_70 = arith.constant 0 : index
      %swap3A_71 = vector.load %arg7[%swap3A_69, %swap3A_70] : memref<1x8xf32, #tpu.memory_space<vmem>>, vector<1x8xf32>
      tpu.vector_store %arg7[%swap3A_69, %swap3A_70], %broadcast_in_dim3A_58 {strides = array<i32>} : memref<1x8xf32, #tpu.memory_space<vmem>>, vector<1x8xf32>,
      %swap3A_72 = arith.constant 0 : index
      %swap3A_73 = arith.constant 0 : index
      %swap3A_74 = vector.load %arg8[%swap3A_72, %swap3A_73] : memref<1x8xf32, #tpu.memory_space<vmem>>, vector<1x8xf32>
      tpu.vector_store %arg8[%swap3A_72, %swap3A_73], %broadcast_in_dim3A_61 {strides = array<i32>} : memref<1x8xf32, #tpu.memory_space<vmem>>, vector<1x8xf32>,
    } else {
    }
    %gt3A = arith.constant 0 : i32
    %gt3A_65 = arith.cmpi sgt, %arg0, %gt3A : i32
    %convert_element_type3A_66 = arith.extui %gt3A_65 : i1 to i32
    %cond3A_67 = arith.constant 0 : i32
    %cond3A_68 = arith.cmpi ne, %convert_element_type3A_66, %cond3A_67 : i32
    scf.if %cond3A_68 {
      %get3A_69 = arith.constant 0 : index
      %get3A_70 = arith.constant 0 : index
      %get3A_71 = vector.load %arg7[%get3A_69, %get3A_70] : memref<1x8xf32, #tpu.memory_space<vmem>>, vector<1x8xf32>
      %max3A = arith.maximumf %get3A_71, %broadcast_in_dim3A_58 : vector<1x8xf32>
      %swap3A_72 = arith.constant 0 : index
      %swap3A_73 = arith.constant 0 : index
      %swap3A_74 = vector.load %arg7[%swap3A_72, %swap3A_73] : memref<1x8xf32, #tpu.memory_space<vmem>>, vector<1x8xf32>
      tpu.vector_store %arg7[%swap3A_72, %swap3A_73], %max3A {strides = array<i32>} : memref<1x8xf32, #tpu.memory_space<vmem>>, vector<1x8xf32>,
      %get3A_75 = arith.constant 0 : index
      %get3A_76 = arith.constant 0 : index
      %get3A_77 = vector.load %arg8[%get3A_75, %get3A_76] : memref<1x8xf32, #tpu.memory_space<vmem>>, vector<1x8xf32>
      %max3A_78 = arith.maximumf %get3A_77, %broadcast_in_dim3A_61 : vector<1x8xf32>
      %swap3A_79 = arith.constant 0 : index
      %swap3A_80 = arith.constant 0 : index
      %swap3A_81 = vector.load %arg8[%swap3A_79, %swap3A_80] : memref<1x8xf32, #tpu.memory_space<vmem>>, vector<1x8xf32>
      tpu.vector_store %arg8[%swap3A_79, %swap3A_80], %max3A_78 {strides = array<i32>} : memref<1x8xf32, #tpu.memory_space<vmem>>, vector<1x8xf32>,
    } else {
    }
    return
  }
  func.func @transform_0(%arg0: i32) -> (i32, i32) {
    %c0_i32 = arith.constant 0 : i32
    %c0_i32_0 = arith.constant 0 : i32
    return %arg0, %c0_i32 : i32, i32
  }
  func.func @transform_1(%arg0: i32) -> (i32, i32) {
    %c0_i32 = arith.constant 0 : i32
    %c0_i32_0 = arith.constant 0 : i32
    %c0_i32_1 = arith.constant 0 : i32
    return %c0_i32, %c0_i32_0 : i32, i32
  }
  func.func @transform_2(%arg0: i32) -> (i32, i32) {
    %c0_i32 = arith.constant 0 : i32
    %c0_i32_0 = arith.constant 0 : i32
    %c0_i32_1 = arith.constant 0 : i32
    return %c0_i32, %c0_i32_0 : i32, i32
  }
  func.func @transform_3(%arg0: i32) -> (i32, i32) {
    %c0_i32 = arith.constant 0 : i32
    %c0_i32_0 = arith.constant 0 : i32
    %c0_i32_1 = arith.constant 0 : i32
    return %c0_i32, %c0_i32_0 : i32, i32
  }
  func.func @transform_4(%arg0: i32) -> (i32, i32) {
    %c0_i32 = arith.constant 0 : i32
    %c0_i32_0 = arith.constant 0 : i32
    return %arg0, %c0_i32 : i32, i32
  }
  func.func @transform_5(%arg0: i32) -> (i32, i32) {
    %c0_i32 = arith.constant 0 : i32
    %c0_i32_0 = arith.constant 0 : i32
    return %arg0, %c0_i32 : i32, i32
  }
  func.func @transform_6(%arg0: i32) -> (i32, i32) {
    %c0_i32 = arith.constant 0 : i32
    %c0_i32_0 = arith.constant 0 : i32
    %c0_i32_1 = arith.constant 0 : i32
    return %c0_i32, %c0_i32_0 : i32, i32
  }
  func.func @transform_7(%arg0: i32) -> (i32, i32) {
    %c0_i32 = arith.constant 0 : i32
    %c0_i32_0 = arith.constant 0 : i32
    %c0_i32_1 = arith.constant 0 : i32
    return %c0_i32, %c0_i32_0 : i32, i32
  }
}

module attributes {stable_mosaic.version = 14 : i64} {
  func.func @_tcB_body(%arg0: i32, %arg1: memref<2x2000x80xf32, #tpu.memory_space<vmem>>, %arg2: memref<1x64xf32, #tpu.memory_space<vmem>>, %arg3: memref<64x10xf32, #tpu.memory_space<vmem>>, %arg4: memref<1x10xf32, #tpu.memory_space<vmem>>, %arg5: memref<1x10xf32, #tpu.memory_space<vmem>>, %arg6: memref<2000x16xf32, #tpu.memory_space<vmem>>, %arg7: memref<2000x1xf32, #tpu.memory_space<vmem>>, %arg8: memref<2000x1xf32, #tpu.memory_space<vmem>>, %arg9: memref<1x1xf32, #tpu.memory_space<vmem>>, %arg10: memref<1x1xf32, #tpu.memory_space<vmem>>) attributes {dimension_semantics = [#tpu.dimension_semantics<arbitrary>], iteration_bounds = array<i64: 5>, scalar_prefetch = 0 : i64, scratch_operands = 0 : i64, tpu.core_type = #tpu.core_type<tc>, window_params = [{transform_indices = @transform_0, window_bounds = array<i64: 2, 2000, 80>}, {pipeline_mode = #tpu.pipeline_mode<synchronous>, transform_indices = @transform_1, window_bounds = array<i64: 1, 64>}, {pipeline_mode = #tpu.pipeline_mode<synchronous>, transform_indices = @transform_2, window_bounds = array<i64: 64, 10>}, {pipeline_mode = #tpu.pipeline_mode<synchronous>, transform_indices = @transform_3, window_bounds = array<i64: 1, 10>}, {pipeline_mode = #tpu.pipeline_mode<synchronous>, transform_indices = @transform_4, window_bounds = array<i64: 1, 10>}, {transform_indices = @transform_5, window_bounds = array<i64: 2000, 16>}, {transform_indices = @transform_6, window_bounds = array<i64: 2000, 1>}, {transform_indices = @transform_7, window_bounds = array<i64: 2000, 1>}, {pipeline_mode = #tpu.pipeline_mode<synchronous>, transform_indices = @transform_8, window_bounds = array<i64: 1, 1>}, {pipeline_mode = #tpu.pipeline_mode<synchronous>, transform_indices = @transform_9, window_bounds = array<i64: 1, 1>}]} {
    %get3A = arith.constant 0 : index
    %get3A_0 = arith.constant 0 : index
    %get3A_1 = arith.constant 0 : index
    %get3A_2 = vector.load %arg1[%get3A, %get3A_0, %get3A_1] : memref<2x2000x80xf32, #tpu.memory_space<vmem>>, vector<1x2000x80xf32>
    %get3A_3 = vector.shape_cast %get3A_2 : vector<1x2000x80xf32> to vector<2000x80xf32>
    %get3A_4 = arith.constant 1 : index
    %get3A_5 = arith.constant 0 : index
    %get3A_6 = arith.constant 0 : index
    %get3A_7 = vector.load %arg1[%get3A_4, %get3A_5, %get3A_6] : memref<2x2000x80xf32, #tpu.memory_space<vmem>>, vector<1x2000x80xf32>
    %get3A_8 = vector.shape_cast %get3A_7 : vector<1x2000x80xf32> to vector<2000x80xf32>
    %add3A = arith.addf %get3A_3, %get3A_8 : vector<2000x80xf32>
    %slice3A = vector.extract_strided_slice %add3A {offsets = [0, 0], sizes = [2000, 64], strides = [1, 1]} : vector<2000x80xf32> to vector<2000x64xf32>
    %slice3A_9 = vector.extract_strided_slice %add3A {offsets = [0, 64], sizes = [2000, 8], strides = [1, 1]} : vector<2000x80xf32> to vector<2000x8xf32>
    %iota3A = tpu.iota {dimensions = array<i32: 0>} : vector<8x64xi32>
    %iota3A_10 = tpu.iota {dimensions = array<i32: 1>} : vector<8x64xi32>
    %jit3A = arith.constant 8 : i32
    %div3A = vector.broadcast %jit3A : i32 to vector<8x64xi32>
    %div3A_11 = arith.divsi %iota3A_10, %div3A : vector<8x64xi32>
    %sign3A = arith.constant 0 : i32
    %sign3A_12 = vector.broadcast %sign3A : i32 to vector<8x64xi32>
    %sign3A_13 = arith.cmpi sgt, %iota3A_10, %sign3A_12 : vector<8x64xi32>
    %sign3A_14 = arith.extui %sign3A_13 : vector<8x64xi1> to vector<8x64xi32>
    %sign3A_15 = arith.constant 0 : i32
    %sign3A_16 = vector.broadcast %sign3A_15 : i32 to vector<8x64xi32>
    %sign3A_17 = arith.cmpi slt, %iota3A_10, %sign3A_16 : vector<8x64xi32>
    %sign3A_18 = arith.extui %sign3A_17 : vector<8x64xi1> to vector<8x64xi32>
    %sign3A_19 = arith.subi %sign3A_14, %sign3A_18 : vector<8x64xi32>
    %sign3A_20 = arith.constant 0 : i32
    %sign3A_21 = arith.cmpi sgt, %jit3A, %sign3A_20 : i32
    %sign3A_22 = arith.extui %sign3A_21 : i1 to i32
    %sign3A_23 = arith.constant 0 : i32
    %sign3A_24 = arith.cmpi slt, %jit3A, %sign3A_23 : i32
    %sign3A_25 = arith.extui %sign3A_24 : i1 to i32
    %sign3A_26 = arith.subi %sign3A_22, %sign3A_25 : i32
    %ne3A = vector.broadcast %sign3A_26 : i32 to vector<8x64xi32>
    %ne3A_27 = arith.cmpi ne, %sign3A_19, %ne3A : vector<8x64xi32>
    %rem3A = vector.broadcast %jit3A : i32 to vector<8x64xi32>
    %rem3A_28 = arith.remsi %iota3A_10, %rem3A : vector<8x64xi32>
    %ne3A_29 = arith.constant 0 : i32
    %ne3A_30 = vector.broadcast %ne3A_29 : i32 to vector<8x64xi32>
    %ne3A_31 = arith.cmpi ne, %rem3A_28, %ne3A_30 : vector<8x64xi32>
    %and3A = arith.andi %ne3A_27, %ne3A_31 : vector<8x64xi1>
    %sub3A = arith.constant 1 : i32
    %sub3A_32 = vector.broadcast %sub3A : i32 to vector<8x64xi32>
    %sub3A_33 = arith.subi %div3A_11, %sub3A_32 : vector<8x64xi32>
    %select_n3A = arith.select %and3A, %sub3A_33, %div3A_11 : vector<8x64xi1>, vector<8x64xi32>
    %eq3A = arith.cmpi eq, %iota3A, %select_n3A : vector<8x64xi32>
    %jit3A_34 = arith.constant 1.000000e+00 : f32
    %jit3A_35 = arith.constant 0.000000e+00 : f32
    %broadcast_in_dim3A = vector.broadcast %jit3A_34 : f32 to vector<8x64xf32>
    %broadcast_in_dim3A_36 = vector.broadcast %jit3A_35 : f32 to vector<8x64xf32>
    %select_n3A_37 = arith.select %eq3A, %broadcast_in_dim3A, %broadcast_in_dim3A_36 : vector<8x64xi1>, vector<8x64xf32>
    %dot_general3A = arith.constant dense<0.000000e+00> : vector<2000x64xf32>
    %dot_general3A_38 = tpu.matmul %slice3A_9, %select_n3A_37, %dot_general3A {dimension_numbers = #tpu.dot_dimension_numbers<[1], [0], [0], [1], [0, 0, 1, 1], [], []>, transpose_lhs_hint = false} : vector<2000x8xf32>, vector<8x64xf32>, vector<2000x64xf32> -> vector<2000x64xf32>
    %add3A_39 = arith.constant 1.000000e-16 : f32
    %add3A_40 = vector.broadcast %add3A_39 : f32 to vector<2000x64xf32>
    %add3A_41 = arith.addf %dot_general3A_38, %add3A_40 : vector<2000x64xf32>
    %div3A_42 = arith.divf %slice3A, %add3A_41 : vector<2000x64xf32>
    %get3A_43 = arith.constant 0 : index
    %get3A_44 = arith.constant 0 : index
    %get3A_45 = vector.load %arg2[%get3A_43, %get3A_44] : memref<1x64xf32, #tpu.memory_space<vmem>>, vector<1x64xf32>
    %add3A_46 = vector.broadcast %get3A_45 : vector<1x64xf32> to vector<2000x64xf32>
    %add3A_47 = arith.addf %div3A_42, %add3A_46 : vector<2000x64xf32>
    %gt3A = arith.constant 0.000000e+00 : f32
    %gt3A_48 = vector.broadcast %gt3A : f32 to vector<2000x64xf32>
    %gt3A_49 = arith.cmpf ogt, %add3A_47, %gt3A_48 : vector<2000x64xf32>
    %exp3A = math.exp %add3A_47 : vector<2000x64xf32>
    %sub3A_50 = arith.constant 1.000000e+00 : f32
    %sub3A_51 = vector.broadcast %sub3A_50 : f32 to vector<2000x64xf32>
    %sub3A_52 = arith.subf %exp3A, %sub3A_51 : vector<2000x64xf32>
    %select_n3A_53 = arith.select %gt3A_49, %add3A_47, %sub3A_52 : vector<2000x64xi1>, vector<2000x64xf32>
    %get3A_54 = arith.constant 0 : index
    %get3A_55 = arith.constant 0 : index
    %get3A_56 = vector.load %arg3[%get3A_54, %get3A_55] : memref<64x10xf32, #tpu.memory_space<vmem>>, vector<64x10xf32>
    %dot_general3A_57 = arith.constant dense<0.000000e+00> : vector<2000x10xf32>
    %dot_general3A_58 = tpu.matmul %select_n3A_53, %get3A_56, %dot_general3A_57 {dimension_numbers = #tpu.dot_dimension_numbers<[1], [0], [0], [1], [0, 0, 1, 1], [], []>, transpose_lhs_hint = false} : vector<2000x64xf32>, vector<64x10xf32>, vector<2000x10xf32> -> vector<2000x10xf32>
    %get3A_59 = arith.constant 0 : index
    %get3A_60 = arith.constant 0 : index
    %get3A_61 = vector.load %arg4[%get3A_59, %get3A_60] : memref<1x10xf32, #tpu.memory_space<vmem>>, vector<1x10xf32>
    %mul3A = vector.broadcast %get3A_61 : vector<1x10xf32> to vector<2000x10xf32>
    %mul3A_62 = arith.mulf %dot_general3A_58, %mul3A : vector<2000x10xf32>
    %reduce_sum3A = arith.constant dense<0.000000e+00> : vector<2000xf32>
    %reduce_sum3A_63 = vector.multi_reduction <add>, %mul3A_62, %reduce_sum3A [1] : vector<2000x10xf32> to vector<2000xf32>
    %broadcast_in_dim3A_64 = vector.shape_cast %reduce_sum3A_63 : vector<2000xf32> to vector<2000x1xf32>
    %get3A_65 = arith.constant 0 : index
    %get3A_66 = arith.constant 0 : index
    %get3A_67 = vector.load %arg5[%get3A_65, %get3A_66] : memref<1x10xf32, #tpu.memory_space<vmem>>, vector<1x10xf32>
    %mul3A_68 = vector.broadcast %get3A_67 : vector<1x10xf32> to vector<2000x10xf32>
    %mul3A_69 = arith.mulf %dot_general3A_58, %mul3A_68 : vector<2000x10xf32>
    %reduce_sum3A_70 = arith.constant dense<0.000000e+00> : vector<2000xf32>
    %reduce_sum3A_71 = vector.multi_reduction <add>, %mul3A_69, %reduce_sum3A_70 [1] : vector<2000x10xf32> to vector<2000xf32>
    %broadcast_in_dim3A_72 = vector.shape_cast %reduce_sum3A_71 : vector<2000xf32> to vector<2000x1xf32>
    %broadcast_in_dim3A_73 = arith.constant 0.000000e+00 : f32
    %broadcast_in_dim3A_74 = vector.broadcast %broadcast_in_dim3A_73 : f32 to vector<2000x6xf32>
    %concatenate3A = tpu.concatenate %dot_general3A_58, %broadcast_in_dim3A_74 in 1 : vector<2000x10xf32>, vector<2000x6xf32> -> vector<2000x16xf32>
    %swap3A = arith.constant 0 : index
    %swap3A_75 = arith.constant 0 : index
    %swap3A_76 = vector.load %arg6[%swap3A, %swap3A_75] : memref<2000x16xf32, #tpu.memory_space<vmem>>, vector<2000x16xf32>
    tpu.vector_store %arg6[%swap3A, %swap3A_75], %concatenate3A {strides = array<i32>} : memref<2000x16xf32, #tpu.memory_space<vmem>>, vector<2000x16xf32>,
    %swap3A_77 = arith.constant 0 : index
    %swap3A_78 = arith.constant 0 : index
    %swap3A_79 = vector.load %arg7[%swap3A_77, %swap3A_78] : memref<2000x1xf32, #tpu.memory_space<vmem>>, vector<2000x1xf32>
    tpu.vector_store %arg7[%swap3A_77, %swap3A_78], %broadcast_in_dim3A_64 {strides = array<i32>} : memref<2000x1xf32, #tpu.memory_space<vmem>>, vector<2000x1xf32>,
    %swap3A_80 = arith.constant 0 : index
    %swap3A_81 = arith.constant 0 : index
    %swap3A_82 = vector.load %arg8[%swap3A_80, %swap3A_81] : memref<2000x1xf32, #tpu.memory_space<vmem>>, vector<2000x1xf32>
    tpu.vector_store %arg8[%swap3A_80, %swap3A_81], %broadcast_in_dim3A_72 {strides = array<i32>} : memref<2000x1xf32, #tpu.memory_space<vmem>>, vector<2000x1xf32>,
    %reduce_max3A = vector.shape_cast %broadcast_in_dim3A_64 : vector<2000x1xf32> to vector<1x2000x1xf32>
    %reduce_max3A_83 = arith.constant dense<0xFF800000> : vector<1xf32>
    %reduce_max3A_84 = vector.multi_reduction <maximumf>, %reduce_max3A, %reduce_max3A_83 [1, 2] : vector<1x2000x1xf32> to vector<1xf32>
    %reduce_max3A_85 = vector.shape_cast %reduce_max3A_84 : vector<1xf32> to vector<1x1x1xf32>
    %reduce_max3A_86 = vector.extract %reduce_max3A_85[0, 0, 0] : f32 from vector<1x1x1xf32>
    %reshape3A = vector.broadcast %reduce_max3A_86 : f32 to vector<1x1xf32>
    %reduce_max3A_87 = vector.shape_cast %broadcast_in_dim3A_72 : vector<2000x1xf32> to vector<1x2000x1xf32>
    %reduce_max3A_88 = arith.constant dense<0xFF800000> : vector<1xf32>
    %reduce_max3A_89 = vector.multi_reduction <maximumf>, %reduce_max3A_87, %reduce_max3A_88 [1, 2] : vector<1x2000x1xf32> to vector<1xf32>
    %reduce_max3A_90 = vector.shape_cast %reduce_max3A_89 : vector<1xf32> to vector<1x1x1xf32>
    %reduce_max3A_91 = vector.extract %reduce_max3A_90[0, 0, 0] : f32 from vector<1x1x1xf32>
    %reshape3A_92 = vector.broadcast %reduce_max3A_91 : f32 to vector<1x1xf32>
    %eq3A_93 = arith.constant 0 : i32
    %eq3A_94 = arith.cmpi eq, %arg0, %eq3A_93 : i32
    %convert_element_type3A = arith.extui %eq3A_94 : i1 to i32
    %cond3A = arith.constant 0 : i32
    %cond3A_95 = arith.cmpi ne, %convert_element_type3A, %cond3A : i32
    scf.if %cond3A_95 {
      %swap3A_101 = arith.constant 0 : index
      %swap3A_102 = arith.constant 0 : index
      %swap3A_103 = vector.load %arg9[%swap3A_101, %swap3A_102] : memref<1x1xf32, #tpu.memory_space<vmem>>, vector<1x1xf32>
      tpu.vector_store %arg9[%swap3A_101, %swap3A_102], %reshape3A {strides = array<i32>} : memref<1x1xf32, #tpu.memory_space<vmem>>, vector<1x1xf32>,
      %swap3A_104 = arith.constant 0 : index
      %swap3A_105 = arith.constant 0 : index
      %swap3A_106 = vector.load %arg10[%swap3A_104, %swap3A_105] : memref<1x1xf32, #tpu.memory_space<vmem>>, vector<1x1xf32>
      tpu.vector_store %arg10[%swap3A_104, %swap3A_105], %reshape3A_92 {strides = array<i32>} : memref<1x1xf32, #tpu.memory_space<vmem>>, vector<1x1xf32>,
    } else {
    }
    %gt3A_96 = arith.constant 0 : i32
    %gt3A_97 = arith.cmpi sgt, %arg0, %gt3A_96 : i32
    %convert_element_type3A_98 = arith.extui %gt3A_97 : i1 to i32
    %cond3A_99 = arith.constant 0 : i32
    %cond3A_100 = arith.cmpi ne, %convert_element_type3A_98, %cond3A_99 : i32
    scf.if %cond3A_100 {
      %get3A_101 = arith.constant 0 : index
      %get3A_102 = arith.constant 0 : index
      %get3A_103 = vector.load %arg9[%get3A_101, %get3A_102] : memref<1x1xf32, #tpu.memory_space<vmem>>, vector<1x1xf32>
      %max3A = arith.maximumf %get3A_103, %reshape3A : vector<1x1xf32>
      %swap3A_104 = arith.constant 0 : index
      %swap3A_105 = arith.constant 0 : index
      %swap3A_106 = vector.load %arg9[%swap3A_104, %swap3A_105] : memref<1x1xf32, #tpu.memory_space<vmem>>, vector<1x1xf32>
      tpu.vector_store %arg9[%swap3A_104, %swap3A_105], %max3A {strides = array<i32>} : memref<1x1xf32, #tpu.memory_space<vmem>>, vector<1x1xf32>,
      %get3A_107 = arith.constant 0 : index
      %get3A_108 = arith.constant 0 : index
      %get3A_109 = vector.load %arg10[%get3A_107, %get3A_108] : memref<1x1xf32, #tpu.memory_space<vmem>>, vector<1x1xf32>
      %max3A_110 = arith.maximumf %get3A_109, %reshape3A_92 : vector<1x1xf32>
      %swap3A_111 = arith.constant 0 : index
      %swap3A_112 = arith.constant 0 : index
      %swap3A_113 = vector.load %arg10[%swap3A_111, %swap3A_112] : memref<1x1xf32, #tpu.memory_space<vmem>>, vector<1x1xf32>
      tpu.vector_store %arg10[%swap3A_111, %swap3A_112], %max3A_110 {strides = array<i32>} : memref<1x1xf32, #tpu.memory_space<vmem>>, vector<1x1xf32>,
    } else {
    }
    return
  }
  func.func @transform_0(%arg0: i32) -> (i32, i32, i32) {
    %c0_i32 = arith.constant 0 : i32
    %c0_i32_0 = arith.constant 0 : i32
    %c0_i32_1 = arith.constant 0 : i32
    return %c0_i32, %arg0, %c0_i32_0 : i32, i32, i32
  }
  func.func @transform_1(%arg0: i32) -> (i32, i32) {
    %c0_i32 = arith.constant 0 : i32
    %c0_i32_0 = arith.constant 0 : i32
    %c0_i32_1 = arith.constant 0 : i32
    return %c0_i32, %c0_i32_0 : i32, i32
  }
  func.func @transform_2(%arg0: i32) -> (i32, i32) {
    %c0_i32 = arith.constant 0 : i32
    %c0_i32_0 = arith.constant 0 : i32
    %c0_i32_1 = arith.constant 0 : i32
    return %c0_i32, %c0_i32_0 : i32, i32
  }
  func.func @transform_3(%arg0: i32) -> (i32, i32) {
    %c0_i32 = arith.constant 0 : i32
    %c0_i32_0 = arith.constant 0 : i32
    %c0_i32_1 = arith.constant 0 : i32
    return %c0_i32, %c0_i32_0 : i32, i32
  }
  func.func @transform_4(%arg0: i32) -> (i32, i32) {
    %c0_i32 = arith.constant 0 : i32
    %c0_i32_0 = arith.constant 0 : i32
    %c0_i32_1 = arith.constant 0 : i32
    return %c0_i32, %c0_i32_0 : i32, i32
  }
  func.func @transform_5(%arg0: i32) -> (i32, i32) {
    %c0_i32 = arith.constant 0 : i32
    %c0_i32_0 = arith.constant 0 : i32
    return %arg0, %c0_i32 : i32, i32
  }
  func.func @transform_6(%arg0: i32) -> (i32, i32) {
    %c0_i32 = arith.constant 0 : i32
    %c0_i32_0 = arith.constant 0 : i32
    return %arg0, %c0_i32 : i32, i32
  }
  func.func @transform_7(%arg0: i32) -> (i32, i32) {
    %c0_i32 = arith.constant 0 : i32
    %c0_i32_0 = arith.constant 0 : i32
    return %arg0, %c0_i32 : i32, i32
  }
  func.func @transform_8(%arg0: i32) -> (i32, i32) {
    %c0_i32 = arith.constant 0 : i32
    %c0_i32_0 = arith.constant 0 : i32
    %c0_i32_1 = arith.constant 0 : i32
    return %c0_i32, %c0_i32_0 : i32, i32
  }
  func.func @transform_9(%arg0: i32) -> (i32, i32) {
    %c0_i32 = arith.constant 0 : i32
    %c0_i32_0 = arith.constant 0 : i32
    %c0_i32_1 = arith.constant 0 : i32
    return %c0_i32, %c0_i32_0 : i32, i32
  }
}

module attributes {stable_mosaic.version = 14 : i64} {
  func.func @_tcC_body(%arg0: i32, %arg1: memref<2x2000x16xf32, #tpu.memory_space<vmem>>, %arg2: memref<1x16xf32, #tpu.memory_space<vmem>>, %arg3: memref<2000x10xf32, #tpu.memory_space<vmem>>) attributes {dimension_semantics = [#tpu.dimension_semantics<arbitrary>], iteration_bounds = array<i64: 5>, scalar_prefetch = 0 : i64, scratch_operands = 0 : i64, tpu.core_type = #tpu.core_type<tc>, window_params = [{transform_indices = @transform_0, window_bounds = array<i64: 2, 2000, 16>}, {pipeline_mode = #tpu.pipeline_mode<synchronous>, transform_indices = @transform_1, window_bounds = array<i64: 1, 16>}, {transform_indices = @transform_2, window_bounds = array<i64: 2000, 10>}]} {
    %get3A = arith.constant 0 : index
    %get3A_0 = arith.constant 0 : index
    %get3A_1 = arith.constant 0 : index
    %get3A_2 = vector.load %arg1[%get3A, %get3A_0, %get3A_1] : memref<2x2000x16xf32, #tpu.memory_space<vmem>>, vector<1x2000x16xf32>
    %get3A_3 = vector.shape_cast %get3A_2 : vector<1x2000x16xf32> to vector<2000x16xf32>
    %get3A_4 = arith.constant 1 : index
    %get3A_5 = arith.constant 0 : index
    %get3A_6 = arith.constant 0 : index
    %get3A_7 = vector.load %arg1[%get3A_4, %get3A_5, %get3A_6] : memref<2x2000x16xf32, #tpu.memory_space<vmem>>, vector<1x2000x16xf32>
    %get3A_8 = vector.shape_cast %get3A_7 : vector<1x2000x16xf32> to vector<2000x16xf32>
    %add3A = arith.addf %get3A_3, %get3A_8 : vector<2000x16xf32>
    %iota3A = tpu.iota {dimensions = array<i32: 1>} : vector<2000x16xi32>
    %eq3A = arith.constant 10 : i32
    %eq3A_9 = vector.broadcast %eq3A : i32 to vector<2000x16xi32>
    %eq3A_10 = arith.cmpi eq, %iota3A, %eq3A_9 : vector<2000x16xi32>
    %jit3A = arith.constant 0.000000e+00 : f32
    %broadcast_in_dim3A = vector.broadcast %jit3A : f32 to vector<2000x16xf32>
    %select_n3A = arith.select %eq3A_10, %add3A, %broadcast_in_dim3A : vector<2000x16xi1>, vector<2000x16xf32>
    %reduce_sum3A = arith.constant dense<0.000000e+00> : vector<2000xf32>
    %reduce_sum3A_11 = vector.multi_reduction <add>, %select_n3A, %reduce_sum3A [1] : vector<2000x16xf32> to vector<2000xf32>
    %broadcast_in_dim3A_12 = vector.shape_cast %reduce_sum3A_11 : vector<2000xf32> to vector<2000x1xf32>
    %add3A_13 = arith.constant 1.000000e-16 : f32
    %add3A_14 = vector.broadcast %add3A_13 : f32 to vector<2000x1xf32>
    %add3A_15 = arith.addf %broadcast_in_dim3A_12, %add3A_14 : vector<2000x1xf32>
    %div3A = vector.broadcast %add3A_15 : vector<2000x1xf32> to vector<2000x16xf32>
    %div3A_16 = arith.divf %add3A, %div3A : vector<2000x16xf32>
    %get3A_17 = arith.constant 0 : index
    %get3A_18 = arith.constant 0 : index
    %get3A_19 = vector.load %arg2[%get3A_17, %get3A_18] : memref<1x16xf32, #tpu.memory_space<vmem>>, vector<1x16xf32>
    %add3A_20 = vector.broadcast %get3A_19 : vector<1x16xf32> to vector<2000x16xf32>
    %add3A_21 = arith.addf %div3A_16, %add3A_20 : vector<2000x16xf32>
    %lt3A = arith.constant 10 : i32
    %lt3A_22 = vector.broadcast %lt3A : i32 to vector<2000x16xi32>
    %lt3A_23 = arith.cmpi slt, %iota3A, %lt3A_22 : vector<2000x16xi32>
    %jit3A_24 = arith.constant -1.000000e+30 : f32
    %broadcast_in_dim3A_25 = vector.broadcast %jit3A_24 : f32 to vector<2000x16xf32>
    %select_n3A_26 = arith.select %lt3A_23, %add3A_21, %broadcast_in_dim3A_25 : vector<2000x16xi1>, vector<2000x16xf32>
    %reduce_max3A = arith.constant dense<0xFF800000> : vector<2000xf32>
    %reduce_max3A_27 = vector.multi_reduction <maximumf>, %select_n3A_26, %reduce_max3A [1] : vector<2000x16xf32> to vector<2000xf32>
    %broadcast_in_dim3A_28 = vector.shape_cast %reduce_max3A_27 : vector<2000xf32> to vector<2000x1xf32>
    %lt3A_29 = arith.constant 10 : i32
    %lt3A_30 = vector.broadcast %lt3A_29 : i32 to vector<2000x16xi32>
    %lt3A_31 = arith.cmpi slt, %iota3A, %lt3A_30 : vector<2000x16xi32>
    %sub3A = vector.broadcast %broadcast_in_dim3A_28 : vector<2000x1xf32> to vector<2000x16xf32>
    %sub3A_32 = arith.subf %add3A_21, %sub3A : vector<2000x16xf32>
    %exp3A = math.exp %sub3A_32 : vector<2000x16xf32>
    %jit3A_33 = arith.constant 0.000000e+00 : f32
    %broadcast_in_dim3A_34 = vector.broadcast %jit3A_33 : f32 to vector<2000x16xf32>
    %select_n3A_35 = arith.select %lt3A_31, %exp3A, %broadcast_in_dim3A_34 : vector<2000x16xi1>, vector<2000x16xf32>
    %reduce_sum3A_36 = arith.constant dense<0.000000e+00> : vector<2000xf32>
    %reduce_sum3A_37 = vector.multi_reduction <add>, %select_n3A_35, %reduce_sum3A_36 [1] : vector<2000x16xf32> to vector<2000xf32>
    %broadcast_in_dim3A_38 = vector.shape_cast %reduce_sum3A_37 : vector<2000xf32> to vector<2000x1xf32>
    %log3A = math.log %broadcast_in_dim3A_38 : vector<2000x1xf32>
    %add3A_39 = arith.addf %broadcast_in_dim3A_28, %log3A : vector<2000x1xf32>
    %sub3A_40 = vector.broadcast %add3A_39 : vector<2000x1xf32> to vector<2000x16xf32>
    %sub3A_41 = arith.subf %add3A_21, %sub3A_40 : vector<2000x16xf32>
    %slice3A = vector.extract_strided_slice %sub3A_41 {offsets = [0, 0], sizes = [2000, 10], strides = [1, 1]} : vector<2000x16xf32> to vector<2000x10xf32>
    %swap3A = arith.constant 0 : index
    %swap3A_42 = arith.constant 0 : index
    %swap3A_43 = vector.load %arg3[%swap3A, %swap3A_42] : memref<2000x10xf32, #tpu.memory_space<vmem>>, vector<2000x10xf32>
    tpu.vector_store %arg3[%swap3A, %swap3A_42], %slice3A {strides = array<i32>} : memref<2000x10xf32, #tpu.memory_space<vmem>>, vector<2000x10xf32>,
    return
  }
  func.func @transform_0(%arg0: i32) -> (i32, i32, i32) {
    %c0_i32 = arith.constant 0 : i32
    %c0_i32_0 = arith.constant 0 : i32
    %c0_i32_1 = arith.constant 0 : i32
    return %c0_i32, %arg0, %c0_i32_0 : i32, i32, i32
  }
  func.func @transform_1(%arg0: i32) -> (i32, i32) {
    %c0_i32 = arith.constant 0 : i32
    %c0_i32_0 = arith.constant 0 : i32
    %c0_i32_1 = arith.constant 0 : i32
    return %c0_i32, %c0_i32_0 : i32, i32
  }
  func.func @transform_2(%arg0: i32) -> (i32, i32) {
    %c0_i32 = arith.constant 0 : i32
    %c0_i32_0 = arith.constant 0 : i32
    return %arg0, %c0_i32 : i32, i32
  }
}

</mosaic_0001>

<sc_bundles>
// kernel: kernel.10.cloned.1.call-start
scs
__scs_entry_jumppad:
0x0: {  	(pc) =	sbr.rel $0x88, $3  }
0x1: {  	(tag) =	ssettag $0x0;
	lr =	simm.s32 $0x1  }
0x2: {  	[smem:$0x3F97] =	sst lr;
	_ =	strace $0xD0000000  }
0x3: {  	_ = 	snop  }
0x4: {  	_ = 	snop  }
0x5: {  	_ = 	snop  }
0x6: {  	_ = 	snop  }
0x7: {  	_ = 	snop  }
__scs_overlays_trampoline_lowered:
0x8: {  	[smem:$0x3FA6] =	sst s0  }
0x9: {  	[smem:$0x3FA7] =	sst s1  }
0xa: {  	[smem:$0x3FA8] =	sst s2  }
0xb: {  	[smem:$0x3FA9] =	sst s3  }
0xc: {  	[smem:$0x3FAA] =	sst s4  }
0xd: {  	[smem:$0x3FAB] =	sst s5  }
0xe: {  	[smem:$0x3FAC] =	sst s6  }
0xf: {  	[smem:$0x3FAD] =	sst s7  }
0x10: {  	[smem:$0x3FAE] =	sst s8  }
0x11: {  	[smem:$0x3FAF] =	sst s9;
	s0 =	simm.s32 @!p0 $0x0  }
0x12: {  	s1 =	sld [smem:$0x3F95];
	s0 =	simm.s32 @p0 $0x1  }
0x13: {  	[smem:$0x3FB0] =	sst s0;
	s0 =	simm.s32 @!p1 $0x0  }
0x14: {  	s2 =	sld [smem:$0x3F94];
	s0 =	simm.s32 @p1 $0x1  }
0x15: {  	[smem:$0x3FB1] =	sst s0;
	s0 =	simm.s32 @!p2 $0x0  }
0x16: {  	s3 =	sld [smem:$0x3FDB];
	s0 =	simm.s32 @p2 $0x1  }
0x17: {  	s4 =	simm.s32 $0x1BF5;
	[smem:$0x3FB3] =	sst s0  }
0x18: {  	s0 =	sld [smem:$0x3F96];
	_ =	swait.ge [sflag:s4], $0x0  }
0x19: {  	s7 =	sld [smem:$0x3F97]  }
0x1a: {  	s8 =	sadd.s32 $0xFFFFE003, lr  }
0x1b: {  	s9 =	sadd.s32 $0xFFFFFEF7, lr;
	s5 =	simm.s32 $0xFFFFFFFF;
	p2 =	slt.u32 s8, $0xFFFFF086  }
0x1c: {  	p1 =	slt.u32 s9, $0xF7A;
	s5 =	simm.s32 @!p2 $0x0  }
0x1d: {  	s5 =	simm.s32 @p1 $0x1;
	p0 =	seq.s32 s7, s2  }
0x1e: {  	s7 =	smul.u32 @!p0 $0xF7A, s2;
	p2 =	seq.s32 @!p0 s5, $0x0  }
0x1f: {  	s9 =	smul.u32 $0xF7A, s1;
	s8 =	simm.s32 @!p0 $0x1BF5;
	p2 =	por !p2, p0  }
0x20: {  	[sflag:s8] =	ssyncset.s32 @!p0 $0xFFFFF086;
	s6 =	sadd.s32 @!p0 s3, s7;
	s7 =	simm.s32 @!p0 $0x108  }
0x21: {  	s3 =	sadd.s32 s3, s9;
	s6 =	sadd.s32 @!p0 $0x88, s6;
	s7 =	simm.s32 @p2 $0x1082  }
0x22: {  	[simem:s7], [sflag:s8] =	dma.local @!p0 [hbm:s6], $0xF7A  }
0x23: {  	s9 =	sor.u32 $0xD0000000, s2;
	s6 =	simm.s32 $0x108;
	_ =	swait.ge @!p0 [sflag:s8], $0x0  }
0x24: {  	s3 =	sadd.s32 $0x88, s3;
	s6 =	simm.s32 @!p1 $0x1082;
	[sflag:s4] =	ssyncset.s32 $0xFFFFF086  }
0x25: {  	[simem:s6], [sflag:s4] =	dma.local [hbm:s3], $0xF7A  }
0x26: {  	[smem:$0x3F97] =	sst s1;
	(tag) =	ssettag s2;
	_ =	strace s9  }
0x27: {  	s1 =	sld [smem:$0x3FA7]  }
0x28: {  	s2 =	sld [smem:$0x3FA8]  }
0x29: {  	s4 =	sld [smem:$0x3FAA]  }
0x2a: {  	p0 =	seq.s32 s5, $0x0;
	s5 =	sld [smem:$0x3FAB]  }
0x2b: {  	s6 =	sld [smem:$0x3FAC]  }
0x2c: {  	s7 =	sld [smem:$0x3FAD]  }
0x2d: {  	s3 =	simm.s32 $0x108;
	s8 =	sld [smem:$0x3FAE]  }
0x2e: {  	s3 =	simm.s32 @!p0 $0x1082;
	s9 =	sld [smem:$0x3FAF]  }
0x2f: {  	lr =	sadd.s32 s0, s3;
	s0 =	sld [smem:$0x3FA6]  }
0x30: {  	s3 =	sld [smem:$0x3FA9]  }
0x31: {  	[smem:$0x3FB2] =	sst s10  }
0x32: {  	s10 =	sld [smem:$0x3FB0];
	_ =	sdelay $0x3  }
0x33: {  	p0 =	seq.s32 s10, $0x1;
	s10 =	sld [smem:$0x3FB2];
	_ =	sdelay $0x3  }
0x34: {  	[smem:$0x3FB2] =	sst s10  }
0x35: {  	s10 =	sld [smem:$0x3FB1];
	_ =	sdelay $0x3  }
0x36: {  	p1 =	seq.s32 s10, $0x1;
	s10 =	sld [smem:$0x3FB2];
	_ =	sdelay $0x3  }
0x37: {  	[smem:$0x3FB2] =	sst s10  }
0x38: {  	s10 =	sld [smem:$0x3FB3]  }
0x39: {  	_ = 	snop;
	(pc) =	sbr.ind lr, $3  }
0x3a: {  	_ = 	snop  }
0x3b: {  	_ = 	snop  }
0x3c: {  	p2 =	seq.s32 s10, $0x1;
	s10 =	sld [smem:$0x3FB2]  }
0x3d: {  	_ =	shalt  }
0x3e: {  	_ =	shalt  }
0x3f: {  	_ =	shalt  }
0x40: {  	_ =	shalt  }
0x41: {  	_ =	shalt  }
0x42: {  	_ =	shalt  }
0x43: {  	_ =	shalt  }
0x44: {  	_ =	shalt  }
0x45: {  	_ =	shalt  }
0x46: {  	_ =	shalt  }
0x47: {  	_ =	shalt  }
0x48: {  	_ =	shalt  }
0x49: {  	_ =	shalt  }
0x4a: {  	_ =	shalt  }
0x4b: {  	_ =	shalt  }
0x4c: {  	_ =	shalt  }
0x4d: {  	_ =	shalt  }
0x4e: {  	_ =	shalt  }
0x4f: {  	_ =	shalt  }
0x50: {  	_ =	shalt  }
0x51: {  	_ =	shalt  }
0x52: {  	_ =	shalt  }
0x53: {  	_ =	shalt  }
0x54: {  	_ =	shalt  }
0x55: {  	_ =	shalt  }
0x56: {  	_ =	shalt  }
0x57: {  	_ =	shalt  }
0x58: {  	_ =	shalt  }
0x59: {  	_ =	shalt  }
0x5a: {  	_ =	shalt  }
0x5b: {  	_ =	shalt  }
0x5c: {  	_ =	shalt  }
0x5d: {  	_ =	shalt  }
0x5e: {  	_ =	shalt  }
0x5f: {  	_ =	shalt  }
0x60: {  	_ =	shalt  }
0x61: {  	_ =	shalt  }
0x62: {  	_ =	shalt  }
0x63: {  	_ =	shalt  }
0x64: {  	_ =	shalt  }
0x65: {  	_ =	shalt  }
0x66: {  	_ =	shalt  }
0x67: {  	_ =	shalt  }
0x68: {  	_ =	shalt  }
0x69: {  	_ =	shalt  }
0x6a: {  	_ =	shalt  }
0x6b: {  	_ =	shalt  }
0x6c: {  	_ =	shalt  }
0x6d: {  	_ =	shalt  }
0x6e: {  	_ =	shalt  }
0x6f: {  	_ =	shalt  }
0x70: {  	_ =	shalt  }
0x71: {  	_ =	shalt  }
0x72: {  	_ =	shalt  }
0x73: {  	_ =	shalt  }
0x74: {  	_ =	shalt  }
0x75: {  	_ =	shalt  }
0x76: {  	_ =	shalt  }
0x77: {  	_ =	shalt  }
0x78: {  	_ =	shalt  }
0x79: {  	_ =	shalt  }
0x7a: {  	_ =	shalt  }
0x7b: {  	_ =	shalt  }
0x7c: {  	_ =	shalt  }
0x7d: {  	_ =	shalt  }
0x7e: {  	_ =	shalt  }
0x7f: {  	_ =	shalt  }
0x80: {  	_ =	shalt  }
0x81: {  	_ =	shalt  }
0x82: {  	_ =	shalt  }
0x83: {  	_ =	shalt  }
0x84: {  	_ =	shalt  }
0x85: {  	_ =	shalt  }
0x86: {  	_ =	shalt  }
0x87: {  	_ =	shalt  }
.Lfunc_end0:
.L_simem_size_0:
called_computation.1_lowered:
.L_overlay_start_0:
0x88: {  	s2 =	sld [smem:$0x3FD9]  }
0x89: {  	s3 =	sld [smem:$0x3FFE];
	_ =	sdelay $0x1  }
0x8a: {  	s1 =	srdreg.scid  }
0x8b: {  	s0 =	sand.u32 $0x1, s1  }
0x8c: {  	s17 =	sshll.u32 s0, $0xA;
	s2 =	sadd.s32 s3, s2  }
0x8d: {  	s2 =	sadd.s32 s2, s17  }
0x8e: {  	[smem:$0x3FBE] =	sst s2  }
0x8f: {  	_ = 	snop  }
0x90: {  	s2 =	sld [smem:$0x3FD0];
	(tm) =	ssettm $0x1  }
0x91: {  	s18 =	sld [smem:$0x3FFB];
	_ =	sdelay $0x3  }
0x92: {  	_ =	strace s18  }
0x93: {  	s3 =	sld [smem:$0x3FFC];
	_ =	sdelay $0x3  }
0x94: {  	_ =	strace s3  }
0x95: {  	s3 =	sld [smem:$0x3FFD];
	_ =	sdelay $0x3  }
0x96: {  	_ =	strace s3  }
0x97: {  	_ =	strace $0x8FFFFFFF  }
0x98: {  	s19 =	sld [smem:$0x3FDB];
	_ =	sdelay $0x1  }
0x99: {  	s4 =	simm.s32 $_scs_section_size  }
0x9a: {  	s5 =	simm.s32 $_size__tile_overlayer_lowered;
	s6 =	simm.s32 $_tile_overlayer_lowered  }
0x9b: {  	s22 =	simm.s32 $0x1BFF;
	s21 =	sshll.u32 s6, $0x1;
	s3 =	sadd.s32 s4, s19  }
0x9c: {  	s7 =	simm.s32 $0x0;
	s20 =	sshll.u32 s5, $0x1;
	s5 =	sadd.s32 s21, s3  }
0x9d: {  	[timem:s7], [sflag:s22] =	dma.local [hbm:s5], s20  }
0x9e: {  	_ =	swait.ge [sflag:s22], s20  }
0x9f: {  	s4 =	ssub.s32 $0x0, s20;
	[sflag:s22] =	ssyncset.done $0x0  }
0xa0: {  	[sflag:s22] =	ssyncadd.s32 s4;
	_ =	sdelay $0x1  }
0xa1: {  	s23 =	simm.s32 $0x1B8B  }
0xa2: {  	_ =	swait.ge [sflag:s23], $0x1  }
0xa3: {  	[sflag:s23] =	ssyncset.done $0x0  }
0xa4: {  	s25 =	simm.s32 $0x1B8E;
	s24 =	sld [smem:$0x3FFE];
	[sflag:s23] =	ssyncadd.s32 $0xFFFFFFFF  }
0xa5: {  	s26 =	simm.s32 $execute0_lowered;
	[smem:$0x3FD2] =	sst s25  }
0xa6: {  	s5 =	sshll.u32 s26, $0x1;
	_ =	strace $0x80000049;
	[dreg:$0x1] =	wrdreg $0xFFFFFFFF  }
0xa7: {  	s28 =	simm.s32 $_size_execute0_lowered;
	s3 =	sadd.s32 s3, s5;
	[dreg:$0x0] =	wrdreg $0x0  }
0xa8: {  	s5 =	sshll.u32 s28, $0x1;
	[dreg:$0x2] =	wrdreg s3  }
0xa9: {  	[dreg:$0x3] =	wrdreg s5  }
0xaa: {  	[dreg:$0x4] =	wrdreg $0xC0  }
0xab: {  	_ =	task [dreg:s7], $0x5FFFF  }
0xac: {  	[dreg:$0x1] =	wrdreg $0xFFFFFFFF  }
0xad: {  	[dreg:$0x0] =	wrdreg $0x60  }
0xae: {  	[dreg:$0x2] =	wrdreg s24  }
0xaf: {  	[dreg:$0x3] =	wrdreg s2  }
0xb0: {  	[dreg:$0x4] =	wrdreg $0x0  }
0xb1: {  	[dreg:$0x5] =	wrdreg $0x9  }
0xb2: {  	_ =	task.clear_ibuf [dreg:s7], $0x6FFFF;
	_ =	strace $0x90000049  }
0xb3: {  	s29 =	simm.s32 $0x9;
	_ =	strace $0x8000004B  }
0xb4: {  	_ =	swait.ge [sflag:s29], $0x1  }
0xb5: {  	[sflag:s29] =	ssyncadd.s32 $0xFFFFFFFF  }
0xb6: {  	_ =	strace $0x9000004B  }
0xb7: {  	_ =	sfence  }
0xb8: {  	s30 =	sld [smem:$0x0];
	_ =	sdelay $0x2  }
0xb9: {  	s31 =	sshll.u32 s1, $0xD;
	s1 =	sshrl.u32 s1, $0x2  }
0xba: {  	s3 =	sand.u32 $0x4000, s31;
	s1 =	sadd.s32 s1, s30  }
0xbb: {  	s0 =	sor.u32 s3, s0;
	s1 =	sshll.u32 s1, $0x11  }
0xbc: {  	s0 =	sor.u32 s1, s0  }
0xbd: {  	s0 =	sadd.s32 $0x8F2B, s0  }
0xbe: {  	[sflag:s0] =	ssyncadd.remote.s32 $0x1  }
0xbf: {  	_ =	sfence.sel $0xFFFF  }
0xc0: {  	[dreg:$0x0] =	wrdreg $0xFFFFFFFF;
	(pc) =	sbr.abs _section_cstart, $3  }
0xc1: {  	[dreg:$0x1] =	wrdreg $0xFFFFFFFF  }
0xc2: {  	_ =	task.clear_ibuf [dreg:s7], $0x2FFFF;
	_ =	strace $0x9FFFFFFF  }
0xc3: {  	(tm) =	ssettm $0x7FFFFFFF  }
tec
execute0_lowered:
.L_overlay_start_1:
0x0: {  	(tag) =	ssettag $0x1  }
0x1: {  	s0 =	srdreg.scid;
	s1 =	rddreg [dreg:$0x0]  }
0x2: {  	s8 =	stileid.u32;
	s2 =	rddreg [dreg:$0x1]  }
0x3: {  	s11 =	simm.s32 $0x2710;
	s28 =	simm.s32 $0x50;
	s29 =	simm.s32 $0x7530  }
0x4: {  	s30 =	simm.s32 $0x8430;
	s31 =	simm.s32 $0x1;
	s0 =	sand.u32 $0x1, s0  }
0x5: {  	s3 =	sshll.u32 s8, $0x1;
	s6 =	smul.u32 $0x2710, s8;
	s9 =	sadd.s32 $0xE00, s1  }
0x6: {  	s16 =	sadd.s32 $0x800, s1;
	s8 =	smul.u32 $0x9C40, s8;
	s17 =	sadd.s32 $0x1600, s1  }
0x7: {  	s4 =	sor.u32 s0, s3;
	s3 =	rddreg [dreg:$0x2];
	s7 =	smul.u32 $0x27100, s0  }
0x8: {  	s0 =	ssub.s32 $0x2, s0;
	s5 =	smul.u32 $0x4E2, s4;
	s4 =	simm.s32 $0x0  }
0x9: {  	s18 =	sshrl.u32 s0, $0x1;
	s8 =	sshrl.u32 s8, $0x2;
	s10 =	sadd.s32 s6, s3  }
0xa: {  	[smem:$0x7FF] =	sst s4;
	s7 =	sadd.s32 s6, s7;
	s0 =	ssub.s32 s0, s18  }
0xb: {  	s20 =	sadd.s32 s8, s3;
	_ =	strace $0x8000004A;
	[dreg:$0x4] =	wrdreg s9  }
0xc: {  	s6 =	simm.s32 $0x4;
	s5 =	sadd.s32 s5, s1;
	[dreg:$0x5] =	wrdreg s16  }
0xd: {  	[dreg:$0x6] =	wrdreg s17;
	s7 =	sshrl.u32 s7, $0x3;
	s21 =	sadd.s32 $0x500, s20  }
0xe: {  	s22 =	sadd.s32 $0xA00, s20;
	s23 =	sadd.s32 $0xF00, s20;
	[dreg:$0x9] =	wrdreg s21  }
0xf: {  	s24 =	sadd.s32 $0x1400, s20;
	s25 =	sadd.s32 $0x1900, s20;
	[dreg:$0xa] =	wrdreg s22  }
0x10: {  	s26 =	sadd.s32 $0x1E00, s20;
	s17 =	sadd.s32 $0x2300, s20;
	[dreg:$0xb] =	wrdreg s23  }
0x11: {  	s20 =	simm.s32 $0x2;
	s1 =	sadd.s32 s7, s1;
	[dreg:$0xc] =	wrdreg s24  }
0x12: {  	s19 =	sadd.s32 $0x23000, s5;
	s5 =	sadd.s32 $0x19200, s5;
	[dreg:$0xd] =	wrdreg s25  }
0x13: {  	[dreg:$0xe] =	wrdreg s26;
	s21 =	simm.s32 $0x7;
	s24 =	simm.s32 $0x8930  }
0x14: {  	s25 =	simm.s32 $0xB040;
	s26 =	simm.s32 $0xD7A0;
	s23 =	simm.s32 $0xDCA0  }
0x15: {  	s22 =	simm.s32 $0x6;
	s7 =	simm.s32 $0x0;
	[dreg:$0x7] =	wrdreg s19  }
0x16: {  	[dreg:$0x8] =	wrdreg s5;
	s18 =	sadd.s32 $0x1800, s1;
	s19 =	smax.u32 s0, $0x1  }
0x17: {  	v0 =	vimm.f32 $0.0e+00;
	vm0 =	vcmask $0x2B28;
	vm1 =	vmmov $0x3ff;
	s1 =	simm.s32 $0xD750;
	s0 =	simm.s32 $0x3;
	s5 =	simm.s32 $0x5  }
.LBB2_1:
0x18: {  	s8 =	rddreg [dreg:$0x6];
	s9 =	simm.s32 $0xE1A0  }
0x19: {  	[tilespmem:s9], [sflag:$0x7] =	stream.linear.gather [hbm4b:s8+s4], $0x10, $0x38;
	[tilespmem:$0xE1B0] =	vst v63  }
0x1a: {  	_ =	swait.ge [sflag:s21], $0x10  }
0x1b: {  	[sflag:s21] =	ssyncset.done $0x0  }
0x1c: {  	s12 =	rddreg [dreg:$0x7];
	[sflag:s21] =	ssyncadd.s32 $0xFFFFFFF0  }
0x1d: {  	[tilespmem:s11], [sflag:$0x7] =	stream.linear.gather [hbm4b:s12+s4], $0x2710, $0x38;
	[tilespmem:$0xE1B0] =	vst v63  }
0x1e: {  	_ =	swait.ge [sflag:s21], $0x2710  }
0x1f: {  	[sflag:s21] =	ssyncset.done $0x0  }
0x20: {  	s14 =	simm.s32 $0x4E20;
	s13 =	rddreg [dreg:$0x8];
	[sflag:s21] =	ssyncadd.s32 $0xFFFFD8F0  }
0x21: {  	[tilespmem:s14], [sflag:$0x7] =	stream.linear.gather [hbm4b:s13+s4], $0x2710, $0x38;
	[tilespmem:$0xE1B0] =	vst v63  }
0x22: {  	_ =	swait.ge [sflag:s21], $0x2710  }
0x23: {  	[sflag:s21] =	ssyncset.done $0x0  }
0x24: {  	s15 =	rddreg [dreg:$0x4];
	[sflag:s21] =	ssyncadd.s32 $0xFFFFD8F0  }
0x25: {  	[tilespmem:s24], [sflag:$0x7] =	stream.linear.gather [hbm4b:s15+s4], $0x2710, $0x38;
	[tilespmem:$0xE1B0] =	vst v63  }
0x26: {  	_ =	swait.ge [sflag:s21], $0x2710  }
0x27: {  	[sflag:s21] =	ssyncset.done $0x0  }
0x28: {  	s16 =	rddreg [dreg:$0x5];
	[sflag:s21] =	ssyncadd.s32 $0xFFFFD8F0  }
0x29: {  	[tilespmem:s25], [sflag:$0x7] =	stream.linear.gather [hbm4b:s16+s4], $0x2710, $0x38;
	[tilespmem:$0xE1B0] =	vst v63  }
0x2a: {  	_ =	swait.ge [sflag:s21], $0x2710  }
0x2b: {  	[sflag:s21] =	ssyncset.done $0x0  }
0x2c: {  	s8 =	simm.s32 $0x40;
	s9 =	simm.s32 $0x0;
	[sflag:s21] =	ssyncadd.s32 $0xFFFFD8F0  }
.LBB2_2:
0x2d: {  	p0 =	sne.s32 s8, $0x13C0;
	[tilespmem:s9+$0xD7A0] =	vst v0;
	s9 =	smov.u32 s8;
	s8 =	sadd.s32 $0x40, s8  }
.Ltmp0:
0x2e: {  	(pc) =	sbr.rel @p0 .LBB2_2-.Ltmp0, $2  }
0x2f: {  	_ =	sdelay $0x2  }
0x30: {  	s9 =	sshra.s32 s9, $0x2  }
0x31: {  	[tilespmem:s9+$0xD7A0] =	vst v0  }
0x32: {  	[spmem:s10] =	stream.linear.scatter [tilespmem:s26], [sflag:$0x7], $0x500, $0x38;
	[tilespmem:$0xE1B0] =	vst v63  }
0x33: {  	_ =	swait.ge [sflag:s21], $0x500  }
0x34: {  	[sflag:s21] =	ssyncset.done $0x0  }
0x35: {  	s8 =	rddreg [dreg:$0x9];
	[sflag:s21] =	ssyncadd.s32 $0xFFFFFB00  }
0x36: {  	[spmem:s8] =	stream.linear.scatter [tilespmem:s26], [sflag:$0x7], $0x500, $0x38;
	[tilespmem:$0xE1B0] =	vst v63  }
0x37: {  	_ =	swait.ge [sflag:s21], $0x500  }
0x38: {  	[sflag:s21] =	ssyncset.done $0x0  }
0x39: {  	s13 =	rddreg [dreg:$0xa];
	[sflag:s21] =	ssyncadd.s32 $0xFFFFFB00  }
0x3a: {  	[spmem:s13] =	stream.linear.scatter [tilespmem:s26], [sflag:$0x7], $0x500, $0x38;
	[tilespmem:$0xE1B0] =	vst v63  }
0x3b: {  	_ =	swait.ge [sflag:s21], $0x500  }
0x3c: {  	[sflag:s21] =	ssyncset.done $0x0  }
0x3d: {  	s14 =	rddreg [dreg:$0xb];
	[sflag:s21] =	ssyncadd.s32 $0xFFFFFB00  }
0x3e: {  	[spmem:s14] =	stream.linear.scatter [tilespmem:s26], [sflag:$0x7], $0x500, $0x38;
	[tilespmem:$0xE1B0] =	vst v63  }
0x3f: {  	_ =	swait.ge [sflag:s21], $0x500  }
0x40: {  	[sflag:s21] =	ssyncset.done $0x0  }
0x41: {  	s15 =	rddreg [dreg:$0xc];
	[sflag:s21] =	ssyncadd.s32 $0xFFFFFB00  }
0x42: {  	[spmem:s15] =	stream.linear.scatter [tilespmem:s26], [sflag:$0x7], $0x500, $0x38;
	[tilespmem:$0xE1B0] =	vst v63  }
0x43: {  	_ =	swait.ge [sflag:s21], $0x500  }
0x44: {  	[sflag:s21] =	ssyncset.done $0x0  }
0x45: {  	s16 =	rddreg [dreg:$0xd];
	[sflag:s21] =	ssyncadd.s32 $0xFFFFFB00  }
0x46: {  	[spmem:s16] =	stream.linear.scatter [tilespmem:s26], [sflag:$0x7], $0x500, $0x38;
	[tilespmem:$0xE1B0] =	vst v63  }
0x47: {  	_ =	swait.ge [sflag:s21], $0x500  }
0x48: {  	[sflag:s21] =	ssyncset.done $0x0  }
0x49: {  	s9 =	rddreg [dreg:$0xe];
	[sflag:s21] =	ssyncadd.s32 $0xFFFFFB00  }
0x4a: {  	[spmem:s9] =	stream.linear.scatter [tilespmem:s26], [sflag:$0x7], $0x500, $0x38;
	[tilespmem:$0xE1B0] =	vst v63  }
0x4b: {  	_ =	swait.ge [sflag:s21], $0x500  }
0x4c: {  	[sflag:s21] =	ssyncset.done $0x0  }
0x4d: {  	[sflag:s21] =	ssyncadd.s32 $0xFFFFFB00  }
0x4e: {  	[spmem:s17] =	stream.linear.scatter [tilespmem:s26], [sflag:$0x7], $0x410, $0x38;
	[tilespmem:$0xE1B0] =	vst v63  }
0x4f: {  	_ =	swait.ge [sflag:s21], $0x410  }
0x50: {  	[sflag:s21] =	ssyncset.done $0x0  }
0x51: {  	[sflag:s21] =	ssyncadd.s32 $0xFFFFFBF0  }
0x52: {  	[bflag:$0x0] =	sbarrier.arrive $0xFFFF  }
0x53: {  	v1 =	vld [tilespmem:$0xE1A0];
	[tilespmem:s29], [sflag:$0x1] =	stream.indirect.gather [hbm4b:s2+s28], $0x10, s11, s28, $0xb8  }
0x54: {  	s12 =	simm.s32 $0x2760;
	s13 =	simm.s32 $0x7A30  }
0x55: {  	[tilespmem:s13], [sflag:$0x2] =	stream.indirect.gather [hbm4b:s2+s28], $0x10, s12, s28, $0xb8;
	[tilespmem:$0xE1B0] =	vst v63  }
0x56: {  	s14 =	simm.s32 $0x27B0;
	s15 =	simm.s32 $0x7F30  }
0x57: {  	[tilespmem:s15], [sflag:$0x3] =	stream.indirect.gather [hbm4b:s2+s28], $0x10, s14, s28, $0xb8;
	[tilespmem:$0xE1B0] =	vst v63  }
0x58: {  	s8 =	simm.s32 $0x0;
	s16 =	simm.s32 $0x2800  }
0x59: {  	[tilespmem:s30], [sflag:$0x4] =	stream.indirect.gather [hbm4b:s2+s28], $0x10, s16, s28, $0xb8;
	[tilespmem:$0xE1B0] =	vst v63  }
.LBB2_4:
0x5a: {  	_ =	swait.ge [sflag:s31], $0x500  }
0x5b: {  	p0 =	seq.s32 s8, $0x0;
	[sflag:s31] =	ssyncset.done $0x0  }
0x5c: {  	s9 =	simm.s32 @!p0 $0x5;
	[sflag:s31] =	ssyncadd.s32 $0xFFFFFB00  }
0x5d: {  	_ =	swait.ge @!p0 [sflag:s9], $0x500  }
0x5e: {  	[sflag:s9] =	ssyncset.done @!p0 $0x0  }
0x5f: {  	[sflag:s9] =	ssyncadd.s32 @!p0 $0xFFFFFB00;
	s9 =	smul.u32 $0x140, s8  }
0x60: {  	p1 =	por $0x1, $0x1;
	s11 =	simm.s32 $0x0  }
.LBB2_5:
0x61: {  	s12 =	sor.u32 s9, s11  }
0x62: {  	v2 =	vld [tilespmem:s12+$0x2710]  }
0x63: {  	v3 =	vld [tilespmem:s12+$0x4E20];
	s12 =	sor.u32 $0x10, s12  }
0x64: {  	v4 =	vld [tilespmem:s12+$0x2710]  }
0x65: {  	v5 =	vld [tilespmem:s12+$0x4E20];
	_ =	sdelay $0x4  }
0x66: {  	v2 =	vld.idx.msk [tilespmem:v2+s24+$0x0], $0xffff  }
0x67: {  	v3 =	vld.idx.msk [tilespmem:v3+s25+$0x0], $0xffff  }
0x68: {  	v4 =	vld.idx.msk [tilespmem:v4+s24+$0x0], $0xffff  }
0x69: {  	v5 =	vld.idx.msk [tilespmem:v5+s25+$0x0], $0xffff;
	_ =	sdelay $0x3  }
0x6a: {  	v2 =	vadd.f32 v3, v2  }
0x6b: {  	v3 =	vadd.f32 v5, v4  }
0x6c: {  	v63 =	vmul.f32 $2.000000030e-01, v2  }
0x6d: {  	vm2 =	vgt.f32 v2, $0.0e+00;
	v5 =	vmul.f32 $2.000000030e-01, v3  }
0x6e: {  	v2 =	vsel vm2, v2, v63;
	vm2 =	vgt.f32 v3, $0.0e+00  }
0x6f: {  	v3 =	vsel vm2, v3, v5;
	v2 =	vsub.f32 v2, v1  }
0x70: {  	v3 =	vsub.f32 v3, v1  }
0x71: {  	v2 =	vmul.f32 $1.442695020e+00, v2  }
0x72: {  	v3 =	vmul.f32 $1.442695020e+00, v3  }
0x73: {  	(erf) = vpow2.f32 v2  }
0x74: {  	(erf) = vpow2.f32 v3;
	_ =	sdelay $0x4  }
0x75: {  	p2 =	por p1, p1  }
.Ltmp1:
0x76: {  	_ = 	snop;
	(pc) =	sbr.rel @p2 .LBB2_5-.Ltmp1, $4  }
0x77: {  	_ = 	snop  }
0x78: {  	v2 =	vpop (erf)  }
0x79: {  	[tilespmem:s11+$0xD750] =	vst v2;
	v2 =	vpop (erf)  }
0x7a: {  	p1 =	por $0x0, $0x0;
	[tilespmem:s11+$0xD760] =	vst v2;
	s11 =	simm.s32 $0x20  }
0x7b: {  	v2 =	vld [tilespmem:s9+$0x2750]  }
0x7c: {  	v3 =	vld [tilespmem:s9+$0x4E60];
	_ =	sdelay $0x6  }
0x7d: {  	v2 =	vld.idx.msk [tilespmem:v2+s24+$0x0], $0xffff  }
0x7e: {  	v3 =	vld.idx.msk [tilespmem:v3+s25+$0x0], $0xffff;
	_ =	sdelay $0x4  }
0x7f: {  	v2 =	vadd.f32 v3, v2;
	_ =	sdelay $0x1  }
0x80: {  	v3 =	vmul.f32 $2.000000030e-01, v2  }
0x81: {  	vm2 =	vgt.f32 v2, $0.0e+00  }
0x82: {  	v2 =	vsel vm2, v2, v3  }
0x83: {  	v2 =	vsub.f32 v2, v1;
	_ =	sdelay $0x1  }
0x84: {  	v2 =	vmul.f32 $1.442695020e+00, v2;
	_ =	sdelay $0x1  }
0x85: {  	(erf) = vpow2.f32 v2;
	_ =	sdelay $0x2  }
0x86: {  	s11 =	simm.s32 $0x0  }
0x87: {  	s13 =	simm.s32 $0x1;
	s14 =	simm.s32 $0x3;
	v2 =	vmov s11  }
0x88: {  	s12 =	simm.s32 $0x2;
	v4 =	vmov s14;
	v3 =	vmov s13;
	v2 =	vand.u32 $0xFFFFFFFC, v2  }
0x89: {  	v5 =	vmov s12;
	v3 =	vand.u32 $0xFFFFFFFD, v3;
	v2 =	vbroadcast v2, $0x0  }
0x8a: {  	v5 =	vand.u32 $0xFFFFFFFE, v5;
	v3 =	vbroadcast v3, $0x0  }
0x8b: {  	v5 =	vbroadcast v5, $0x0  }
0x8c: {  	v6 =	vpop (erf)  }
0x8d: {  	[tilespmem:$0xD790] =	vst v6  }
0x8e: {  	s15 =	simm.s32 $0x4;
	v4 =	vld.idx.msk [tilespmem:v4+s1+$0x0], $0xffff  }
0x8f: {  	s16 =	simm.s32 $0x5;
	v6 =	vmov s15;
	v8 =	vld.idx.msk [tilespmem:v2+s1+$0x0], $0xffff  }
0x90: {  	s12 =	simm.s32 $0x7;
	v6 =	vand.u32 $0xFFFFFFFC, v6;
	v2 =	vmov s16;
	v3 =	vld.idx.msk [tilespmem:v3+s1+$0x0], $0xffff  }
0x91: {  	s14 =	simm.s32 $0x6;
	v7 =	vmov s12;
	s13 =	simm.s32 $0x7550;
	v5 =	vld.idx.msk [tilespmem:v5+s1+$0x0], $0xffff;
	v6 =	vbroadcast v6, $0x0;
	v2 =	vand.u32 $0xFFFFFFFD, v2  }
0x92: {  	v9 =	vmov s14;
	v12 =	vld [tilespmem:s13+$0xFFFFFFE0];
	v10 =	vbroadcast v2, $0x0  }
0x93: {  	v2 =	vand.u32 $0xFFFFFFFE, v9;
	v9 =	vld [tilespmem:s13+$0x0]  }
0x94: {  	s15 =	simm.s32 $0x8;
	v13 =	vld [tilespmem:s13+$0xFFFFFFF0];
	v11 =	vbroadcast v2, $0x0  }
0x95: {  	s12 =	simm.s32 $0xB;
	s16 =	simm.s32 $0x9;
	v15 =	vld [tilespmem:s13+$0x10];
	v2 =	vmov s15  }
0x96: {  	v17 =	vmov s12;
	v14 =	vmov s16;
	v16 =	vand.u32 $0xFFFFFFFC, v2;
	v2 =	vld.idx.msk [tilespmem:v7+s1+$0x0], $0xffff  }
0x97: {  	v14 =	vand.u32 $0xFFFFFFFD, v14;
	v16 =	vbroadcast v16, $0x0;
	v19 =	vld.idx.msk [tilespmem:v6+s1+$0x0], $0xffff;
	v6 =	vnsel vm0, $0x0, v8  }
0x98: {  	s12 =	simm.s32 $0x7590;
	s13 =	simm.s32 $0xA;
	v9 =	vmul.f32 v9, v5;
	v8 =	vmul.f32 v12, v8;
	v5 =	vnsel vm0, $0x0, v5;
	v7 =	vld.idx.msk [tilespmem:v10+s1+$0x0], $0xffff  }
0x99: {  	v12 =	vmov s13;
	v10 =	vnsel vm0, $0x0, v3;
	v3 =	vmul.f32 v13, v3;
	v13 =	vld [tilespmem:s12+$0x0]  }
0x9a: {  	v18 =	vbroadcast v14, $0x0;
	v20 =	vld.idx.msk [tilespmem:v11+s1+$0x0], $0xffff;
	v5 =	vsel vm1, v9, v5;
	v9 =	vand.u32 $0xFFFFFFFE, v12  }
0x9b: {  	s14 =	simm.s32 $0xC;
	v6 =	vsel vm1, v8, v6;
	v12 =	vmul.f32 v15, v4;
	v15 =	vld [tilespmem:s12+$0xFFFFFFE0];
	v8 =	vbroadcast v9, $0x0  }
0x9c: {  	s11 =	simm.s32 $0xD7C0;
	s15 =	simm.s32 $0xD;
	v11 =	vld [tilespmem:s12+$0xFFFFFFF0];
	v14 =	vsel vm1, v3, v10;
	v3 =	vnsel vm0, $0x0, v4;
	v4 =	vmov s14  }
0x9d: {  	s16 =	simm.s32 $0xF;
	[tilespmem:s11+$0x0] =	vst v5;
	v9 =	vld [tilespmem:s12+$0x10];
	v5 =	vsel vm1, v12, v3;
	v3 =	vand.u32 $0xFFFFFFFC, v4;
	v4 =	vmov s15  }
0x9e: {  	[tilespmem:s11+$0xFFFFFFE0] =	vst v6;
	v6 =	vmov s16;
	v10 =	vbroadcast v3, $0x0;
	v4 =	vand.u32 $0xFFFFFFFD, v4;
	v3 =	vld.idx.msk [tilespmem:v17+s1+$0x0], $0xffff  }
0x9f: {  	[tilespmem:s11+$0xFFFFFFF0] =	vst v14;
	v12 =	vnsel vm0, $0x0, v19;
	v14 =	vbroadcast v4, $0x0;
	v4 =	vld.idx.msk [tilespmem:v16+s1+$0x0], $0xffff;
	v16 =	vmul.f32 v13, v20  }
0xa0: {  	s13 =	simm.s32 $0x10;
	s14 =	simm.s32 $0xE;
	[tilespmem:s11+$0x10] =	vst v5;
	v5 =	vld.idx.msk [tilespmem:v18+s1+$0x0], $0xffff;
	v15 =	vmul.f32 v15, v19;
	v13 =	vnsel vm0, $0x0, v7;
	v17 =	vnsel vm0, $0x0, v20  }
.LBB2_7:
0xa1: {  	p1 =	slt.u32 s13, $0x4C;
	v18 =	vmov s14;
	v19 =	vld.idx.msk [tilespmem:v8+s1+$0x0], $0xffff;
	v7 =	vmul.f32 v11, v7;
	v8 =	vsel vm1, v16, v17;
	s12 =	sadd.s32 $0x40, s12;
	s11 =	sadd.s32 $0x40, s11;
	v17 =	vmovc v14  }
0xa2: {  	v11 =	vand.u32 $0xFFFFFFFE, v18;
	v16 =	vld [tilespmem:s12+$0x0];
	v12 =	vsel vm1, v15, v12;
	[tilespmem:s11+$0x0] =	vst v8;
	v9 =	vmul.f32 v9, v2  }
0xa3: {  	v18 =	vnsel vm0, $0x0, v2;
	v8 =	vbroadcast v11, $0x0;
	v15 =	vld [tilespmem:s12+$0xFFFFFFE0];
	[tilespmem:s11+$0xFFFFFFE0] =	vst v12;
	v7 =	vsel vm1, v7, v13  }
.Ltmp2:
0xa4: {  	s14 =	sadd.s32 $0x1, s13;
	v12 =	vmov s13;
	v2 =	vmov v3;
	v11 =	vld [tilespmem:s12+$0xFFFFFFF0];
	[tilespmem:s11+$0xFFFFFFF0] =	vst v7;
	v14 =	vsel vm1, v9, v18;
	(pc) =	sbr.rel @p1 .LBB2_7-.Ltmp2, $4  }
0xa5: {  	v3 =	vand.u32 $0xFFFFFFFC, v12;
	v12 =	vmov s14;
	s14 =	sadd.s32 $0x3, s13;
	v13 =	vmov v4;
	v9 =	vld [tilespmem:s12+$0x10];
	[tilespmem:s11+$0x10] =	vst v14  }
0xa6: {  	v18 =	vbroadcast v3, $0x0;
	v4 =	vand.u32 $0xFFFFFFFD, v12;
	v3 =	vld.idx.msk [tilespmem:v6+s1+$0x0], $0xffff;
	v6 =	vmov s14;
	v7 =	vmovc v5  }
0xa7: {  	v12 =	vnsel vm0, $0x0, v13;
	v14 =	vbroadcast v4, $0x0;
	v4 =	vld.idx.msk [tilespmem:v10+s1+$0x0], $0xffff;
	v16 =	vmul.f32 v16, v19  }
0xa8: {  	s14 =	sadd.s32 $0x2, s13;
	s13 =	sadd.s32 $0x4, s13;
	v10 =	vmovc v18;
	v5 =	vld.idx.msk [tilespmem:v17+s1+$0x0], $0xffff;
	v15 =	vmul.f32 v15, v13;
	v13 =	vnsel vm0, $0x0, v7;
	v17 =	vnsel vm0, $0x0, v19  }
0xa9: {  	_ =	sdelay $0x3  }
0xaa: {  	v8 =	vld.idx.msk [tilespmem:v8+s1+$0x0], $0xffff  }
0xab: {  	v6 =	vld.idx.msk [tilespmem:v6+s1+$0x0], $0xffff  }
0xac: {  	v10 =	vld.idx.msk [tilespmem:v10+s1+$0x0], $0xffff  }
0xad: {  	s12 =	sadd.s32 $0x40, s12;
	v14 =	vld.idx.msk [tilespmem:v14+s1+$0x0], $0xffff  }
0xae: {  	v18 =	vmov s14;
	v19 =	vld [tilespmem:s12+$0x0]  }
0xaf: {  	v18 =	vand.u32 $0xFFFFFFFE, v18;
	v20 =	vld [tilespmem:s12+$0xFFFFFFE0]  }
0xb0: {  	v21 =	vld [tilespmem:s12+$0xFFFFFFF0];
	v18 =	vbroadcast v18, $0x0  }
0xb1: {  	v22 =	vld [tilespmem:s12+$0x10];
	s12 =	sadd.s32 $0x40, s12  }
0xb2: {  	v48 =	vsel vm1, v16, v17;
	s11 =	sadd.s32 $0x40, s11;
	v9 =	vmul.f32 v9, v2;
	v50 =	vld [tilespmem:s12+$0x0]  }
0xb3: {  	v7 =	vmul.f32 v11, v7;
	v12 =	vsel vm1, v15, v12;
	[tilespmem:s11+$0x0] =	vst v48;
	v2 =	vnsel vm0, $0x0, v2;
	v52 =	vld [tilespmem:s12+$0xFFFFFFE0]  }
0xb4: {  	[tilespmem:s11+$0xFFFFFFE0] =	vst v12;
	v54 =	vld [tilespmem:s12+$0xFFFFFFF0];
	v2 =	vsel vm1, v9, v2;
	v53 =	vmul.f32 v20, v4  }
0xb5: {  	v7 =	vsel vm1, v7, v13;
	v56 =	vld [tilespmem:s12+$0x10];
	[tilespmem:s11+$0x10] =	vst v2;
	v2 =	vnsel vm0, $0x0, v4;
	v55 =	vmul.f32 v21, v5  }
0xb6: {  	[tilespmem:s11+$0xFFFFFFF0] =	vst v7;
	s11 =	sadd.s32 $0x40, s11;
	v57 =	vnsel vm0, $0x0, v5;
	v58 =	vmul.f32 v22, v3;
	v49 =	vld.idx.msk [tilespmem:v18+s1+$0x0], $0xffff;
	v2 =	vsel vm1, v53, v2  }
0xb7: {  	v51 =	vmul.f32 v19, v8;
	v3 =	vnsel vm0, $0x0, v3;
	[tilespmem:s11+$0xFFFFFFE0] =	vst v2;
	v2 =	vsel vm1, v55, v57  }
0xb8: {  	v8 =	vnsel vm0, $0x0, v8;
	[tilespmem:s11+$0xFFFFFFF0] =	vst v2;
	v2 =	vsel vm1, v58, v3;
	v3 =	vmul.f32 v52, v10  }
0xb9: {  	v61 =	vmul.f32 v54, v14;
	v8 =	vsel vm1, v51, v8;
	[tilespmem:s11+$0x10] =	vst v2;
	v2 =	vnsel vm0, $0x0, v10  }
0xba: {  	v62 =	vnsel vm0, $0x0, v14;
	[tilespmem:s11+$0x0] =	vst v8;
	s11 =	sadd.s32 $0x40, s11;
	v2 =	vsel vm1, v3, v2;
	v3 =	vmul.f32 v56, v6  }
0xbb: {  	v63 =	vnsel vm0, $0x0, v6;
	v59 =	vmul.f32 v50, v49;
	[tilespmem:s11+$0xFFFFFFE0] =	vst v2;
	v2 =	vsel vm1, v61, v62  }
0xbc: {  	s16 =	smul.u32 $0x500, s8;
	v60 =	vnsel vm0, $0x0, v49;
	[tilespmem:s11+$0xFFFFFFF0] =	vst v2;
	v2 =	vsel vm1, v3, v63  }
0xbd: {  	v4 =	vsel vm1, v59, v60;
	[tilespmem:s11+$0x10] =	vst v2  }
0xbe: {  	s15 =	sadd.s32 $0x4E20, s9;
	[tilespmem:s11+$0x0] =	vst v4;
	s11 =	sshra.s32 s16, $0x2  }
0xbf: {  	[spmem:s3] =	stream.indirect.scatter.add.f32 [tilespmem:s26], [sflag:$0x5], $0x10, s15, s28, $0xb8;
	[tilespmem:$0xE1B0] =	vst v63  }
0xc0: {  	s12 =	sadd.s32 $0x2850, s11  }
0xc1: {  	[tilespmem:s29], [sflag:$0x1] =	stream.indirect.gather [hbm4b:s2+s28], $0x10, s12, s28, $0xb8;
	[tilespmem:$0xE1B0] =	vst v63  }
0xc2: {  	s12 =	sadd.s32 $0x50, s9;
	_ =	swait.ge [sflag:s20], $0x500  }
0xc3: {  	v2 =	vmov s12;
	[sflag:s20] =	ssyncset.done $0x0  }
0xc4: {  	s13 =	simm.s32 @!p0 $0x6;
	[sflag:s20] =	ssyncadd.s32 $0xFFFFFB00  }
0xc5: {  	_ =	swait.ge @!p0 [sflag:s13], $0x500  }
0xc6: {  	[sflag:s13] =	ssyncset.done @!p0 $0x0  }
0xc7: {  	[sflag:s13] =	ssyncadd.s32 @!p0 $0xFFFFFB00;
	s13 =	simm.s32 $0x0;
	p0 =	por $0x1, $0x1  }
.LBB2_9:
0xc8: {  	s14 =	sor.u32 s12, s13;
	v5 =	vld.idx.msk [tilespmem:v2+s13+$0x2720 ss:$0x1], $0xffff  }
0xc9: {  	v3 =	vld [tilespmem:s14+$0x2710]  }
0xca: {  	v4 =	vld [tilespmem:s14+$0x4E20]  }
0xcb: {  	v6 =	vld.idx.msk [tilespmem:v2+s13+$0x4E30 ss:$0x1], $0xffff;
	_ =	sdelay $0x4  }
0xcc: {  	v5 =	vld.idx.msk [tilespmem:v5+s24+$0x0], $0xffff  }
0xcd: {  	v3 =	vld.idx.msk [tilespmem:v3+s24+$0x0], $0xffff  }
0xce: {  	v4 =	vld.idx.msk [tilespmem:v4+s25+$0x0], $0xffff  }
0xcf: {  	v6 =	vld.idx.msk [tilespmem:v6+s25+$0x0], $0xffff;
	_ =	sdelay $0x3  }
0xd0: {  	v3 =	vadd.f32 v4, v3  }
0xd1: {  	v62 =	vadd.f32 v6, v5  }
0xd2: {  	v63 =	vmul.f32 $2.000000030e-01, v3  }
0xd3: {  	v6 =	vmul.f32 $2.000000030e-01, v62;
	vm2 =	vgt.f32 v3, $0.0e+00  }
0xd4: {  	v3 =	vsel vm2, v3, v63;
	vm2 =	vgt.f32 v62, $0.0e+00  }
0xd5: {  	v4 =	vsel vm2, v62, v6;
	v3 =	vsub.f32 v3, v1  }
0xd6: {  	v4 =	vsub.f32 v4, v1  }
0xd7: {  	v3 =	vmul.f32 $1.442695020e+00, v3  }
0xd8: {  	v4 =	vmul.f32 $1.442695020e+00, v4  }
0xd9: {  	(erf) = vpow2.f32 v3  }
0xda: {  	(erf) = vpow2.f32 v4;
	_ =	sdelay $0x4  }
0xdb: {  	p1 =	por p0, p0  }
.Ltmp3:
0xdc: {  	_ = 	snop;
	(pc) =	sbr.rel @p1 .LBB2_9-.Ltmp3, $4  }
0xdd: {  	_ = 	snop  }
0xde: {  	v3 =	vpop (erf)  }
0xdf: {  	[tilespmem:s13+$0xD750] =	vst v3;
	v3 =	vpop (erf)  }
0xe0: {  	p0 =	por $0x0, $0x0;
	[tilespmem:s13+$0xD760] =	vst v3;
	s13 =	simm.s32 $0x20  }
0xe1: {  	v2 =	vld [tilespmem:s9+$0x27A0]  }
0xe2: {  	v3 =	vld [tilespmem:s9+$0x4EB0];
	_ =	sdelay $0x6  }
0xe3: {  	v2 =	vld.idx.msk [tilespmem:v2+s24+$0x0], $0xffff  }
0xe4: {  	v3 =	vld.idx.msk [tilespmem:v3+s25+$0x0], $0xffff;
	_ =	sdelay $0x4  }
0xe5: {  	v2 =	vadd.f32 v3, v2;
	_ =	sdelay $0x1  }
0xe6: {  	v3 =	vmul.f32 $2.000000030e-01, v2  }
0xe7: {  	vm2 =	vgt.f32 v2, $0.0e+00  }
0xe8: {  	v2 =	vsel vm2, v2, v3  }
0xe9: {  	v2 =	vsub.f32 v2, v1;
	_ =	sdelay $0x1  }
0xea: {  	v2 =	vmul.f32 $1.442695020e+00, v2;
	_ =	sdelay $0x1  }
0xeb: {  	(erf) = vpow2.f32 v2;
	_ =	sdelay $0x2  }
0xec: {  	s13 =	simm.s32 $0x0  }
0xed: {  	s15 =	simm.s32 $0x1;
	s16 =	simm.s32 $0x3;
	v2 =	vmov s13  }
0xee: {  	s14 =	simm.s32 $0x2;
	v4 =	vmov s16;
	v3 =	vmov s15;
	v2 =	vand.u32 $0xFFFFFFFC, v2  }
0xef: {  	v5 =	vmov s14;
	v3 =	vand.u32 $0xFFFFFFFD, v3;
	v2 =	vbroadcast v2, $0x0  }
0xf0: {  	v5 =	vand.u32 $0xFFFFFFFE, v5;
	v3 =	vbroadcast v3, $0x0  }
0xf1: {  	v5 =	vbroadcast v5, $0x0  }
0xf2: {  	v6 =	vpop (erf)  }
0xf3: {  	[tilespmem:$0xD790] =	vst v6  }
0xf4: {  	s15 =	simm.s32 $0x4;
	v4 =	vld.idx.msk [tilespmem:v4+s1+$0x0], $0xffff  }
0xf5: {  	s16 =	simm.s32 $0x5;
	v6 =	vmov s15;
	v8 =	vld.idx.msk [tilespmem:v2+s1+$0x0], $0xffff  }
0xf6: {  	s14 =	simm.s32 $0x7;
	v6 =	vand.u32 $0xFFFFFFFC, v6;
	v2 =	vmov s16;
	v3 =	vld.idx.msk [tilespmem:v3+s1+$0x0], $0xffff  }
0xf7: {  	v7 =	vmov s14;
	s15 =	simm.s32 $0x7A50;
	s16 =	simm.s32 $0x6;
	v5 =	vld.idx.msk [tilespmem:v5+s1+$0x0], $0xffff;
	v6 =	vbroadcast v6, $0x0;
	v2 =	vand.u32 $0xFFFFFFFD, v2  }
0xf8: {  	v12 =	vld [tilespmem:s15+$0xFFFFFFE0];
	v9 =	vmov s16;
	v10 =	vbroadcast v2, $0x0  }
0xf9: {  	v2 =	vand.u32 $0xFFFFFFFE, v9;
	v9 =	vld [tilespmem:s15+$0x0]  }
0xfa: {  	s14 =	simm.s32 $0x8;
	v13 =	vld [tilespmem:s15+$0xFFFFFFF0];
	s16 =	simm.s32 $0x9;
	v11 =	vbroadcast v2, $0x0  }
0xfb: {  	v15 =	vld [tilespmem:s15+$0x10];
	v14 =	vmov s16;
	v2 =	vmov s14  }
0xfc: {  	s14 =	simm.s32 $0xB;
	v14 =	vand.u32 $0xFFFFFFFD, v14;
	v16 =	vand.u32 $0xFFFFFFFC, v2;
	v2 =	vld.idx.msk [tilespmem:v7+s1+$0x0], $0xffff  }
0xfd: {  	v17 =	vmov s14;
	v16 =	vbroadcast v16, $0x0;
	v19 =	vld.idx.msk [tilespmem:v6+s1+$0x0], $0xffff;
	v6 =	vnsel vm0, $0x0, v8  }
0xfe: {  	s15 =	simm.s32 $0xA;
	s14 =	simm.s32 $0x7A90;
	v9 =	vmul.f32 v9, v5;
	v8 =	vmul.f32 v12, v8;
	v5 =	vnsel vm0, $0x0, v5;
	v7 =	vld.idx.msk [tilespmem:v10+s1+$0x0], $0xffff  }
0xff: {  	v12 =	vmov s15;
	v10 =	vnsel vm0, $0x0, v3;
	v3 =	vmul.f32 v13, v3;
	v13 =	vld [tilespmem:s14+$0x0]  }
0x100: {  	v18 =	vbroadcast v14, $0x0;
	v20 =	vld.idx.msk [tilespmem:v11+s1+$0x0], $0xffff;
	v5 =	vsel vm1, v9, v5;
	v9 =	vand.u32 $0xFFFFFFFE, v12  }
0x101: {  	s16 =	simm.s32 $0xC;
	v6 =	vsel vm1, v8, v6;
	v12 =	vmul.f32 v15, v4;
	v15 =	vld [tilespmem:s14+$0xFFFFFFE0];
	v8 =	vbroadcast v9, $0x0  }
0x102: {  	s13 =	simm.s32 $0xDCC0;
	v11 =	vld [tilespmem:s14+$0xFFFFFFF0];
	v14 =	vsel vm1, v3, v10;
	v3 =	vnsel vm0, $0x0, v4;
	v4 =	vmov s16;
	s16 =	simm.s32 $0xD  }
0x103: {  	[tilespmem:s13+$0x0] =	vst v5;
	v9 =	vld [tilespmem:s14+$0x10];
	v5 =	vsel vm1, v12, v3;
	v3 =	vand.u32 $0xFFFFFFFC, v4;
	v4 =	vmov s16;
	s16 =	simm.s32 $0xF  }
0x104: {  	[tilespmem:s13+$0xFFFFFFE0] =	vst v6;
	v10 =	vbroadcast v3, $0x0;
	v4 =	vand.u32 $0xFFFFFFFD, v4;
	v6 =	vmov s16;
	v3 =	vld.idx.msk [tilespmem:v17+s1+$0x0], $0xffff  }
0x105: {  	[tilespmem:s13+$0xFFFFFFF0] =	vst v14;
	v12 =	vnsel vm0, $0x0, v19;
	v14 =	vbroadcast v4, $0x0;
	v4 =	vld.idx.msk [tilespmem:v16+s1+$0x0], $0xffff;
	v16 =	vmul.f32 v13, v20  }
0x106: {  	s15 =	simm.s32 $0x10;
	[tilespmem:s13+$0x10] =	vst v5;
	s16 =	simm.s32 $0xE;
	v5 =	vld.idx.msk [tilespmem:v18+s1+$0x0], $0xffff;
	v15 =	vmul.f32 v15, v19;
	v13 =	vnsel vm0, $0x0, v7;
	v17 =	vnsel vm0, $0x0, v20  }
.LBB2_11:
0x107: {  	p0 =	slt.u32 s15, $0x4C;
	v18 =	vmov s16;
	v19 =	vld.idx.msk [tilespmem:v8+s1+$0x0], $0xffff;
	v7 =	vmul.f32 v11, v7;
	v8 =	vsel vm1, v16, v17;
	s14 =	sadd.s32 $0x40, s14;
	s13 =	sadd.s32 $0x40, s13;
	v17 =	vmovc v14  }
0x108: {  	v11 =	vand.u32 $0xFFFFFFFE, v18;
	v16 =	vld [tilespmem:s14+$0x0];
	v12 =	vsel vm1, v15, v12;
	[tilespmem:s13+$0x0] =	vst v8;
	v9 =	vmul.f32 v9, v2  }
0x109: {  	v18 =	vnsel vm0, $0x0, v2;
	v8 =	vbroadcast v11, $0x0;
	v15 =	vld [tilespmem:s14+$0xFFFFFFE0];
	[tilespmem:s13+$0xFFFFFFE0] =	vst v12;
	v7 =	vsel vm1, v7, v13  }
.Ltmp4:
0x10a: {  	s16 =	sadd.s32 $0x1, s15;
	v12 =	vmov s15;
	v2 =	vmov v3;
	v11 =	vld [tilespmem:s14+$0xFFFFFFF0];
	[tilespmem:s13+$0xFFFFFFF0] =	vst v7;
	v14 =	vsel vm1, v9, v18;
	(pc) =	sbr.rel @p0 .LBB2_11-.Ltmp4, $4  }
0x10b: {  	v3 =	vand.u32 $0xFFFFFFFC, v12;
	v12 =	vmov s16;
	s16 =	sadd.s32 $0x3, s15;
	v13 =	vmov v4;
	v9 =	vld [tilespmem:s14+$0x10];
	[tilespmem:s13+$0x10] =	vst v14  }
0x10c: {  	v18 =	vbroadcast v3, $0x0;
	v4 =	vand.u32 $0xFFFFFFFD, v12;
	v3 =	vld.idx.msk [tilespmem:v6+s1+$0x0], $0xffff;
	v6 =	vmov s16;
	v7 =	vmovc v5  }
0x10d: {  	v12 =	vnsel vm0, $0x0, v13;
	v14 =	vbroadcast v4, $0x0;
	v4 =	vld.idx.msk [tilespmem:v10+s1+$0x0], $0xffff;
	v16 =	vmul.f32 v16, v19  }
0x10e: {  	s16 =	sadd.s32 $0x2, s15;
	s15 =	sadd.s32 $0x4, s15;
	v10 =	vmovc v18;
	v5 =	vld.idx.msk [tilespmem:v17+s1+$0x0], $0xffff;
	v15 =	vmul.f32 v15, v13;
	v13 =	vnsel vm0, $0x0, v7;
	v17 =	vnsel vm0, $0x0, v19  }
0x10f: {  	_ =	sdelay $0x3  }
0x110: {  	v8 =	vld.idx.msk [tilespmem:v8+s1+$0x0], $0xffff  }
0x111: {  	v6 =	vld.idx.msk [tilespmem:v6+s1+$0x0], $0xffff  }
0x112: {  	v10 =	vld.idx.msk [tilespmem:v10+s1+$0x0], $0xffff  }
0x113: {  	s14 =	sadd.s32 $0x40, s14;
	v14 =	vld.idx.msk [tilespmem:v14+s1+$0x0], $0xffff  }
0x114: {  	v18 =	vmov s16;
	v19 =	vld [tilespmem:s14+$0x0]  }
0x115: {  	v18 =	vand.u32 $0xFFFFFFFE, v18;
	v20 =	vld [tilespmem:s14+$0xFFFFFFE0]  }
0x116: {  	v21 =	vld [tilespmem:s14+$0xFFFFFFF0];
	v18 =	vbroadcast v18, $0x0  }
0x117: {  	v22 =	vld [tilespmem:s14+$0x10];
	s14 =	sadd.s32 $0x40, s14  }
0x118: {  	v48 =	vsel vm1, v16, v17;
	s13 =	sadd.s32 $0x40, s13;
	v9 =	vmul.f32 v9, v2;
	v50 =	vld [tilespmem:s14+$0x0]  }
0x119: {  	v7 =	vmul.f32 v11, v7;
	v12 =	vsel vm1, v15, v12;
	[tilespmem:s13+$0x0] =	vst v48;
	v2 =	vnsel vm0, $0x0, v2;
	v52 =	vld [tilespmem:s14+$0xFFFFFFE0]  }
0x11a: {  	[tilespmem:s13+$0xFFFFFFE0] =	vst v12;
	v54 =	vld [tilespmem:s14+$0xFFFFFFF0];
	v2 =	vsel vm1, v9, v2;
	v53 =	vmul.f32 v20, v4  }
0x11b: {  	v7 =	vsel vm1, v7, v13;
	v56 =	vld [tilespmem:s14+$0x10];
	[tilespmem:s13+$0x10] =	vst v2;
	v2 =	vnsel vm0, $0x0, v4;
	v55 =	vmul.f32 v21, v5  }
0x11c: {  	[tilespmem:s13+$0xFFFFFFF0] =	vst v7;
	s13 =	sadd.s32 $0x40, s13;
	v57 =	vnsel vm0, $0x0, v5;
	v58 =	vmul.f32 v22, v3;
	v49 =	vld.idx.msk [tilespmem:v18+s1+$0x0], $0xffff;
	v2 =	vsel vm1, v53, v2  }
0x11d: {  	v51 =	vmul.f32 v19, v8;
	v3 =	vnsel vm0, $0x0, v3;
	[tilespmem:s13+$0xFFFFFFE0] =	vst v2;
	v2 =	vsel vm1, v55, v57  }
0x11e: {  	v8 =	vnsel vm0, $0x0, v8;
	[tilespmem:s13+$0xFFFFFFF0] =	vst v2;
	v2 =	vsel vm1, v58, v3;
	v3 =	vmul.f32 v52, v10  }
0x11f: {  	v61 =	vmul.f32 v54, v14;
	v8 =	vsel vm1, v51, v8;
	[tilespmem:s13+$0x10] =	vst v2;
	v2 =	vnsel vm0, $0x0, v10  }
0x120: {  	v62 =	vnsel vm0, $0x0, v14;
	[tilespmem:s13+$0x0] =	vst v8;
	s13 =	sadd.s32 $0x40, s13;
	v2 =	vsel vm1, v3, v2;
	v3 =	vmul.f32 v56, v6  }
0x121: {  	v63 =	vnsel vm0, $0x0, v6;
	v59 =	vmul.f32 v50, v49;
	[tilespmem:s13+$0xFFFFFFE0] =	vst v2;
	v2 =	vsel vm1, v61, v62  }
0x122: {  	v60 =	vnsel vm0, $0x0, v49;
	[tilespmem:s13+$0xFFFFFFF0] =	vst v2;
	v2 =	vsel vm1, v3, v63  }
0x123: {  	v4 =	vsel vm1, v59, v60;
	[tilespmem:s13+$0x10] =	vst v2  }
0x124: {  	s12 =	sadd.s32 $0x4E20, s12;
	p0 =	seq.s32 s8, $0x1E;
	[tilespmem:s13+$0x0] =	vst v4  }
0x125: {  	[spmem:s3] =	stream.indirect.scatter.add.f32 [tilespmem:s23], [sflag:$0x6], $0x10, s12, s28, $0xb8;
	[tilespmem:$0xE1B0] =	vst v63  }
0x126: {  	s14 =	simm.s32 @!p0 $0x7A30;
	s13 =	simm.s32 @!p0 $0x50;
	s12 =	sadd.s32 @!p0 $0x28A0, s11  }
0x127: {  	[tilespmem:s14], [sflag:$0x2] =	stream.indirect.gather @!p0 [hbm4b:s2+s13], $0x10, s12, s13, $0xb8;
	[tilespmem:$0xE1B0] =	vst v63  }
0x128: {  	s12 =	sadd.s32 $0xA0, s9;
	_ =	swait.ge [sflag:s0], $0x500  }
0x129: {  	v2 =	vmov s12;
	[sflag:s0] =	ssyncset.done $0x0  }
0x12a: {  	[sflag:s0] =	ssyncadd.s32 $0xFFFFFB00  }
0x12b: {  	_ =	swait.ge [sflag:s5], $0x500  }
0x12c: {  	[sflag:s5] =	ssyncset.done $0x0  }
0x12d: {  	p1 =	por $0x1, $0x1;
	s13 =	simm.s32 $0x0;
	[sflag:s5] =	ssyncadd.s32 $0xFFFFFB00  }
.LBB2_13:
0x12e: {  	v3 =	vld.idx.msk [tilespmem:v2+s13+$0x2710 ss:$0x1], $0xffff  }
0x12f: {  	v4 =	vld.idx.msk [tilespmem:v2+s13+$0x4E20 ss:$0x1], $0xffff  }
0x130: {  	v5 =	vld.idx.msk [tilespmem:v2+s13+$0x2720 ss:$0x1], $0xffff  }
0x131: {  	v6 =	vld.idx.msk [tilespmem:v2+s13+$0x4E30 ss:$0x1], $0xffff;
	_ =	sdelay $0x4  }
0x132: {  	v3 =	vld.idx.msk [tilespmem:v3+s24+$0x0], $0xffff  }
0x133: {  	v4 =	vld.idx.msk [tilespmem:v4+s25+$0x0], $0xffff  }
0x134: {  	v5 =	vld.idx.msk [tilespmem:v5+s24+$0x0], $0xffff  }
0x135: {  	v6 =	vld.idx.msk [tilespmem:v6+s25+$0x0], $0xffff;
	_ =	sdelay $0x3  }
0x136: {  	v3 =	vadd.f32 v4, v3  }
0x137: {  	v62 =	vadd.f32 v6, v5  }
0x138: {  	v63 =	vmul.f32 $2.000000030e-01, v3  }
0x139: {  	vm2 =	vgt.f32 v3, $0.0e+00;
	v6 =	vmul.f32 $2.000000030e-01, v62  }
0x13a: {  	v3 =	vsel vm2, v3, v63;
	vm2 =	vgt.f32 v62, $0.0e+00  }
0x13b: {  	v4 =	vsel vm2, v62, v6;
	v3 =	vsub.f32 v3, v1  }
0x13c: {  	v4 =	vsub.f32 v4, v1  }
0x13d: {  	v3 =	vmul.f32 $1.442695020e+00, v3  }
0x13e: {  	v4 =	vmul.f32 $1.442695020e+00, v4  }
0x13f: {  	(erf) = vpow2.f32 v3  }
0x140: {  	(erf) = vpow2.f32 v4;
	_ =	sdelay $0x4  }
0x141: {  	p2 =	por p1, p1  }
.Ltmp5:
0x142: {  	_ = 	snop;
	(pc) =	sbr.rel @p2 .LBB2_13-.Ltmp5, $4  }
0x143: {  	_ = 	snop  }
0x144: {  	v3 =	vpop (erf)  }
0x145: {  	[tilespmem:s13+$0xD750] =	vst v3;
	v3 =	vpop (erf)  }
0x146: {  	p1 =	por $0x0, $0x0;
	[tilespmem:s13+$0xD760] =	vst v3;
	s13 =	simm.s32 $0x20  }
0x147: {  	v2 =	vld [tilespmem:s9+$0x27F0]  }
0x148: {  	v3 =	vld [tilespmem:s9+$0x4F00];
	_ =	sdelay $0x6  }
0x149: {  	v2 =	vld.idx.msk [tilespmem:v2+s24+$0x0], $0xffff  }
0x14a: {  	v3 =	vld.idx.msk [tilespmem:v3+s25+$0x0], $0xffff;
	_ =	sdelay $0x4  }
0x14b: {  	v2 =	vadd.f32 v3, v2;
	_ =	sdelay $0x1  }
0x14c: {  	v3 =	vmul.f32 $2.000000030e-01, v2  }
0x14d: {  	vm2 =	vgt.f32 v2, $0.0e+00  }
0x14e: {  	v2 =	vsel vm2, v2, v3  }
0x14f: {  	v2 =	vsub.f32 v2, v1;
	_ =	sdelay $0x1  }
0x150: {  	v2 =	vmul.f32 $1.442695020e+00, v2;
	_ =	sdelay $0x1  }
0x151: {  	(erf) = vpow2.f32 v2;
	_ =	sdelay $0x2  }
0x152: {  	s13 =	simm.s32 $0x0  }
0x153: {  	s15 =	simm.s32 $0x1;
	s16 =	simm.s32 $0x3;
	v2 =	vmov s13  }
0x154: {  	s14 =	simm.s32 $0x2;
	v4 =	vmov s16;
	v3 =	vmov s15;
	v2 =	vand.u32 $0xFFFFFFFC, v2  }
0x155: {  	v5 =	vmov s14;
	v3 =	vand.u32 $0xFFFFFFFD, v3;
	v2 =	vbroadcast v2, $0x0  }
0x156: {  	v5 =	vand.u32 $0xFFFFFFFE, v5;
	v3 =	vbroadcast v3, $0x0  }
0x157: {  	v5 =	vbroadcast v5, $0x0  }
0x158: {  	v6 =	vpop (erf)  }
0x159: {  	[tilespmem:$0xD790] =	vst v6  }
0x15a: {  	s15 =	simm.s32 $0x4;
	v4 =	vld.idx.msk [tilespmem:v4+s1+$0x0], $0xffff  }
0x15b: {  	s16 =	simm.s32 $0x5;
	v6 =	vmov s15;
	v8 =	vld.idx.msk [tilespmem:v2+s1+$0x0], $0xffff  }
0x15c: {  	s14 =	simm.s32 $0x7;
	v6 =	vand.u32 $0xFFFFFFFC, v6;
	v2 =	vmov s16;
	v3 =	vld.idx.msk [tilespmem:v3+s1+$0x0], $0xffff  }
0x15d: {  	v7 =	vmov s14;
	s15 =	simm.s32 $0x7F50;
	s16 =	simm.s32 $0x6;
	v5 =	vld.idx.msk [tilespmem:v5+s1+$0x0], $0xffff;
	v6 =	vbroadcast v6, $0x0;
	v2 =	vand.u32 $0xFFFFFFFD, v2  }
0x15e: {  	v12 =	vld [tilespmem:s15+$0xFFFFFFE0];
	v9 =	vmov s16;
	v10 =	vbroadcast v2, $0x0  }
0x15f: {  	v2 =	vand.u32 $0xFFFFFFFE, v9;
	v9 =	vld [tilespmem:s15+$0x0]  }
0x160: {  	s14 =	simm.s32 $0x8;
	v13 =	vld [tilespmem:s15+$0xFFFFFFF0];
	s16 =	simm.s32 $0x9;
	v11 =	vbroadcast v2, $0x0  }
0x161: {  	v15 =	vld [tilespmem:s15+$0x10];
	v14 =	vmov s16;
	v2 =	vmov s14  }
0x162: {  	s14 =	simm.s32 $0xB;
	v14 =	vand.u32 $0xFFFFFFFD, v14;
	v16 =	vand.u32 $0xFFFFFFFC, v2;
	v2 =	vld.idx.msk [tilespmem:v7+s1+$0x0], $0xffff  }
0x163: {  	v17 =	vmov s14;
	v16 =	vbroadcast v16, $0x0;
	v19 =	vld.idx.msk [tilespmem:v6+s1+$0x0], $0xffff;
	v6 =	vnsel vm0, $0x0, v8  }
0x164: {  	s15 =	simm.s32 $0xA;
	s14 =	simm.s32 $0x7F90;
	v9 =	vmul.f32 v9, v5;
	v8 =	vmul.f32 v12, v8;
	v5 =	vnsel vm0, $0x0, v5;
	v7 =	vld.idx.msk [tilespmem:v10+s1+$0x0], $0xffff  }
0x165: {  	v12 =	vmov s15;
	v10 =	vnsel vm0, $0x0, v3;
	v3 =	vmul.f32 v13, v3;
	v13 =	vld [tilespmem:s14+$0x0]  }
0x166: {  	v18 =	vbroadcast v14, $0x0;
	v20 =	vld.idx.msk [tilespmem:v11+s1+$0x0], $0xffff;
	v5 =	vsel vm1, v9, v5;
	v9 =	vand.u32 $0xFFFFFFFE, v12  }
0x167: {  	s16 =	simm.s32 $0xC;
	v6 =	vsel vm1, v8, v6;
	v12 =	vmul.f32 v15, v4;
	v15 =	vld [tilespmem:s14+$0xFFFFFFE0];
	v8 =	vbroadcast v9, $0x0  }
0x168: {  	s13 =	simm.s32 $0xD7C0;
	v11 =	vld [tilespmem:s14+$0xFFFFFFF0];
	v14 =	vsel vm1, v3, v10;
	v3 =	vnsel vm0, $0x0, v4;
	v4 =	vmov s16;
	s16 =	simm.s32 $0xD  }
0x169: {  	[tilespmem:s13+$0x0] =	vst v5;
	v9 =	vld [tilespmem:s14+$0x10];
	v5 =	vsel vm1, v12, v3;
	v3 =	vand.u32 $0xFFFFFFFC, v4;
	v4 =	vmov s16;
	s16 =	simm.s32 $0xF  }
0x16a: {  	[tilespmem:s13+$0xFFFFFFE0] =	vst v6;
	v10 =	vbroadcast v3, $0x0;
	v4 =	vand.u32 $0xFFFFFFFD, v4;
	v6 =	vmov s16;
	v3 =	vld.idx.msk [tilespmem:v17+s1+$0x0], $0xffff  }
0x16b: {  	[tilespmem:s13+$0xFFFFFFF0] =	vst v14;
	v12 =	vnsel vm0, $0x0, v19;
	v14 =	vbroadcast v4, $0x0;
	v4 =	vld.idx.msk [tilespmem:v16+s1+$0x0], $0xffff;
	v16 =	vmul.f32 v13, v20  }
0x16c: {  	s15 =	simm.s32 $0x10;
	[tilespmem:s13+$0x10] =	vst v5;
	s16 =	simm.s32 $0xE;
	v5 =	vld.idx.msk [tilespmem:v18+s1+$0x0], $0xffff;
	v15 =	vmul.f32 v15, v19;
	v13 =	vnsel vm0, $0x0, v7;
	v17 =	vnsel vm0, $0x0, v20  }
.LBB2_15:
0x16d: {  	p1 =	slt.u32 s15, $0x4C;
	v18 =	vmov s16;
	v19 =	vld.idx.msk [tilespmem:v8+s1+$0x0], $0xffff;
	v7 =	vmul.f32 v11, v7;
	v8 =	vsel vm1, v16, v17;
	s14 =	sadd.s32 $0x40, s14;
	s13 =	sadd.s32 $0x40, s13;
	v17 =	vmovc v14  }
0x16e: {  	v11 =	vand.u32 $0xFFFFFFFE, v18;
	v16 =	vld [tilespmem:s14+$0x0];
	v12 =	vsel vm1, v15, v12;
	[tilespmem:s13+$0x0] =	vst v8;
	v9 =	vmul.f32 v9, v2  }
0x16f: {  	v18 =	vnsel vm0, $0x0, v2;
	v8 =	vbroadcast v11, $0x0;
	v15 =	vld [tilespmem:s14+$0xFFFFFFE0];
	[tilespmem:s13+$0xFFFFFFE0] =	vst v12;
	v7 =	vsel vm1, v7, v13  }
.Ltmp6:
0x170: {  	s16 =	sadd.s32 $0x1, s15;
	v12 =	vmov s15;
	v2 =	vmov v3;
	v11 =	vld [tilespmem:s14+$0xFFFFFFF0];
	[tilespmem:s13+$0xFFFFFFF0] =	vst v7;
	v14 =	vsel vm1, v9, v18;
	(pc) =	sbr.rel @p1 .LBB2_15-.Ltmp6, $4  }
0x171: {  	v3 =	vand.u32 $0xFFFFFFFC, v12;
	v12 =	vmov s16;
	s16 =	sadd.s32 $0x3, s15;
	v13 =	vmov v4;
	v9 =	vld [tilespmem:s14+$0x10];
	[tilespmem:s13+$0x10] =	vst v14  }
0x172: {  	v18 =	vbroadcast v3, $0x0;
	v4 =	vand.u32 $0xFFFFFFFD, v12;
	v3 =	vld.idx.msk [tilespmem:v6+s1+$0x0], $0xffff;
	v6 =	vmov s16;
	v7 =	vmovc v5  }
0x173: {  	v12 =	vnsel vm0, $0x0, v13;
	v14 =	vbroadcast v4, $0x0;
	v4 =	vld.idx.msk [tilespmem:v10+s1+$0x0], $0xffff;
	v16 =	vmul.f32 v16, v19  }
0x174: {  	s16 =	sadd.s32 $0x2, s15;
	s15 =	sadd.s32 $0x4, s15;
	v10 =	vmovc v18;
	v5 =	vld.idx.msk [tilespmem:v17+s1+$0x0], $0xffff;
	v15 =	vmul.f32 v15, v13;
	v13 =	vnsel vm0, $0x0, v7;
	v17 =	vnsel vm0, $0x0, v19  }
0x175: {  	_ =	sdelay $0x3  }
0x176: {  	v8 =	vld.idx.msk [tilespmem:v8+s1+$0x0], $0xffff  }
0x177: {  	v6 =	vld.idx.msk [tilespmem:v6+s1+$0x0], $0xffff  }
0x178: {  	v10 =	vld.idx.msk [tilespmem:v10+s1+$0x0], $0xffff  }
0x179: {  	s14 =	sadd.s32 $0x40, s14;
	v14 =	vld.idx.msk [tilespmem:v14+s1+$0x0], $0xffff  }
0x17a: {  	v18 =	vmov s16;
	v19 =	vld [tilespmem:s14+$0x0]  }
0x17b: {  	v18 =	vand.u32 $0xFFFFFFFE, v18;
	v20 =	vld [tilespmem:s14+$0xFFFFFFE0]  }
0x17c: {  	v21 =	vld [tilespmem:s14+$0xFFFFFFF0];
	v18 =	vbroadcast v18, $0x0  }
0x17d: {  	v22 =	vld [tilespmem:s14+$0x10];
	s14 =	sadd.s32 $0x40, s14  }
0x17e: {  	v48 =	vsel vm1, v16, v17;
	s13 =	sadd.s32 $0x40, s13;
	v9 =	vmul.f32 v9, v2;
	v50 =	vld [tilespmem:s14+$0x0]  }
0x17f: {  	v7 =	vmul.f32 v11, v7;
	v12 =	vsel vm1, v15, v12;
	[tilespmem:s13+$0x0] =	vst v48;
	v2 =	vnsel vm0, $0x0, v2;
	v52 =	vld [tilespmem:s14+$0xFFFFFFE0]  }
0x180: {  	[tilespmem:s13+$0xFFFFFFE0] =	vst v12;
	v54 =	vld [tilespmem:s14+$0xFFFFFFF0];
	v2 =	vsel vm1, v9, v2;
	v53 =	vmul.f32 v20, v4  }
0x181: {  	v7 =	vsel vm1, v7, v13;
	v56 =	vld [tilespmem:s14+$0x10];
	[tilespmem:s13+$0x10] =	vst v2;
	v2 =	vnsel vm0, $0x0, v4;
	v55 =	vmul.f32 v21, v5  }
0x182: {  	[tilespmem:s13+$0xFFFFFFF0] =	vst v7;
	s13 =	sadd.s32 $0x40, s13;
	v57 =	vnsel vm0, $0x0, v5;
	v58 =	vmul.f32 v22, v3;
	v49 =	vld.idx.msk [tilespmem:v18+s1+$0x0], $0xffff;
	v2 =	vsel vm1, v53, v2  }
0x183: {  	v51 =	vmul.f32 v19, v8;
	v3 =	vnsel vm0, $0x0, v3;
	[tilespmem:s13+$0xFFFFFFE0] =	vst v2;
	v2 =	vsel vm1, v55, v57  }
0x184: {  	v8 =	vnsel vm0, $0x0, v8;
	[tilespmem:s13+$0xFFFFFFF0] =	vst v2;
	v2 =	vsel vm1, v58, v3;
	v3 =	vmul.f32 v52, v10  }
0x185: {  	v61 =	vmul.f32 v54, v14;
	v8 =	vsel vm1, v51, v8;
	[tilespmem:s13+$0x10] =	vst v2;
	v2 =	vnsel vm0, $0x0, v10  }
0x186: {  	v62 =	vnsel vm0, $0x0, v14;
	[tilespmem:s13+$0x0] =	vst v8;
	s13 =	sadd.s32 $0x40, s13;
	v2 =	vsel vm1, v3, v2;
	v3 =	vmul.f32 v56, v6  }
0x187: {  	v63 =	vnsel vm0, $0x0, v6;
	v59 =	vmul.f32 v50, v49;
	[tilespmem:s13+$0xFFFFFFE0] =	vst v2;
	v2 =	vsel vm1, v61, v62  }
0x188: {  	v60 =	vnsel vm0, $0x0, v49;
	[tilespmem:s13+$0xFFFFFFF0] =	vst v2;
	v2 =	vsel vm1, v3, v63  }
0x189: {  	v4 =	vsel vm1, v59, v60;
	[tilespmem:s13+$0x10] =	vst v2  }
0x18a: {  	s12 =	sadd.s32 $0x4E20, s12;
	[tilespmem:s13+$0x0] =	vst v4  }
0x18b: {  	[spmem:s3] =	stream.indirect.scatter.add.f32 [tilespmem:s26], [sflag:$0x5], $0x10, s12, s28, $0xb8;
	[tilespmem:$0xE1B0] =	vst v63  }
0x18c: {  	s14 =	simm.s32 @!p0 $0x7F30;
	s13 =	simm.s32 @!p0 $0x50;
	s12 =	sadd.s32 @!p0 $0x28F0, s11  }
0x18d: {  	[tilespmem:s14], [sflag:$0x3] =	stream.indirect.gather @!p0 [hbm4b:s2+s13], $0x10, s12, s13, $0xb8;
	[tilespmem:$0xE1B0] =	vst v63  }
0x18e: {  	s12 =	sadd.s32 $0xF0, s9;
	_ =	swait.ge [sflag:s6], $0x500  }
0x18f: {  	v2 =	vmov s12;
	[sflag:s6] =	ssyncset.done $0x0  }
0x190: {  	[sflag:s6] =	ssyncadd.s32 $0xFFFFFB00  }
0x191: {  	_ =	swait.ge [sflag:s22], $0x500  }
0x192: {  	[sflag:s22] =	ssyncset.done $0x0  }
0x193: {  	p1 =	por $0x1, $0x1;
	s13 =	simm.s32 $0x0;
	[sflag:s22] =	ssyncadd.s32 $0xFFFFFB00  }
.LBB2_17:
0x194: {  	v3 =	vld.idx.msk [tilespmem:v2+s13+$0x2710 ss:$0x1], $0xffff  }
0x195: {  	v4 =	vld.idx.msk [tilespmem:v2+s13+$0x4E20 ss:$0x1], $0xffff  }
0x196: {  	v5 =	vld.idx.msk [tilespmem:v2+s13+$0x2720 ss:$0x1], $0xffff  }
0x197: {  	v6 =	vld.idx.msk [tilespmem:v2+s13+$0x4E30 ss:$0x1], $0xffff;
	_ =	sdelay $0x4  }
0x198: {  	v3 =	vld.idx.msk [tilespmem:v3+s24+$0x0], $0xffff  }
0x199: {  	v4 =	vld.idx.msk [tilespmem:v4+s25+$0x0], $0xffff  }
0x19a: {  	v5 =	vld.idx.msk [tilespmem:v5+s24+$0x0], $0xffff  }
0x19b: {  	v6 =	vld.idx.msk [tilespmem:v6+s25+$0x0], $0xffff;
	_ =	sdelay $0x3  }
0x19c: {  	v3 =	vadd.f32 v4, v3  }
0x19d: {  	v62 =	vadd.f32 v6, v5  }
0x19e: {  	v63 =	vmul.f32 $2.000000030e-01, v3  }
0x19f: {  	vm2 =	vgt.f32 v3, $0.0e+00;
	v6 =	vmul.f32 $2.000000030e-01, v62  }
0x1a0: {  	v3 =	vsel vm2, v3, v63;
	vm2 =	vgt.f32 v62, $0.0e+00  }
0x1a1: {  	v4 =	vsel vm2, v62, v6;
	v3 =	vsub.f32 v3, v1  }
0x1a2: {  	v4 =	vsub.f32 v4, v1  }
0x1a3: {  	v3 =	vmul.f32 $1.442695020e+00, v3  }
0x1a4: {  	v4 =	vmul.f32 $1.442695020e+00, v4  }
0x1a5: {  	(erf) = vpow2.f32 v3  }
0x1a6: {  	(erf) = vpow2.f32 v4;
	_ =	sdelay $0x4  }
0x1a7: {  	p2 =	por p1, p1  }
.Ltmp7:
0x1a8: {  	_ = 	snop;
	(pc) =	sbr.rel @p2 .LBB2_17-.Ltmp7, $4  }
0x1a9: {  	_ = 	snop  }
0x1aa: {  	v3 =	vpop (erf)  }
0x1ab: {  	[tilespmem:s13+$0xD750] =	vst v3;
	v3 =	vpop (erf)  }
0x1ac: {  	p1 =	por $0x0, $0x0;
	[tilespmem:s13+$0xD760] =	vst v3;
	s13 =	simm.s32 $0x20  }
0x1ad: {  	v2 =	vld [tilespmem:s9+$0x2840]  }
0x1ae: {  	v3 =	vld [tilespmem:s9+$0x4F50];
	_ =	sdelay $0x6  }
0x1af: {  	v2 =	vld.idx.msk [tilespmem:v2+s24+$0x0], $0xffff  }
0x1b0: {  	v3 =	vld.idx.msk [tilespmem:v3+s25+$0x0], $0xffff;
	_ =	sdelay $0x4  }
0x1b1: {  	v2 =	vadd.f32 v3, v2;
	_ =	sdelay $0x1  }
0x1b2: {  	v3 =	vmul.f32 $2.000000030e-01, v2  }
0x1b3: {  	vm2 =	vgt.f32 v2, $0.0e+00  }
0x1b4: {  	v2 =	vsel vm2, v2, v3  }
0x1b5: {  	v2 =	vsub.f32 v2, v1;
	_ =	sdelay $0x1  }
0x1b6: {  	v2 =	vmul.f32 $1.442695020e+00, v2;
	_ =	sdelay $0x1  }
0x1b7: {  	(erf) = vpow2.f32 v2;
	_ =	sdelay $0x2  }
0x1b8: {  	s14 =	simm.s32 $0x0  }
0x1b9: {  	s15 =	simm.s32 $0x1;
	s16 =	simm.s32 $0x3;
	v2 =	vmov s14  }
0x1ba: {  	s13 =	simm.s32 $0x2;
	v4 =	vmov s16;
	v3 =	vmov s15;
	v2 =	vand.u32 $0xFFFFFFFC, v2  }
0x1bb: {  	v5 =	vmov s13;
	v3 =	vand.u32 $0xFFFFFFFD, v3;
	v2 =	vbroadcast v2, $0x0  }
0x1bc: {  	v5 =	vand.u32 $0xFFFFFFFE, v5;
	v3 =	vbroadcast v3, $0x0  }
0x1bd: {  	v5 =	vbroadcast v5, $0x0  }
0x1be: {  	v6 =	vpop (erf)  }
0x1bf: {  	[tilespmem:$0xD790] =	vst v6  }
0x1c0: {  	s13 =	simm.s32 $0x4;
	v4 =	vld.idx.msk [tilespmem:v4+s1+$0x0], $0xffff  }
0x1c1: {  	s14 =	simm.s32 $0x5;
	v6 =	vmov s13;
	v8 =	vld.idx.msk [tilespmem:v2+s1+$0x0], $0xffff  }
0x1c2: {  	s15 =	simm.s32 $0x7;
	v6 =	vand.u32 $0xFFFFFFFC, v6;
	v2 =	vmov s14;
	v3 =	vld.idx.msk [tilespmem:v3+s1+$0x0], $0xffff  }
0x1c3: {  	s16 =	simm.s32 $0x6;
	v7 =	vmov s15;
	s14 =	simm.s32 $0x8450;
	v5 =	vld.idx.msk [tilespmem:v5+s1+$0x0], $0xffff;
	v6 =	vbroadcast v6, $0x0;
	v2 =	vand.u32 $0xFFFFFFFD, v2  }
0x1c4: {  	v9 =	vmov s16;
	v12 =	vld [tilespmem:s14+$0xFFFFFFE0];
	v10 =	vbroadcast v2, $0x0  }
0x1c5: {  	v2 =	vand.u32 $0xFFFFFFFE, v9;
	v9 =	vld [tilespmem:s14+$0x0]  }
0x1c6: {  	s16 =	simm.s32 $0x9;
	s15 =	simm.s32 $0x8;
	v13 =	vld [tilespmem:s14+$0xFFFFFFF0];
	v11 =	vbroadcast v2, $0x0  }
0x1c7: {  	v14 =	vmov s16;
	v15 =	vld [tilespmem:s14+$0x10];
	v2 =	vmov s15  }
0x1c8: {  	v14 =	vand.u32 $0xFFFFFFFD, v14;
	s14 =	simm.s32 $0xB;
	v16 =	vand.u32 $0xFFFFFFFC, v2;
	v2 =	vld.idx.msk [tilespmem:v7+s1+$0x0], $0xffff  }
0x1c9: {  	v17 =	vmov s14;
	v16 =	vbroadcast v16, $0x0;
	v19 =	vld.idx.msk [tilespmem:v6+s1+$0x0], $0xffff;
	v6 =	vnsel vm0, $0x0, v8  }
0x1ca: {  	s13 =	simm.s32 $0x8490;
	s15 =	simm.s32 $0xA;
	v9 =	vmul.f32 v9, v5;
	v8 =	vmul.f32 v12, v8;
	v5 =	vnsel vm0, $0x0, v5;
	v7 =	vld.idx.msk [tilespmem:v10+s1+$0x0], $0xffff  }
0x1cb: {  	v12 =	vmov s15;
	v10 =	vnsel vm0, $0x0, v3;
	v3 =	vmul.f32 v13, v3;
	v13 =	vld [tilespmem:s13+$0x0]  }
0x1cc: {  	v18 =	vbroadcast v14, $0x0;
	v20 =	vld.idx.msk [tilespmem:v11+s1+$0x0], $0xffff;
	v5 =	vsel vm1, v9, v5;
	v9 =	vand.u32 $0xFFFFFFFE, v12  }
0x1cd: {  	s16 =	simm.s32 $0xC;
	v6 =	vsel vm1, v8, v6;
	v12 =	vmul.f32 v15, v4;
	v15 =	vld [tilespmem:s13+$0xFFFFFFE0];
	v8 =	vbroadcast v9, $0x0  }
0x1ce: {  	s9 =	simm.s32 $0xDCC0;
	s15 =	simm.s32 $0xD;
	v11 =	vld [tilespmem:s13+$0xFFFFFFF0];
	v14 =	vsel vm1, v3, v10;
	v3 =	vnsel vm0, $0x0, v4;
	v4 =	vmov s16  }
0x1cf: {  	[tilespmem:s9+$0x0] =	vst v5;
	s16 =	simm.s32 $0xF;
	v9 =	vld [tilespmem:s13+$0x10];
	v5 =	vsel vm1, v12, v3;
	v3 =	vand.u32 $0xFFFFFFFC, v4;
	v4 =	vmov s15  }
0x1d0: {  	[tilespmem:s9+$0xFFFFFFE0] =	vst v6;
	v6 =	vmov s16;
	v10 =	vbroadcast v3, $0x0;
	v4 =	vand.u32 $0xFFFFFFFD, v4;
	v3 =	vld.idx.msk [tilespmem:v17+s1+$0x0], $0xffff  }
0x1d1: {  	[tilespmem:s9+$0xFFFFFFF0] =	vst v14;
	v12 =	vnsel vm0, $0x0, v19;
	v14 =	vbroadcast v4, $0x0;
	v4 =	vld.idx.msk [tilespmem:v16+s1+$0x0], $0xffff;
	v16 =	vmul.f32 v13, v20  }
0x1d2: {  	s14 =	simm.s32 $0x10;
	s15 =	simm.s32 $0xE;
	[tilespmem:s9+$0x10] =	vst v5;
	v5 =	vld.idx.msk [tilespmem:v18+s1+$0x0], $0xffff;
	v15 =	vmul.f32 v15, v19;
	v13 =	vnsel vm0, $0x0, v7;
	v17 =	vnsel vm0, $0x0, v20  }
.LBB2_19:
0x1d3: {  	p1 =	slt.u32 s14, $0x4C;
	v18 =	vmov s15;
	v19 =	vld.idx.msk [tilespmem:v8+s1+$0x0], $0xffff;
	v7 =	vmul.f32 v11, v7;
	v8 =	vsel vm1, v16, v17;
	s13 =	sadd.s32 $0x40, s13;
	s9 =	sadd.s32 $0x40, s9;
	v17 =	vmovc v14  }
0x1d4: {  	v11 =	vand.u32 $0xFFFFFFFE, v18;
	v16 =	vld [tilespmem:s13+$0x0];
	v12 =	vsel vm1, v15, v12;
	[tilespmem:s9+$0x0] =	vst v8;
	v9 =	vmul.f32 v9, v2  }
0x1d5: {  	v18 =	vnsel vm0, $0x0, v2;
	v8 =	vbroadcast v11, $0x0;
	v15 =	vld [tilespmem:s13+$0xFFFFFFE0];
	[tilespmem:s9+$0xFFFFFFE0] =	vst v12;
	v7 =	vsel vm1, v7, v13  }
.Ltmp8:
0x1d6: {  	s15 =	sadd.s32 $0x1, s14;
	v12 =	vmov s14;
	v2 =	vmov v3;
	v11 =	vld [tilespmem:s13+$0xFFFFFFF0];
	[tilespmem:s9+$0xFFFFFFF0] =	vst v7;
	v14 =	vsel vm1, v9, v18;
	(pc) =	sbr.rel @p1 .LBB2_19-.Ltmp8, $4  }
0x1d7: {  	v3 =	vand.u32 $0xFFFFFFFC, v12;
	v12 =	vmov s15;
	s15 =	sadd.s32 $0x3, s14;
	v13 =	vmov v4;
	v9 =	vld [tilespmem:s13+$0x10];
	[tilespmem:s9+$0x10] =	vst v14  }
0x1d8: {  	v18 =	vbroadcast v3, $0x0;
	v4 =	vand.u32 $0xFFFFFFFD, v12;
	v3 =	vld.idx.msk [tilespmem:v6+s1+$0x0], $0xffff;
	v6 =	vmov s15;
	v7 =	vmovc v5  }
0x1d9: {  	v12 =	vnsel vm0, $0x0, v13;
	v14 =	vbroadcast v4, $0x0;
	v4 =	vld.idx.msk [tilespmem:v10+s1+$0x0], $0xffff;
	v16 =	vmul.f32 v16, v19  }
0x1da: {  	s15 =	sadd.s32 $0x2, s14;
	s14 =	sadd.s32 $0x4, s14;
	v10 =	vmovc v18;
	v5 =	vld.idx.msk [tilespmem:v17+s1+$0x0], $0xffff;
	v15 =	vmul.f32 v15, v13;
	v13 =	vnsel vm0, $0x0, v7;
	v17 =	vnsel vm0, $0x0, v19  }
0x1db: {  	_ =	sdelay $0x3  }
0x1dc: {  	v8 =	vld.idx.msk [tilespmem:v8+s1+$0x0], $0xffff  }
0x1dd: {  	v6 =	vld.idx.msk [tilespmem:v6+s1+$0x0], $0xffff  }
0x1de: {  	v10 =	vld.idx.msk [tilespmem:v10+s1+$0x0], $0xffff  }
0x1df: {  	s13 =	sadd.s32 $0x40, s13;
	v14 =	vld.idx.msk [tilespmem:v14+s1+$0x0], $0xffff  }
0x1e0: {  	v18 =	vmov s15;
	v19 =	vld [tilespmem:s13+$0x0]  }
0x1e1: {  	v18 =	vand.u32 $0xFFFFFFFE, v18;
	v20 =	vld [tilespmem:s13+$0xFFFFFFE0]  }
0x1e2: {  	v21 =	vld [tilespmem:s13+$0xFFFFFFF0];
	v18 =	vbroadcast v18, $0x0  }
0x1e3: {  	v22 =	vld [tilespmem:s13+$0x10];
	s13 =	sadd.s32 $0x40, s13  }
0x1e4: {  	v48 =	vsel vm1, v16, v17;
	s9 =	sadd.s32 $0x40, s9;
	v9 =	vmul.f32 v9, v2;
	v50 =	vld [tilespmem:s13+$0x0]  }
0x1e5: {  	v7 =	vmul.f32 v11, v7;
	v12 =	vsel vm1, v15, v12;
	[tilespmem:s9+$0x0] =	vst v48;
	v2 =	vnsel vm0, $0x0, v2;
	v52 =	vld [tilespmem:s13+$0xFFFFFFE0]  }
0x1e6: {  	[tilespmem:s9+$0xFFFFFFE0] =	vst v12;
	v54 =	vld [tilespmem:s13+$0xFFFFFFF0];
	v2 =	vsel vm1, v9, v2;
	v53 =	vmul.f32 v20, v4  }
0x1e7: {  	v7 =	vsel vm1, v7, v13;
	v56 =	vld [tilespmem:s13+$0x10];
	[tilespmem:s9+$0x10] =	vst v2;
	v2 =	vnsel vm0, $0x0, v4;
	v55 =	vmul.f32 v21, v5  }
0x1e8: {  	[tilespmem:s9+$0xFFFFFFF0] =	vst v7;
	s9 =	sadd.s32 $0x40, s9;
	v57 =	vnsel vm0, $0x0, v5;
	v58 =	vmul.f32 v22, v3;
	v49 =	vld.idx.msk [tilespmem:v18+s1+$0x0], $0xffff;
	v2 =	vsel vm1, v53, v2  }
0x1e9: {  	v51 =	vmul.f32 v19, v8;
	v3 =	vnsel vm0, $0x0, v3;
	[tilespmem:s9+$0xFFFFFFE0] =	vst v2;
	v2 =	vsel vm1, v55, v57  }
0x1ea: {  	v8 =	vnsel vm0, $0x0, v8;
	[tilespmem:s9+$0xFFFFFFF0] =	vst v2;
	v2 =	vsel vm1, v58, v3;
	v3 =	vmul.f32 v52, v10  }
0x1eb: {  	v61 =	vmul.f32 v54, v14;
	v8 =	vsel vm1, v51, v8;
	[tilespmem:s9+$0x10] =	vst v2;
	v2 =	vnsel vm0, $0x0, v10  }
0x1ec: {  	v62 =	vnsel vm0, $0x0, v14;
	[tilespmem:s9+$0x0] =	vst v8;
	s9 =	sadd.s32 $0x40, s9;
	v2 =	vsel vm1, v3, v2;
	v3 =	vmul.f32 v56, v6  }
.Ltmp9:
0x1ed: {  	v63 =	vnsel vm0, $0x0, v6;
	v59 =	vmul.f32 v50, v49;
	[tilespmem:s9+$0xFFFFFFE0] =	vst v2;
	v2 =	vsel vm1, v61, v62;
	(pc) =	sbr.rel @p0 .LBB2_22-.Ltmp9, $4  }
0x1ee: {  	v60 =	vnsel vm0, $0x0, v49;
	[tilespmem:s9+$0xFFFFFFF0] =	vst v2;
	v2 =	vsel vm1, v3, v63  }
0x1ef: {  	v4 =	vsel vm1, v59, v60;
	[tilespmem:s9+$0x10] =	vst v2  }
0x1f0: {  	s16 =	sadd.s32 $0x4E20, s12;
	[tilespmem:s9+$0x0] =	vst v4  }
0x1f1: {  	[spmem:s3] =	stream.indirect.scatter.add.f32 [tilespmem:s23], [sflag:$0x6], $0x10, s16, s28, $0xb8;
	[tilespmem:$0xE1B0] =	vst v63  }
.Ltmp10:
0x1f2: {  	(pc) =	sbr.rel .LBB2_4-.Ltmp10, $3  }
0x1f3: {  	_ =	sdelay $0x1  }
0x1f4: {  	s9 =	sadd.s32 $0x2940, s11;
	s8 =	sadd.s32 $0x1, s8  }
0x1f5: {  	[tilespmem:s30], [sflag:$0x4] =	stream.indirect.gather [hbm4b:s2+s28], $0x10, s9, s28, $0xb8;
	[tilespmem:$0xE1B0] =	vst v63  }
.LBB2_22:
0x1f6: {  	_ =	swait.ge [sflag:s31], $0x500  }
0x1f7: {  	[sflag:s31] =	ssyncset.done $0x0  }
0x1f8: {  	[sflag:s31] =	ssyncadd.s32 $0xFFFFFB00  }
0x1f9: {  	_ =	swait.ge [sflag:s5], $0x500  }
0x1fa: {  	[sflag:s5] =	ssyncset.done $0x0  }
0x1fb: {  	s8 =	simm.s32 $0x0;
	p0 =	por $0x1, $0x1;
	[sflag:s5] =	ssyncadd.s32 $0xFFFFFB00  }
.LBB2_23:
0x1fc: {  	v2 =	vld [tilespmem:s8+$0x4DD0]  }
0x1fd: {  	v3 =	vld [tilespmem:s8+$0x74E0]  }
0x1fe: {  	v4 =	vld [tilespmem:s8+$0x4DE0]  }
0x1ff: {  	v5 =	vld [tilespmem:s8+$0x74F0];
	_ =	sdelay $0x4  }
0x200: {  	v2 =	vld.idx.msk [tilespmem:v2+s24+$0x0], $0xffff  }
0x201: {  	v3 =	vld.idx.msk [tilespmem:v3+s25+$0x0], $0xffff  }
0x202: {  	v4 =	vld.idx.msk [tilespmem:v4+s24+$0x0], $0xffff  }
0x203: {  	v5 =	vld.idx.msk [tilespmem:v5+s25+$0x0], $0xffff;
	_ =	sdelay $0x3  }
0x204: {  	v2 =	vadd.f32 v3, v2  }
0x205: {  	v3 =	vadd.f32 v5, v4  }
0x206: {  	v63 =	vmul.f32 $2.000000030e-01, v2  }
0x207: {  	vm2 =	vgt.f32 v2, $0.0e+00;
	v5 =	vmul.f32 $2.000000030e-01, v3  }
0x208: {  	v2 =	vsel vm2, v2, v63;
	vm2 =	vgt.f32 v3, $0.0e+00  }
0x209: {  	v3 =	vsel vm2, v3, v5;
	v2 =	vsub.f32 v2, v1  }
0x20a: {  	v3 =	vsub.f32 v3, v1  }
0x20b: {  	v2 =	vmul.f32 $1.442695020e+00, v2  }
0x20c: {  	v3 =	vmul.f32 $1.442695020e+00, v3  }
0x20d: {  	(erf) = vpow2.f32 v2  }
0x20e: {  	(erf) = vpow2.f32 v3;
	_ =	sdelay $0x4  }
0x20f: {  	p1 =	por p0, p0  }
.Ltmp11:
0x210: {  	_ = 	snop;
	(pc) =	sbr.rel @p1 .LBB2_23-.Ltmp11, $4  }
0x211: {  	_ = 	snop  }
0x212: {  	v2 =	vpop (erf)  }
0x213: {  	[tilespmem:s8+$0xD750] =	vst v2;
	v2 =	vpop (erf)  }
0x214: {  	p0 =	por $0x0, $0x0;
	[tilespmem:s8+$0xD760] =	vst v2;
	s8 =	simm.s32 $0x20  }
0x215: {  	v2 =	vld [tilespmem:$0x4E10]  }
0x216: {  	v3 =	vld [tilespmem:$0x7520];
	_ =	sdelay $0x6  }
0x217: {  	v2 =	vld.idx.msk [tilespmem:v2+s24+$0x0], $0xffff  }
0x218: {  	v3 =	vld.idx.msk [tilespmem:v3+s25+$0x0], $0xffff;
	_ =	sdelay $0x4  }
0x219: {  	v2 =	vadd.f32 v3, v2;
	_ =	sdelay $0x1  }
0x21a: {  	v3 =	vmul.f32 $2.000000030e-01, v2  }
0x21b: {  	vm2 =	vgt.f32 v2, $0.0e+00  }
0x21c: {  	v2 =	vsel vm2, v2, v3  }
0x21d: {  	v1 =	vsub.f32 v2, v1;
	_ =	sdelay $0x1  }
0x21e: {  	v1 =	vmul.f32 $1.442695020e+00, v1;
	_ =	sdelay $0x1  }
0x21f: {  	(erf) = vpow2.f32 v1;
	_ =	sdelay $0x2  }
0x220: {  	s8 =	simm.s32 $0x0  }
0x221: {  	s15 =	simm.s32 $0x1;
	s9 =	simm.s32 $0x2;
	v1 =	vmov s8  }
0x222: {  	s16 =	simm.s32 $0x3;
	v4 =	vmov s9;
	v2 =	vmov s15;
	v1 =	vand.u32 $0xFFFFFFFC, v1  }
0x223: {  	v3 =	vmov s16;
	v2 =	vand.u32 $0xFFFFFFFD, v2;
	v1 =	vbroadcast v1, $0x0  }
0x224: {  	v4 =	vand.u32 $0xFFFFFFFE, v4;
	v2 =	vbroadcast v2, $0x0  }
0x225: {  	v4 =	vbroadcast v4, $0x0  }
0x226: {  	v5 =	vpop (erf)  }
0x227: {  	[tilespmem:$0xD790] =	vst v5  }
0x228: {  	s11 =	simm.s32 $0x4;
	v3 =	vld.idx.msk [tilespmem:v3+s1+$0x0], $0xffff  }
0x229: {  	s12 =	simm.s32 $0x5;
	v5 =	vmov s11;
	v7 =	vld.idx.msk [tilespmem:v1+s1+$0x0], $0xffff  }
0x22a: {  	s13 =	simm.s32 $0x7;
	v5 =	vand.u32 $0xFFFFFFFC, v5;
	v1 =	vmov s12;
	v2 =	vld.idx.msk [tilespmem:v2+s1+$0x0], $0xffff  }
0x22b: {  	s14 =	simm.s32 $0x6;
	v6 =	vmov s13;
	s11 =	simm.s32 $0x7550;
	v4 =	vld.idx.msk [tilespmem:v4+s1+$0x0], $0xffff;
	v5 =	vbroadcast v5, $0x0;
	v1 =	vand.u32 $0xFFFFFFFD, v1  }
0x22c: {  	v8 =	vmov s14;
	v11 =	vld [tilespmem:s11+$0xFFFFFFE0];
	v9 =	vbroadcast v1, $0x0  }
0x22d: {  	v1 =	vand.u32 $0xFFFFFFFE, v8;
	v8 =	vld [tilespmem:s11+$0x0]  }
0x22e: {  	s16 =	simm.s32 $0x9;
	s15 =	simm.s32 $0x8;
	v12 =	vld [tilespmem:s11+$0xFFFFFFF0];
	v10 =	vbroadcast v1, $0x0  }
0x22f: {  	v13 =	vmov s16;
	v14 =	vld [tilespmem:s11+$0x10];
	v1 =	vmov s15  }
0x230: {  	v13 =	vand.u32 $0xFFFFFFFD, v13;
	s12 =	simm.s32 $0xB;
	v15 =	vand.u32 $0xFFFFFFFC, v1;
	v1 =	vld.idx.msk [tilespmem:v6+s1+$0x0], $0xffff  }
0x231: {  	v16 =	vmov s12;
	v15 =	vbroadcast v15, $0x0;
	v18 =	vld.idx.msk [tilespmem:v5+s1+$0x0], $0xffff;
	v5 =	vnsel vm0, $0x0, v7  }
0x232: {  	s13 =	simm.s32 $0xA;
	s9 =	simm.s32 $0x7590;
	v8 =	vmul.f32 v8, v4;
	v7 =	vmul.f32 v11, v7;
	v4 =	vnsel vm0, $0x0, v4;
	v6 =	vld.idx.msk [tilespmem:v9+s1+$0x0], $0xffff  }
0x233: {  	v11 =	vmov s13;
	v9 =	vnsel vm0, $0x0, v2;
	v2 =	vmul.f32 v12, v2;
	v12 =	vld [tilespmem:s9+$0x0]  }
0x234: {  	v17 =	vbroadcast v13, $0x0;
	v19 =	vld.idx.msk [tilespmem:v10+s1+$0x0], $0xffff;
	v4 =	vsel vm1, v8, v4;
	v8 =	vand.u32 $0xFFFFFFFE, v11  }
0x235: {  	s14 =	simm.s32 $0xC;
	v5 =	vsel vm1, v7, v5;
	v11 =	vmul.f32 v14, v3;
	v14 =	vld [tilespmem:s9+$0xFFFFFFE0];
	v7 =	vbroadcast v8, $0x0  }
0x236: {  	s8 =	simm.s32 $0xD7C0;
	s15 =	simm.s32 $0xD;
	v10 =	vld [tilespmem:s9+$0xFFFFFFF0];
	v13 =	vsel vm1, v2, v9;
	v2 =	vnsel vm0, $0x0, v3;
	v3 =	vmov s14  }
0x237: {  	s16 =	simm.s32 $0xF;
	[tilespmem:s8+$0x0] =	vst v4;
	v8 =	vld [tilespmem:s9+$0x10];
	v4 =	vsel vm1, v11, v2;
	v2 =	vand.u32 $0xFFFFFFFC, v3;
	v3 =	vmov s15  }
0x238: {  	[tilespmem:s8+$0xFFFFFFE0] =	vst v5;
	v5 =	vmov s16;
	v9 =	vbroadcast v2, $0x0;
	v3 =	vand.u32 $0xFFFFFFFD, v3;
	v2 =	vld.idx.msk [tilespmem:v16+s1+$0x0], $0xffff  }
0x239: {  	[tilespmem:s8+$0xFFFFFFF0] =	vst v13;
	v11 =	vnsel vm0, $0x0, v18;
	v13 =	vbroadcast v3, $0x0;
	v3 =	vld.idx.msk [tilespmem:v15+s1+$0x0], $0xffff;
	v15 =	vmul.f32 v12, v19  }
0x23a: {  	s12 =	simm.s32 $0xE;
	s11 =	simm.s32 $0x10;
	[tilespmem:s8+$0x10] =	vst v4;
	v4 =	vld.idx.msk [tilespmem:v17+s1+$0x0], $0xffff;
	v14 =	vmul.f32 v14, v18;
	v12 =	vnsel vm0, $0x0, v6;
	v16 =	vnsel vm0, $0x0, v19  }
.LBB2_25:
0x23b: {  	p0 =	slt.u32 s11, $0x4C;
	v17 =	vmov s12;
	v18 =	vld.idx.msk [tilespmem:v7+s1+$0x0], $0xffff;
	v6 =	vmul.f32 v10, v6;
	v7 =	vsel vm1, v15, v16;
	s9 =	sadd.s32 $0x40, s9;
	s8 =	sadd.s32 $0x40, s8;
	v16 =	vmovc v13  }
0x23c: {  	v10 =	vand.u32 $0xFFFFFFFE, v17;
	v15 =	vld [tilespmem:s9+$0x0];
	v11 =	vsel vm1, v14, v11;
	[tilespmem:s8+$0x0] =	vst v7;
	v8 =	vmul.f32 v8, v1  }
0x23d: {  	v17 =	vnsel vm0, $0x0, v1;
	v7 =	vbroadcast v10, $0x0;
	v14 =	vld [tilespmem:s9+$0xFFFFFFE0];
	[tilespmem:s8+$0xFFFFFFE0] =	vst v11;
	v6 =	vsel vm1, v6, v12  }
.Ltmp12:
0x23e: {  	s12 =	sadd.s32 $0x1, s11;
	v11 =	vmov s11;
	v1 =	vmov v2;
	v10 =	vld [tilespmem:s9+$0xFFFFFFF0];
	[tilespmem:s8+$0xFFFFFFF0] =	vst v6;
	v13 =	vsel vm1, v8, v17;
	(pc) =	sbr.rel @p0 .LBB2_25-.Ltmp12, $4  }
0x23f: {  	v2 =	vand.u32 $0xFFFFFFFC, v11;
	v11 =	vmov s12;
	s12 =	sadd.s32 $0x3, s11;
	v12 =	vmov v3;
	v8 =	vld [tilespmem:s9+$0x10];
	[tilespmem:s8+$0x10] =	vst v13  }
0x240: {  	v17 =	vbroadcast v2, $0x0;
	v3 =	vand.u32 $0xFFFFFFFD, v11;
	v2 =	vld.idx.msk [tilespmem:v5+s1+$0x0], $0xffff;
	v5 =	vmov s12;
	v6 =	vmovc v4  }
0x241: {  	v11 =	vnsel vm0, $0x0, v12;
	v13 =	vbroadcast v3, $0x0;
	v3 =	vld.idx.msk [tilespmem:v9+s1+$0x0], $0xffff;
	v15 =	vmul.f32 v15, v18  }
0x242: {  	s12 =	sadd.s32 $0x2, s11;
	s11 =	sadd.s32 $0x4, s11;
	v9 =	vmovc v17;
	v4 =	vld.idx.msk [tilespmem:v16+s1+$0x0], $0xffff;
	v14 =	vmul.f32 v14, v12;
	v12 =	vnsel vm0, $0x0, v6;
	v16 =	vnsel vm0, $0x0, v18  }
0x243: {  	_ =	sdelay $0x3  }
0x244: {  	v7 =	vld.idx.msk [tilespmem:v7+s1+$0x0], $0xffff  }
0x245: {  	v5 =	vld.idx.msk [tilespmem:v5+s1+$0x0], $0xffff  }
0x246: {  	v17 =	vmov s12;
	v9 =	vld.idx.msk [tilespmem:v9+s1+$0x0], $0xffff  }
0x247: {  	s9 =	sadd.s32 $0x40, s9;
	v13 =	vld.idx.msk [tilespmem:v13+s1+$0x0], $0xffff;
	v17 =	vand.u32 $0xFFFFFFFE, v17  }
0x248: {  	v18 =	vld [tilespmem:s9+$0x0];
	v17 =	vbroadcast v17, $0x0  }
0x249: {  	v19 =	vld [tilespmem:s9+$0xFFFFFFE0]  }
0x24a: {  	v20 =	vld [tilespmem:s9+$0xFFFFFFF0]  }
0x24b: {  	v21 =	vld [tilespmem:s9+$0x10];
	s9 =	sadd.s32 $0x40, s9  }
0x24c: {  	v51 =	vsel vm1, v15, v16;
	s8 =	sadd.s32 $0x40, s8;
	v8 =	vmul.f32 v8, v1;
	v53 =	vld [tilespmem:s9+$0x0]  }
0x24d: {  	v6 =	vmul.f32 v10, v6;
	v11 =	vsel vm1, v14, v11;
	[tilespmem:s8+$0x0] =	vst v51;
	v1 =	vnsel vm0, $0x0, v1;
	v55 =	vld [tilespmem:s9+$0xFFFFFFE0]  }
0x24e: {  	[tilespmem:s8+$0xFFFFFFE0] =	vst v11;
	v1 =	vsel vm1, v8, v1;
	v56 =	vmul.f32 v19, v3;
	v52 =	vld.idx.msk [tilespmem:v17+s1+$0x0], $0xffff  }
0x24f: {  	v6 =	vsel vm1, v6, v12;
	v57 =	vld [tilespmem:s9+$0xFFFFFFF0];
	[tilespmem:s8+$0x10] =	vst v1;
	v1 =	vnsel vm0, $0x0, v3;
	v3 =	vmul.f32 v20, v4  }
0x250: {  	v58 =	vld [tilespmem:s9+$0x10];
	[tilespmem:s8+$0xFFFFFFF0] =	vst v6;
	s8 =	sadd.s32 $0x40, s8;
	v59 =	vnsel vm0, $0x0, v4;
	v60 =	vmul.f32 v21, v2;
	v1 =	vsel vm1, v56, v1  }
0x251: {  	v54 =	vmul.f32 v18, v7;
	v2 =	vnsel vm0, $0x0, v2;
	[tilespmem:s8+$0xFFFFFFE0] =	vst v1;
	v1 =	vsel vm1, v3, v59  }
0x252: {  	v7 =	vnsel vm0, $0x0, v7;
	[tilespmem:s8+$0xFFFFFFF0] =	vst v1;
	v1 =	vsel vm1, v60, v2;
	v2 =	vmul.f32 v55, v9  }
0x253: {  	v7 =	vsel vm1, v54, v7;
	[tilespmem:s8+$0x10] =	vst v1;
	v1 =	vnsel vm0, $0x0, v9;
	v3 =	vmul.f32 v53, v52  }
0x254: {  	v62 =	vmul.f32 v57, v13;
	[tilespmem:s8+$0x0] =	vst v7;
	s8 =	sadd.s32 $0x40, s8;
	v1 =	vsel vm1, v2, v1;
	v61 =	vnsel vm0, $0x0, v52  }
0x255: {  	v63 =	vnsel vm0, $0x0, v13;
	v2 =	vmul.f32 v58, v5;
	[tilespmem:s8+$0xFFFFFFE0] =	vst v1;
	v3 =	vsel vm1, v3, v61  }
0x256: {  	v1 =	vsel vm1, v62, v63;
	[tilespmem:s8+$0x0] =	vst v3;
	v3 =	vnsel vm0, $0x0, v5  }
0x257: {  	[tilespmem:s8+$0xFFFFFFF0] =	vst v1;
	v1 =	vsel vm1, v2, v3  }
0x258: {  	s14 =	simm.s32 $0x74E0;
	[tilespmem:s8+$0x10] =	vst v1  }
0x259: {  	[spmem:s3] =	stream.indirect.scatter.add.f32 [tilespmem:s26], [sflag:$0x5], $0x10, s14, s28, $0xb8;
	[tilespmem:$0xE1B0] =	vst v63  }
0x25a: {  	_ =	swait.ge [sflag:s5], $0x500  }
0x25b: {  	[sflag:s5] =	ssyncset.done $0x0  }
0x25c: {  	[sflag:s5] =	ssyncadd.s32 $0xFFFFFB00  }
0x25d: {  	s15 =	stileid.u32;
	_ =	swait.ge [sflag:s22], $0x500  }
0x25e: {  	s16 =	sshrl.u32 s10, $0x3;
	s7 =	sadd.s32 $0x1, s7;
	[sflag:s22] =	ssyncset.done $0x0  }
0x25f: {  	p0 =	sne.s32 s7, s19;
	s8 =	sshll.u32 s15, $0x6;
	[sflag:s22] =	ssyncadd.s32 $0xFFFFFB00  }
.Ltmp13:
0x260: {  	s8 =	sor.u32 $0x1C07, s8;
	[bflag:$0x0] =	sbarrier.arrive $0xFFFF;
	(pc) =	sbr.rel @p0 .LBB2_1-.Ltmp13, $4  }
0x261: {  	[hbm:s18], [sflag:s8] =	dma.local [spmem:s16], $0x4E2  }
0x262: {  	_ =	swait.ge [sflag:s21], $0x4E2  }
0x263: {  	[sflag:s21] =	ssyncset.done $0x0  }
0x264: {  	s11 =	simm.s32 $0x2710;
	[sflag:s21] =	ssyncadd.s32 $0xFFFFFB1E  }
0x265: {  	_ =	sfence.sel $0x180000  }
0x266: {  	[bflag:$0x0] =	sbarrier.arrive $0xFFFF  }
0x267: {  	_ =	strace $0x9000004A  }
0x268: {  	s0 =	stileid.u32;
	[bflag:$0x2] =	sbarrier.arrive $0xFFFF  }
0x269: {  	p0 =	sne.s32 s0, $0x0;
	s0 =	rddreg [dreg:$0x3]  }
0x26a: {  	s0 =	sadd.s32 @!p0 $0x100000, s0  }
0x26b: {  	[sflag:s0] =	ssyncadd.tile.s32 @!p0 $0x1;
	_ =	shalt  }
.Lfunc_end2:
_tile_overlayer_lowered:
.L_overlay_start_2:
0x26c: {  	(tag) =	ssettag $0x2  }
0x26d: {  	s0 =	rddreg [dreg:$0x0];
	s2 =	stileid.u32  }
0x26e: {  	s1 =	rddreg [dreg:$0x1];
	p0 =	sne.s32 s2, $0x0  }
0x26f: {  	s3 =	rddreg [dreg:$0x2];
	[bflag:$0x3] =	sbarrier.arrive $0xFFFF;
	s2 =	simm.s32 @!p0 $0x1C07  }
0x270: {  	[timem:s3], [sflag:s2] =	dma.local @!p0 [hbm:s0], s1  }
0x271: {  	s0 =	simm.s32 @!p0 $0x7  }
0x272: {  	_ =	swait.ge @!p0 [sflag:s0], s1  }
0x273: {  	s1 =	ssub.s32 @!p0 $0x0, s1;
	[sflag:s0] =	ssyncset.done @!p0 $0x0  }
0x274: {  	[sflag:s0] =	ssyncadd.s32 @!p0 s1  }
0x275: {  	[bflag:$0x3] =	sbarrier.arrive $0xFFFF  }
0x276: {  	_ =	shalt  }

// kernel: kernel.7.cloned.1.call-start
scs
__scs_entry_jumppad:
0x0: {  	(pc) =	sbr.rel $0x88, $3  }
0x1: {  	(tag) =	ssettag $0x0;
	lr =	simm.s32 $0x1  }
0x2: {  	[smem:$0x3F97] =	sst lr;
	_ =	strace $0xD0000000  }
0x3: {  	_ = 	snop  }
0x4: {  	_ = 	snop  }
0x5: {  	_ = 	snop  }
0x6: {  	_ = 	snop  }
0x7: {  	_ = 	snop  }
__scs_overlays_trampoline_lowered:
0x8: {  	[smem:$0x3FA6] =	sst s0  }
0x9: {  	[smem:$0x3FA7] =	sst s1  }
0xa: {  	[smem:$0x3FA8] =	sst s2  }
0xb: {  	[smem:$0x3FA9] =	sst s3  }
0xc: {  	[smem:$0x3FAA] =	sst s4  }
0xd: {  	[smem:$0x3FAB] =	sst s5  }
0xe: {  	[smem:$0x3FAC] =	sst s6  }
0xf: {  	[smem:$0x3FAD] =	sst s7  }
0x10: {  	[smem:$0x3FAE] =	sst s8  }
0x11: {  	[smem:$0x3FAF] =	sst s9;
	s0 =	simm.s32 @!p0 $0x0  }
0x12: {  	s1 =	sld [smem:$0x3F95];
	s0 =	simm.s32 @p0 $0x1  }
0x13: {  	[smem:$0x3FB0] =	sst s0;
	s0 =	simm.s32 @!p1 $0x0  }
0x14: {  	s2 =	sld [smem:$0x3F94];
	s0 =	simm.s32 @p1 $0x1  }
0x15: {  	[smem:$0x3FB1] =	sst s0;
	s0 =	simm.s32 @!p2 $0x0  }
0x16: {  	s3 =	sld [smem:$0x3FDB];
	s0 =	simm.s32 @p2 $0x1  }
0x17: {  	s4 =	simm.s32 $0x1BF5;
	[smem:$0x3FB3] =	sst s0  }
0x18: {  	s0 =	sld [smem:$0x3F96];
	_ =	swait.ge [sflag:s4], $0x0  }
0x19: {  	s7 =	sld [smem:$0x3F97]  }
0x1a: {  	s8 =	sadd.s32 $0xFFFFE003, lr  }
0x1b: {  	s9 =	sadd.s32 $0xFFFFFEF7, lr;
	s5 =	simm.s32 $0xFFFFFFFF;
	p2 =	slt.u32 s8, $0xFFFFF086  }
0x1c: {  	p1 =	slt.u32 s9, $0xF7A;
	s5 =	simm.s32 @!p2 $0x0  }
0x1d: {  	s5 =	simm.s32 @p1 $0x1;
	p0 =	seq.s32 s7, s2  }
0x1e: {  	s7 =	smul.u32 @!p0 $0xF7A, s2;
	p2 =	seq.s32 @!p0 s5, $0x0  }
0x1f: {  	s9 =	smul.u32 $0xF7A, s1;
	s8 =	simm.s32 @!p0 $0x1BF5;
	p2 =	por !p2, p0  }
0x20: {  	[sflag:s8] =	ssyncset.s32 @!p0 $0xFFFFF086;
	s6 =	sadd.s32 @!p0 s3, s7;
	s7 =	simm.s32 @!p0 $0x108  }
0x21: {  	s3 =	sadd.s32 s3, s9;
	s6 =	sadd.s32 @!p0 $0x88, s6;
	s7 =	simm.s32 @p2 $0x1082  }
0x22: {  	[simem:s7], [sflag:s8] =	dma.local @!p0 [hbm:s6], $0xF7A  }
0x23: {  	s9 =	sor.u32 $0xD0000000, s2;
	s6 =	simm.s32 $0x108;
	_ =	swait.ge @!p0 [sflag:s8], $0x0  }
0x24: {  	s3 =	sadd.s32 $0x88, s3;
	s6 =	simm.s32 @!p1 $0x1082;
	[sflag:s4] =	ssyncset.s32 $0xFFFFF086  }
0x25: {  	[simem:s6], [sflag:s4] =	dma.local [hbm:s3], $0xF7A  }
0x26: {  	[smem:$0x3F97] =	sst s1;
	(tag) =	ssettag s2;
	_ =	strace s9  }
0x27: {  	s1 =	sld [smem:$0x3FA7]  }
0x28: {  	s2 =	sld [smem:$0x3FA8]  }
0x29: {  	s4 =	sld [smem:$0x3FAA]  }
0x2a: {  	p0 =	seq.s32 s5, $0x0;
	s5 =	sld [smem:$0x3FAB]  }
0x2b: {  	s6 =	sld [smem:$0x3FAC]  }
0x2c: {  	s7 =	sld [smem:$0x3FAD]  }
0x2d: {  	s3 =	simm.s32 $0x108;
	s8 =	sld [smem:$0x3FAE]  }
0x2e: {  	s3 =	simm.s32 @!p0 $0x1082;
	s9 =	sld [smem:$0x3FAF]  }
0x2f: {  	lr =	sadd.s32 s0, s3;
	s0 =	sld [smem:$0x3FA6]  }
0x30: {  	s3 =	sld [smem:$0x3FA9]  }
0x31: {  	[smem:$0x3FB2] =	sst s10  }
0x32: {  	s10 =	sld [smem:$0x3FB0];
	_ =	sdelay $0x3  }
0x33: {  	p0 =	seq.s32 s10, $0x1;
	s10 =	sld [smem:$0x3FB2];
	_ =	sdelay $0x3  }
0x34: {  	[smem:$0x3FB2] =	sst s10  }
0x35: {  	s10 =	sld [smem:$0x3FB1];
	_ =	sdelay $0x3  }
0x36: {  	p1 =	seq.s32 s10, $0x1;
	s10 =	sld [smem:$0x3FB2];
	_ =	sdelay $0x3  }
0x37: {  	[smem:$0x3FB2] =	sst s10  }
0x38: {  	s10 =	sld [smem:$0x3FB3]  }
0x39: {  	_ = 	snop;
	(pc) =	sbr.ind lr, $3  }
0x3a: {  	_ = 	snop  }
0x3b: {  	_ = 	snop  }
0x3c: {  	p2 =	seq.s32 s10, $0x1;
	s10 =	sld [smem:$0x3FB2]  }
0x3d: {  	_ =	shalt  }
0x3e: {  	_ =	shalt  }
0x3f: {  	_ =	shalt  }
0x40: {  	_ =	shalt  }
0x41: {  	_ =	shalt  }
0x42: {  	_ =	shalt  }
0x43: {  	_ =	shalt  }
0x44: {  	_ =	shalt  }
0x45: {  	_ =	shalt  }
0x46: {  	_ =	shalt  }
0x47: {  	_ =	shalt  }
0x48: {  	_ =	shalt  }
0x49: {  	_ =	shalt  }
0x4a: {  	_ =	shalt  }
0x4b: {  	_ =	shalt  }
0x4c: {  	_ =	shalt  }
0x4d: {  	_ =	shalt  }
0x4e: {  	_ =	shalt  }
0x4f: {  	_ =	shalt  }
0x50: {  	_ =	shalt  }
0x51: {  	_ =	shalt  }
0x52: {  	_ =	shalt  }
0x53: {  	_ =	shalt  }
0x54: {  	_ =	shalt  }
0x55: {  	_ =	shalt  }
0x56: {  	_ =	shalt  }
0x57: {  	_ =	shalt  }
0x58: {  	_ =	shalt  }
0x59: {  	_ =	shalt  }
0x5a: {  	_ =	shalt  }
0x5b: {  	_ =	shalt  }
0x5c: {  	_ =	shalt  }
0x5d: {  	_ =	shalt  }
0x5e: {  	_ =	shalt  }
0x5f: {  	_ =	shalt  }
0x60: {  	_ =	shalt  }
0x61: {  	_ =	shalt  }
0x62: {  	_ =	shalt  }
0x63: {  	_ =	shalt  }
0x64: {  	_ =	shalt  }
0x65: {  	_ =	shalt  }
0x66: {  	_ =	shalt  }
0x67: {  	_ =	shalt  }
0x68: {  	_ =	shalt  }
0x69: {  	_ =	shalt  }
0x6a: {  	_ =	shalt  }
0x6b: {  	_ =	shalt  }
0x6c: {  	_ =	shalt  }
0x6d: {  	_ =	shalt  }
0x6e: {  	_ =	shalt  }
0x6f: {  	_ =	shalt  }
0x70: {  	_ =	shalt  }
0x71: {  	_ =	shalt  }
0x72: {  	_ =	shalt  }
0x73: {  	_ =	shalt  }
0x74: {  	_ =	shalt  }
0x75: {  	_ =	shalt  }
0x76: {  	_ =	shalt  }
0x77: {  	_ =	shalt  }
0x78: {  	_ =	shalt  }
0x79: {  	_ =	shalt  }
0x7a: {  	_ =	shalt  }
0x7b: {  	_ =	shalt  }
0x7c: {  	_ =	shalt  }
0x7d: {  	_ =	shalt  }
0x7e: {  	_ =	shalt  }
0x7f: {  	_ =	shalt  }
0x80: {  	_ =	shalt  }
0x81: {  	_ =	shalt  }
0x82: {  	_ =	shalt  }
0x83: {  	_ =	shalt  }
0x84: {  	_ =	shalt  }
0x85: {  	_ =	shalt  }
0x86: {  	_ =	shalt  }
0x87: {  	_ =	shalt  }
.Lfunc_end0:
.L_simem_size_0:
called_computation_lowered:
.L_overlay_start_0:
0x88: {  	s2 =	sld [smem:$0x3FD9]  }
0x89: {  	s3 =	sld [smem:$0x3FFE];
	_ =	sdelay $0x1  }
0x8a: {  	s1 =	srdreg.scid  }
0x8b: {  	s0 =	sand.u32 $0x1, s1  }
0x8c: {  	s17 =	sshll.u32 s0, $0xA;
	s2 =	sadd.s32 s3, s2  }
0x8d: {  	s2 =	sadd.s32 s2, s17  }
0x8e: {  	[smem:$0x3FBE] =	sst s2  }
0x8f: {  	_ = 	snop  }
0x90: {  	s2 =	sld [smem:$0x3FD0];
	(tm) =	ssettm $0x1  }
0x91: {  	s18 =	sld [smem:$0x3FFB];
	_ =	sdelay $0x3  }
0x92: {  	_ =	strace s18  }
0x93: {  	s3 =	sld [smem:$0x3FFC];
	_ =	sdelay $0x3  }
0x94: {  	_ =	strace s3  }
0x95: {  	s3 =	sld [smem:$0x3FFD];
	_ =	sdelay $0x3  }
0x96: {  	_ =	strace s3  }
0x97: {  	_ =	strace $0x8FFFFFFF  }
0x98: {  	s19 =	sld [smem:$0x3FDB];
	_ =	sdelay $0x1  }
0x99: {  	s4 =	simm.s32 $_scs_section_size  }
0x9a: {  	s5 =	simm.s32 $_size__tile_overlayer_lowered;
	s6 =	simm.s32 $_tile_overlayer_lowered  }
0x9b: {  	s22 =	simm.s32 $0x1BFF;
	s21 =	sshll.u32 s6, $0x1;
	s3 =	sadd.s32 s4, s19  }
0x9c: {  	s7 =	simm.s32 $0x0;
	s20 =	sshll.u32 s5, $0x1;
	s5 =	sadd.s32 s21, s3  }
0x9d: {  	[timem:s7], [sflag:s22] =	dma.local [hbm:s5], s20  }
0x9e: {  	_ =	swait.ge [sflag:s22], s20  }
0x9f: {  	s4 =	ssub.s32 $0x0, s20;
	[sflag:s22] =	ssyncset.done $0x0  }
0xa0: {  	[sflag:s22] =	ssyncadd.s32 s4;
	_ =	sdelay $0x1  }
0xa1: {  	s23 =	simm.s32 $0x1B8B  }
0xa2: {  	_ =	swait.ge [sflag:s23], $0x1  }
0xa3: {  	[sflag:s23] =	ssyncset.done $0x0  }
0xa4: {  	s25 =	simm.s32 $0x1B8E;
	s24 =	sld [smem:$0x3FFE];
	[sflag:s23] =	ssyncadd.s32 $0xFFFFFFFF  }
0xa5: {  	s26 =	simm.s32 $execute0_lowered;
	[smem:$0x3FD2] =	sst s25  }
0xa6: {  	s5 =	sshll.u32 s26, $0x1;
	_ =	strace $0x80000046;
	[dreg:$0x1] =	wrdreg $0xFFFFFFFF  }
0xa7: {  	s28 =	simm.s32 $_size_execute0_lowered;
	s3 =	sadd.s32 s3, s5;
	[dreg:$0x0] =	wrdreg $0x0  }
0xa8: {  	s5 =	sshll.u32 s28, $0x1;
	[dreg:$0x2] =	wrdreg s3  }
0xa9: {  	[dreg:$0x3] =	wrdreg s5  }
0xaa: {  	[dreg:$0x4] =	wrdreg $0xC0  }
0xab: {  	_ =	task [dreg:s7], $0x5FFFF  }
0xac: {  	[dreg:$0x1] =	wrdreg $0xFFFFFFFF  }
0xad: {  	[dreg:$0x0] =	wrdreg $0x60  }
0xae: {  	[dreg:$0x2] =	wrdreg s24  }
0xaf: {  	[dreg:$0x3] =	wrdreg s2  }
0xb0: {  	[dreg:$0x4] =	wrdreg $0x0  }
0xb1: {  	[dreg:$0x5] =	wrdreg $0x9  }
0xb2: {  	_ =	task.clear_ibuf [dreg:s7], $0x6FFFF;
	_ =	strace $0x90000046  }
0xb3: {  	s29 =	simm.s32 $0x9;
	_ =	strace $0x80000048  }
0xb4: {  	_ =	swait.ge [sflag:s29], $0x1  }
0xb5: {  	[sflag:s29] =	ssyncadd.s32 $0xFFFFFFFF  }
0xb6: {  	_ =	strace $0x90000048  }
0xb7: {  	_ =	sfence  }
0xb8: {  	s30 =	sld [smem:$0x0];
	_ =	sdelay $0x2  }
0xb9: {  	s31 =	sshll.u32 s1, $0xD;
	s1 =	sshrl.u32 s1, $0x2  }
0xba: {  	s3 =	sand.u32 $0x4000, s31;
	s1 =	sadd.s32 s1, s30  }
0xbb: {  	s0 =	sor.u32 s3, s0;
	s1 =	sshll.u32 s1, $0x11  }
0xbc: {  	s0 =	sor.u32 s1, s0  }
0xbd: {  	s0 =	sadd.s32 $0x8F2B, s0  }
0xbe: {  	[sflag:s0] =	ssyncadd.remote.s32 $0x1  }
0xbf: {  	_ =	sfence.sel $0xFFFF  }
0xc0: {  	[dreg:$0x0] =	wrdreg $0xFFFFFFFF;
	(pc) =	sbr.abs _section_cstart, $3  }
0xc1: {  	[dreg:$0x1] =	wrdreg $0xFFFFFFFF  }
0xc2: {  	_ =	task.clear_ibuf [dreg:s7], $0x2FFFF;
	_ =	strace $0x9FFFFFFF  }
0xc3: {  	(tm) =	ssettm $0x7FFFFFFF  }
tec
execute0_lowered:
.L_overlay_start_1:
0x0: {  	(tag) =	ssettag $0x1  }
0x1: {  	s0 =	srdreg.scid;
	s1 =	rddreg [dreg:$0x0]  }
0x2: {  	s8 =	stileid.u32;
	s2 =	rddreg [dreg:$0x1]  }
0x3: {  	s5 =	simm.s32 $0x0;
	s12 =	simm.s32 $0xC350;
	s13 =	simm.s32 $0xEA60  }
0x4: {  	s28 =	simm.s32 $0x11170;
	s29 =	simm.s32 $0x17570;
	s31 =	simm.s32 $0x18470  }
0x5: {  	s30 =	simm.s32 $0x2;
	s0 =	sand.u32 $0x1, s0;
	s3 =	sshll.u32 s8, $0x1  }
0x6: {  	s6 =	smul.u32 $0xC350, s8;
	[smem:$0x7FF] =	sst s5;
	s9 =	sadd.s32 $0x800, s1  }
0x7: {  	s8 =	smul.u32 $0x30D40, s8;
	s4 =	sor.u32 s0, s3;
	s3 =	rddreg [dreg:$0x2]  }
0x8: {  	s16 =	sadd.s32 $0x2CE00, s1;
	_ =	strace $0x80000047;
	[dreg:$0x4] =	wrdreg s9  }
0x9: {  	s5 =	sadd.s32 $0xA00, s1;
	s7 =	smul.u32 $0xC3500, s0;
	[dreg:$0x5] =	wrdreg s16  }
0xa: {  	s0 =	ssub.s32 $0x2, s0;
	s4 =	smul.u32 $0x4E2, s4;
	s8 =	sshrl.u32 s8, $0x2  }
0xb: {  	s17 =	sshrl.u32 s0, $0x1;
	s10 =	sadd.s32 s6, s3;
	s19 =	sadd.s32 s8, s3  }
0xc: {  	s7 =	sadd.s32 s6, s7;
	s0 =	ssub.s32 s0, s17;
	s20 =	sadd.s32 $0x1900, s19  }
0xd: {  	s6 =	simm.s32 $0x4;
	s21 =	sadd.s32 $0x3200, s19;
	[dreg:$0x8] =	wrdreg s20  }
0xe: {  	s8 =	simm.s32 $0x0;
	s22 =	sadd.s32 $0x4B00, s19;
	[dreg:$0x9] =	wrdreg s21  }
0xf: {  	s4 =	sadd.s32 s4, s1;
	s23 =	sadd.s32 $0x6400, s19;
	[dreg:$0xa] =	wrdreg s22  }
0x10: {  	s7 =	sshrl.u32 s7, $0x3;
	s24 =	sadd.s32 $0x7D00, s19;
	[dreg:$0xb] =	wrdreg s23  }
0x11: {  	s25 =	sadd.s32 $0x9600, s19;
	s26 =	sadd.s32 $0xAF00, s19;
	[dreg:$0xc] =	wrdreg s24  }
0x12: {  	s0 =	smax.u32 s0, $0x1;
	s1 =	sadd.s32 s7, s1;
	[dreg:$0xd] =	wrdreg s25  }
0x13: {  	s18 =	sadd.s32 $0x23000, s4;
	s4 =	sadd.s32 $0x19200, s4;
	[dreg:$0xe] =	wrdreg s26  }
0x14: {  	[dreg:$0x10] =	wrdreg s0;
	s21 =	simm.s32 $0x7;
	s25 =	simm.s32 $0x18E70  }
0x15: {  	s26 =	simm.s32 $0x50;
	s22 =	simm.s32 $0x15C70;
	s20 =	simm.s32 $0x18970  }
0x16: {  	s0 =	simm.s32 $0x1A770;
	s23 =	simm.s32 $0x3;
	[dreg:$0x6] =	wrdreg s18  }
0x17: {  	s24 =	simm.s32 $0x5;
	[dreg:$0x7] =	wrdreg s4;
	s1 =	sadd.s32 $0x2D200, s1  }
0x18: {  	v0 =	vimm.f32 $0.0e+00;
	vm0 =	vmmov $0xff;
	s7 =	simm.s32 $0x6;
	[dreg:$0xf] =	wrdreg s1;
	s1 =	simm.s32 $0x1  }
.LBB2_1:
0x19: {  	s4 =	simm.s32 $0x0;
	s9 =	rddreg [dreg:$0x4];
	s11 =	simm.s32 $0x1C070  }
0x1a: {  	[tilespmem:s11], [sflag:$0x7] =	stream.linear.gather [hbm4b:s9+s4], $0x10, $0x38;
	[tilespmem:$0x1D980] =	vst v63  }
0x1b: {  	_ =	swait.ge [sflag:s21], $0x10  }
0x1c: {  	[sflag:s21] =	ssyncset.done $0x0  }
0x1d: {  	s17 =	simm.s32 $0x1C080;
	s16 =	rddreg [dreg:$0x5];
	[sflag:s21] =	ssyncadd.s32 $0xFFFFFFF0  }
0x1e: {  	[tilespmem:s17], [sflag:$0x7] =	stream.linear.gather [hbm4b:s16+s4], $0x1900, $0x38;
	[tilespmem:$0x1D980] =	vst v63  }
0x1f: {  	_ =	swait.ge [sflag:s21], $0x1900  }
0x20: {  	[sflag:s21] =	ssyncset.done $0x0  }
0x21: {  	s18 =	rddreg [dreg:$0x6];
	[sflag:s21] =	ssyncadd.s32 $0xFFFFE700  }
0x22: {  	[tilespmem:s12], [sflag:$0x7] =	stream.linear.gather [hbm4b:s18+s4], $0x2710, $0x38;
	[tilespmem:$0x1D980] =	vst v63  }
0x23: {  	_ =	swait.ge [sflag:s21], $0x2710  }
0x24: {  	[sflag:s21] =	ssyncset.done $0x0  }
0x25: {  	s19 =	rddreg [dreg:$0x7];
	[sflag:s21] =	ssyncadd.s32 $0xFFFFD8F0  }
0x26: {  	[tilespmem:s13], [sflag:$0x7] =	stream.linear.gather [hbm4b:s19+s4], $0x2710, $0x38;
	[tilespmem:$0x1D980] =	vst v63  }
0x27: {  	_ =	swait.ge [sflag:s21], $0x2710  }
0x28: {  	[sflag:s21] =	ssyncset.done $0x0  }
0x29: {  	s9 =	simm.s32 $0x140;
	s4 =	simm.s32 $0x0;
	[sflag:s21] =	ssyncadd.s32 $0xFFFFD8F0  }
.LBB2_2:
0x2a: {  	p0 =	sne.s32 s9, $0x62C0;
	[tilespmem:s4+$0x18EB0] =	vst v0;
	s11 =	smov.u32 s9;
	s9 =	sadd.s32 $0x140, s9  }
.Ltmp0:
0x2b: {  	[tilespmem:s4+$0x18EA0] =	vst v0;
	(pc) =	sbr.rel @p0 .LBB2_2-.Ltmp0, $4  }
0x2c: {  	[tilespmem:s4+$0x18E90] =	vst v0  }
0x2d: {  	[tilespmem:s4+$0x18E70] =	vst v0  }
0x2e: {  	[tilespmem:s4+$0x18E80] =	vst v0  }
0x2f: {  	s4 =	sshra.s32 s11, $0x2  }
0x30: {  	[tilespmem:s4+$0x18EB0] =	vst v0  }
0x31: {  	[tilespmem:s4+$0x18EA0] =	vst v0  }
0x32: {  	[tilespmem:s4+$0x18E90] =	vst v0  }
0x33: {  	[tilespmem:s4+$0x18E70] =	vst v0  }
0x34: {  	[tilespmem:s4+$0x18E80] =	vst v0  }
0x35: {  	[spmem:s10] =	stream.linear.scatter [tilespmem:s25], [sflag:$0x7], $0x1900, $0x38;
	[tilespmem:$0x1D980] =	vst v63  }
0x36: {  	_ =	swait.ge [sflag:s21], $0x1900  }
0x37: {  	[sflag:s21] =	ssyncset.done $0x0  }
0x38: {  	s14 =	rddreg [dreg:$0x8];
	[sflag:s21] =	ssyncadd.s32 $0xFFFFE700  }
0x39: {  	[spmem:s14] =	stream.linear.scatter [tilespmem:s25], [sflag:$0x7], $0x1900, $0x38;
	[tilespmem:$0x1D980] =	vst v63  }
0x3a: {  	_ =	swait.ge [sflag:s21], $0x1900  }
0x3b: {  	[sflag:s21] =	ssyncset.done $0x0  }
0x3c: {  	s15 =	rddreg [dreg:$0x9];
	[sflag:s21] =	ssyncadd.s32 $0xFFFFE700  }
0x3d: {  	[spmem:s15] =	stream.linear.scatter [tilespmem:s25], [sflag:$0x7], $0x1900, $0x38;
	[tilespmem:$0x1D980] =	vst v63  }
0x3e: {  	_ =	swait.ge [sflag:s21], $0x1900  }
0x3f: {  	[sflag:s21] =	ssyncset.done $0x0  }
0x40: {  	s16 =	rddreg [dreg:$0xa];
	[sflag:s21] =	ssyncadd.s32 $0xFFFFE700  }
0x41: {  	[spmem:s16] =	stream.linear.scatter [tilespmem:s25], [sflag:$0x7], $0x1900, $0x38;
	[tilespmem:$0x1D980] =	vst v63  }
0x42: {  	_ =	swait.ge [sflag:s21], $0x1900  }
0x43: {  	[sflag:s21] =	ssyncset.done $0x0  }
0x44: {  	s17 =	rddreg [dreg:$0xb];
	[sflag:s21] =	ssyncadd.s32 $0xFFFFE700  }
0x45: {  	[spmem:s17] =	stream.linear.scatter [tilespmem:s25], [sflag:$0x7], $0x1900, $0x38;
	[tilespmem:$0x1D980] =	vst v63  }
0x46: {  	_ =	swait.ge [sflag:s21], $0x1900  }
0x47: {  	[sflag:s21] =	ssyncset.done $0x0  }
0x48: {  	s18 =	rddreg [dreg:$0xc];
	[sflag:s21] =	ssyncadd.s32 $0xFFFFE700  }
0x49: {  	[spmem:s18] =	stream.linear.scatter [tilespmem:s25], [sflag:$0x7], $0x1900, $0x38;
	[tilespmem:$0x1D980] =	vst v63  }
0x4a: {  	_ =	swait.ge [sflag:s21], $0x1900  }
0x4b: {  	[sflag:s21] =	ssyncset.done $0x0  }
0x4c: {  	s19 =	rddreg [dreg:$0xd];
	[sflag:s21] =	ssyncadd.s32 $0xFFFFE700  }
0x4d: {  	[spmem:s19] =	stream.linear.scatter [tilespmem:s25], [sflag:$0x7], $0x1900, $0x38;
	[tilespmem:$0x1D980] =	vst v63  }
0x4e: {  	_ =	swait.ge [sflag:s21], $0x1900  }
0x4f: {  	[sflag:s21] =	ssyncset.done $0x0  }
0x50: {  	s9 =	rddreg [dreg:$0xe];
	[sflag:s21] =	ssyncadd.s32 $0xFFFFE700  }
0x51: {  	[spmem:s9] =	stream.linear.scatter [tilespmem:s25], [sflag:$0x7], $0x1450, $0x38;
	[tilespmem:$0x1D980] =	vst v63  }
0x52: {  	_ =	swait.ge [sflag:s21], $0x1450  }
0x53: {  	[sflag:s21] =	ssyncset.done $0x0  }
0x54: {  	[sflag:s21] =	ssyncadd.s32 $0xFFFFEBB0  }
0x55: {  	[bflag:$0x0] =	sbarrier.arrive $0xFFFF  }
0x56: {  	v1 =	vld [tilespmem:$0x1C070];
	[tilespmem:s28], [sflag:$0x1] =	stream.indirect.gather [hbm4b:s5+s26], $0x50, s12, s26, $0xb8  }
0x57: {  	_ = 	snop  }
0x58: {  	[tilespmem:s29], [sflag:$0x1] =	stream.indirect.gather [hbm4b:s2+s26], $0x10, s13, s26, $0xb8;
	[tilespmem:$0x1D980] =	vst v63  }
0x59: {  	s11 =	simm.s32 $0xC3A0;
	s9 =	simm.s32 $0x12A70  }
0x5a: {  	[tilespmem:s9], [sflag:$0x2] =	stream.indirect.gather [hbm4b:s5+s26], $0x50, s11, s26, $0xb8;
	[tilespmem:$0x1D980] =	vst v63  }
0x5b: {  	s12 =	simm.s32 $0xEAB0;
	s13 =	simm.s32 $0x17A70  }
0x5c: {  	[tilespmem:s13], [sflag:$0x2] =	stream.indirect.gather [hbm4b:s2+s26], $0x10, s12, s26, $0xb8;
	[tilespmem:$0x1D980] =	vst v63  }
0x5d: {  	s14 =	simm.s32 $0xC3F0;
	s15 =	simm.s32 $0x14370  }
0x5e: {  	[tilespmem:s15], [sflag:$0x3] =	stream.indirect.gather [hbm4b:s5+s26], $0x50, s14, s26, $0xb8;
	[tilespmem:$0x1D980] =	vst v63  }
0x5f: {  	s16 =	simm.s32 $0xEB00;
	s17 =	simm.s32 $0x17F70  }
0x60: {  	[tilespmem:s17], [sflag:$0x3] =	stream.indirect.gather [hbm4b:s2+s26], $0x10, s16, s26, $0xb8;
	[tilespmem:$0x1D980] =	vst v63  }
0x61: {  	s18 =	simm.s32 $0xC440  }
0x62: {  	[tilespmem:s22], [sflag:$0x4] =	stream.indirect.gather [hbm4b:s5+s26], $0x50, s18, s26, $0xb8;
	[tilespmem:$0x1D980] =	vst v63  }
0x63: {  	s19 =	simm.s32 $0xEB50;
	s9 =	simm.s32 $0x0  }
0x64: {  	[tilespmem:s31], [sflag:$0x4] =	stream.indirect.gather [hbm4b:s2+s26], $0x10, s19, s26, $0xb8;
	[tilespmem:$0x1D980] =	vst v63  }
.LBB2_4:
0x65: {  	_ =	swait.ge [sflag:s1], $0x1900  }
0x66: {  	[sflag:s1] =	ssyncset.done $0x0  }
0x67: {  	[sflag:s1] =	ssyncadd.s32 $0xFFFFE700  }
0x68: {  	_ =	swait.ge [sflag:s1], $0x500  }
0x69: {  	p0 =	seq.s32 s9, $0x0;
	[sflag:s1] =	ssyncset.done $0x0  }
0x6a: {  	s4 =	simm.s32 @!p0 $0x5;
	[sflag:s1] =	ssyncadd.s32 $0xFFFFFB00  }
0x6b: {  	_ =	swait.ge @!p0 [sflag:s4], $0x1900  }
0x6c: {  	[sflag:s4] =	ssyncset.done @!p0 $0x0  }
0x6d: {  	s17 =	simm.s32 $0x11250;
	[sflag:s4] =	ssyncadd.s32 @!p0 $0xFFFFE700  }
0x6e: {  	s11 =	simm.s32 $0x17590;
	v2 =	vld [tilespmem:s17+$0x50]  }
0x6f: {  	v3 =	vld [tilespmem:s11+$0x10]  }
0x70: {  	v5 =	vld [tilespmem:s17+$0xFFFFFFB0]  }
0x71: {  	v6 =	vld [tilespmem:s11+$0xFFFFFFF0]  }
0x72: {  	v7 =	vld [tilespmem:s17+$0x0]  }
0x73: {  	v8 =	vld [tilespmem:s11+$0x0]  }
0x74: {  	s18 =	simm.s32 $0x11390;
	v4 =	vld [tilespmem:s11+$0xFFFFFFE0]  }
0x75: {  	v10 =	vld [tilespmem:s18+$0x50]  }
0x76: {  	s19 =	simm.s32 $0x175D0;
	v2 =	vadd.f32 v3, v2;
	v3 =	vld [tilespmem:s17+$0xFFFFFF60]  }
0x77: {  	v5 =	vadd.f32 v6, v5;
	v6 =	vld [tilespmem:s19+$0x10]  }
0x78: {  	v7 =	vadd.f32 v8, v7;
	v9 =	vmul.f32 $2.000000030e-01, v2  }
0x79: {  	vm1 =	vgt.f32 v2, $0.0e+00  }
0x7a: {  	v12 =	vld [tilespmem:s19+$0xFFFFFFF0];
	vm2 =	vgt.f32 v7, $0.0e+00;
	v11 =	vmul.f32 $2.000000030e-01, v7;
	v2 =	vsel vm1, v2, v9  }
0x7b: {  	v8 =	vld [tilespmem:s19+$0xFFFFFFE0];
	v9 =	vmul.f32 $2.000000030e-01, v5;
	v2 =	vsub.f32 v2, v1;
	v3 =	vadd.f32 v4, v3  }
0x7c: {  	vm1 =	vgt.f32 v5, $0.0e+00;
	v7 =	vsel vm2, v7, v11;
	v11 =	vld [tilespmem:s19+$0x0];
	v6 =	vadd.f32 v6, v10  }
0x7d: {  	v4 =	vld [tilespmem:s18+$0xFFFFFFB0];
	v5 =	vsel vm1, v5, v9;
	v2 =	vmul.f32 $1.442695020e+00, v2;
	v13 =	vmul.f32 $2.000000030e-01, v3  }
0x7e: {  	v9 =	vld [tilespmem:s18+$0x0];
	vm3 =	vgt.f32 v3, $0.0e+00;
	v5 =	vsub.f32 v5, v1;
	v10 =	vmul.f32 $2.000000030e-01, v6  }
0x7f: {  	(erf) = vpow2.f32 v2;
	v2 =	vsel vm3, v3, v13;
	v3 =	vsub.f32 v7, v1;
	v7 =	vld [tilespmem:s18+$0xFFFFFF60]  }
0x80: {  	vm1 =	vgt.f32 v6, $0.0e+00  }
0x81: {  	s12 =	simm.s32 $0x114D0;
	v5 =	vmul.f32 $1.442695020e+00, v5;
	v6 =	vsel vm1, v6, v10;
	v2 =	vsub.f32 v2, v1  }
0x82: {  	s11 =	simm.s32 $0x17610;
	v6 =	vsub.f32 v6, v1;
	v13 =	vmul.f32 $1.442695020e+00, v3;
	v3 =	vadd.f32 v12, v4;
	v4 =	vld [tilespmem:s12+$0x50]  }
0x83: {  	(erf) = vpow2.f32 v5;
	v5 =	vld [tilespmem:s11+$0x10];
	v2 =	vmul.f32 $1.442695020e+00, v2  }
0x84: {  	v9 =	vadd.f32 v11, v9;
	v6 =	vmul.f32 $1.442695020e+00, v6;
	v8 =	vadd.f32 v8, v7  }
0x85: {  	v14 =	vld [tilespmem:s11+$0xFFFFFFF0];
	v10 =	vmul.f32 $2.000000030e-01, v3;
	vm1 =	vgt.f32 v3, $0.0e+00;
	(erf) = vpow2.f32 v2  }
0x86: {  	v11 =	vld [tilespmem:s12+$0xFFFFFFB0];
	vm2 =	vgt.f32 v9, $0.0e+00;
	v2 =	vmul.f32 $2.000000030e-01, v9;
	v12 =	vmul.f32 $2.000000030e-01, v8  }
0x87: {  	v3 =	vsel vm1, v3, v10;
	(erf) = vpow2.f32 v6;
	v6 =	vld [tilespmem:s11+$0x0];
	vm3 =	vgt.f32 v8, $0.0e+00  }
0x88: {  	v10 =	vsub.f32 v3, v1;
	v3 =	vld [tilespmem:s11+$0xFFFFFFE0];
	v7 =	vadd.f32 v5, v4;
	v5 =	vsel vm3, v8, v12  }
0x89: {  	v2 =	vsel vm2, v9, v2;
	v4 =	vld [tilespmem:s12+$0x0]  }
0x8a: {  	(erf) = vpow2.f32 v13;
	v2 =	vsub.f32 v2, v1;
	v8 =	vld [tilespmem:s12+$0xFFFFFF60];
	v9 =	vsub.f32 v5, v1  }
0x8b: {  	s4 =	simm.s32 $0x18990;
	v10 =	vmul.f32 $1.442695020e+00, v10;
	v12 =	vmul.f32 $2.000000030e-01, v7;
	vm1 =	vgt.f32 v7, $0.0e+00;
	v5 =	vpop (erf)  }
0x8c: {  	s13 =	simm.s32 $0x8;
	s14 =	simm.s32 $0x11610;
	s12 =	simm.s32 $0x18990;
	v2 =	vmul.f32 $1.442695020e+00, v2;
	v9 =	vmul.f32 $1.442695020e+00, v9;
	[tilespmem:s4+$0x10] =	vst v5;
	v5 =	vadd.f32 v14, v11;
	v11 =	vpop (erf)  }
.LBB2_5:
0x8d: {  	v13 =	vld [tilespmem:s14+$0x50];
	v12 =	vsel vm1, v7, v12;
	s11 =	sadd.s32 $0x40, s11;
	(erf) = vpow2.f32 v10;
	[tilespmem:s4+$0xFFFFFFF0] =	vst v11  }
0x8e: {  	s13 =	sadd.s32 $0x4, s13;
	v10 =	vld [tilespmem:s11+$0x10];
	v16 =	vmul.f32 $2.000000030e-01, v5;
	v6 =	vadd.f32 v6, v4;
	v4 =	vsub.f32 v12, v1;
	v7 =	vpop (erf)  }
0x8f: {  	p1 =	slt.u32 s13, $0x4C;
	vm1 =	vgt.f32 v5, $0.0e+00;
	v8 =	vadd.f32 v3, v8;
	v3 =	vld [tilespmem:s11+$0xFFFFFFE0];
	(erf) = vpow2.f32 v9;
	[tilespmem:s4+$0xFFFFFFE0] =	vst v7  }
0x90: {  	v9 =	vld [tilespmem:s14+$0xFFFFFFB0];
	vm2 =	vgt.f32 v6, $0.0e+00;
	v7 =	vmul.f32 $2.000000030e-01, v6;
	v17 =	vmul.f32 $1.442695020e+00, v4  }
0x91: {  	s4 =	sadd.s32 $0x40, s4;
	v5 =	vsel vm1, v5, v16;
	v14 =	vld [tilespmem:s11+$0xFFFFFFF0];
	vm3 =	vgt.f32 v8, $0.0e+00;
	v15 =	vmul.f32 $2.000000030e-01, v8;
	v11 =	vpop (erf)  }
.Ltmp1:
0x92: {  	v5 =	vsub.f32 v5, v1;
	v4 =	vld [tilespmem:s14+$0x0];
	v16 =	vsel vm2, v6, v7;
	(erf) = vpow2.f32 v17;
	[tilespmem:s4+$0x10] =	vst v11;
	(pc) =	sbr.rel @p1 .LBB2_5-.Ltmp1, $4  }
0x93: {  	v6 =	vld [tilespmem:s11+$0x0];
	v7 =	vadd.f32 v10, v13;
	v10 =	vsel vm3, v8, v15;
	v15 =	vsub.f32 v16, v1;
	v12 =	vpop (erf)  }
0x94: {  	v8 =	vld [tilespmem:s14+$0xFFFFFF60];
	v13 =	vsub.f32 v10, v1;
	v10 =	vmul.f32 $1.442695020e+00, v5;
	(erf) = vpow2.f32 v2;
	[tilespmem:s12+$0x0] =	vst v12;
	s12 =	smov.u32 s4  }
0x95: {  	v12 =	vmul.f32 $2.000000030e-01, v7;
	v2 =	vmul.f32 $1.442695020e+00, v15  }
0x96: {  	s14 =	sadd.s32 $0x140, s14;
	vm1 =	vgt.f32 v7, $0.0e+00;
	v5 =	vadd.f32 v14, v9;
	v9 =	vmul.f32 $1.442695020e+00, v13;
	v11 =	vpop (erf)  }
0x97: {  	_ =	sdelay $0x1  }
0x98: {  	v7 =	vsel vm1, v7, v12;
	v4 =	vadd.f32 v6, v4;
	v3 =	vadd.f32 v3, v8  }
0x99: {  	(erf) = vpow2.f32 v10;
	v6 =	vmul.f32 $2.000000030e-01, v5;
	v7 =	vsub.f32 v7, v1  }
0x9a: {  	vm1 =	vgt.f32 v5, $0.0e+00;
	vm2 =	vgt.f32 v4, $0.0e+00;
	v8 =	vmul.f32 $2.000000030e-01, v3  }
0x9b: {  	v10 =	vmul.f32 $2.000000030e-01, v4;
	v5 =	vsel vm1, v5, v6;
	vm3 =	vgt.f32 v3, $0.0e+00  }
0x9c: {  	v6 =	vmul.f32 $1.442695020e+00, v7;
	v5 =	vsub.f32 v5, v1;
	v3 =	vsel vm3, v3, v8  }
0x9d: {  	(erf) = vpow2.f32 v9;
	v4 =	vsel vm2, v4, v10;
	v3 =	vsub.f32 v3, v1  }
0x9e: {  	(erf) = vpow2.f32 v6;
	v4 =	vsub.f32 v4, v1;
	v5 =	vmul.f32 $1.442695020e+00, v5  }
0x9f: {  	(erf) = vpow2.f32 v2;
	v2 =	vmul.f32 $1.442695020e+00, v3  }
0xa0: {  	v3 =	vmul.f32 $1.442695020e+00, v4  }
0xa1: {  	(erf) = vpow2.f32 v5  }
0xa2: {  	(erf) = vpow2.f32 v2  }
0xa3: {  	[tilespmem:s4+$0xFFFFFFF0] =	vst v11;
	v2 =	vpop (erf);
	(erf) = vpow2.f32 v3  }
0xa4: {  	s18 =	sadd.s32 $0x40, s4;
	v3 =	vpop (erf);
	[tilespmem:s4+$0xFFFFFFE0] =	vst v2  }
0xa5: {  	v2 =	vpop (erf);
	[tilespmem:s18+$0x10] =	vst v3  }
0xa6: {  	v3 =	vpop (erf);
	[tilespmem:s12+$0x0] =	vst v2  }
0xa7: {  	v2 =	vpop (erf);
	[tilespmem:s18+$0xFFFFFFF0] =	vst v3  }
0xa8: {  	s11 =	sadd.s32 $0x40, s18;
	v3 =	vpop (erf);
	[tilespmem:s18+$0xFFFFFFE0] =	vst v2  }
0xa9: {  	[tilespmem:s11+$0x10] =	vst v3;
	v2 =	vpop (erf)  }
0xaa: {  	[tilespmem:s18+$0x0] =	vst v2;
	v2 =	vpop (erf)  }
0xab: {  	[tilespmem:s11+$0xFFFFFFF0] =	vst v2;
	v2 =	vpop (erf)  }
0xac: {  	[tilespmem:s11+$0xFFFFFFE0] =	vst v2;
	v2 =	vpop (erf)  }
0xad: {  	s19 =	simm.s32 $0x1C120;
	[tilespmem:s11+$0x0] =	vst v2  }
0xae: {  	v2 =	vld [tilespmem:s19+$0x50];
	_ =	sdelay $0x2  }
0xaf: {  	s13 =	simm.s32 $0x11210  }
0xb0: {  	v3 =	vld [tilespmem:s13+$0x50]  }
0xb1: {  	v4 =	vld [tilespmem:s19+$0xFFFFFFB0]  }
0xb2: {  	v5 =	vld [tilespmem:s19+$0x0]  }
0xb3: {  	v6 =	vld [tilespmem:s19+$0xFFFFFF60]  }
0xb4: {  	v2 =	vld.idx.msk [tilespmem:v2+s20+$0x0], $0xffff;
	_ =	sdelay $0x4  }
0xb5: {  	v2 =	vmul.f32 v3, v2;
	v3 =	vld.idx.msk [tilespmem:v4+s20+$0x0], $0xffff  }
0xb6: {  	v4 =	vld.idx.msk [tilespmem:v5+s20+$0x0], $0xffff  }
0xb7: {  	v5 =	vld.idx.msk [tilespmem:v6+s20+$0x0], $0xffff  }
0xb8: {  	v6 =	vld [tilespmem:s13+$0xFFFFFF60]  }
0xb9: {  	s11 =	simm.s32 $0x18F10;
	v7 =	vld [tilespmem:s13+$0xFFFFFFB0]  }
0xba: {  	v8 =	vld [tilespmem:s13+$0x0];
	[tilespmem:s11+$0x50] =	vst v2  }
0xbb: {  	s16 =	simm.s32 $0x1C260;
	v2 =	vld [tilespmem:s19+$0x60]  }
0xbc: {  	v9 =	vld [tilespmem:s16+$0x50]  }
0xbd: {  	v10 =	vld [tilespmem:s16+$0xFFFFFFB0];
	v5 =	vmul.f32 v6, v5  }
0xbe: {  	v11 =	vld [tilespmem:s16+$0x0];
	v3 =	vmul.f32 v7, v3  }
0xbf: {  	v6 =	vld [tilespmem:s13+$0x60];
	v4 =	vmul.f32 v8, v4;
	[tilespmem:s11+$0xFFFFFF60] =	vst v5  }
0xc0: {  	[tilespmem:s11+$0xFFFFFFB0] =	vst v3;
	v5 =	vld [tilespmem:s19+$0xFFFFFF70]  }
0xc1: {  	[tilespmem:s11+$0x0] =	vst v4;
	v3 =	vld [tilespmem:s19+$0xFFFFFFC0]  }
0xc2: {  	v4 =	vld [tilespmem:s19+$0x10]  }
0xc3: {  	v2 =	vld.idx.msk [tilespmem:v2+s20+$0x0], $0xffff  }
0xc4: {  	s14 =	simm.s32 $0x1C3A0;
	v44 =	vld [tilespmem:s16+$0xFFFFFF60]  }
0xc5: {  	v47 =	vld [tilespmem:s14+$0x0]  }
0xc6: {  	v7 =	vld [tilespmem:s13+$0xFFFFFFC0]  }
0xc7: {  	v8 =	vld [tilespmem:s13+$0x10]  }
0xc8: {  	v2 =	vmul.f32 v6, v2;
	v6 =	vld [tilespmem:s13+$0xFFFFFF70]  }
0xc9: {  	v5 =	vld.idx.msk [tilespmem:v5+s20+$0x0], $0xffff  }
0xca: {  	v3 =	vld.idx.msk [tilespmem:v3+s20+$0x0], $0xffff  }
0xcb: {  	v4 =	vld.idx.msk [tilespmem:v4+s20+$0x0], $0xffff;
	[tilespmem:s11+$0x60] =	vst v2  }
0xcc: {  	s15 =	simm.s32 $0x11490;
	v2 =	vld [tilespmem:s19+$0x70]  }
0xcd: {  	v50 =	vld [tilespmem:s15+$0x50]  }
0xce: {  	v51 =	vld [tilespmem:s15+$0xFFFFFF60];
	v5 =	vmul.f32 v6, v5  }
0xcf: {  	v52 =	vld [tilespmem:s15+$0xFFFFFFB0];
	v3 =	vmul.f32 v7, v3  }
0xd0: {  	v6 =	vld [tilespmem:s13+$0x70];
	v4 =	vmul.f32 v8, v4;
	[tilespmem:s11+$0xFFFFFF70] =	vst v5  }
0xd1: {  	[tilespmem:s11+$0xFFFFFFC0] =	vst v3;
	v5 =	vld [tilespmem:s19+$0xFFFFFF80]  }
0xd2: {  	[tilespmem:s11+$0x10] =	vst v4;
	v3 =	vld [tilespmem:s19+$0xFFFFFFD0]  }
0xd3: {  	v4 =	vld [tilespmem:s19+$0x20]  }
0xd4: {  	v2 =	vld.idx.msk [tilespmem:v2+s20+$0x0], $0xffff  }
0xd5: {  	v53 =	vld [tilespmem:s15+$0x0]  }
0xd6: {  	v10 =	vld.idx.msk [tilespmem:v10+s20+$0x0], $0xffff  }
0xd7: {  	v7 =	vld [tilespmem:s13+$0xFFFFFF80]  }
0xd8: {  	v8 =	vld [tilespmem:s13+$0x20]  }
0xd9: {  	v2 =	vmul.f32 v6, v2;
	v6 =	vld [tilespmem:s13+$0xFFFFFFD0]  }
0xda: {  	v5 =	vld.idx.msk [tilespmem:v5+s20+$0x0], $0xffff  }
0xdb: {  	v3 =	vld.idx.msk [tilespmem:v3+s20+$0x0], $0xffff  }
0xdc: {  	v4 =	vld.idx.msk [tilespmem:v4+s20+$0x0], $0xffff  }
0xdd: {  	v12 =	vld.idx.msk [tilespmem:v44+s20+$0x0], $0xffff;
	[tilespmem:s11+$0x70] =	vst v2  }
0xde: {  	v2 =	vld [tilespmem:s19+$0x80]  }
0xdf: {  	s17 =	simm.s32 $0x11350;
	v5 =	vmul.f32 v7, v5;
	v7 =	vld.idx.msk [tilespmem:v9+s20+$0x0], $0xffff  }
0xe0: {  	v3 =	vmul.f32 v6, v3;
	v6 =	vld [tilespmem:s17+$0x50]  }
0xe1: {  	v4 =	vmul.f32 v8, v4;
	v8 =	vld.idx.msk [tilespmem:v11+s20+$0x0], $0xffff  }
0xe2: {  	[tilespmem:s11+$0xFFFFFF80] =	vst v5;
	v5 =	vld [tilespmem:s13+$0x80]  }
0xe3: {  	[tilespmem:s11+$0x20] =	vst v4;
	v4 =	vld [tilespmem:s17+$0x0]  }
0xe4: {  	[tilespmem:s11+$0xFFFFFFD0] =	vst v3;
	v3 =	vld [tilespmem:s19+$0xFFFFFF90]  }
0xe5: {  	v9 =	vld [tilespmem:s19+$0xFFFFFFE0]  }
0xe6: {  	v11 =	vld [tilespmem:s19+$0x30]  }
0xe7: {  	v46 =	vld [tilespmem:s13+$0xFFFFFFE0]  }
0xe8: {  	v6 =	vmul.f32 v6, v7;
	v7 =	vld [tilespmem:s17+$0xFFFFFF60]  }
0xe9: {  	s12 =	simm.s32 $0x19050;
	v13 =	vld [tilespmem:s13+$0x30]  }
0xea: {  	v2 =	vld.idx.msk [tilespmem:v2+s20+$0x0], $0xffff;
	[tilespmem:s12+$0x50] =	vst v6;
	v4 =	vmul.f32 v4, v8  }
0xeb: {  	v6 =	vld [tilespmem:s16+$0x60]  }
0xec: {  	v8 =	vld [tilespmem:s17+$0x60];
	[tilespmem:s12+$0x0] =	vst v4  }
0xed: {  	v7 =	vmul.f32 v7, v12;
	v4 =	vld [tilespmem:s16+$0x10]  }
0xee: {  	v12 =	vld.idx.msk [tilespmem:v47+s20+$0x0], $0xffff  }
0xef: {  	v2 =	vmul.f32 v5, v2;
	v5 =	vld [tilespmem:s17+$0xFFFFFFB0];
	[tilespmem:s12+$0xFFFFFF60] =	vst v7  }
0xf0: {  	v7 =	vld [tilespmem:s16+$0xFFFFFF70]  }
0xf1: {  	v3 =	vld.idx.msk [tilespmem:v3+s20+$0x0], $0xffff  }
0xf2: {  	v9 =	vld.idx.msk [tilespmem:v9+s20+$0x0], $0xffff;
	[tilespmem:s11+$0x80] =	vst v2  }
0xf3: {  	v2 =	vld [tilespmem:s19+$0x90]  }
0xf4: {  	v5 =	vmul.f32 v5, v10;
	v6 =	vld.idx.msk [tilespmem:v6+s20+$0x0], $0xffff  }
0xf5: {  	v10 =	vld [tilespmem:s17+$0xFFFFFF70]  }
0xf6: {  	[tilespmem:s12+$0xFFFFFFB0] =	vst v5;
	v4 =	vld.idx.msk [tilespmem:v4+s20+$0x0], $0xffff  }
0xf7: {  	v5 =	vld [tilespmem:s16+$0xFFFFFFC0]  }
0xf8: {  	v7 =	vld.idx.msk [tilespmem:v7+s20+$0x0], $0xffff  }
0xf9: {  	v6 =	vmul.f32 v8, v6;
	v8 =	vld [tilespmem:s17+$0x10]  }
0xfa: {  	v11 =	vld.idx.msk [tilespmem:v11+s20+$0x0], $0xffff  }
0xfb: {  	v45 =	vld [tilespmem:s17+$0xFFFFFFC0];
	[tilespmem:s12+$0x60] =	vst v6  }
0xfc: {  	v6 =	vld [tilespmem:s16+$0x70]  }
0xfd: {  	v2 =	vld.idx.msk [tilespmem:v2+s20+$0x0], $0xffff;
	v7 =	vmul.f32 v10, v7  }
0xfe: {  	v10 =	vld [tilespmem:s13+$0xFFFFFF90];
	v4 =	vmul.f32 v8, v4  }
0xff: {  	v5 =	vld.idx.msk [tilespmem:v5+s20+$0x0], $0xffff;
	[tilespmem:s12+$0xFFFFFF70] =	vst v7  }
0x100: {  	[tilespmem:s12+$0x10] =	vst v4;
	v4 =	vld [tilespmem:s17+$0x70]  }
0x101: {  	v7 =	vld [tilespmem:s16+$0xFFFFFF80]  }
0x102: {  	v8 =	vld [tilespmem:s16+$0x20]  }
0x103: {  	v14 =	vld [tilespmem:s17+$0xFFFFFF80]  }
0x104: {  	v5 =	vmul.f32 v45, v5;
	v6 =	vld.idx.msk [tilespmem:v6+s20+$0x0], $0xffff  }
0x105: {  	v3 =	vmul.f32 v10, v3;
	v10 =	vld [tilespmem:s14+$0xFFFFFFB0]  }
0x106: {  	v16 =	vld [tilespmem:s17+$0x20];
	[tilespmem:s12+$0xFFFFFFC0] =	vst v5  }
0x107: {  	[tilespmem:s11+$0xFFFFFF90] =	vst v3;
	v3 =	vmul.f32 v13, v11;
	v5 =	vld [tilespmem:s16+$0xFFFFFFD0]  }
0x108: {  	v15 =	vld [tilespmem:s17+$0xFFFFFFD0]  }
0x109: {  	[tilespmem:s11+$0x30] =	vst v3;
	v4 =	vmul.f32 v4, v6;
	v6 =	vld.idx.msk [tilespmem:v7+s20+$0x0], $0xffff  }
0x10a: {  	v11 =	vld [tilespmem:s19+$0x40]  }
0x10b: {  	v8 =	vld.idx.msk [tilespmem:v8+s20+$0x0], $0xffff  }
0x10c: {  	[tilespmem:s12+$0x70] =	vst v4;
	v4 =	vmul.f32 v46, v9;
	v9 =	vld [tilespmem:s14+$0x50]  }
0x10d: {  	v10 =	vld.idx.msk [tilespmem:v10+s20+$0x0], $0xffff  }
0x10e: {  	v7 =	vld [tilespmem:s16+$0x80];
	v6 =	vmul.f32 v14, v6  }
0x10f: {  	v48 =	vld [tilespmem:s17+$0x80]  }
0x110: {  	[tilespmem:s12+$0xFFFFFF80] =	vst v6;
	v6 =	vld [tilespmem:s14+$0xFFFFFF60]  }
0x111: {  	[tilespmem:s11+$0xFFFFFFE0] =	vst v4;
	v4 =	vld [tilespmem:s19+$0xFFFFFFA0]  }
0x112: {  	v3 =	vld [tilespmem:s19+$0xFFFFFFF0]  }
0x113: {  	v8 =	vmul.f32 v16, v8;
	v5 =	vld.idx.msk [tilespmem:v5+s20+$0x0], $0xffff  }
0x114: {  	v10 =	vmul.f32 v52, v10;
	v9 =	vld.idx.msk [tilespmem:v9+s20+$0x0], $0xffff  }
0x115: {  	s13 =	simm.s32 $0x19190;
	[tilespmem:s12+$0x20] =	vst v8;
	v59 =	vld [tilespmem:s17+$0xFFFFFF90]  }
0x116: {  	v61 =	vld [tilespmem:s17+$0x30];
	[tilespmem:s13+$0xFFFFFFB0] =	vst v10  }
0x117: {  	v10 =	vld [tilespmem:s14+$0xFFFFFFC0]  }
0x118: {  	v6 =	vld.idx.msk [tilespmem:v6+s20+$0x0], $0xffff  }
0x119: {  	v58 =	vld [tilespmem:s15+$0xFFFFFFC0];
	v9 =	vmul.f32 v50, v9  }
0x11a: {  	v7 =	vld.idx.msk [tilespmem:v7+s20+$0x0], $0xffff  }
0x11b: {  	v5 =	vmul.f32 v15, v5;
	v4 =	vld.idx.msk [tilespmem:v4+s20+$0x0], $0xffff;
	[tilespmem:s13+$0x50] =	vst v9  }
0x11c: {  	v8 =	vld [tilespmem:s14+$0x60]  }
0x11d: {  	[tilespmem:s12+$0xFFFFFFD0] =	vst v5;
	v5 =	vld [tilespmem:s16+$0xFFFFFF90];
	v6 =	vmul.f32 v51, v6  }
0x11e: {  	v49 =	vld [tilespmem:s16+$0xFFFFFFE0]  }
0x11f: {  	v60 =	vld [tilespmem:s17+$0xFFFFFFE0];
	[tilespmem:s13+$0xFFFFFF60] =	vst v6;
	v6 =	vmul.f32 v53, v12  }
0x120: {  	v9 =	vld [tilespmem:s16+$0x30]  }
0x121: {  	v55 =	vld [tilespmem:s14+$0xFFFFFF70];
	[tilespmem:s13+$0x0] =	vst v6  }
0x122: {  	v6 =	vld [tilespmem:s14+$0x10]  }
0x123: {  	v7 =	vmul.f32 v48, v7;
	v56 =	vld [tilespmem:s15+$0x60]  }
0x124: {  	v8 =	vld.idx.msk [tilespmem:v8+s20+$0x0], $0xffff  }
0x125: {  	[tilespmem:s12+$0x80] =	vst v7;
	v10 =	vld.idx.msk [tilespmem:v10+s20+$0x0], $0xffff  }
0x126: {  	v7 =	vld [tilespmem:s16+$0x90]  }
0x127: {  	v57 =	vld [tilespmem:s15+$0xFFFFFF70]  }
0x128: {  	v17 =	vld [tilespmem:s15+$0x10]  }
0x129: {  	v13 =	vld.idx.msk [tilespmem:v55+s20+$0x0], $0xffff;
	v8 =	vmul.f32 v56, v8  }
0x12a: {  	v6 =	vld.idx.msk [tilespmem:v6+s20+$0x0], $0xffff  }
0x12b: {  	v10 =	vmul.f32 v58, v10;
	[tilespmem:s13+$0x60] =	vst v8;
	v8 =	vld.idx.msk [tilespmem:v9+s20+$0x0], $0xffff  }
0x12c: {  	v9 =	vld [tilespmem:s14+$0x70]  }
0x12d: {  	v5 =	vld.idx.msk [tilespmem:v5+s20+$0x0], $0xffff;
	[tilespmem:s13+$0xFFFFFFC0] =	vst v10  }
0x12e: {  	v10 =	vld [tilespmem:s14+$0xFFFFFFD0];
	v13 =	vmul.f32 v57, v13  }
0x12f: {  	v54 =	vld.idx.msk [tilespmem:v49+s20+$0x0], $0xffff;
	v6 =	vmul.f32 v17, v6  }
0x130: {  	v19 =	vld [tilespmem:s15+$0xFFFFFFD0];
	[tilespmem:s13+$0xFFFFFF70] =	vst v13  }
0x131: {  	v13 =	vld [tilespmem:s14+$0xFFFFFF80];
	[tilespmem:s13+$0x10] =	vst v6  }
0x132: {  	v6 =	vld [tilespmem:s14+$0x20]  }
0x133: {  	v62 =	vld [tilespmem:s15+$0x70]  }
0x134: {  	v9 =	vld.idx.msk [tilespmem:v9+s20+$0x0], $0xffff  }
0x135: {  	v7 =	vld.idx.msk [tilespmem:v7+s20+$0x0], $0xffff  }
0x136: {  	v10 =	vld.idx.msk [tilespmem:v10+s20+$0x0], $0xffff  }
0x137: {  	v18 =	vld [tilespmem:s15+$0xFFFFFF80]  }
0x138: {  	v2 =	vnsel vm0, $0x0, v2;
	v5 =	vmul.f32 v59, v5;
	v20 =	vld [tilespmem:s15+$0x20]  }
0x139: {  	[tilespmem:s11+$0x90] =	vst v2;
	v13 =	vld.idx.msk [tilespmem:v13+s20+$0x0], $0xffff;
	v2 =	vmul.f32 v62, v9  }
0x13a: {  	[tilespmem:s12+$0xFFFFFF90] =	vst v5;
	v9 =	vmul.f32 v60, v54;
	v63 =	vld.idx.msk [tilespmem:v6+s20+$0x0], $0xffff  }
0x13b: {  	v5 =	vmul.f32 v61, v8;
	[tilespmem:s13+$0x70] =	vst v2;
	v2 =	vld [tilespmem:s16+$0xFFFFFFA0]  }
0x13c: {  	[tilespmem:s12+$0xFFFFFFE0] =	vst v9;
	v9 =	vld [tilespmem:s14+$0x80]  }
0x13d: {  	[tilespmem:s12+$0x30] =	vst v5;
	v6 =	vnsel vm0, $0x0, v7;
	v5 =	vld [tilespmem:s16+$0xFFFFFFF0]  }
0x13e: {  	v4 =	vnsel vm0, $0x0, v4;
	[tilespmem:s12+$0x90] =	vst v6;
	v6 =	vld [tilespmem:s16+$0x40];
	v8 =	vmul.f32 v18, v13  }
0x13f: {  	[tilespmem:s11+$0xFFFFFFA0] =	vst v4;
	v10 =	vmul.f32 v19, v10;
	v7 =	vld.idx.msk [tilespmem:v3+s20+$0x0], $0xffff  }
0x140: {  	s18 =	simm.s32 $0x1C4E0;
	s17 =	simm.s32 $0x8;
	s16 =	simm.s32 $0x11490;
	[tilespmem:s13+$0xFFFFFF80] =	vst v8;
	v4 =	vmul.f32 v20, v63;
	v8 =	vld.idx.msk [tilespmem:v11+s20+$0x0], $0xffff  }
.LBB2_7:
0x141: {  	v11 =	vld [tilespmem:s18+$0x50];
	s17 =	sadd.s32 $0x4, s17;
	[tilespmem:s13+$0xFFFFFFD0] =	vst v10  }
0x142: {  	v10 =	vld [tilespmem:s18+$0xFFFFFFB0];
	p1 =	slt.u32 s17, $0x4C;
	[tilespmem:s13+$0x20] =	vst v4;
	v4 =	vmov v5  }
0x143: {  	v5 =	vld [tilespmem:s18+$0x0];
	v3 =	vmov v6  }
0x144: {  	v6 =	vld.idx.msk [tilespmem:v9+s20+$0x0], $0xffff  }
0x145: {  	v7 =	vnsel vm0, $0x0, v7;
	v9 =	vld [tilespmem:s15+$0x80]  }
0x146: {  	v12 =	vld [tilespmem:s18+$0xFFFFFF60];
	[tilespmem:s11+$0xFFFFFFF0] =	vst v7;
	v7 =	vnsel vm0, $0x0, v8  }
0x147: {  	v8 =	vld [tilespmem:s14+$0xFFFFFF90];
	[tilespmem:s11+$0x40] =	vst v7;
	s11 =	smov.u32 s12;
	s12 =	smov.u32 s13  }
0x148: {  	v7 =	vld [tilespmem:s14+$0xFFFFFFE0]  }
0x149: {  	s15 =	sadd.s32 $0x140, s15;
	v11 =	vld.idx.msk [tilespmem:v11+s20+$0x0], $0xffff  }
0x14a: {  	v13 =	vld [tilespmem:s15+$0x50];
	v6 =	vmul.f32 v9, v6  }
0x14b: {  	v9 =	vld.idx.msk [tilespmem:v10+s20+$0x0], $0xffff  }
0x14c: {  	v5 =	vld.idx.msk [tilespmem:v5+s20+$0x0], $0xffff;
	[tilespmem:s13+$0x80] =	vst v6  }
0x14d: {  	v6 =	vld [tilespmem:s14+$0x90]  }
0x14e: {  	v10 =	vld.idx.msk [tilespmem:v12+s20+$0x0], $0xffff  }
0x14f: {  	v12 =	vld [tilespmem:s15+$0xFFFFFF60];
	v11 =	vmul.f32 v13, v11  }
0x150: {  	s13 =	sadd.s32 $0x140, s13;
	v13 =	vld [tilespmem:s15+$0xFFFFFFB0]  }
0x151: {  	v14 =	vld [tilespmem:s15+$0x0];
	[tilespmem:s13+$0x50] =	vst v11  }
0x152: {  	v11 =	vld [tilespmem:s18+$0x60]  }
0x153: {  	v15 =	vld [tilespmem:s14+$0x30]  }
0x154: {  	v10 =	vmul.f32 v12, v10;
	v8 =	vld.idx.msk [tilespmem:v8+s20+$0x0], $0xffff  }
0x155: {  	v9 =	vmul.f32 v13, v9;
	v6 =	vld.idx.msk [tilespmem:v6+s20+$0x0], $0xffff  }
0x156: {  	[tilespmem:s13+$0xFFFFFF60] =	vst v10;
	v5 =	vmul.f32 v14, v5;
	v7 =	vld.idx.msk [tilespmem:v7+s20+$0x0], $0xffff  }
0x157: {  	v10 =	vld [tilespmem:s18+$0xFFFFFF70];
	[tilespmem:s13+$0xFFFFFFB0] =	vst v9  }
0x158: {  	v9 =	vld [tilespmem:s18+$0xFFFFFFC0];
	[tilespmem:s13+$0x0] =	vst v5  }
0x159: {  	v5 =	vld [tilespmem:s18+$0x10]  }
0x15a: {  	v11 =	vld.idx.msk [tilespmem:v11+s20+$0x0], $0xffff  }
0x15b: {  	v6 =	vnsel vm0, $0x0, v6;
	v12 =	vld [tilespmem:s15+$0x60]  }
0x15c: {  	v13 =	vld [tilespmem:s15+$0xFFFFFF70];
	[tilespmem:s12+$0x90] =	vst v6  }
0x15d: {  	v6 =	vld [tilespmem:s15+$0xFFFFFFC0]  }
0x15e: {  	v14 =	vld [tilespmem:s15+$0x10]  }
0x15f: {  	v10 =	vld.idx.msk [tilespmem:v10+s20+$0x0], $0xffff  }
0x160: {  	v9 =	vld.idx.msk [tilespmem:v9+s20+$0x0], $0xffff;
	v11 =	vmul.f32 v12, v11  }
0x161: {  	v5 =	vld.idx.msk [tilespmem:v5+s20+$0x0], $0xffff  }
0x162: {  	[tilespmem:s13+$0x60] =	vst v11;
	v11 =	vld.idx.msk [tilespmem:v15+s20+$0x0], $0xffff  }
0x163: {  	v12 =	vld [tilespmem:s18+$0x70]  }
0x164: {  	v15 =	vld [tilespmem:s16+$0xFFFFFF90]  }
0x165: {  	v10 =	vmul.f32 v13, v10;
	v13 =	vld [tilespmem:s16+$0xFFFFFFE0]  }
0x166: {  	v6 =	vmul.f32 v6, v9;
	v9 =	vld [tilespmem:s16+$0x30];
	s16 =	smov.u32 s15  }
0x167: {  	v5 =	vmul.f32 v14, v5;
	[tilespmem:s13+$0xFFFFFF70] =	vst v10;
	v2 =	vld.idx.msk [tilespmem:v2+s20+$0x0], $0xffff  }
0x168: {  	v10 =	vld [tilespmem:s18+$0xFFFFFF80];
	[tilespmem:s13+$0xFFFFFFC0] =	vst v6  }
0x169: {  	v6 =	vld [tilespmem:s18+$0xFFFFFFD0];
	[tilespmem:s13+$0x10] =	vst v5;
	v5 =	vmul.f32 v15, v8  }
0x16a: {  	v8 =	vld [tilespmem:s18+$0x20];
	v7 =	vmul.f32 v13, v7  }
0x16b: {  	v12 =	vld.idx.msk [tilespmem:v12+s20+$0x0], $0xffff;
	[tilespmem:s12+$0xFFFFFF90] =	vst v5;
	v5 =	vmul.f32 v9, v11  }
0x16c: {  	v9 =	vld [tilespmem:s15+$0x70];
	[tilespmem:s12+$0xFFFFFFE0] =	vst v7  }
0x16d: {  	v2 =	vnsel vm0, $0x0, v2;
	v7 =	vld [tilespmem:s15+$0xFFFFFF80];
	[tilespmem:s12+$0x30] =	vst v5  }
0x16e: {  	v11 =	vld [tilespmem:s15+$0xFFFFFFD0];
	[tilespmem:s11+$0xFFFFFFA0] =	vst v2  }
0x16f: {  	v13 =	vld [tilespmem:s15+$0x20]  }
0x170: {  	v10 =	vld.idx.msk [tilespmem:v10+s20+$0x0], $0xffff  }
0x171: {  	v14 =	vld.idx.msk [tilespmem:v6+s20+$0x0], $0xffff;
	v2 =	vmul.f32 v9, v12  }
0x172: {  	v8 =	vld.idx.msk [tilespmem:v8+s20+$0x0], $0xffff  }
0x173: {  	[tilespmem:s13+$0x70] =	vst v2;
	v2 =	vld [tilespmem:s14+$0xFFFFFFA0]  }
.Ltmp2:
0x174: {  	v9 =	vld [tilespmem:s18+$0x80];
	(pc) =	sbr.rel @p1 .LBB2_7-.Ltmp2, $4  }
0x175: {  	v5 =	vld [tilespmem:s14+$0xFFFFFFF0]  }
0x176: {  	v12 =	vmul.f32 v7, v10;
	v6 =	vld [tilespmem:s14+$0x40];
	s14 =	smov.u32 s18  }
0x177: {  	v10 =	vmul.f32 v11, v14;
	v7 =	vld.idx.msk [tilespmem:v4+s20+$0x0], $0xffff  }
0x178: {  	s18 =	sadd.s32 $0x140, s18;
	v4 =	vmul.f32 v13, v8;
	[tilespmem:s13+$0xFFFFFF80] =	vst v12;
	v8 =	vld.idx.msk [tilespmem:v3+s20+$0x0], $0xffff  }
0x179: {  	_ =	sdelay $0x2  }
0x17a: {  	v3 =	vld [tilespmem:s14+$0xFFFFFF90]  }
0x17b: {  	v9 =	vld.idx.msk [tilespmem:v9+s20+$0x0], $0xffff  }
0x17c: {  	[tilespmem:s13+$0xFFFFFFD0] =	vst v10;
	v11 =	vld [tilespmem:s15+$0x80]  }
0x17d: {  	[tilespmem:s13+$0x20] =	vst v4;
	v4 =	vld [tilespmem:s14+$0xFFFFFFE0]  }
0x17e: {  	v10 =	vld [tilespmem:s14+$0x30];
	_ =	sdelay $0x2  }
0x17f: {  	v12 =	vld [tilespmem:s16+$0xFFFFFF90]  }
0x180: {  	v13 =	vld [tilespmem:s16+$0x30]  }
0x181: {  	v9 =	vmul.f32 v11, v9;
	v11 =	vld [tilespmem:s16+$0xFFFFFFE0]  }
0x182: {  	v3 =	vld.idx.msk [tilespmem:v3+s20+$0x0], $0xffff  }
0x183: {  	v4 =	vld.idx.msk [tilespmem:v4+s20+$0x0], $0xffff  }
0x184: {  	v10 =	vld.idx.msk [tilespmem:v10+s20+$0x0], $0xffff  }
0x185: {  	[tilespmem:s13+$0x80] =	vst v9  }
0x186: {  	v9 =	vld [tilespmem:s14+$0x90]  }
0x187: {  	v3 =	vmul.f32 v12, v3  }
0x188: {  	v4 =	vmul.f32 v11, v4  }
0x189: {  	[tilespmem:s13+$0xFFFFFF90] =	vst v3;
	v3 =	vmul.f32 v13, v10  }
0x18a: {  	[tilespmem:s13+$0xFFFFFFE0] =	vst v4;
	v4 =	vld [tilespmem:s14+$0xFFFFFFA0]  }
0x18b: {  	[tilespmem:s13+$0x30] =	vst v3;
	v3 =	vld [tilespmem:s14+$0xFFFFFFF0]  }
0x18c: {  	v10 =	vld [tilespmem:s14+$0x40];
	_ =	sdelay $0x1  }
0x18d: {  	v9 =	vld.idx.msk [tilespmem:v9+s20+$0x0], $0xffff  }
0x18e: {  	v2 =	vld.idx.msk [tilespmem:v2+s20+$0x0], $0xffff  }
0x18f: {  	v5 =	vld.idx.msk [tilespmem:v5+s20+$0x0], $0xffff  }
0x190: {  	v6 =	vld.idx.msk [tilespmem:v6+s20+$0x0], $0xffff;
	v7 =	vnsel vm0, $0x0, v7  }
0x191: {  	[tilespmem:s11+$0xFFFFFFF0] =	vst v7;
	v7 =	vnsel vm0, $0x0, v8;
	v4 =	vld.idx.msk [tilespmem:v4+s20+$0x0], $0xffff  }
0x192: {  	[tilespmem:s11+$0x40] =	vst v7;
	v7 =	vnsel vm0, $0x0, v9;
	v3 =	vld.idx.msk [tilespmem:v3+s20+$0x0], $0xffff  }
0x193: {  	v2 =	vnsel vm0, $0x0, v2;
	[tilespmem:s13+$0x90] =	vst v7;
	v7 =	vld.idx.msk [tilespmem:v10+s20+$0x0], $0xffff  }
0x194: {  	[tilespmem:s12+$0xFFFFFFA0] =	vst v2;
	v2 =	vnsel vm0, $0x0, v5  }
0x195: {  	[tilespmem:s12+$0xFFFFFFF0] =	vst v2;
	v2 =	vnsel vm0, $0x0, v6  }
0x196: {  	s4 =	smul.u32 $0x500, s9;
	[tilespmem:s12+$0x40] =	vst v2;
	v2 =	vnsel vm0, $0x0, v4  }
0x197: {  	[tilespmem:s13+$0xFFFFFFA0] =	vst v2;
	v2 =	vnsel vm0, $0x0, v3  }
0x198: {  	s12 =	sshra.s32 s4, $0x2;
	[tilespmem:s13+$0xFFFFFFF0] =	vst v2;
	v2 =	vnsel vm0, $0x0, v7  }
0x199: {  	s11 =	smul.u32 $0x140, s9;
	s4 =	sadd.s32 $0xEA60, s12;
	[tilespmem:s13+$0x40] =	vst v2  }
0x19a: {  	[spmem:s3] =	stream.indirect.scatter.add.f32 [tilespmem:s25], [sflag:$0x5], $0x50, s4, s26, $0xb8;
	[tilespmem:$0x1D980] =	vst v63  }
0x19b: {  	s13 =	sadd.s32 $0xC490, s11  }
0x19c: {  	[tilespmem:s28], [sflag:$0x1] =	stream.indirect.gather [hbm4b:s5+s26], $0x50, s13, s26, $0xb8;
	[tilespmem:$0x1D980] =	vst v63  }
0x19d: {  	s14 =	sadd.s32 $0xEBA0, s11  }
0x19e: {  	[tilespmem:s29], [sflag:$0x1] =	stream.indirect.gather [hbm4b:s2+s26], $0x10, s14, s26, $0xb8;
	[tilespmem:$0x1D980] =	vst v63  }
0x19f: {  	_ =	swait.ge [sflag:s30], $0x1900  }
0x1a0: {  	[sflag:s30] =	ssyncset.done $0x0  }
0x1a1: {  	[sflag:s30] =	ssyncadd.s32 $0xFFFFE700  }
0x1a2: {  	_ =	swait.ge [sflag:s30], $0x500  }
0x1a3: {  	[sflag:s30] =	ssyncset.done $0x0  }
0x1a4: {  	s4 =	simm.s32 @!p0 $0x6;
	[sflag:s30] =	ssyncadd.s32 $0xFFFFFB00  }
0x1a5: {  	_ =	swait.ge @!p0 [sflag:s4], $0x1900  }
0x1a6: {  	[sflag:s4] =	ssyncset.done @!p0 $0x0  }
0x1a7: {  	s15 =	simm.s32 $0x12B50;
	[sflag:s4] =	ssyncadd.s32 @!p0 $0xFFFFE700  }
0x1a8: {  	s16 =	simm.s32 $0x17A90;
	v2 =	vld [tilespmem:s15+$0x50]  }
0x1a9: {  	v3 =	vld [tilespmem:s16+$0x10]  }
0x1aa: {  	v5 =	vld [tilespmem:s15+$0xFFFFFFB0]  }
0x1ab: {  	v6 =	vld [tilespmem:s16+$0xFFFFFFF0]  }
0x1ac: {  	v7 =	vld [tilespmem:s15+$0x0]  }
0x1ad: {  	v8 =	vld [tilespmem:s16+$0x0]  }
0x1ae: {  	s17 =	simm.s32 $0x12C90;
	v4 =	vld [tilespmem:s16+$0xFFFFFFE0]  }
0x1af: {  	v10 =	vld [tilespmem:s17+$0x50]  }
0x1b0: {  	s18 =	simm.s32 $0x17AD0;
	v2 =	vadd.f32 v3, v2;
	v3 =	vld [tilespmem:s15+$0xFFFFFF60]  }
0x1b1: {  	v5 =	vadd.f32 v6, v5;
	v6 =	vld [tilespmem:s18+$0x10]  }
0x1b2: {  	v7 =	vadd.f32 v8, v7;
	v9 =	vmul.f32 $2.000000030e-01, v2  }
0x1b3: {  	vm1 =	vgt.f32 v2, $0.0e+00  }
0x1b4: {  	v12 =	vld [tilespmem:s18+$0xFFFFFFF0];
	vm2 =	vgt.f32 v7, $0.0e+00;
	v11 =	vmul.f32 $2.000000030e-01, v7;
	v2 =	vsel vm1, v2, v9  }
0x1b5: {  	v8 =	vld [tilespmem:s18+$0xFFFFFFE0];
	v9 =	vmul.f32 $2.000000030e-01, v5;
	v2 =	vsub.f32 v2, v1;
	v3 =	vadd.f32 v4, v3  }
0x1b6: {  	vm1 =	vgt.f32 v5, $0.0e+00;
	v7 =	vsel vm2, v7, v11;
	v11 =	vld [tilespmem:s18+$0x0];
	v6 =	vadd.f32 v6, v10  }
0x1b7: {  	v4 =	vld [tilespmem:s17+$0xFFFFFFB0];
	v5 =	vsel vm1, v5, v9;
	v2 =	vmul.f32 $1.442695020e+00, v2;
	v13 =	vmul.f32 $2.000000030e-01, v3  }
0x1b8: {  	v9 =	vld [tilespmem:s17+$0x0];
	vm3 =	vgt.f32 v3, $0.0e+00;
	v5 =	vsub.f32 v5, v1;
	v10 =	vmul.f32 $2.000000030e-01, v6  }
0x1b9: {  	(erf) = vpow2.f32 v2;
	v2 =	vsel vm3, v3, v13;
	v3 =	vsub.f32 v7, v1;
	v7 =	vld [tilespmem:s17+$0xFFFFFF60]  }
0x1ba: {  	vm1 =	vgt.f32 v6, $0.0e+00  }
0x1bb: {  	s19 =	simm.s32 $0x12DD0;
	v5 =	vmul.f32 $1.442695020e+00, v5;
	v6 =	vsel vm1, v6, v10;
	v2 =	vsub.f32 v2, v1  }
0x1bc: {  	s13 =	simm.s32 $0x17B10;
	v6 =	vsub.f32 v6, v1;
	v13 =	vmul.f32 $1.442695020e+00, v3;
	v3 =	vadd.f32 v12, v4;
	v4 =	vld [tilespmem:s19+$0x50]  }
0x1bd: {  	(erf) = vpow2.f32 v5;
	v5 =	vld [tilespmem:s13+$0x10];
	v2 =	vmul.f32 $1.442695020e+00, v2  }
0x1be: {  	v9 =	vadd.f32 v11, v9;
	v6 =	vmul.f32 $1.442695020e+00, v6;
	v8 =	vadd.f32 v8, v7  }
0x1bf: {  	v14 =	vld [tilespmem:s13+$0xFFFFFFF0];
	v10 =	vmul.f32 $2.000000030e-01, v3;
	vm1 =	vgt.f32 v3, $0.0e+00;
	(erf) = vpow2.f32 v2  }
0x1c0: {  	v11 =	vld [tilespmem:s19+$0xFFFFFFB0];
	vm2 =	vgt.f32 v9, $0.0e+00;
	v2 =	vmul.f32 $2.000000030e-01, v9;
	v12 =	vmul.f32 $2.000000030e-01, v8  }
0x1c1: {  	v3 =	vsel vm1, v3, v10;
	(erf) = vpow2.f32 v6;
	v6 =	vld [tilespmem:s13+$0x0];
	vm3 =	vgt.f32 v8, $0.0e+00  }
0x1c2: {  	v10 =	vsub.f32 v3, v1;
	v3 =	vld [tilespmem:s13+$0xFFFFFFE0];
	v7 =	vadd.f32 v5, v4;
	v5 =	vsel vm3, v8, v12  }
0x1c3: {  	v2 =	vsel vm2, v9, v2;
	v4 =	vld [tilespmem:s19+$0x0]  }
0x1c4: {  	(erf) = vpow2.f32 v13;
	v2 =	vsub.f32 v2, v1;
	v8 =	vld [tilespmem:s19+$0xFFFFFF60];
	v9 =	vsub.f32 v5, v1  }
0x1c5: {  	s4 =	simm.s32 $0x18990;
	v10 =	vmul.f32 $1.442695020e+00, v10;
	v12 =	vmul.f32 $2.000000030e-01, v7;
	vm1 =	vgt.f32 v7, $0.0e+00;
	v5 =	vpop (erf)  }
0x1c6: {  	s14 =	simm.s32 $0x18990;
	s16 =	simm.s32 $0x12F10;
	s15 =	simm.s32 $0x8;
	v2 =	vmul.f32 $1.442695020e+00, v2;
	v9 =	vmul.f32 $1.442695020e+00, v9;
	[tilespmem:s4+$0x10] =	vst v5;
	v5 =	vadd.f32 v14, v11;
	v11 =	vpop (erf)  }
.LBB2_9:
0x1c7: {  	v13 =	vld [tilespmem:s16+$0x50];
	v12 =	vsel vm1, v7, v12;
	s13 =	sadd.s32 $0x40, s13;
	(erf) = vpow2.f32 v10;
	[tilespmem:s4+$0xFFFFFFF0] =	vst v11  }
0x1c8: {  	s15 =	sadd.s32 $0x4, s15;
	v10 =	vld [tilespmem:s13+$0x10];
	v16 =	vmul.f32 $2.000000030e-01, v5;
	v6 =	vadd.f32 v6, v4;
	v4 =	vsub.f32 v12, v1;
	v7 =	vpop (erf)  }
0x1c9: {  	p0 =	slt.u32 s15, $0x4C;
	vm1 =	vgt.f32 v5, $0.0e+00;
	v8 =	vadd.f32 v3, v8;
	v3 =	vld [tilespmem:s13+$0xFFFFFFE0];
	(erf) = vpow2.f32 v9;
	[tilespmem:s4+$0xFFFFFFE0] =	vst v7  }
0x1ca: {  	v9 =	vld [tilespmem:s16+$0xFFFFFFB0];
	vm2 =	vgt.f32 v6, $0.0e+00;
	v7 =	vmul.f32 $2.000000030e-01, v6;
	v17 =	vmul.f32 $1.442695020e+00, v4  }
0x1cb: {  	s4 =	sadd.s32 $0x40, s4;
	v5 =	vsel vm1, v5, v16;
	v14 =	vld [tilespmem:s13+$0xFFFFFFF0];
	vm3 =	vgt.f32 v8, $0.0e+00;
	v15 =	vmul.f32 $2.000000030e-01, v8;
	v11 =	vpop (erf)  }
.Ltmp3:
0x1cc: {  	v5 =	vsub.f32 v5, v1;
	v4 =	vld [tilespmem:s16+$0x0];
	v16 =	vsel vm2, v6, v7;
	(erf) = vpow2.f32 v17;
	[tilespmem:s4+$0x10] =	vst v11;
	(pc) =	sbr.rel @p0 .LBB2_9-.Ltmp3, $4  }
0x1cd: {  	v6 =	vld [tilespmem:s13+$0x0];
	v7 =	vadd.f32 v10, v13;
	v10 =	vsel vm3, v8, v15;
	v15 =	vsub.f32 v16, v1;
	v12 =	vpop (erf)  }
0x1ce: {  	v8 =	vld [tilespmem:s16+$0xFFFFFF60];
	v13 =	vsub.f32 v10, v1;
	v10 =	vmul.f32 $1.442695020e+00, v5;
	(erf) = vpow2.f32 v2;
	[tilespmem:s14+$0x0] =	vst v12;
	s14 =	smov.u32 s4  }
0x1cf: {  	v12 =	vmul.f32 $2.000000030e-01, v7;
	v2 =	vmul.f32 $1.442695020e+00, v15  }
0x1d0: {  	s16 =	sadd.s32 $0x140, s16;
	vm1 =	vgt.f32 v7, $0.0e+00;
	v5 =	vadd.f32 v14, v9;
	v9 =	vmul.f32 $1.442695020e+00, v13;
	v11 =	vpop (erf)  }
0x1d1: {  	_ =	sdelay $0x1  }
0x1d2: {  	v7 =	vsel vm1, v7, v12;
	v4 =	vadd.f32 v6, v4;
	v3 =	vadd.f32 v3, v8  }
0x1d3: {  	(erf) = vpow2.f32 v10;
	v6 =	vmul.f32 $2.000000030e-01, v5;
	v7 =	vsub.f32 v7, v1  }
0x1d4: {  	vm1 =	vgt.f32 v5, $0.0e+00;
	vm2 =	vgt.f32 v4, $0.0e+00;
	v8 =	vmul.f32 $2.000000030e-01, v3  }
0x1d5: {  	v10 =	vmul.f32 $2.000000030e-01, v4;
	v5 =	vsel vm1, v5, v6;
	vm3 =	vgt.f32 v3, $0.0e+00  }
0x1d6: {  	v6 =	vmul.f32 $1.442695020e+00, v7;
	v5 =	vsub.f32 v5, v1;
	v3 =	vsel vm3, v3, v8  }
0x1d7: {  	(erf) = vpow2.f32 v9;
	v4 =	vsel vm2, v4, v10;
	v3 =	vsub.f32 v3, v1  }
0x1d8: {  	(erf) = vpow2.f32 v6;
	v4 =	vsub.f32 v4, v1;
	v5 =	vmul.f32 $1.442695020e+00, v5  }
0x1d9: {  	(erf) = vpow2.f32 v2;
	v2 =	vmul.f32 $1.442695020e+00, v3  }
0x1da: {  	v3 =	vmul.f32 $1.442695020e+00, v4  }
0x1db: {  	(erf) = vpow2.f32 v5  }
0x1dc: {  	(erf) = vpow2.f32 v2  }
0x1dd: {  	[tilespmem:s4+$0xFFFFFFF0] =	vst v11;
	v2 =	vpop (erf);
	(erf) = vpow2.f32 v3  }
0x1de: {  	s16 =	sadd.s32 $0x40, s4;
	v3 =	vpop (erf);
	[tilespmem:s4+$0xFFFFFFE0] =	vst v2  }
0x1df: {  	v2 =	vpop (erf);
	[tilespmem:s16+$0x10] =	vst v3  }
0x1e0: {  	v3 =	vpop (erf);
	[tilespmem:s14+$0x0] =	vst v2  }
0x1e1: {  	v2 =	vpop (erf);
	[tilespmem:s16+$0xFFFFFFF0] =	vst v3  }
0x1e2: {  	s13 =	sadd.s32 $0x40, s16;
	v3 =	vpop (erf);
	[tilespmem:s16+$0xFFFFFFE0] =	vst v2  }
0x1e3: {  	[tilespmem:s13+$0x10] =	vst v3;
	v2 =	vpop (erf)  }
0x1e4: {  	[tilespmem:s16+$0x0] =	vst v2;
	v2 =	vpop (erf)  }
0x1e5: {  	[tilespmem:s13+$0xFFFFFFF0] =	vst v2;
	v2 =	vpop (erf)  }
0x1e6: {  	[tilespmem:s13+$0xFFFFFFE0] =	vst v2;
	v2 =	vpop (erf)  }
0x1e7: {  	s17 =	simm.s32 $0x1C120;
	[tilespmem:s13+$0x0] =	vst v2  }
0x1e8: {  	v2 =	vld [tilespmem:s17+$0x50];
	_ =	sdelay $0x2  }
0x1e9: {  	s15 =	simm.s32 $0x12B10  }
0x1ea: {  	v3 =	vld [tilespmem:s15+$0x50]  }
0x1eb: {  	v4 =	vld [tilespmem:s17+$0xFFFFFFB0]  }
0x1ec: {  	v5 =	vld [tilespmem:s17+$0x0]  }
0x1ed: {  	v6 =	vld [tilespmem:s17+$0xFFFFFF60]  }
0x1ee: {  	v2 =	vld.idx.msk [tilespmem:v2+s20+$0x0], $0xffff;
	_ =	sdelay $0x4  }
0x1ef: {  	v2 =	vmul.f32 v3, v2;
	v3 =	vld.idx.msk [tilespmem:v4+s20+$0x0], $0xffff  }
0x1f0: {  	v4 =	vld.idx.msk [tilespmem:v5+s20+$0x0], $0xffff  }
0x1f1: {  	v5 =	vld.idx.msk [tilespmem:v6+s20+$0x0], $0xffff  }
0x1f2: {  	v6 =	vld [tilespmem:s15+$0xFFFFFF60]  }
0x1f3: {  	s13 =	simm.s32 $0x1A810;
	v7 =	vld [tilespmem:s15+$0xFFFFFFB0]  }
0x1f4: {  	v8 =	vld [tilespmem:s15+$0x0];
	[tilespmem:s13+$0x50] =	vst v2  }
0x1f5: {  	v2 =	vld [tilespmem:s17+$0x60];
	_ =	sdelay $0x1  }
0x1f6: {  	v5 =	vmul.f32 v6, v5  }
0x1f7: {  	v3 =	vmul.f32 v7, v3  }
0x1f8: {  	v6 =	vld [tilespmem:s15+$0x60];
	v4 =	vmul.f32 v8, v4;
	[tilespmem:s13+$0xFFFFFF60] =	vst v5  }
0x1f9: {  	[tilespmem:s13+$0xFFFFFFB0] =	vst v3;
	v5 =	vld [tilespmem:s17+$0xFFFFFF70]  }
0x1fa: {  	[tilespmem:s13+$0x0] =	vst v4;
	v3 =	vld [tilespmem:s17+$0xFFFFFFC0]  }
0x1fb: {  	v4 =	vld [tilespmem:s17+$0x10]  }
0x1fc: {  	v2 =	vld.idx.msk [tilespmem:v2+s20+$0x0], $0xffff;
	_ =	sdelay $0x2  }
0x1fd: {  	v7 =	vld [tilespmem:s15+$0xFFFFFFC0]  }
0x1fe: {  	v8 =	vld [tilespmem:s15+$0x10]  }
0x1ff: {  	v2 =	vmul.f32 v6, v2;
	v6 =	vld [tilespmem:s15+$0xFFFFFF70]  }
0x200: {  	v5 =	vld.idx.msk [tilespmem:v5+s20+$0x0], $0xffff  }
0x201: {  	v3 =	vld.idx.msk [tilespmem:v3+s20+$0x0], $0xffff  }
0x202: {  	v4 =	vld.idx.msk [tilespmem:v4+s20+$0x0], $0xffff;
	[tilespmem:s13+$0x60] =	vst v2  }
0x203: {  	s18 =	simm.s32 $0x1C260;
	v2 =	vld [tilespmem:s17+$0x70]  }
0x204: {  	v9 =	vld [tilespmem:s18+$0x50]  }
0x205: {  	v10 =	vld [tilespmem:s18+$0xFFFFFFB0];
	v5 =	vmul.f32 v6, v5  }
0x206: {  	v11 =	vld [tilespmem:s18+$0x0];
	v3 =	vmul.f32 v7, v3  }
0x207: {  	v6 =	vld [tilespmem:s15+$0x70];
	v4 =	vmul.f32 v8, v4;
	[tilespmem:s13+$0xFFFFFF70] =	vst v5  }
0x208: {  	[tilespmem:s13+$0xFFFFFFC0] =	vst v3;
	v5 =	vld [tilespmem:s17+$0xFFFFFF80]  }
0x209: {  	[tilespmem:s13+$0x10] =	vst v4;
	v3 =	vld [tilespmem:s17+$0xFFFFFFD0]  }
0x20a: {  	v4 =	vld [tilespmem:s17+$0x20]  }
0x20b: {  	v2 =	vld.idx.msk [tilespmem:v2+s20+$0x0], $0xffff  }
0x20c: {  	v44 =	vld [tilespmem:s18+$0xFFFFFF60]  }
0x20d: {  	v10 =	vld.idx.msk [tilespmem:v10+s20+$0x0], $0xffff  }
0x20e: {  	v7 =	vld [tilespmem:s15+$0xFFFFFF80]  }
0x20f: {  	v8 =	vld [tilespmem:s15+$0x20]  }
0x210: {  	v2 =	vmul.f32 v6, v2;
	v6 =	vld [tilespmem:s15+$0xFFFFFFD0]  }
0x211: {  	v5 =	vld.idx.msk [tilespmem:v5+s20+$0x0], $0xffff  }
0x212: {  	v3 =	vld.idx.msk [tilespmem:v3+s20+$0x0], $0xffff  }
0x213: {  	v4 =	vld.idx.msk [tilespmem:v4+s20+$0x0], $0xffff  }
0x214: {  	v12 =	vld.idx.msk [tilespmem:v44+s20+$0x0], $0xffff;
	[tilespmem:s13+$0x70] =	vst v2  }
0x215: {  	v2 =	vld [tilespmem:s17+$0x80]  }
0x216: {  	s19 =	simm.s32 $0x12C50;
	v5 =	vmul.f32 v7, v5;
	v7 =	vld.idx.msk [tilespmem:v9+s20+$0x0], $0xffff  }
0x217: {  	v3 =	vmul.f32 v6, v3;
	v6 =	vld [tilespmem:s19+$0x50]  }
0x218: {  	v4 =	vmul.f32 v8, v4;
	v8 =	vld.idx.msk [tilespmem:v11+s20+$0x0], $0xffff  }
0x219: {  	[tilespmem:s13+$0xFFFFFF80] =	vst v5;
	v5 =	vld [tilespmem:s15+$0x80]  }
0x21a: {  	[tilespmem:s13+$0x20] =	vst v4;
	v4 =	vld [tilespmem:s19+$0x0]  }
0x21b: {  	[tilespmem:s13+$0xFFFFFFD0] =	vst v3;
	v3 =	vld [tilespmem:s17+$0xFFFFFF90]  }
0x21c: {  	v9 =	vld [tilespmem:s17+$0xFFFFFFE0]  }
0x21d: {  	v11 =	vld [tilespmem:s17+$0x30]  }
0x21e: {  	v46 =	vld [tilespmem:s15+$0xFFFFFFE0]  }
0x21f: {  	v6 =	vmul.f32 v6, v7;
	v7 =	vld [tilespmem:s19+$0xFFFFFF60]  }
0x220: {  	s14 =	simm.s32 $0x1A950;
	v2 =	vld.idx.msk [tilespmem:v2+s20+$0x0], $0xffff  }
0x221: {  	v13 =	vld [tilespmem:s15+$0x30];
	[tilespmem:s14+$0x50] =	vst v6;
	v4 =	vmul.f32 v4, v8  }
0x222: {  	v6 =	vld [tilespmem:s18+$0x60]  }
0x223: {  	v8 =	vld [tilespmem:s19+$0x60];
	[tilespmem:s14+$0x0] =	vst v4  }
0x224: {  	v7 =	vmul.f32 v7, v12;
	v4 =	vld [tilespmem:s18+$0x10]  }
0x225: {  	v2 =	vmul.f32 v5, v2;
	v5 =	vld [tilespmem:s19+$0xFFFFFFB0]  }
0x226: {  	v3 =	vld.idx.msk [tilespmem:v3+s20+$0x0], $0xffff;
	[tilespmem:s14+$0xFFFFFF60] =	vst v7  }
0x227: {  	v7 =	vld [tilespmem:s18+$0xFFFFFF70]  }
0x228: {  	v9 =	vld.idx.msk [tilespmem:v9+s20+$0x0], $0xffff  }
0x229: {  	v11 =	vld.idx.msk [tilespmem:v11+s20+$0x0], $0xffff;
	[tilespmem:s13+$0x80] =	vst v2  }
0x22a: {  	v2 =	vld [tilespmem:s17+$0x90];
	v5 =	vmul.f32 v5, v10  }
0x22b: {  	v6 =	vld.idx.msk [tilespmem:v6+s20+$0x0], $0xffff  }
0x22c: {  	v10 =	vld [tilespmem:s19+$0xFFFFFF70];
	[tilespmem:s14+$0xFFFFFFB0] =	vst v5  }
0x22d: {  	v5 =	vld [tilespmem:s18+$0xFFFFFFC0]  }
0x22e: {  	v4 =	vld.idx.msk [tilespmem:v4+s20+$0x0], $0xffff  }
0x22f: {  	v7 =	vld.idx.msk [tilespmem:v7+s20+$0x0], $0xffff  }
0x230: {  	v6 =	vmul.f32 v8, v6;
	v8 =	vld [tilespmem:s19+$0x10]  }
0x231: {  	v45 =	vld [tilespmem:s19+$0xFFFFFFC0]  }
0x232: {  	v2 =	vld.idx.msk [tilespmem:v2+s20+$0x0], $0xffff;
	[tilespmem:s14+$0x60] =	vst v6  }
0x233: {  	v6 =	vld [tilespmem:s18+$0x70]  }
0x234: {  	v7 =	vmul.f32 v10, v7;
	v10 =	vld [tilespmem:s15+$0xFFFFFF90]  }
0x235: {  	v4 =	vmul.f32 v8, v4;
	s15 =	simm.s32 $0x1C3A0;
	v5 =	vld.idx.msk [tilespmem:v5+s20+$0x0], $0xffff  }
0x236: {  	v47 =	vld [tilespmem:s15+$0x0];
	[tilespmem:s14+$0xFFFFFF70] =	vst v7  }
0x237: {  	[tilespmem:s14+$0x10] =	vst v4;
	v4 =	vld [tilespmem:s19+$0x70]  }
0x238: {  	v7 =	vld [tilespmem:s18+$0xFFFFFF80]  }
0x239: {  	v8 =	vld [tilespmem:s18+$0x20]  }
0x23a: {  	v14 =	vld [tilespmem:s19+$0xFFFFFF80]  }
0x23b: {  	v16 =	vld [tilespmem:s19+$0x20];
	v5 =	vmul.f32 v45, v5  }
0x23c: {  	v3 =	vmul.f32 v10, v3;
	v10 =	vld [tilespmem:s15+$0xFFFFFFB0]  }
0x23d: {  	v6 =	vld.idx.msk [tilespmem:v6+s20+$0x0], $0xffff;
	[tilespmem:s14+$0xFFFFFFC0] =	vst v5  }
0x23e: {  	[tilespmem:s13+$0xFFFFFF90] =	vst v3;
	v3 =	vmul.f32 v13, v11;
	v5 =	vld [tilespmem:s18+$0xFFFFFFD0]  }
0x23f: {  	v15 =	vld [tilespmem:s19+$0xFFFFFFD0]  }
0x240: {  	[tilespmem:s13+$0x30] =	vst v3;
	v12 =	vld.idx.msk [tilespmem:v47+s20+$0x0], $0xffff  }
0x241: {  	v11 =	vld [tilespmem:s17+$0x40]  }
0x242: {  	v4 =	vmul.f32 v4, v6;
	v6 =	vld.idx.msk [tilespmem:v7+s20+$0x0], $0xffff  }
0x243: {  	v8 =	vld.idx.msk [tilespmem:v8+s20+$0x0], $0xffff  }
0x244: {  	[tilespmem:s14+$0x70] =	vst v4;
	v4 =	vmul.f32 v46, v9;
	v9 =	vld [tilespmem:s15+$0x50]  }
0x245: {  	v10 =	vld.idx.msk [tilespmem:v10+s20+$0x0], $0xffff  }
0x246: {  	v7 =	vld [tilespmem:s18+$0x80]  }
0x247: {  	v48 =	vld [tilespmem:s19+$0x80]  }
0x248: {  	[tilespmem:s13+$0xFFFFFFE0] =	vst v4;
	v4 =	vld [tilespmem:s17+$0xFFFFFFA0]  }
0x249: {  	v3 =	vld [tilespmem:s17+$0xFFFFFFF0]  }
0x24a: {  	v6 =	vmul.f32 v14, v6;
	s17 =	simm.s32 $0x12D90;
	v5 =	vld.idx.msk [tilespmem:v5+s20+$0x0], $0xffff  }
0x24b: {  	v50 =	vld [tilespmem:s17+$0x50]  }
0x24c: {  	[tilespmem:s14+$0xFFFFFF80] =	vst v6;
	v6 =	vld [tilespmem:s15+$0xFFFFFF60]  }
0x24d: {  	v51 =	vld [tilespmem:s17+$0xFFFFFF60]  }
0x24e: {  	v52 =	vld [tilespmem:s17+$0xFFFFFFB0]  }
0x24f: {  	v8 =	vmul.f32 v16, v8;
	v53 =	vld [tilespmem:s17+$0x0]  }
0x250: {  	v9 =	vld.idx.msk [tilespmem:v9+s20+$0x0], $0xffff  }
0x251: {  	[tilespmem:s14+$0x20] =	vst v8;
	v59 =	vld [tilespmem:s19+$0xFFFFFF90]  }
0x252: {  	v61 =	vld [tilespmem:s19+$0x30]  }
0x253: {  	v7 =	vld.idx.msk [tilespmem:v7+s20+$0x0], $0xffff  }
0x254: {  	v5 =	vmul.f32 v15, v5;
	v6 =	vld.idx.msk [tilespmem:v6+s20+$0x0], $0xffff  }
0x255: {  	v4 =	vld.idx.msk [tilespmem:v4+s20+$0x0], $0xffff;
	v9 =	vmul.f32 v50, v9  }
0x256: {  	s16 =	simm.s32 $0x1AA90;
	v10 =	vmul.f32 v52, v10;
	[tilespmem:s14+$0xFFFFFFD0] =	vst v5;
	v5 =	vld [tilespmem:s18+$0xFFFFFF90]  }
0x257: {  	v49 =	vld [tilespmem:s18+$0xFFFFFFE0];
	[tilespmem:s16+$0x50] =	vst v9  }
0x258: {  	[tilespmem:s16+$0xFFFFFFB0] =	vst v10;
	v8 =	vld [tilespmem:s15+$0x60]  }
0x259: {  	v10 =	vld [tilespmem:s15+$0xFFFFFFC0];
	v6 =	vmul.f32 v51, v6  }
0x25a: {  	v58 =	vld [tilespmem:s17+$0xFFFFFFC0]  }
0x25b: {  	v60 =	vld [tilespmem:s19+$0xFFFFFFE0];
	[tilespmem:s16+$0xFFFFFF60] =	vst v6;
	v6 =	vmul.f32 v53, v12  }
0x25c: {  	v9 =	vld [tilespmem:s18+$0x30]  }
0x25d: {  	v55 =	vld [tilespmem:s15+$0xFFFFFF70];
	[tilespmem:s16+$0x0] =	vst v6  }
0x25e: {  	v7 =	vmul.f32 v48, v7;
	v6 =	vld [tilespmem:s15+$0x10]  }
0x25f: {  	v56 =	vld [tilespmem:s17+$0x60]  }
0x260: {  	[tilespmem:s14+$0x80] =	vst v7;
	v8 =	vld.idx.msk [tilespmem:v8+s20+$0x0], $0xffff  }
0x261: {  	v7 =	vld [tilespmem:s18+$0x90]  }
0x262: {  	v10 =	vld.idx.msk [tilespmem:v10+s20+$0x0], $0xffff  }
0x263: {  	v57 =	vld [tilespmem:s17+$0xFFFFFF70]  }
0x264: {  	v17 =	vld [tilespmem:s17+$0x10]  }
0x265: {  	v13 =	vld.idx.msk [tilespmem:v55+s20+$0x0], $0xffff;
	v8 =	vmul.f32 v56, v8  }
0x266: {  	v6 =	vld.idx.msk [tilespmem:v6+s20+$0x0], $0xffff  }
0x267: {  	v10 =	vmul.f32 v58, v10;
	[tilespmem:s16+$0x60] =	vst v8;
	v8 =	vld.idx.msk [tilespmem:v9+s20+$0x0], $0xffff  }
0x268: {  	v9 =	vld [tilespmem:s15+$0x70]  }
0x269: {  	v5 =	vld.idx.msk [tilespmem:v5+s20+$0x0], $0xffff;
	[tilespmem:s16+$0xFFFFFFC0] =	vst v10  }
0x26a: {  	v10 =	vld [tilespmem:s15+$0xFFFFFFD0];
	v13 =	vmul.f32 v57, v13  }
0x26b: {  	v54 =	vld.idx.msk [tilespmem:v49+s20+$0x0], $0xffff;
	v6 =	vmul.f32 v17, v6  }
0x26c: {  	v7 =	vld.idx.msk [tilespmem:v7+s20+$0x0], $0xffff;
	[tilespmem:s16+$0xFFFFFF70] =	vst v13  }
0x26d: {  	v13 =	vld [tilespmem:s15+$0xFFFFFF80];
	[tilespmem:s16+$0x10] =	vst v6  }
0x26e: {  	v6 =	vld [tilespmem:s15+$0x20]  }
0x26f: {  	v62 =	vld [tilespmem:s17+$0x70]  }
0x270: {  	v9 =	vld.idx.msk [tilespmem:v9+s20+$0x0], $0xffff  }
0x271: {  	v19 =	vld [tilespmem:s17+$0xFFFFFFD0]  }
0x272: {  	v10 =	vld.idx.msk [tilespmem:v10+s20+$0x0], $0xffff  }
0x273: {  	v18 =	vld [tilespmem:s17+$0xFFFFFF80]  }
0x274: {  	v2 =	vnsel vm0, $0x0, v2;
	v5 =	vmul.f32 v59, v5;
	v20 =	vld [tilespmem:s17+$0x20]  }
0x275: {  	[tilespmem:s13+$0x90] =	vst v2;
	v13 =	vld.idx.msk [tilespmem:v13+s20+$0x0], $0xffff;
	v2 =	vmul.f32 v62, v9  }
0x276: {  	[tilespmem:s14+$0xFFFFFF90] =	vst v5;
	v9 =	vmul.f32 v60, v54;
	v63 =	vld.idx.msk [tilespmem:v6+s20+$0x0], $0xffff  }
0x277: {  	v5 =	vmul.f32 v61, v8;
	[tilespmem:s16+$0x70] =	vst v2;
	v2 =	vld [tilespmem:s18+$0xFFFFFFA0]  }
0x278: {  	[tilespmem:s14+$0xFFFFFFE0] =	vst v9;
	v9 =	vld [tilespmem:s15+$0x80]  }
0x279: {  	[tilespmem:s14+$0x30] =	vst v5;
	v6 =	vnsel vm0, $0x0, v7;
	v5 =	vld [tilespmem:s18+$0xFFFFFFF0]  }
0x27a: {  	v4 =	vnsel vm0, $0x0, v4;
	[tilespmem:s14+$0x90] =	vst v6;
	v6 =	vld [tilespmem:s18+$0x40];
	v8 =	vmul.f32 v18, v13  }
0x27b: {  	[tilespmem:s13+$0xFFFFFFA0] =	vst v4;
	v10 =	vmul.f32 v19, v10;
	v7 =	vld.idx.msk [tilespmem:v3+s20+$0x0], $0xffff  }
0x27c: {  	s4 =	simm.s32 $0x1C4E0;
	s19 =	simm.s32 $0x8;
	s18 =	simm.s32 $0x12D90;
	[tilespmem:s16+$0xFFFFFF80] =	vst v8;
	v4 =	vmul.f32 v20, v63;
	v8 =	vld.idx.msk [tilespmem:v11+s20+$0x0], $0xffff  }
.LBB2_11:
0x27d: {  	v11 =	vld [tilespmem:s4+$0x50];
	s19 =	sadd.s32 $0x4, s19;
	[tilespmem:s16+$0xFFFFFFD0] =	vst v10  }
0x27e: {  	v10 =	vld [tilespmem:s4+$0xFFFFFFB0];
	p0 =	slt.u32 s19, $0x4C;
	[tilespmem:s16+$0x20] =	vst v4;
	v4 =	vmov v5  }
0x27f: {  	v5 =	vld [tilespmem:s4+$0x0];
	v3 =	vmov v6  }
0x280: {  	v6 =	vld.idx.msk [tilespmem:v9+s20+$0x0], $0xffff  }
0x281: {  	v7 =	vnsel vm0, $0x0, v7;
	v9 =	vld [tilespmem:s17+$0x80]  }
0x282: {  	v12 =	vld [tilespmem:s4+$0xFFFFFF60];
	[tilespmem:s13+$0xFFFFFFF0] =	vst v7;
	v7 =	vnsel vm0, $0x0, v8  }
0x283: {  	v8 =	vld [tilespmem:s15+$0xFFFFFF90];
	[tilespmem:s13+$0x40] =	vst v7;
	s13 =	smov.u32 s14;
	s14 =	smov.u32 s16  }
0x284: {  	v7 =	vld [tilespmem:s15+$0xFFFFFFE0]  }
0x285: {  	s17 =	sadd.s32 $0x140, s17;
	v11 =	vld.idx.msk [tilespmem:v11+s20+$0x0], $0xffff  }
0x286: {  	v13 =	vld [tilespmem:s17+$0x50];
	v6 =	vmul.f32 v9, v6  }
0x287: {  	v9 =	vld.idx.msk [tilespmem:v10+s20+$0x0], $0xffff  }
0x288: {  	v5 =	vld.idx.msk [tilespmem:v5+s20+$0x0], $0xffff;
	[tilespmem:s16+$0x80] =	vst v6  }
0x289: {  	v6 =	vld [tilespmem:s15+$0x90]  }
0x28a: {  	v10 =	vld.idx.msk [tilespmem:v12+s20+$0x0], $0xffff  }
0x28b: {  	v12 =	vld [tilespmem:s17+$0xFFFFFF60];
	v11 =	vmul.f32 v13, v11  }
0x28c: {  	s16 =	sadd.s32 $0x140, s16;
	v13 =	vld [tilespmem:s17+$0xFFFFFFB0]  }
0x28d: {  	v14 =	vld [tilespmem:s17+$0x0];
	[tilespmem:s16+$0x50] =	vst v11  }
0x28e: {  	v11 =	vld [tilespmem:s4+$0x60]  }
0x28f: {  	v15 =	vld [tilespmem:s15+$0x30]  }
0x290: {  	v10 =	vmul.f32 v12, v10;
	v8 =	vld.idx.msk [tilespmem:v8+s20+$0x0], $0xffff  }
0x291: {  	v9 =	vmul.f32 v13, v9;
	v6 =	vld.idx.msk [tilespmem:v6+s20+$0x0], $0xffff  }
0x292: {  	[tilespmem:s16+$0xFFFFFF60] =	vst v10;
	v5 =	vmul.f32 v14, v5;
	v7 =	vld.idx.msk [tilespmem:v7+s20+$0x0], $0xffff  }
0x293: {  	v10 =	vld [tilespmem:s4+$0xFFFFFF70];
	[tilespmem:s16+$0xFFFFFFB0] =	vst v9  }
0x294: {  	v9 =	vld [tilespmem:s4+$0xFFFFFFC0];
	[tilespmem:s16+$0x0] =	vst v5  }
0x295: {  	v5 =	vld [tilespmem:s4+$0x10]  }
0x296: {  	v11 =	vld.idx.msk [tilespmem:v11+s20+$0x0], $0xffff  }
0x297: {  	v6 =	vnsel vm0, $0x0, v6;
	v12 =	vld [tilespmem:s17+$0x60]  }
0x298: {  	v13 =	vld [tilespmem:s17+$0xFFFFFF70];
	[tilespmem:s14+$0x90] =	vst v6  }
0x299: {  	v6 =	vld [tilespmem:s17+$0xFFFFFFC0]  }
0x29a: {  	v14 =	vld [tilespmem:s17+$0x10]  }
0x29b: {  	v10 =	vld.idx.msk [tilespmem:v10+s20+$0x0], $0xffff  }
0x29c: {  	v9 =	vld.idx.msk [tilespmem:v9+s20+$0x0], $0xffff;
	v11 =	vmul.f32 v12, v11  }
0x29d: {  	v5 =	vld.idx.msk [tilespmem:v5+s20+$0x0], $0xffff  }
0x29e: {  	[tilespmem:s16+$0x60] =	vst v11;
	v11 =	vld.idx.msk [tilespmem:v15+s20+$0x0], $0xffff  }
0x29f: {  	v12 =	vld [tilespmem:s4+$0x70]  }
0x2a0: {  	v15 =	vld [tilespmem:s18+$0xFFFFFF90]  }
0x2a1: {  	v10 =	vmul.f32 v13, v10;
	v13 =	vld [tilespmem:s18+$0xFFFFFFE0]  }
0x2a2: {  	v6 =	vmul.f32 v6, v9;
	v9 =	vld [tilespmem:s18+$0x30];
	s18 =	smov.u32 s17  }
0x2a3: {  	v5 =	vmul.f32 v14, v5;
	[tilespmem:s16+$0xFFFFFF70] =	vst v10;
	v2 =	vld.idx.msk [tilespmem:v2+s20+$0x0], $0xffff  }
0x2a4: {  	v10 =	vld [tilespmem:s4+$0xFFFFFF80];
	[tilespmem:s16+$0xFFFFFFC0] =	vst v6  }
0x2a5: {  	v6 =	vld [tilespmem:s4+$0xFFFFFFD0];
	[tilespmem:s16+$0x10] =	vst v5;
	v5 =	vmul.f32 v15, v8  }
0x2a6: {  	v8 =	vld [tilespmem:s4+$0x20];
	v7 =	vmul.f32 v13, v7  }
0x2a7: {  	v12 =	vld.idx.msk [tilespmem:v12+s20+$0x0], $0xffff;
	[tilespmem:s14+$0xFFFFFF90] =	vst v5;
	v5 =	vmul.f32 v9, v11  }
0x2a8: {  	v9 =	vld [tilespmem:s17+$0x70];
	[tilespmem:s14+$0xFFFFFFE0] =	vst v7  }
0x2a9: {  	v2 =	vnsel vm0, $0x0, v2;
	v7 =	vld [tilespmem:s17+$0xFFFFFF80];
	[tilespmem:s14+$0x30] =	vst v5  }
0x2aa: {  	v11 =	vld [tilespmem:s17+$0xFFFFFFD0];
	[tilespmem:s13+$0xFFFFFFA0] =	vst v2  }
0x2ab: {  	v13 =	vld [tilespmem:s17+$0x20]  }
0x2ac: {  	v10 =	vld.idx.msk [tilespmem:v10+s20+$0x0], $0xffff  }
0x2ad: {  	v14 =	vld.idx.msk [tilespmem:v6+s20+$0x0], $0xffff;
	v2 =	vmul.f32 v9, v12  }
0x2ae: {  	v8 =	vld.idx.msk [tilespmem:v8+s20+$0x0], $0xffff  }
0x2af: {  	[tilespmem:s16+$0x70] =	vst v2;
	v2 =	vld [tilespmem:s15+$0xFFFFFFA0]  }
.Ltmp4:
0x2b0: {  	v9 =	vld [tilespmem:s4+$0x80];
	(pc) =	sbr.rel @p0 .LBB2_11-.Ltmp4, $4  }
0x2b1: {  	v5 =	vld [tilespmem:s15+$0xFFFFFFF0]  }
0x2b2: {  	v12 =	vmul.f32 v7, v10;
	v6 =	vld [tilespmem:s15+$0x40];
	s15 =	smov.u32 s4  }
0x2b3: {  	v10 =	vmul.f32 v11, v14;
	v7 =	vld.idx.msk [tilespmem:v4+s20+$0x0], $0xffff  }
0x2b4: {  	s4 =	sadd.s32 $0x140, s4;
	v4 =	vmul.f32 v13, v8;
	[tilespmem:s16+$0xFFFFFF80] =	vst v12;
	v8 =	vld.idx.msk [tilespmem:v3+s20+$0x0], $0xffff  }
0x2b5: {  	_ =	sdelay $0x2  }
0x2b6: {  	v3 =	vld [tilespmem:s15+$0xFFFFFF90]  }
0x2b7: {  	v9 =	vld.idx.msk [tilespmem:v9+s20+$0x0], $0xffff  }
0x2b8: {  	[tilespmem:s16+$0xFFFFFFD0] =	vst v10;
	v11 =	vld [tilespmem:s17+$0x80]  }
0x2b9: {  	[tilespmem:s16+$0x20] =	vst v4;
	v4 =	vld [tilespmem:s15+$0xFFFFFFE0]  }
0x2ba: {  	v10 =	vld [tilespmem:s15+$0x30];
	_ =	sdelay $0x2  }
0x2bb: {  	v12 =	vld [tilespmem:s18+$0xFFFFFF90]  }
0x2bc: {  	v13 =	vld [tilespmem:s18+$0x30]  }
0x2bd: {  	v9 =	vmul.f32 v11, v9;
	v11 =	vld [tilespmem:s18+$0xFFFFFFE0]  }
0x2be: {  	v3 =	vld.idx.msk [tilespmem:v3+s20+$0x0], $0xffff  }
0x2bf: {  	v4 =	vld.idx.msk [tilespmem:v4+s20+$0x0], $0xffff  }
0x2c0: {  	v10 =	vld.idx.msk [tilespmem:v10+s20+$0x0], $0xffff  }
0x2c1: {  	[tilespmem:s16+$0x80] =	vst v9  }
0x2c2: {  	v9 =	vld [tilespmem:s15+$0x90]  }
0x2c3: {  	v3 =	vmul.f32 v12, v3  }
0x2c4: {  	v4 =	vmul.f32 v11, v4  }
0x2c5: {  	[tilespmem:s16+$0xFFFFFF90] =	vst v3;
	v3 =	vmul.f32 v13, v10  }
0x2c6: {  	[tilespmem:s16+$0xFFFFFFE0] =	vst v4;
	v4 =	vld [tilespmem:s15+$0xFFFFFFA0]  }
0x2c7: {  	[tilespmem:s16+$0x30] =	vst v3;
	v3 =	vld [tilespmem:s15+$0xFFFFFFF0]  }
0x2c8: {  	v10 =	vld [tilespmem:s15+$0x40];
	_ =	sdelay $0x1  }
0x2c9: {  	v9 =	vld.idx.msk [tilespmem:v9+s20+$0x0], $0xffff  }
0x2ca: {  	v2 =	vld.idx.msk [tilespmem:v2+s20+$0x0], $0xffff  }
0x2cb: {  	v5 =	vld.idx.msk [tilespmem:v5+s20+$0x0], $0xffff  }
0x2cc: {  	v6 =	vld.idx.msk [tilespmem:v6+s20+$0x0], $0xffff;
	v7 =	vnsel vm0, $0x0, v7  }
0x2cd: {  	[tilespmem:s13+$0xFFFFFFF0] =	vst v7;
	v7 =	vnsel vm0, $0x0, v8;
	v4 =	vld.idx.msk [tilespmem:v4+s20+$0x0], $0xffff  }
0x2ce: {  	[tilespmem:s13+$0x40] =	vst v7;
	v7 =	vnsel vm0, $0x0, v9;
	v3 =	vld.idx.msk [tilespmem:v3+s20+$0x0], $0xffff  }
0x2cf: {  	v2 =	vnsel vm0, $0x0, v2;
	[tilespmem:s16+$0x90] =	vst v7;
	v7 =	vld.idx.msk [tilespmem:v10+s20+$0x0], $0xffff  }
0x2d0: {  	[tilespmem:s14+$0xFFFFFFA0] =	vst v2;
	v2 =	vnsel vm0, $0x0, v5  }
0x2d1: {  	[tilespmem:s14+$0xFFFFFFF0] =	vst v2;
	v2 =	vnsel vm0, $0x0, v6  }
0x2d2: {  	[tilespmem:s14+$0x40] =	vst v2;
	v2 =	vnsel vm0, $0x0, v4  }
0x2d3: {  	[tilespmem:s16+$0xFFFFFFA0] =	vst v2;
	v2 =	vnsel vm0, $0x0, v3  }
0x2d4: {  	[tilespmem:s16+$0xFFFFFFF0] =	vst v2;
	v2 =	vnsel vm0, $0x0, v7  }
0x2d5: {  	s4 =	sadd.s32 $0xEAB0, s12;
	p0 =	seq.s32 s9, $0x1E;
	[tilespmem:s16+$0x40] =	vst v2  }
0x2d6: {  	[spmem:s3] =	stream.indirect.scatter.add.f32 [tilespmem:s0], [sflag:$0x6], $0x50, s4, s26, $0xb8;
	[tilespmem:$0x1D980] =	vst v63  }
0x2d7: {  	s13 =	simm.s32 @!p0 $0x50;
	s14 =	simm.s32 @!p0 $0x12A70;
	s4 =	sadd.s32 @!p0 $0xC4E0, s11  }
0x2d8: {  	[tilespmem:s14], [sflag:$0x2] =	stream.indirect.gather @!p0 [hbm4b:s5+s13], $0x50, s4, s13, $0xb8;
	[tilespmem:$0x1D980] =	vst v63  }
0x2d9: {  	s4 =	sadd.s32 @!p0 $0xEBF0, s11;
	s14 =	simm.s32 @!p0 $0x17A70  }
0x2da: {  	[tilespmem:s14], [sflag:$0x2] =	stream.indirect.gather @!p0 [hbm4b:s2+s13], $0x10, s4, s13, $0xb8;
	[tilespmem:$0x1D980] =	vst v63  }
0x2db: {  	_ =	swait.ge [sflag:s23], $0x1900  }
0x2dc: {  	[sflag:s23] =	ssyncset.done $0x0  }
0x2dd: {  	[sflag:s23] =	ssyncadd.s32 $0xFFFFE700  }
0x2de: {  	_ =	swait.ge [sflag:s23], $0x500  }
0x2df: {  	[sflag:s23] =	ssyncset.done $0x0  }
0x2e0: {  	[sflag:s23] =	ssyncadd.s32 $0xFFFFFB00  }
0x2e1: {  	_ =	swait.ge [sflag:s24], $0x1900  }
0x2e2: {  	[sflag:s24] =	ssyncset.done $0x0  }
0x2e3: {  	s15 =	simm.s32 $0x14450;
	[sflag:s24] =	ssyncadd.s32 $0xFFFFE700  }
0x2e4: {  	s16 =	simm.s32 $0x17F90;
	v2 =	vld [tilespmem:s15+$0x50]  }
0x2e5: {  	v3 =	vld [tilespmem:s16+$0x10]  }
0x2e6: {  	v5 =	vld [tilespmem:s15+$0xFFFFFFB0]  }
0x2e7: {  	v6 =	vld [tilespmem:s16+$0xFFFFFFF0]  }
0x2e8: {  	v7 =	vld [tilespmem:s15+$0x0]  }
0x2e9: {  	v8 =	vld [tilespmem:s16+$0x0]  }
0x2ea: {  	s17 =	simm.s32 $0x14590;
	v4 =	vld [tilespmem:s16+$0xFFFFFFE0]  }
0x2eb: {  	v10 =	vld [tilespmem:s17+$0x50]  }
0x2ec: {  	s18 =	simm.s32 $0x17FD0;
	v2 =	vadd.f32 v3, v2;
	v3 =	vld [tilespmem:s15+$0xFFFFFF60]  }
0x2ed: {  	v5 =	vadd.f32 v6, v5;
	v6 =	vld [tilespmem:s18+$0x10]  }
0x2ee: {  	v7 =	vadd.f32 v8, v7;
	v9 =	vmul.f32 $2.000000030e-01, v2  }
0x2ef: {  	vm1 =	vgt.f32 v2, $0.0e+00  }
0x2f0: {  	v12 =	vld [tilespmem:s18+$0xFFFFFFF0];
	vm2 =	vgt.f32 v7, $0.0e+00;
	v11 =	vmul.f32 $2.000000030e-01, v7;
	v2 =	vsel vm1, v2, v9  }
0x2f1: {  	v8 =	vld [tilespmem:s18+$0xFFFFFFE0];
	v9 =	vmul.f32 $2.000000030e-01, v5;
	v2 =	vsub.f32 v2, v1;
	v3 =	vadd.f32 v4, v3  }
0x2f2: {  	vm1 =	vgt.f32 v5, $0.0e+00;
	v7 =	vsel vm2, v7, v11;
	v11 =	vld [tilespmem:s18+$0x0];
	v6 =	vadd.f32 v6, v10  }
0x2f3: {  	v4 =	vld [tilespmem:s17+$0xFFFFFFB0];
	v5 =	vsel vm1, v5, v9;
	v2 =	vmul.f32 $1.442695020e+00, v2;
	v13 =	vmul.f32 $2.000000030e-01, v3  }
0x2f4: {  	v9 =	vld [tilespmem:s17+$0x0];
	vm3 =	vgt.f32 v3, $0.0e+00;
	v5 =	vsub.f32 v5, v1;
	v10 =	vmul.f32 $2.000000030e-01, v6  }
0x2f5: {  	(erf) = vpow2.f32 v2;
	v2 =	vsel vm3, v3, v13;
	v3 =	vsub.f32 v7, v1;
	v7 =	vld [tilespmem:s17+$0xFFFFFF60]  }
0x2f6: {  	vm1 =	vgt.f32 v6, $0.0e+00  }
0x2f7: {  	s19 =	simm.s32 $0x146D0;
	v5 =	vmul.f32 $1.442695020e+00, v5;
	v6 =	vsel vm1, v6, v10;
	v2 =	vsub.f32 v2, v1  }
0x2f8: {  	s13 =	simm.s32 $0x18010;
	v6 =	vsub.f32 v6, v1;
	v13 =	vmul.f32 $1.442695020e+00, v3;
	v3 =	vadd.f32 v12, v4;
	v4 =	vld [tilespmem:s19+$0x50]  }
0x2f9: {  	(erf) = vpow2.f32 v5;
	v5 =	vld [tilespmem:s13+$0x10];
	v2 =	vmul.f32 $1.442695020e+00, v2  }
0x2fa: {  	v9 =	vadd.f32 v11, v9;
	v6 =	vmul.f32 $1.442695020e+00, v6;
	v8 =	vadd.f32 v8, v7  }
0x2fb: {  	v14 =	vld [tilespmem:s13+$0xFFFFFFF0];
	v10 =	vmul.f32 $2.000000030e-01, v3;
	vm1 =	vgt.f32 v3, $0.0e+00;
	(erf) = vpow2.f32 v2  }
0x2fc: {  	v11 =	vld [tilespmem:s19+$0xFFFFFFB0];
	vm2 =	vgt.f32 v9, $0.0e+00;
	v2 =	vmul.f32 $2.000000030e-01, v9;
	v12 =	vmul.f32 $2.000000030e-01, v8  }
0x2fd: {  	v3 =	vsel vm1, v3, v10;
	(erf) = vpow2.f32 v6;
	v6 =	vld [tilespmem:s13+$0x0];
	vm3 =	vgt.f32 v8, $0.0e+00  }
0x2fe: {  	v10 =	vsub.f32 v3, v1;
	v3 =	vld [tilespmem:s13+$0xFFFFFFE0];
	v7 =	vadd.f32 v5, v4;
	v5 =	vsel vm3, v8, v12  }
0x2ff: {  	v2 =	vsel vm2, v9, v2;
	v4 =	vld [tilespmem:s19+$0x0]  }
0x300: {  	(erf) = vpow2.f32 v13;
	v2 =	vsub.f32 v2, v1;
	v8 =	vld [tilespmem:s19+$0xFFFFFF60];
	v9 =	vsub.f32 v5, v1  }
0x301: {  	s4 =	simm.s32 $0x18990;
	v10 =	vmul.f32 $1.442695020e+00, v10;
	v12 =	vmul.f32 $2.000000030e-01, v7;
	vm1 =	vgt.f32 v7, $0.0e+00;
	v5 =	vpop (erf)  }
0x302: {  	s14 =	simm.s32 $0x18990;
	s16 =	simm.s32 $0x14810;
	s15 =	simm.s32 $0x8;
	v2 =	vmul.f32 $1.442695020e+00, v2;
	v9 =	vmul.f32 $1.442695020e+00, v9;
	[tilespmem:s4+$0x10] =	vst v5;
	v5 =	vadd.f32 v14, v11;
	v11 =	vpop (erf)  }
.LBB2_13:
0x303: {  	v13 =	vld [tilespmem:s16+$0x50];
	v12 =	vsel vm1, v7, v12;
	s13 =	sadd.s32 $0x40, s13;
	(erf) = vpow2.f32 v10;
	[tilespmem:s4+$0xFFFFFFF0] =	vst v11  }
0x304: {  	s15 =	sadd.s32 $0x4, s15;
	v10 =	vld [tilespmem:s13+$0x10];
	v16 =	vmul.f32 $2.000000030e-01, v5;
	v6 =	vadd.f32 v6, v4;
	v4 =	vsub.f32 v12, v1;
	v7 =	vpop (erf)  }
0x305: {  	p1 =	slt.u32 s15, $0x4C;
	vm1 =	vgt.f32 v5, $0.0e+00;
	v8 =	vadd.f32 v3, v8;
	v3 =	vld [tilespmem:s13+$0xFFFFFFE0];
	(erf) = vpow2.f32 v9;
	[tilespmem:s4+$0xFFFFFFE0] =	vst v7  }
0x306: {  	v9 =	vld [tilespmem:s16+$0xFFFFFFB0];
	vm2 =	vgt.f32 v6, $0.0e+00;
	v7 =	vmul.f32 $2.000000030e-01, v6;
	v17 =	vmul.f32 $1.442695020e+00, v4  }
0x307: {  	s4 =	sadd.s32 $0x40, s4;
	v5 =	vsel vm1, v5, v16;
	v14 =	vld [tilespmem:s13+$0xFFFFFFF0];
	vm3 =	vgt.f32 v8, $0.0e+00;
	v15 =	vmul.f32 $2.000000030e-01, v8;
	v11 =	vpop (erf)  }
.Ltmp5:
0x308: {  	v5 =	vsub.f32 v5, v1;
	v4 =	vld [tilespmem:s16+$0x0];
	v16 =	vsel vm2, v6, v7;
	(erf) = vpow2.f32 v17;
	[tilespmem:s4+$0x10] =	vst v11;
	(pc) =	sbr.rel @p1 .LBB2_13-.Ltmp5, $4  }
0x309: {  	v6 =	vld [tilespmem:s13+$0x0];
	v7 =	vadd.f32 v10, v13;
	v10 =	vsel vm3, v8, v15;
	v15 =	vsub.f32 v16, v1;
	v12 =	vpop (erf)  }
0x30a: {  	v8 =	vld [tilespmem:s16+$0xFFFFFF60];
	v13 =	vsub.f32 v10, v1;
	v10 =	vmul.f32 $1.442695020e+00, v5;
	(erf) = vpow2.f32 v2;
	[tilespmem:s14+$0x0] =	vst v12;
	s14 =	smov.u32 s4  }
0x30b: {  	v12 =	vmul.f32 $2.000000030e-01, v7;
	v2 =	vmul.f32 $1.442695020e+00, v15  }
0x30c: {  	s16 =	sadd.s32 $0x140, s16;
	vm1 =	vgt.f32 v7, $0.0e+00;
	v5 =	vadd.f32 v14, v9;
	v9 =	vmul.f32 $1.442695020e+00, v13;
	v11 =	vpop (erf)  }
0x30d: {  	_ =	sdelay $0x1  }
0x30e: {  	v7 =	vsel vm1, v7, v12;
	v4 =	vadd.f32 v6, v4;
	v3 =	vadd.f32 v3, v8  }
0x30f: {  	(erf) = vpow2.f32 v10;
	v6 =	vmul.f32 $2.000000030e-01, v5;
	v7 =	vsub.f32 v7, v1  }
0x310: {  	vm1 =	vgt.f32 v5, $0.0e+00;
	vm2 =	vgt.f32 v4, $0.0e+00;
	v8 =	vmul.f32 $2.000000030e-01, v3  }
0x311: {  	v10 =	vmul.f32 $2.000000030e-01, v4;
	v5 =	vsel vm1, v5, v6;
	vm3 =	vgt.f32 v3, $0.0e+00  }
0x312: {  	v6 =	vmul.f32 $1.442695020e+00, v7;
	v5 =	vsub.f32 v5, v1;
	v3 =	vsel vm3, v3, v8  }
0x313: {  	(erf) = vpow2.f32 v9;
	v4 =	vsel vm2, v4, v10;
	v3 =	vsub.f32 v3, v1  }
0x314: {  	(erf) = vpow2.f32 v6;
	v4 =	vsub.f32 v4, v1;
	v5 =	vmul.f32 $1.442695020e+00, v5  }
0x315: {  	(erf) = vpow2.f32 v2;
	v2 =	vmul.f32 $1.442695020e+00, v3  }
0x316: {  	v3 =	vmul.f32 $1.442695020e+00, v4  }
0x317: {  	(erf) = vpow2.f32 v5  }
0x318: {  	(erf) = vpow2.f32 v2  }
0x319: {  	[tilespmem:s4+$0xFFFFFFF0] =	vst v11;
	v2 =	vpop (erf);
	(erf) = vpow2.f32 v3  }
0x31a: {  	s16 =	sadd.s32 $0x40, s4;
	v3 =	vpop (erf);
	[tilespmem:s4+$0xFFFFFFE0] =	vst v2  }
0x31b: {  	v2 =	vpop (erf);
	[tilespmem:s16+$0x10] =	vst v3  }
0x31c: {  	v3 =	vpop (erf);
	[tilespmem:s14+$0x0] =	vst v2  }
0x31d: {  	v2 =	vpop (erf);
	[tilespmem:s16+$0xFFFFFFF0] =	vst v3  }
0x31e: {  	s13 =	sadd.s32 $0x40, s16;
	v3 =	vpop (erf);
	[tilespmem:s16+$0xFFFFFFE0] =	vst v2  }
0x31f: {  	[tilespmem:s13+$0x10] =	vst v3;
	v2 =	vpop (erf)  }
0x320: {  	[tilespmem:s16+$0x0] =	vst v2;
	v2 =	vpop (erf)  }
0x321: {  	[tilespmem:s13+$0xFFFFFFF0] =	vst v2;
	v2 =	vpop (erf)  }
0x322: {  	[tilespmem:s13+$0xFFFFFFE0] =	vst v2;
	v2 =	vpop (erf)  }
0x323: {  	s17 =	simm.s32 $0x1C120;
	[tilespmem:s13+$0x0] =	vst v2  }
0x324: {  	v2 =	vld [tilespmem:s17+$0x50];
	_ =	sdelay $0x2  }
0x325: {  	s15 =	simm.s32 $0x14410  }
0x326: {  	v3 =	vld [tilespmem:s15+$0x50]  }
0x327: {  	v4 =	vld [tilespmem:s17+$0xFFFFFFB0]  }
0x328: {  	v5 =	vld [tilespmem:s17+$0x0]  }
0x329: {  	v6 =	vld [tilespmem:s17+$0xFFFFFF60]  }
0x32a: {  	v2 =	vld.idx.msk [tilespmem:v2+s20+$0x0], $0xffff;
	_ =	sdelay $0x4  }
0x32b: {  	v2 =	vmul.f32 v3, v2;
	v3 =	vld.idx.msk [tilespmem:v4+s20+$0x0], $0xffff  }
0x32c: {  	v4 =	vld.idx.msk [tilespmem:v5+s20+$0x0], $0xffff  }
0x32d: {  	v5 =	vld.idx.msk [tilespmem:v6+s20+$0x0], $0xffff  }
0x32e: {  	v6 =	vld [tilespmem:s15+$0xFFFFFF60]  }
0x32f: {  	s13 =	simm.s32 $0x18F10;
	v7 =	vld [tilespmem:s15+$0xFFFFFFB0]  }
0x330: {  	v8 =	vld [tilespmem:s15+$0x0];
	[tilespmem:s13+$0x50] =	vst v2  }
0x331: {  	v2 =	vld [tilespmem:s17+$0x60];
	_ =	sdelay $0x1  }
0x332: {  	v5 =	vmul.f32 v6, v5  }
0x333: {  	v3 =	vmul.f32 v7, v3  }
0x334: {  	v6 =	vld [tilespmem:s15+$0x60];
	v4 =	vmul.f32 v8, v4;
	[tilespmem:s13+$0xFFFFFF60] =	vst v5  }
0x335: {  	[tilespmem:s13+$0xFFFFFFB0] =	vst v3;
	v5 =	vld [tilespmem:s17+$0xFFFFFF70]  }
0x336: {  	[tilespmem:s13+$0x0] =	vst v4;
	v3 =	vld [tilespmem:s17+$0xFFFFFFC0]  }
0x337: {  	v4 =	vld [tilespmem:s17+$0x10]  }
0x338: {  	v2 =	vld.idx.msk [tilespmem:v2+s20+$0x0], $0xffff;
	_ =	sdelay $0x2  }
0x339: {  	v7 =	vld [tilespmem:s15+$0xFFFFFFC0]  }
0x33a: {  	v8 =	vld [tilespmem:s15+$0x10]  }
0x33b: {  	v2 =	vmul.f32 v6, v2;
	v6 =	vld [tilespmem:s15+$0xFFFFFF70]  }
0x33c: {  	v5 =	vld.idx.msk [tilespmem:v5+s20+$0x0], $0xffff  }
0x33d: {  	v3 =	vld.idx.msk [tilespmem:v3+s20+$0x0], $0xffff  }
0x33e: {  	v4 =	vld.idx.msk [tilespmem:v4+s20+$0x0], $0xffff;
	[tilespmem:s13+$0x60] =	vst v2  }
0x33f: {  	s18 =	simm.s32 $0x1C260;
	v2 =	vld [tilespmem:s17+$0x70]  }
0x340: {  	v9 =	vld [tilespmem:s18+$0x50]  }
0x341: {  	v10 =	vld [tilespmem:s18+$0xFFFFFFB0];
	v5 =	vmul.f32 v6, v5  }
0x342: {  	v11 =	vld [tilespmem:s18+$0x0];
	v3 =	vmul.f32 v7, v3  }
0x343: {  	v6 =	vld [tilespmem:s15+$0x70];
	v4 =	vmul.f32 v8, v4;
	[tilespmem:s13+$0xFFFFFF70] =	vst v5  }
0x344: {  	[tilespmem:s13+$0xFFFFFFC0] =	vst v3;
	v5 =	vld [tilespmem:s17+$0xFFFFFF80]  }
0x345: {  	[tilespmem:s13+$0x10] =	vst v4;
	v3 =	vld [tilespmem:s17+$0xFFFFFFD0]  }
0x346: {  	v4 =	vld [tilespmem:s17+$0x20]  }
0x347: {  	v2 =	vld.idx.msk [tilespmem:v2+s20+$0x0], $0xffff  }
0x348: {  	v44 =	vld [tilespmem:s18+$0xFFFFFF60]  }
0x349: {  	v10 =	vld.idx.msk [tilespmem:v10+s20+$0x0], $0xffff  }
0x34a: {  	v7 =	vld [tilespmem:s15+$0xFFFFFF80]  }
0x34b: {  	v8 =	vld [tilespmem:s15+$0x20]  }
0x34c: {  	v2 =	vmul.f32 v6, v2;
	v6 =	vld [tilespmem:s15+$0xFFFFFFD0]  }
0x34d: {  	v5 =	vld.idx.msk [tilespmem:v5+s20+$0x0], $0xffff  }
0x34e: {  	v3 =	vld.idx.msk [tilespmem:v3+s20+$0x0], $0xffff  }
0x34f: {  	v4 =	vld.idx.msk [tilespmem:v4+s20+$0x0], $0xffff  }
0x350: {  	v12 =	vld.idx.msk [tilespmem:v44+s20+$0x0], $0xffff;
	[tilespmem:s13+$0x70] =	vst v2  }
0x351: {  	v2 =	vld [tilespmem:s17+$0x80]  }
0x352: {  	s19 =	simm.s32 $0x14550;
	v5 =	vmul.f32 v7, v5;
	v7 =	vld.idx.msk [tilespmem:v9+s20+$0x0], $0xffff  }
0x353: {  	v3 =	vmul.f32 v6, v3;
	v6 =	vld [tilespmem:s19+$0x50]  }
0x354: {  	v4 =	vmul.f32 v8, v4;
	v8 =	vld.idx.msk [tilespmem:v11+s20+$0x0], $0xffff  }
0x355: {  	[tilespmem:s13+$0xFFFFFF80] =	vst v5;
	v5 =	vld [tilespmem:s15+$0x80]  }
0x356: {  	[tilespmem:s13+$0x20] =	vst v4;
	v4 =	vld [tilespmem:s19+$0x0]  }
0x357: {  	[tilespmem:s13+$0xFFFFFFD0] =	vst v3;
	v3 =	vld [tilespmem:s17+$0xFFFFFF90]  }
0x358: {  	v9 =	vld [tilespmem:s17+$0xFFFFFFE0]  }
0x359: {  	v11 =	vld [tilespmem:s17+$0x30]  }
0x35a: {  	v46 =	vld [tilespmem:s15+$0xFFFFFFE0]  }
0x35b: {  	v6 =	vmul.f32 v6, v7;
	v7 =	vld [tilespmem:s19+$0xFFFFFF60]  }
0x35c: {  	s14 =	simm.s32 $0x19050;
	v2 =	vld.idx.msk [tilespmem:v2+s20+$0x0], $0xffff  }
0x35d: {  	v13 =	vld [tilespmem:s15+$0x30];
	[tilespmem:s14+$0x50] =	vst v6;
	v4 =	vmul.f32 v4, v8  }
0x35e: {  	v6 =	vld [tilespmem:s18+$0x60]  }
0x35f: {  	v8 =	vld [tilespmem:s19+$0x60];
	[tilespmem:s14+$0x0] =	vst v4  }
0x360: {  	v7 =	vmul.f32 v7, v12;
	v4 =	vld [tilespmem:s18+$0x10]  }
0x361: {  	v2 =	vmul.f32 v5, v2;
	v5 =	vld [tilespmem:s19+$0xFFFFFFB0]  }
0x362: {  	v3 =	vld.idx.msk [tilespmem:v3+s20+$0x0], $0xffff;
	[tilespmem:s14+$0xFFFFFF60] =	vst v7  }
0x363: {  	v7 =	vld [tilespmem:s18+$0xFFFFFF70]  }
0x364: {  	v9 =	vld.idx.msk [tilespmem:v9+s20+$0x0], $0xffff  }
0x365: {  	v11 =	vld.idx.msk [tilespmem:v11+s20+$0x0], $0xffff;
	[tilespmem:s13+$0x80] =	vst v2  }
0x366: {  	v2 =	vld [tilespmem:s17+$0x90];
	v5 =	vmul.f32 v5, v10  }
0x367: {  	v6 =	vld.idx.msk [tilespmem:v6+s20+$0x0], $0xffff  }
0x368: {  	v10 =	vld [tilespmem:s19+$0xFFFFFF70];
	[tilespmem:s14+$0xFFFFFFB0] =	vst v5  }
0x369: {  	v5 =	vld [tilespmem:s18+$0xFFFFFFC0]  }
0x36a: {  	v4 =	vld.idx.msk [tilespmem:v4+s20+$0x0], $0xffff  }
0x36b: {  	v7 =	vld.idx.msk [tilespmem:v7+s20+$0x0], $0xffff  }
0x36c: {  	v6 =	vmul.f32 v8, v6;
	v8 =	vld [tilespmem:s19+$0x10]  }
0x36d: {  	v45 =	vld [tilespmem:s19+$0xFFFFFFC0]  }
0x36e: {  	v2 =	vld.idx.msk [tilespmem:v2+s20+$0x0], $0xffff;
	[tilespmem:s14+$0x60] =	vst v6  }
0x36f: {  	v6 =	vld [tilespmem:s18+$0x70]  }
0x370: {  	v7 =	vmul.f32 v10, v7;
	v10 =	vld [tilespmem:s15+$0xFFFFFF90]  }
0x371: {  	v4 =	vmul.f32 v8, v4;
	s15 =	simm.s32 $0x1C3A0;
	v5 =	vld.idx.msk [tilespmem:v5+s20+$0x0], $0xffff  }
0x372: {  	v47 =	vld [tilespmem:s15+$0x0];
	[tilespmem:s14+$0xFFFFFF70] =	vst v7  }
0x373: {  	[tilespmem:s14+$0x10] =	vst v4;
	v4 =	vld [tilespmem:s19+$0x70]  }
0x374: {  	v7 =	vld [tilespmem:s18+$0xFFFFFF80]  }
0x375: {  	v8 =	vld [tilespmem:s18+$0x20]  }
0x376: {  	v14 =	vld [tilespmem:s19+$0xFFFFFF80]  }
0x377: {  	v16 =	vld [tilespmem:s19+$0x20];
	v5 =	vmul.f32 v45, v5  }
0x378: {  	v3 =	vmul.f32 v10, v3;
	v10 =	vld [tilespmem:s15+$0xFFFFFFB0]  }
0x379: {  	v6 =	vld.idx.msk [tilespmem:v6+s20+$0x0], $0xffff;
	[tilespmem:s14+$0xFFFFFFC0] =	vst v5  }
0x37a: {  	[tilespmem:s13+$0xFFFFFF90] =	vst v3;
	v3 =	vmul.f32 v13, v11;
	v5 =	vld [tilespmem:s18+$0xFFFFFFD0]  }
0x37b: {  	v15 =	vld [tilespmem:s19+$0xFFFFFFD0]  }
0x37c: {  	[tilespmem:s13+$0x30] =	vst v3;
	v12 =	vld.idx.msk [tilespmem:v47+s20+$0x0], $0xffff  }
0x37d: {  	v11 =	vld [tilespmem:s17+$0x40]  }
0x37e: {  	v4 =	vmul.f32 v4, v6;
	v6 =	vld.idx.msk [tilespmem:v7+s20+$0x0], $0xffff  }
0x37f: {  	v8 =	vld.idx.msk [tilespmem:v8+s20+$0x0], $0xffff  }
0x380: {  	[tilespmem:s14+$0x70] =	vst v4;
	v4 =	vmul.f32 v46, v9;
	v9 =	vld [tilespmem:s15+$0x50]  }
0x381: {  	v10 =	vld.idx.msk [tilespmem:v10+s20+$0x0], $0xffff  }
0x382: {  	v7 =	vld [tilespmem:s18+$0x80]  }
0x383: {  	v48 =	vld [tilespmem:s19+$0x80]  }
0x384: {  	[tilespmem:s13+$0xFFFFFFE0] =	vst v4;
	v4 =	vld [tilespmem:s17+$0xFFFFFFA0]  }
0x385: {  	v3 =	vld [tilespmem:s17+$0xFFFFFFF0]  }
0x386: {  	v6 =	vmul.f32 v14, v6;
	s17 =	simm.s32 $0x14690;
	v5 =	vld.idx.msk [tilespmem:v5+s20+$0x0], $0xffff  }
0x387: {  	v50 =	vld [tilespmem:s17+$0x50]  }
0x388: {  	[tilespmem:s14+$0xFFFFFF80] =	vst v6;
	v6 =	vld [tilespmem:s15+$0xFFFFFF60]  }
0x389: {  	v51 =	vld [tilespmem:s17+$0xFFFFFF60]  }
0x38a: {  	v52 =	vld [tilespmem:s17+$0xFFFFFFB0]  }
0x38b: {  	v8 =	vmul.f32 v16, v8;
	v53 =	vld [tilespmem:s17+$0x0]  }
0x38c: {  	v9 =	vld.idx.msk [tilespmem:v9+s20+$0x0], $0xffff  }
0x38d: {  	[tilespmem:s14+$0x20] =	vst v8;
	v59 =	vld [tilespmem:s19+$0xFFFFFF90]  }
0x38e: {  	v61 =	vld [tilespmem:s19+$0x30]  }
0x38f: {  	v7 =	vld.idx.msk [tilespmem:v7+s20+$0x0], $0xffff  }
0x390: {  	v5 =	vmul.f32 v15, v5;
	v6 =	vld.idx.msk [tilespmem:v6+s20+$0x0], $0xffff  }
0x391: {  	v4 =	vld.idx.msk [tilespmem:v4+s20+$0x0], $0xffff;
	v9 =	vmul.f32 v50, v9  }
0x392: {  	s16 =	simm.s32 $0x19190;
	v10 =	vmul.f32 v52, v10;
	[tilespmem:s14+$0xFFFFFFD0] =	vst v5;
	v5 =	vld [tilespmem:s18+$0xFFFFFF90]  }
0x393: {  	v49 =	vld [tilespmem:s18+$0xFFFFFFE0];
	[tilespmem:s16+$0x50] =	vst v9  }
0x394: {  	[tilespmem:s16+$0xFFFFFFB0] =	vst v10;
	v8 =	vld [tilespmem:s15+$0x60]  }
0x395: {  	v10 =	vld [tilespmem:s15+$0xFFFFFFC0];
	v6 =	vmul.f32 v51, v6  }
0x396: {  	v58 =	vld [tilespmem:s17+$0xFFFFFFC0]  }
0x397: {  	v60 =	vld [tilespmem:s19+$0xFFFFFFE0];
	[tilespmem:s16+$0xFFFFFF60] =	vst v6;
	v6 =	vmul.f32 v53, v12  }
0x398: {  	v9 =	vld [tilespmem:s18+$0x30]  }
0x399: {  	v55 =	vld [tilespmem:s15+$0xFFFFFF70];
	[tilespmem:s16+$0x0] =	vst v6  }
0x39a: {  	v7 =	vmul.f32 v48, v7;
	v6 =	vld [tilespmem:s15+$0x10]  }
0x39b: {  	v56 =	vld [tilespmem:s17+$0x60]  }
0x39c: {  	[tilespmem:s14+$0x80] =	vst v7;
	v8 =	vld.idx.msk [tilespmem:v8+s20+$0x0], $0xffff  }
0x39d: {  	v7 =	vld [tilespmem:s18+$0x90]  }
0x39e: {  	v10 =	vld.idx.msk [tilespmem:v10+s20+$0x0], $0xffff  }
0x39f: {  	v57 =	vld [tilespmem:s17+$0xFFFFFF70]  }
0x3a0: {  	v17 =	vld [tilespmem:s17+$0x10]  }
0x3a1: {  	v13 =	vld.idx.msk [tilespmem:v55+s20+$0x0], $0xffff;
	v8 =	vmul.f32 v56, v8  }
0x3a2: {  	v6 =	vld.idx.msk [tilespmem:v6+s20+$0x0], $0xffff  }
0x3a3: {  	v10 =	vmul.f32 v58, v10;
	[tilespmem:s16+$0x60] =	vst v8;
	v8 =	vld.idx.msk [tilespmem:v9+s20+$0x0], $0xffff  }
0x3a4: {  	v9 =	vld [tilespmem:s15+$0x70]  }
0x3a5: {  	v5 =	vld.idx.msk [tilespmem:v5+s20+$0x0], $0xffff;
	[tilespmem:s16+$0xFFFFFFC0] =	vst v10  }
0x3a6: {  	v10 =	vld [tilespmem:s15+$0xFFFFFFD0];
	v13 =	vmul.f32 v57, v13  }
0x3a7: {  	v54 =	vld.idx.msk [tilespmem:v49+s20+$0x0], $0xffff;
	v6 =	vmul.f32 v17, v6  }
0x3a8: {  	v7 =	vld.idx.msk [tilespmem:v7+s20+$0x0], $0xffff;
	[tilespmem:s16+$0xFFFFFF70] =	vst v13  }
0x3a9: {  	v13 =	vld [tilespmem:s15+$0xFFFFFF80];
	[tilespmem:s16+$0x10] =	vst v6  }
0x3aa: {  	v6 =	vld [tilespmem:s15+$0x20]  }
0x3ab: {  	v62 =	vld [tilespmem:s17+$0x70]  }
0x3ac: {  	v9 =	vld.idx.msk [tilespmem:v9+s20+$0x0], $0xffff  }
0x3ad: {  	v19 =	vld [tilespmem:s17+$0xFFFFFFD0]  }
0x3ae: {  	v10 =	vld.idx.msk [tilespmem:v10+s20+$0x0], $0xffff  }
0x3af: {  	v18 =	vld [tilespmem:s17+$0xFFFFFF80]  }
0x3b0: {  	v2 =	vnsel vm0, $0x0, v2;
	v5 =	vmul.f32 v59, v5;
	v20 =	vld [tilespmem:s17+$0x20]  }
0x3b1: {  	[tilespmem:s13+$0x90] =	vst v2;
	v13 =	vld.idx.msk [tilespmem:v13+s20+$0x0], $0xffff;
	v2 =	vmul.f32 v62, v9  }
0x3b2: {  	[tilespmem:s14+$0xFFFFFF90] =	vst v5;
	v9 =	vmul.f32 v60, v54;
	v63 =	vld.idx.msk [tilespmem:v6+s20+$0x0], $0xffff  }
0x3b3: {  	v5 =	vmul.f32 v61, v8;
	[tilespmem:s16+$0x70] =	vst v2;
	v2 =	vld [tilespmem:s18+$0xFFFFFFA0]  }
0x3b4: {  	[tilespmem:s14+$0xFFFFFFE0] =	vst v9;
	v9 =	vld [tilespmem:s15+$0x80]  }
0x3b5: {  	[tilespmem:s14+$0x30] =	vst v5;
	v6 =	vnsel vm0, $0x0, v7;
	v5 =	vld [tilespmem:s18+$0xFFFFFFF0]  }
0x3b6: {  	v4 =	vnsel vm0, $0x0, v4;
	[tilespmem:s14+$0x90] =	vst v6;
	v6 =	vld [tilespmem:s18+$0x40];
	v8 =	vmul.f32 v18, v13  }
0x3b7: {  	[tilespmem:s13+$0xFFFFFFA0] =	vst v4;
	v10 =	vmul.f32 v19, v10;
	v7 =	vld.idx.msk [tilespmem:v3+s20+$0x0], $0xffff  }
0x3b8: {  	s4 =	simm.s32 $0x1C4E0;
	s19 =	simm.s32 $0x8;
	s18 =	simm.s32 $0x14690;
	[tilespmem:s16+$0xFFFFFF80] =	vst v8;
	v4 =	vmul.f32 v20, v63;
	v8 =	vld.idx.msk [tilespmem:v11+s20+$0x0], $0xffff  }
.LBB2_15:
0x3b9: {  	v11 =	vld [tilespmem:s4+$0x50];
	s19 =	sadd.s32 $0x4, s19;
	[tilespmem:s16+$0xFFFFFFD0] =	vst v10  }
0x3ba: {  	v10 =	vld [tilespmem:s4+$0xFFFFFFB0];
	p1 =	slt.u32 s19, $0x4C;
	[tilespmem:s16+$0x20] =	vst v4;
	v4 =	vmov v5  }
0x3bb: {  	v5 =	vld [tilespmem:s4+$0x0];
	v3 =	vmov v6  }
0x3bc: {  	v6 =	vld.idx.msk [tilespmem:v9+s20+$0x0], $0xffff  }
0x3bd: {  	v7 =	vnsel vm0, $0x0, v7;
	v9 =	vld [tilespmem:s17+$0x80]  }
0x3be: {  	v12 =	vld [tilespmem:s4+$0xFFFFFF60];
	[tilespmem:s13+$0xFFFFFFF0] =	vst v7;
	v7 =	vnsel vm0, $0x0, v8  }
0x3bf: {  	v8 =	vld [tilespmem:s15+$0xFFFFFF90];
	[tilespmem:s13+$0x40] =	vst v7;
	s13 =	smov.u32 s14;
	s14 =	smov.u32 s16  }
0x3c0: {  	v7 =	vld [tilespmem:s15+$0xFFFFFFE0]  }
0x3c1: {  	s17 =	sadd.s32 $0x140, s17;
	v11 =	vld.idx.msk [tilespmem:v11+s20+$0x0], $0xffff  }
0x3c2: {  	v13 =	vld [tilespmem:s17+$0x50];
	v6 =	vmul.f32 v9, v6  }
0x3c3: {  	v9 =	vld.idx.msk [tilespmem:v10+s20+$0x0], $0xffff  }
0x3c4: {  	v5 =	vld.idx.msk [tilespmem:v5+s20+$0x0], $0xffff;
	[tilespmem:s16+$0x80] =	vst v6  }
0x3c5: {  	v6 =	vld [tilespmem:s15+$0x90]  }
0x3c6: {  	v10 =	vld.idx.msk [tilespmem:v12+s20+$0x0], $0xffff  }
0x3c7: {  	v12 =	vld [tilespmem:s17+$0xFFFFFF60];
	v11 =	vmul.f32 v13, v11  }
0x3c8: {  	s16 =	sadd.s32 $0x140, s16;
	v13 =	vld [tilespmem:s17+$0xFFFFFFB0]  }
0x3c9: {  	v14 =	vld [tilespmem:s17+$0x0];
	[tilespmem:s16+$0x50] =	vst v11  }
0x3ca: {  	v11 =	vld [tilespmem:s4+$0x60]  }
0x3cb: {  	v15 =	vld [tilespmem:s15+$0x30]  }
0x3cc: {  	v10 =	vmul.f32 v12, v10;
	v8 =	vld.idx.msk [tilespmem:v8+s20+$0x0], $0xffff  }
0x3cd: {  	v9 =	vmul.f32 v13, v9;
	v6 =	vld.idx.msk [tilespmem:v6+s20+$0x0], $0xffff  }
0x3ce: {  	[tilespmem:s16+$0xFFFFFF60] =	vst v10;
	v5 =	vmul.f32 v14, v5;
	v7 =	vld.idx.msk [tilespmem:v7+s20+$0x0], $0xffff  }
0x3cf: {  	v10 =	vld [tilespmem:s4+$0xFFFFFF70];
	[tilespmem:s16+$0xFFFFFFB0] =	vst v9  }
0x3d0: {  	v9 =	vld [tilespmem:s4+$0xFFFFFFC0];
	[tilespmem:s16+$0x0] =	vst v5  }
0x3d1: {  	v5 =	vld [tilespmem:s4+$0x10]  }
0x3d2: {  	v11 =	vld.idx.msk [tilespmem:v11+s20+$0x0], $0xffff  }
0x3d3: {  	v6 =	vnsel vm0, $0x0, v6;
	v12 =	vld [tilespmem:s17+$0x60]  }
0x3d4: {  	v13 =	vld [tilespmem:s17+$0xFFFFFF70];
	[tilespmem:s14+$0x90] =	vst v6  }
0x3d5: {  	v6 =	vld [tilespmem:s17+$0xFFFFFFC0]  }
0x3d6: {  	v14 =	vld [tilespmem:s17+$0x10]  }
0x3d7: {  	v10 =	vld.idx.msk [tilespmem:v10+s20+$0x0], $0xffff  }
0x3d8: {  	v9 =	vld.idx.msk [tilespmem:v9+s20+$0x0], $0xffff;
	v11 =	vmul.f32 v12, v11  }
0x3d9: {  	v5 =	vld.idx.msk [tilespmem:v5+s20+$0x0], $0xffff  }
0x3da: {  	[tilespmem:s16+$0x60] =	vst v11;
	v11 =	vld.idx.msk [tilespmem:v15+s20+$0x0], $0xffff  }
0x3db: {  	v12 =	vld [tilespmem:s4+$0x70]  }
0x3dc: {  	v15 =	vld [tilespmem:s18+$0xFFFFFF90]  }
0x3dd: {  	v10 =	vmul.f32 v13, v10;
	v13 =	vld [tilespmem:s18+$0xFFFFFFE0]  }
0x3de: {  	v6 =	vmul.f32 v6, v9;
	v9 =	vld [tilespmem:s18+$0x30];
	s18 =	smov.u32 s17  }
0x3df: {  	v5 =	vmul.f32 v14, v5;
	[tilespmem:s16+$0xFFFFFF70] =	vst v10;
	v2 =	vld.idx.msk [tilespmem:v2+s20+$0x0], $0xffff  }
0x3e0: {  	v10 =	vld [tilespmem:s4+$0xFFFFFF80];
	[tilespmem:s16+$0xFFFFFFC0] =	vst v6  }
0x3e1: {  	v6 =	vld [tilespmem:s4+$0xFFFFFFD0];
	[tilespmem:s16+$0x10] =	vst v5;
	v5 =	vmul.f32 v15, v8  }
0x3e2: {  	v8 =	vld [tilespmem:s4+$0x20];
	v7 =	vmul.f32 v13, v7  }
0x3e3: {  	v12 =	vld.idx.msk [tilespmem:v12+s20+$0x0], $0xffff;
	[tilespmem:s14+$0xFFFFFF90] =	vst v5;
	v5 =	vmul.f32 v9, v11  }
0x3e4: {  	v9 =	vld [tilespmem:s17+$0x70];
	[tilespmem:s14+$0xFFFFFFE0] =	vst v7  }
0x3e5: {  	v2 =	vnsel vm0, $0x0, v2;
	v7 =	vld [tilespmem:s17+$0xFFFFFF80];
	[tilespmem:s14+$0x30] =	vst v5  }
0x3e6: {  	v11 =	vld [tilespmem:s17+$0xFFFFFFD0];
	[tilespmem:s13+$0xFFFFFFA0] =	vst v2  }
0x3e7: {  	v13 =	vld [tilespmem:s17+$0x20]  }
0x3e8: {  	v10 =	vld.idx.msk [tilespmem:v10+s20+$0x0], $0xffff  }
0x3e9: {  	v14 =	vld.idx.msk [tilespmem:v6+s20+$0x0], $0xffff;
	v2 =	vmul.f32 v9, v12  }
0x3ea: {  	v8 =	vld.idx.msk [tilespmem:v8+s20+$0x0], $0xffff  }
0x3eb: {  	[tilespmem:s16+$0x70] =	vst v2;
	v2 =	vld [tilespmem:s15+$0xFFFFFFA0]  }
.Ltmp6:
0x3ec: {  	v9 =	vld [tilespmem:s4+$0x80];
	(pc) =	sbr.rel @p1 .LBB2_15-.Ltmp6, $4  }
0x3ed: {  	v5 =	vld [tilespmem:s15+$0xFFFFFFF0]  }
0x3ee: {  	v12 =	vmul.f32 v7, v10;
	v6 =	vld [tilespmem:s15+$0x40];
	s15 =	smov.u32 s4  }
0x3ef: {  	v10 =	vmul.f32 v11, v14;
	v7 =	vld.idx.msk [tilespmem:v4+s20+$0x0], $0xffff  }
0x3f0: {  	s4 =	sadd.s32 $0x140, s4;
	v4 =	vmul.f32 v13, v8;
	[tilespmem:s16+$0xFFFFFF80] =	vst v12;
	v8 =	vld.idx.msk [tilespmem:v3+s20+$0x0], $0xffff  }
0x3f1: {  	_ =	sdelay $0x2  }
0x3f2: {  	v3 =	vld [tilespmem:s15+$0xFFFFFF90]  }
0x3f3: {  	v9 =	vld.idx.msk [tilespmem:v9+s20+$0x0], $0xffff  }
0x3f4: {  	[tilespmem:s16+$0xFFFFFFD0] =	vst v10;
	v11 =	vld [tilespmem:s17+$0x80]  }
0x3f5: {  	[tilespmem:s16+$0x20] =	vst v4;
	v4 =	vld [tilespmem:s15+$0xFFFFFFE0]  }
0x3f6: {  	v10 =	vld [tilespmem:s15+$0x30];
	_ =	sdelay $0x2  }
0x3f7: {  	v12 =	vld [tilespmem:s18+$0xFFFFFF90]  }
0x3f8: {  	v13 =	vld [tilespmem:s18+$0x30]  }
0x3f9: {  	v9 =	vmul.f32 v11, v9;
	v11 =	vld [tilespmem:s18+$0xFFFFFFE0]  }
0x3fa: {  	v3 =	vld.idx.msk [tilespmem:v3+s20+$0x0], $0xffff  }
0x3fb: {  	v4 =	vld.idx.msk [tilespmem:v4+s20+$0x0], $0xffff  }
0x3fc: {  	v10 =	vld.idx.msk [tilespmem:v10+s20+$0x0], $0xffff  }
0x3fd: {  	[tilespmem:s16+$0x80] =	vst v9  }
0x3fe: {  	v9 =	vld [tilespmem:s15+$0x90]  }
0x3ff: {  	v3 =	vmul.f32 v12, v3  }
0x400: {  	v4 =	vmul.f32 v11, v4  }
0x401: {  	[tilespmem:s16+$0xFFFFFF90] =	vst v3;
	v3 =	vmul.f32 v13, v10  }
0x402: {  	[tilespmem:s16+$0xFFFFFFE0] =	vst v4;
	v4 =	vld [tilespmem:s15+$0xFFFFFFA0]  }
0x403: {  	[tilespmem:s16+$0x30] =	vst v3;
	v3 =	vld [tilespmem:s15+$0xFFFFFFF0]  }
0x404: {  	v10 =	vld [tilespmem:s15+$0x40];
	_ =	sdelay $0x1  }
0x405: {  	v9 =	vld.idx.msk [tilespmem:v9+s20+$0x0], $0xffff  }
0x406: {  	v2 =	vld.idx.msk [tilespmem:v2+s20+$0x0], $0xffff  }
0x407: {  	v5 =	vld.idx.msk [tilespmem:v5+s20+$0x0], $0xffff  }
0x408: {  	v6 =	vld.idx.msk [tilespmem:v6+s20+$0x0], $0xffff;
	v7 =	vnsel vm0, $0x0, v7  }
0x409: {  	[tilespmem:s13+$0xFFFFFFF0] =	vst v7;
	v7 =	vnsel vm0, $0x0, v8;
	v4 =	vld.idx.msk [tilespmem:v4+s20+$0x0], $0xffff  }
0x40a: {  	[tilespmem:s13+$0x40] =	vst v7;
	v7 =	vnsel vm0, $0x0, v9;
	v3 =	vld.idx.msk [tilespmem:v3+s20+$0x0], $0xffff  }
0x40b: {  	v2 =	vnsel vm0, $0x0, v2;
	[tilespmem:s16+$0x90] =	vst v7;
	v7 =	vld.idx.msk [tilespmem:v10+s20+$0x0], $0xffff  }
0x40c: {  	[tilespmem:s14+$0xFFFFFFA0] =	vst v2;
	v2 =	vnsel vm0, $0x0, v5  }
0x40d: {  	[tilespmem:s14+$0xFFFFFFF0] =	vst v2;
	v2 =	vnsel vm0, $0x0, v6  }
0x40e: {  	[tilespmem:s14+$0x40] =	vst v2;
	v2 =	vnsel vm0, $0x0, v4  }
0x40f: {  	[tilespmem:s16+$0xFFFFFFA0] =	vst v2;
	v2 =	vnsel vm0, $0x0, v3  }
0x410: {  	[tilespmem:s16+$0xFFFFFFF0] =	vst v2;
	v2 =	vnsel vm0, $0x0, v7  }
0x411: {  	s4 =	sadd.s32 $0xEB00, s12;
	[tilespmem:s16+$0x40] =	vst v2  }
0x412: {  	[spmem:s3] =	stream.indirect.scatter.add.f32 [tilespmem:s25], [sflag:$0x5], $0x50, s4, s26, $0xb8;
	[tilespmem:$0x1D980] =	vst v63  }
0x413: {  	s13 =	simm.s32 @!p0 $0x50;
	s14 =	simm.s32 @!p0 $0x14370;
	s4 =	sadd.s32 @!p0 $0xC530, s11  }
0x414: {  	[tilespmem:s14], [sflag:$0x3] =	stream.indirect.gather @!p0 [hbm4b:s5+s13], $0x50, s4, s13, $0xb8;
	[tilespmem:$0x1D980] =	vst v63  }
0x415: {  	s4 =	sadd.s32 @!p0 $0xEC40, s11;
	s14 =	simm.s32 @!p0 $0x17F70  }
0x416: {  	[tilespmem:s14], [sflag:$0x3] =	stream.indirect.gather @!p0 [hbm4b:s2+s13], $0x10, s4, s13, $0xb8;
	[tilespmem:$0x1D980] =	vst v63  }
0x417: {  	_ =	swait.ge [sflag:s6], $0x1900  }
0x418: {  	[sflag:s6] =	ssyncset.done $0x0  }
0x419: {  	[sflag:s6] =	ssyncadd.s32 $0xFFFFE700  }
0x41a: {  	_ =	swait.ge [sflag:s6], $0x500  }
0x41b: {  	[sflag:s6] =	ssyncset.done $0x0  }
0x41c: {  	[sflag:s6] =	ssyncadd.s32 $0xFFFFFB00  }
0x41d: {  	_ =	swait.ge [sflag:s7], $0x1900  }
0x41e: {  	[sflag:s7] =	ssyncset.done $0x0  }
0x41f: {  	s15 =	simm.s32 $0x15D50;
	[sflag:s7] =	ssyncadd.s32 $0xFFFFE700  }
0x420: {  	s16 =	simm.s32 $0x18490;
	v2 =	vld [tilespmem:s15+$0x50]  }
0x421: {  	v3 =	vld [tilespmem:s16+$0x10]  }
0x422: {  	v5 =	vld [tilespmem:s15+$0xFFFFFFB0]  }
0x423: {  	v6 =	vld [tilespmem:s16+$0xFFFFFFF0]  }
0x424: {  	v7 =	vld [tilespmem:s15+$0x0]  }
0x425: {  	v8 =	vld [tilespmem:s16+$0x0]  }
0x426: {  	s17 =	simm.s32 $0x15E90;
	v4 =	vld [tilespmem:s16+$0xFFFFFFE0]  }
0x427: {  	v10 =	vld [tilespmem:s17+$0x50]  }
0x428: {  	s18 =	simm.s32 $0x184D0;
	v2 =	vadd.f32 v3, v2;
	v3 =	vld [tilespmem:s15+$0xFFFFFF60]  }
0x429: {  	v5 =	vadd.f32 v6, v5;
	v6 =	vld [tilespmem:s18+$0x10]  }
0x42a: {  	v7 =	vadd.f32 v8, v7;
	v9 =	vmul.f32 $2.000000030e-01, v2  }
0x42b: {  	vm1 =	vgt.f32 v2, $0.0e+00  }
0x42c: {  	v12 =	vld [tilespmem:s18+$0xFFFFFFF0];
	vm2 =	vgt.f32 v7, $0.0e+00;
	v11 =	vmul.f32 $2.000000030e-01, v7;
	v2 =	vsel vm1, v2, v9  }
0x42d: {  	v8 =	vld [tilespmem:s18+$0xFFFFFFE0];
	v9 =	vmul.f32 $2.000000030e-01, v5;
	v2 =	vsub.f32 v2, v1;
	v3 =	vadd.f32 v4, v3  }
0x42e: {  	vm1 =	vgt.f32 v5, $0.0e+00;
	v7 =	vsel vm2, v7, v11;
	v11 =	vld [tilespmem:s18+$0x0];
	v6 =	vadd.f32 v6, v10  }
0x42f: {  	v4 =	vld [tilespmem:s17+$0xFFFFFFB0];
	v5 =	vsel vm1, v5, v9;
	v2 =	vmul.f32 $1.442695020e+00, v2;
	v13 =	vmul.f32 $2.000000030e-01, v3  }
0x430: {  	v9 =	vld [tilespmem:s17+$0x0];
	vm3 =	vgt.f32 v3, $0.0e+00;
	v5 =	vsub.f32 v5, v1;
	v10 =	vmul.f32 $2.000000030e-01, v6  }
0x431: {  	(erf) = vpow2.f32 v2;
	v2 =	vsel vm3, v3, v13;
	v3 =	vsub.f32 v7, v1;
	v7 =	vld [tilespmem:s17+$0xFFFFFF60]  }
0x432: {  	vm1 =	vgt.f32 v6, $0.0e+00  }
0x433: {  	s19 =	simm.s32 $0x15FD0;
	v5 =	vmul.f32 $1.442695020e+00, v5;
	v6 =	vsel vm1, v6, v10;
	v2 =	vsub.f32 v2, v1  }
0x434: {  	s13 =	simm.s32 $0x18510;
	v6 =	vsub.f32 v6, v1;
	v13 =	vmul.f32 $1.442695020e+00, v3;
	v3 =	vadd.f32 v12, v4;
	v4 =	vld [tilespmem:s19+$0x50]  }
0x435: {  	(erf) = vpow2.f32 v5;
	v5 =	vld [tilespmem:s13+$0x10];
	v2 =	vmul.f32 $1.442695020e+00, v2  }
0x436: {  	v9 =	vadd.f32 v11, v9;
	v6 =	vmul.f32 $1.442695020e+00, v6;
	v8 =	vadd.f32 v8, v7  }
0x437: {  	v14 =	vld [tilespmem:s13+$0xFFFFFFF0];
	v10 =	vmul.f32 $2.000000030e-01, v3;
	vm1 =	vgt.f32 v3, $0.0e+00;
	(erf) = vpow2.f32 v2  }
0x438: {  	v11 =	vld [tilespmem:s19+$0xFFFFFFB0];
	vm2 =	vgt.f32 v9, $0.0e+00;
	v2 =	vmul.f32 $2.000000030e-01, v9;
	v12 =	vmul.f32 $2.000000030e-01, v8  }
0x439: {  	v3 =	vsel vm1, v3, v10;
	(erf) = vpow2.f32 v6;
	v6 =	vld [tilespmem:s13+$0x0];
	vm3 =	vgt.f32 v8, $0.0e+00  }
0x43a: {  	v10 =	vsub.f32 v3, v1;
	v3 =	vld [tilespmem:s13+$0xFFFFFFE0];
	v7 =	vadd.f32 v5, v4;
	v5 =	vsel vm3, v8, v12  }
0x43b: {  	v2 =	vsel vm2, v9, v2;
	v4 =	vld [tilespmem:s19+$0x0]  }
0x43c: {  	(erf) = vpow2.f32 v13;
	v2 =	vsub.f32 v2, v1;
	v8 =	vld [tilespmem:s19+$0xFFFFFF60];
	v9 =	vsub.f32 v5, v1  }
0x43d: {  	s4 =	simm.s32 $0x18990;
	v10 =	vmul.f32 $1.442695020e+00, v10;
	v12 =	vmul.f32 $2.000000030e-01, v7;
	vm1 =	vgt.f32 v7, $0.0e+00;
	v5 =	vpop (erf)  }
0x43e: {  	s14 =	simm.s32 $0x18990;
	s16 =	simm.s32 $0x16110;
	s15 =	simm.s32 $0x8;
	v2 =	vmul.f32 $1.442695020e+00, v2;
	v9 =	vmul.f32 $1.442695020e+00, v9;
	[tilespmem:s4+$0x10] =	vst v5;
	v5 =	vadd.f32 v14, v11;
	v11 =	vpop (erf)  }
.LBB2_17:
0x43f: {  	v13 =	vld [tilespmem:s16+$0x50];
	v12 =	vsel vm1, v7, v12;
	s13 =	sadd.s32 $0x40, s13;
	(erf) = vpow2.f32 v10;
	[tilespmem:s4+$0xFFFFFFF0] =	vst v11  }
0x440: {  	s15 =	sadd.s32 $0x4, s15;
	v10 =	vld [tilespmem:s13+$0x10];
	v16 =	vmul.f32 $2.000000030e-01, v5;
	v6 =	vadd.f32 v6, v4;
	v4 =	vsub.f32 v12, v1;
	v7 =	vpop (erf)  }
0x441: {  	p1 =	slt.u32 s15, $0x4C;
	vm1 =	vgt.f32 v5, $0.0e+00;
	v8 =	vadd.f32 v3, v8;
	v3 =	vld [tilespmem:s13+$0xFFFFFFE0];
	(erf) = vpow2.f32 v9;
	[tilespmem:s4+$0xFFFFFFE0] =	vst v7  }
0x442: {  	v9 =	vld [tilespmem:s16+$0xFFFFFFB0];
	vm2 =	vgt.f32 v6, $0.0e+00;
	v7 =	vmul.f32 $2.000000030e-01, v6;
	v17 =	vmul.f32 $1.442695020e+00, v4  }
0x443: {  	s4 =	sadd.s32 $0x40, s4;
	v5 =	vsel vm1, v5, v16;
	v14 =	vld [tilespmem:s13+$0xFFFFFFF0];
	vm3 =	vgt.f32 v8, $0.0e+00;
	v15 =	vmul.f32 $2.000000030e-01, v8;
	v11 =	vpop (erf)  }
.Ltmp7:
0x444: {  	v5 =	vsub.f32 v5, v1;
	v4 =	vld [tilespmem:s16+$0x0];
	v16 =	vsel vm2, v6, v7;
	(erf) = vpow2.f32 v17;
	[tilespmem:s4+$0x10] =	vst v11;
	(pc) =	sbr.rel @p1 .LBB2_17-.Ltmp7, $4  }
0x445: {  	v6 =	vld [tilespmem:s13+$0x0];
	v7 =	vadd.f32 v10, v13;
	v10 =	vsel vm3, v8, v15;
	v15 =	vsub.f32 v16, v1;
	v12 =	vpop (erf)  }
0x446: {  	v8 =	vld [tilespmem:s16+$0xFFFFFF60];
	v13 =	vsub.f32 v10, v1;
	v10 =	vmul.f32 $1.442695020e+00, v5;
	(erf) = vpow2.f32 v2;
	[tilespmem:s14+$0x0] =	vst v12;
	s14 =	smov.u32 s4  }
0x447: {  	v12 =	vmul.f32 $2.000000030e-01, v7;
	v2 =	vmul.f32 $1.442695020e+00, v15  }
0x448: {  	s16 =	sadd.s32 $0x140, s16;
	vm1 =	vgt.f32 v7, $0.0e+00;
	v5 =	vadd.f32 v14, v9;
	v9 =	vmul.f32 $1.442695020e+00, v13;
	v11 =	vpop (erf)  }
0x449: {  	_ =	sdelay $0x1  }
0x44a: {  	v7 =	vsel vm1, v7, v12;
	v4 =	vadd.f32 v6, v4;
	v3 =	vadd.f32 v3, v8  }
0x44b: {  	(erf) = vpow2.f32 v10;
	v6 =	vmul.f32 $2.000000030e-01, v5;
	v7 =	vsub.f32 v7, v1  }
0x44c: {  	vm1 =	vgt.f32 v5, $0.0e+00;
	vm2 =	vgt.f32 v4, $0.0e+00;
	v8 =	vmul.f32 $2.000000030e-01, v3  }
0x44d: {  	v10 =	vmul.f32 $2.000000030e-01, v4;
	v5 =	vsel vm1, v5, v6;
	vm3 =	vgt.f32 v3, $0.0e+00  }
0x44e: {  	v6 =	vmul.f32 $1.442695020e+00, v7;
	v5 =	vsub.f32 v5, v1;
	v3 =	vsel vm3, v3, v8  }
0x44f: {  	(erf) = vpow2.f32 v9;
	v4 =	vsel vm2, v4, v10;
	v3 =	vsub.f32 v3, v1  }
0x450: {  	(erf) = vpow2.f32 v6;
	v4 =	vsub.f32 v4, v1;
	v5 =	vmul.f32 $1.442695020e+00, v5  }
0x451: {  	(erf) = vpow2.f32 v2;
	v2 =	vmul.f32 $1.442695020e+00, v3  }
0x452: {  	v3 =	vmul.f32 $1.442695020e+00, v4  }
0x453: {  	(erf) = vpow2.f32 v5  }
0x454: {  	(erf) = vpow2.f32 v2  }
0x455: {  	[tilespmem:s4+$0xFFFFFFF0] =	vst v11;
	v2 =	vpop (erf);
	(erf) = vpow2.f32 v3  }
0x456: {  	s16 =	sadd.s32 $0x40, s4;
	v3 =	vpop (erf);
	[tilespmem:s4+$0xFFFFFFE0] =	vst v2  }
0x457: {  	v2 =	vpop (erf);
	[tilespmem:s16+$0x10] =	vst v3  }
0x458: {  	v3 =	vpop (erf);
	[tilespmem:s14+$0x0] =	vst v2  }
0x459: {  	v2 =	vpop (erf);
	[tilespmem:s16+$0xFFFFFFF0] =	vst v3  }
0x45a: {  	s13 =	sadd.s32 $0x40, s16;
	v3 =	vpop (erf);
	[tilespmem:s16+$0xFFFFFFE0] =	vst v2  }
0x45b: {  	[tilespmem:s13+$0x10] =	vst v3;
	v2 =	vpop (erf)  }
0x45c: {  	[tilespmem:s16+$0x0] =	vst v2;
	v2 =	vpop (erf)  }
0x45d: {  	[tilespmem:s13+$0xFFFFFFF0] =	vst v2;
	v2 =	vpop (erf)  }
0x45e: {  	[tilespmem:s13+$0xFFFFFFE0] =	vst v2;
	v2 =	vpop (erf)  }
0x45f: {  	s17 =	simm.s32 $0x1C120;
	[tilespmem:s13+$0x0] =	vst v2  }
0x460: {  	v2 =	vld [tilespmem:s17+$0x50];
	_ =	sdelay $0x2  }
0x461: {  	s15 =	simm.s32 $0x15D10  }
0x462: {  	v3 =	vld [tilespmem:s15+$0x50]  }
0x463: {  	v4 =	vld [tilespmem:s17+$0xFFFFFFB0]  }
0x464: {  	v5 =	vld [tilespmem:s17+$0x0]  }
0x465: {  	v6 =	vld [tilespmem:s17+$0xFFFFFF60]  }
0x466: {  	v2 =	vld.idx.msk [tilespmem:v2+s20+$0x0], $0xffff;
	_ =	sdelay $0x4  }
0x467: {  	v2 =	vmul.f32 v3, v2;
	v3 =	vld.idx.msk [tilespmem:v4+s20+$0x0], $0xffff  }
0x468: {  	v4 =	vld.idx.msk [tilespmem:v5+s20+$0x0], $0xffff  }
0x469: {  	v5 =	vld.idx.msk [tilespmem:v6+s20+$0x0], $0xffff  }
0x46a: {  	v6 =	vld [tilespmem:s15+$0xFFFFFF60]  }
0x46b: {  	s13 =	simm.s32 $0x1A810;
	v7 =	vld [tilespmem:s15+$0xFFFFFFB0]  }
0x46c: {  	v8 =	vld [tilespmem:s15+$0x0];
	[tilespmem:s13+$0x50] =	vst v2  }
0x46d: {  	v2 =	vld [tilespmem:s17+$0x60];
	_ =	sdelay $0x1  }
0x46e: {  	v5 =	vmul.f32 v6, v5  }
0x46f: {  	v3 =	vmul.f32 v7, v3  }
0x470: {  	v6 =	vld [tilespmem:s15+$0x60];
	v4 =	vmul.f32 v8, v4;
	[tilespmem:s13+$0xFFFFFF60] =	vst v5  }
0x471: {  	[tilespmem:s13+$0xFFFFFFB0] =	vst v3;
	v5 =	vld [tilespmem:s17+$0xFFFFFF70]  }
0x472: {  	[tilespmem:s13+$0x0] =	vst v4;
	v3 =	vld [tilespmem:s17+$0xFFFFFFC0]  }
0x473: {  	v4 =	vld [tilespmem:s17+$0x10]  }
0x474: {  	v2 =	vld.idx.msk [tilespmem:v2+s20+$0x0], $0xffff;
	_ =	sdelay $0x2  }
0x475: {  	v7 =	vld [tilespmem:s15+$0xFFFFFFC0]  }
0x476: {  	v8 =	vld [tilespmem:s15+$0x10]  }
0x477: {  	v2 =	vmul.f32 v6, v2;
	v6 =	vld [tilespmem:s15+$0xFFFFFF70]  }
0x478: {  	v5 =	vld.idx.msk [tilespmem:v5+s20+$0x0], $0xffff  }
0x479: {  	v3 =	vld.idx.msk [tilespmem:v3+s20+$0x0], $0xffff  }
0x47a: {  	v4 =	vld.idx.msk [tilespmem:v4+s20+$0x0], $0xffff;
	[tilespmem:s13+$0x60] =	vst v2  }
0x47b: {  	s18 =	simm.s32 $0x1C260;
	v2 =	vld [tilespmem:s17+$0x70]  }
0x47c: {  	v9 =	vld [tilespmem:s18+$0x50]  }
0x47d: {  	v10 =	vld [tilespmem:s18+$0xFFFFFFB0];
	v5 =	vmul.f32 v6, v5  }
0x47e: {  	v11 =	vld [tilespmem:s18+$0x0];
	v3 =	vmul.f32 v7, v3  }
0x47f: {  	v6 =	vld [tilespmem:s15+$0x70];
	v4 =	vmul.f32 v8, v4;
	[tilespmem:s13+$0xFFFFFF70] =	vst v5  }
0x480: {  	[tilespmem:s13+$0xFFFFFFC0] =	vst v3;
	v5 =	vld [tilespmem:s17+$0xFFFFFF80]  }
0x481: {  	[tilespmem:s13+$0x10] =	vst v4;
	v3 =	vld [tilespmem:s17+$0xFFFFFFD0]  }
0x482: {  	v4 =	vld [tilespmem:s17+$0x20]  }
0x483: {  	v2 =	vld.idx.msk [tilespmem:v2+s20+$0x0], $0xffff  }
0x484: {  	v44 =	vld [tilespmem:s18+$0xFFFFFF60]  }
0x485: {  	v10 =	vld.idx.msk [tilespmem:v10+s20+$0x0], $0xffff  }
0x486: {  	v7 =	vld [tilespmem:s15+$0xFFFFFF80]  }
0x487: {  	v8 =	vld [tilespmem:s15+$0x20]  }
0x488: {  	v2 =	vmul.f32 v6, v2;
	v6 =	vld [tilespmem:s15+$0xFFFFFFD0]  }
0x489: {  	v5 =	vld.idx.msk [tilespmem:v5+s20+$0x0], $0xffff  }
0x48a: {  	v3 =	vld.idx.msk [tilespmem:v3+s20+$0x0], $0xffff  }
0x48b: {  	v4 =	vld.idx.msk [tilespmem:v4+s20+$0x0], $0xffff  }
0x48c: {  	v12 =	vld.idx.msk [tilespmem:v44+s20+$0x0], $0xffff;
	[tilespmem:s13+$0x70] =	vst v2  }
0x48d: {  	v2 =	vld [tilespmem:s17+$0x80]  }
0x48e: {  	s19 =	simm.s32 $0x15E50;
	v5 =	vmul.f32 v7, v5;
	v7 =	vld.idx.msk [tilespmem:v9+s20+$0x0], $0xffff  }
0x48f: {  	v3 =	vmul.f32 v6, v3;
	v6 =	vld [tilespmem:s19+$0x50]  }
0x490: {  	v4 =	vmul.f32 v8, v4;
	v8 =	vld.idx.msk [tilespmem:v11+s20+$0x0], $0xffff  }
0x491: {  	[tilespmem:s13+$0xFFFFFF80] =	vst v5;
	v5 =	vld [tilespmem:s15+$0x80]  }
0x492: {  	[tilespmem:s13+$0x20] =	vst v4;
	v4 =	vld [tilespmem:s19+$0x0]  }
0x493: {  	[tilespmem:s13+$0xFFFFFFD0] =	vst v3;
	v3 =	vld [tilespmem:s17+$0xFFFFFF90]  }
0x494: {  	v9 =	vld [tilespmem:s17+$0xFFFFFFE0]  }
0x495: {  	v11 =	vld [tilespmem:s17+$0x30]  }
0x496: {  	v46 =	vld [tilespmem:s15+$0xFFFFFFE0]  }
0x497: {  	v6 =	vmul.f32 v6, v7;
	v7 =	vld [tilespmem:s19+$0xFFFFFF60]  }
0x498: {  	s14 =	simm.s32 $0x1A950;
	v2 =	vld.idx.msk [tilespmem:v2+s20+$0x0], $0xffff  }
0x499: {  	v13 =	vld [tilespmem:s15+$0x30];
	[tilespmem:s14+$0x50] =	vst v6;
	v4 =	vmul.f32 v4, v8  }
0x49a: {  	v6 =	vld [tilespmem:s18+$0x60]  }
0x49b: {  	v8 =	vld [tilespmem:s19+$0x60];
	[tilespmem:s14+$0x0] =	vst v4  }
0x49c: {  	v7 =	vmul.f32 v7, v12;
	v4 =	vld [tilespmem:s18+$0x10]  }
0x49d: {  	v2 =	vmul.f32 v5, v2;
	v5 =	vld [tilespmem:s19+$0xFFFFFFB0]  }
0x49e: {  	v3 =	vld.idx.msk [tilespmem:v3+s20+$0x0], $0xffff;
	[tilespmem:s14+$0xFFFFFF60] =	vst v7  }
0x49f: {  	v7 =	vld [tilespmem:s18+$0xFFFFFF70]  }
0x4a0: {  	v9 =	vld.idx.msk [tilespmem:v9+s20+$0x0], $0xffff  }
0x4a1: {  	v11 =	vld.idx.msk [tilespmem:v11+s20+$0x0], $0xffff;
	[tilespmem:s13+$0x80] =	vst v2  }
0x4a2: {  	v2 =	vld [tilespmem:s17+$0x90];
	v5 =	vmul.f32 v5, v10  }
0x4a3: {  	v6 =	vld.idx.msk [tilespmem:v6+s20+$0x0], $0xffff  }
0x4a4: {  	v10 =	vld [tilespmem:s19+$0xFFFFFF70];
	[tilespmem:s14+$0xFFFFFFB0] =	vst v5  }
0x4a5: {  	v5 =	vld [tilespmem:s18+$0xFFFFFFC0]  }
0x4a6: {  	v4 =	vld.idx.msk [tilespmem:v4+s20+$0x0], $0xffff  }
0x4a7: {  	v7 =	vld.idx.msk [tilespmem:v7+s20+$0x0], $0xffff  }
0x4a8: {  	v6 =	vmul.f32 v8, v6;
	v8 =	vld [tilespmem:s19+$0x10]  }
0x4a9: {  	v45 =	vld [tilespmem:s19+$0xFFFFFFC0]  }
0x4aa: {  	v2 =	vld.idx.msk [tilespmem:v2+s20+$0x0], $0xffff;
	[tilespmem:s14+$0x60] =	vst v6  }
0x4ab: {  	v6 =	vld [tilespmem:s18+$0x70]  }
0x4ac: {  	v7 =	vmul.f32 v10, v7;
	v10 =	vld [tilespmem:s15+$0xFFFFFF90]  }
0x4ad: {  	v4 =	vmul.f32 v8, v4;
	s15 =	simm.s32 $0x1C3A0;
	v5 =	vld.idx.msk [tilespmem:v5+s20+$0x0], $0xffff  }
0x4ae: {  	v47 =	vld [tilespmem:s15+$0x0];
	[tilespmem:s14+$0xFFFFFF70] =	vst v7  }
0x4af: {  	[tilespmem:s14+$0x10] =	vst v4;
	v4 =	vld [tilespmem:s19+$0x70]  }
0x4b0: {  	v7 =	vld [tilespmem:s18+$0xFFFFFF80]  }
0x4b1: {  	v8 =	vld [tilespmem:s18+$0x20]  }
0x4b2: {  	v14 =	vld [tilespmem:s19+$0xFFFFFF80]  }
0x4b3: {  	v16 =	vld [tilespmem:s19+$0x20];
	v5 =	vmul.f32 v45, v5  }
0x4b4: {  	v3 =	vmul.f32 v10, v3;
	v10 =	vld [tilespmem:s15+$0xFFFFFFB0]  }
0x4b5: {  	v6 =	vld.idx.msk [tilespmem:v6+s20+$0x0], $0xffff;
	[tilespmem:s14+$0xFFFFFFC0] =	vst v5  }
0x4b6: {  	[tilespmem:s13+$0xFFFFFF90] =	vst v3;
	v3 =	vmul.f32 v13, v11;
	v5 =	vld [tilespmem:s18+$0xFFFFFFD0]  }
0x4b7: {  	v15 =	vld [tilespmem:s19+$0xFFFFFFD0]  }
0x4b8: {  	[tilespmem:s13+$0x30] =	vst v3;
	v12 =	vld.idx.msk [tilespmem:v47+s20+$0x0], $0xffff  }
0x4b9: {  	v11 =	vld [tilespmem:s17+$0x40]  }
0x4ba: {  	v4 =	vmul.f32 v4, v6;
	v6 =	vld.idx.msk [tilespmem:v7+s20+$0x0], $0xffff  }
0x4bb: {  	v8 =	vld.idx.msk [tilespmem:v8+s20+$0x0], $0xffff  }
0x4bc: {  	[tilespmem:s14+$0x70] =	vst v4;
	v4 =	vmul.f32 v46, v9;
	v9 =	vld [tilespmem:s15+$0x50]  }
0x4bd: {  	v10 =	vld.idx.msk [tilespmem:v10+s20+$0x0], $0xffff  }
0x4be: {  	v7 =	vld [tilespmem:s18+$0x80]  }
0x4bf: {  	v48 =	vld [tilespmem:s19+$0x80]  }
0x4c0: {  	[tilespmem:s13+$0xFFFFFFE0] =	vst v4;
	v4 =	vld [tilespmem:s17+$0xFFFFFFA0]  }
0x4c1: {  	v3 =	vld [tilespmem:s17+$0xFFFFFFF0]  }
0x4c2: {  	v6 =	vmul.f32 v14, v6;
	s17 =	simm.s32 $0x15F90;
	v5 =	vld.idx.msk [tilespmem:v5+s20+$0x0], $0xffff  }
0x4c3: {  	v50 =	vld [tilespmem:s17+$0x50]  }
0x4c4: {  	[tilespmem:s14+$0xFFFFFF80] =	vst v6;
	v6 =	vld [tilespmem:s15+$0xFFFFFF60]  }
0x4c5: {  	v51 =	vld [tilespmem:s17+$0xFFFFFF60]  }
0x4c6: {  	v52 =	vld [tilespmem:s17+$0xFFFFFFB0]  }
0x4c7: {  	v8 =	vmul.f32 v16, v8;
	v53 =	vld [tilespmem:s17+$0x0]  }
0x4c8: {  	v9 =	vld.idx.msk [tilespmem:v9+s20+$0x0], $0xffff  }
0x4c9: {  	[tilespmem:s14+$0x20] =	vst v8;
	v59 =	vld [tilespmem:s19+$0xFFFFFF90]  }
0x4ca: {  	v61 =	vld [tilespmem:s19+$0x30]  }
0x4cb: {  	v7 =	vld.idx.msk [tilespmem:v7+s20+$0x0], $0xffff  }
0x4cc: {  	v5 =	vmul.f32 v15, v5;
	v6 =	vld.idx.msk [tilespmem:v6+s20+$0x0], $0xffff  }
0x4cd: {  	v4 =	vld.idx.msk [tilespmem:v4+s20+$0x0], $0xffff;
	v9 =	vmul.f32 v50, v9  }
0x4ce: {  	s16 =	simm.s32 $0x1AA90;
	v10 =	vmul.f32 v52, v10;
	[tilespmem:s14+$0xFFFFFFD0] =	vst v5;
	v5 =	vld [tilespmem:s18+$0xFFFFFF90]  }
0x4cf: {  	v49 =	vld [tilespmem:s18+$0xFFFFFFE0];
	[tilespmem:s16+$0x50] =	vst v9  }
0x4d0: {  	[tilespmem:s16+$0xFFFFFFB0] =	vst v10;
	v8 =	vld [tilespmem:s15+$0x60]  }
0x4d1: {  	v10 =	vld [tilespmem:s15+$0xFFFFFFC0];
	v6 =	vmul.f32 v51, v6  }
0x4d2: {  	v58 =	vld [tilespmem:s17+$0xFFFFFFC0]  }
0x4d3: {  	v60 =	vld [tilespmem:s19+$0xFFFFFFE0];
	[tilespmem:s16+$0xFFFFFF60] =	vst v6;
	v6 =	vmul.f32 v53, v12  }
0x4d4: {  	v9 =	vld [tilespmem:s18+$0x30]  }
0x4d5: {  	v55 =	vld [tilespmem:s15+$0xFFFFFF70];
	[tilespmem:s16+$0x0] =	vst v6  }
0x4d6: {  	v7 =	vmul.f32 v48, v7;
	v6 =	vld [tilespmem:s15+$0x10]  }
0x4d7: {  	v56 =	vld [tilespmem:s17+$0x60]  }
0x4d8: {  	[tilespmem:s14+$0x80] =	vst v7;
	v8 =	vld.idx.msk [tilespmem:v8+s20+$0x0], $0xffff  }
0x4d9: {  	v7 =	vld [tilespmem:s18+$0x90]  }
0x4da: {  	v10 =	vld.idx.msk [tilespmem:v10+s20+$0x0], $0xffff  }
0x4db: {  	v57 =	vld [tilespmem:s17+$0xFFFFFF70]  }
0x4dc: {  	v17 =	vld [tilespmem:s17+$0x10]  }
0x4dd: {  	v13 =	vld.idx.msk [tilespmem:v55+s20+$0x0], $0xffff;
	v8 =	vmul.f32 v56, v8  }
0x4de: {  	v6 =	vld.idx.msk [tilespmem:v6+s20+$0x0], $0xffff  }
0x4df: {  	v10 =	vmul.f32 v58, v10;
	[tilespmem:s16+$0x60] =	vst v8;
	v8 =	vld.idx.msk [tilespmem:v9+s20+$0x0], $0xffff  }
0x4e0: {  	v9 =	vld [tilespmem:s15+$0x70]  }
0x4e1: {  	v5 =	vld.idx.msk [tilespmem:v5+s20+$0x0], $0xffff;
	[tilespmem:s16+$0xFFFFFFC0] =	vst v10  }
0x4e2: {  	v10 =	vld [tilespmem:s15+$0xFFFFFFD0];
	v13 =	vmul.f32 v57, v13  }
0x4e3: {  	v54 =	vld.idx.msk [tilespmem:v49+s20+$0x0], $0xffff;
	v6 =	vmul.f32 v17, v6  }
0x4e4: {  	v7 =	vld.idx.msk [tilespmem:v7+s20+$0x0], $0xffff;
	[tilespmem:s16+$0xFFFFFF70] =	vst v13  }
0x4e5: {  	v13 =	vld [tilespmem:s15+$0xFFFFFF80];
	[tilespmem:s16+$0x10] =	vst v6  }
0x4e6: {  	v6 =	vld [tilespmem:s15+$0x20]  }
0x4e7: {  	v62 =	vld [tilespmem:s17+$0x70]  }
0x4e8: {  	v9 =	vld.idx.msk [tilespmem:v9+s20+$0x0], $0xffff  }
0x4e9: {  	v19 =	vld [tilespmem:s17+$0xFFFFFFD0]  }
0x4ea: {  	v10 =	vld.idx.msk [tilespmem:v10+s20+$0x0], $0xffff  }
0x4eb: {  	v18 =	vld [tilespmem:s17+$0xFFFFFF80]  }
0x4ec: {  	v2 =	vnsel vm0, $0x0, v2;
	v5 =	vmul.f32 v59, v5;
	v20 =	vld [tilespmem:s17+$0x20]  }
0x4ed: {  	[tilespmem:s13+$0x90] =	vst v2;
	v13 =	vld.idx.msk [tilespmem:v13+s20+$0x0], $0xffff;
	v2 =	vmul.f32 v62, v9  }
0x4ee: {  	[tilespmem:s14+$0xFFFFFF90] =	vst v5;
	v9 =	vmul.f32 v60, v54;
	v63 =	vld.idx.msk [tilespmem:v6+s20+$0x0], $0xffff  }
0x4ef: {  	v5 =	vmul.f32 v61, v8;
	[tilespmem:s16+$0x70] =	vst v2;
	v2 =	vld [tilespmem:s18+$0xFFFFFFA0]  }
0x4f0: {  	[tilespmem:s14+$0xFFFFFFE0] =	vst v9;
	v9 =	vld [tilespmem:s15+$0x80]  }
0x4f1: {  	[tilespmem:s14+$0x30] =	vst v5;
	v6 =	vnsel vm0, $0x0, v7;
	v5 =	vld [tilespmem:s18+$0xFFFFFFF0]  }
0x4f2: {  	v4 =	vnsel vm0, $0x0, v4;
	[tilespmem:s14+$0x90] =	vst v6;
	v6 =	vld [tilespmem:s18+$0x40];
	v8 =	vmul.f32 v18, v13  }
0x4f3: {  	[tilespmem:s13+$0xFFFFFFA0] =	vst v4;
	v10 =	vmul.f32 v19, v10;
	v7 =	vld.idx.msk [tilespmem:v3+s20+$0x0], $0xffff  }
0x4f4: {  	s4 =	simm.s32 $0x1C4E0;
	s19 =	simm.s32 $0x8;
	s18 =	simm.s32 $0x15F90;
	[tilespmem:s16+$0xFFFFFF80] =	vst v8;
	v4 =	vmul.f32 v20, v63;
	v8 =	vld.idx.msk [tilespmem:v11+s20+$0x0], $0xffff  }
.LBB2_19:
0x4f5: {  	v11 =	vld [tilespmem:s4+$0x50];
	s19 =	sadd.s32 $0x4, s19;
	[tilespmem:s16+$0xFFFFFFD0] =	vst v10  }
0x4f6: {  	v10 =	vld [tilespmem:s4+$0xFFFFFFB0];
	p1 =	slt.u32 s19, $0x4C;
	[tilespmem:s16+$0x20] =	vst v4;
	v4 =	vmov v5  }
0x4f7: {  	v5 =	vld [tilespmem:s4+$0x0];
	v3 =	vmov v6  }
0x4f8: {  	v6 =	vld.idx.msk [tilespmem:v9+s20+$0x0], $0xffff  }
0x4f9: {  	v7 =	vnsel vm0, $0x0, v7;
	v9 =	vld [tilespmem:s17+$0x80]  }
0x4fa: {  	v12 =	vld [tilespmem:s4+$0xFFFFFF60];
	[tilespmem:s13+$0xFFFFFFF0] =	vst v7;
	v7 =	vnsel vm0, $0x0, v8  }
0x4fb: {  	v8 =	vld [tilespmem:s15+$0xFFFFFF90];
	[tilespmem:s13+$0x40] =	vst v7;
	s13 =	smov.u32 s14;
	s14 =	smov.u32 s16  }
0x4fc: {  	v7 =	vld [tilespmem:s15+$0xFFFFFFE0]  }
0x4fd: {  	s17 =	sadd.s32 $0x140, s17;
	v11 =	vld.idx.msk [tilespmem:v11+s20+$0x0], $0xffff  }
0x4fe: {  	v13 =	vld [tilespmem:s17+$0x50];
	v6 =	vmul.f32 v9, v6  }
0x4ff: {  	v9 =	vld.idx.msk [tilespmem:v10+s20+$0x0], $0xffff  }
0x500: {  	v5 =	vld.idx.msk [tilespmem:v5+s20+$0x0], $0xffff;
	[tilespmem:s16+$0x80] =	vst v6  }
0x501: {  	v6 =	vld [tilespmem:s15+$0x90]  }
0x502: {  	v10 =	vld.idx.msk [tilespmem:v12+s20+$0x0], $0xffff  }
0x503: {  	v12 =	vld [tilespmem:s17+$0xFFFFFF60];
	v11 =	vmul.f32 v13, v11  }
0x504: {  	s16 =	sadd.s32 $0x140, s16;
	v13 =	vld [tilespmem:s17+$0xFFFFFFB0]  }
0x505: {  	v14 =	vld [tilespmem:s17+$0x0];
	[tilespmem:s16+$0x50] =	vst v11  }
0x506: {  	v11 =	vld [tilespmem:s4+$0x60]  }
0x507: {  	v15 =	vld [tilespmem:s15+$0x30]  }
0x508: {  	v10 =	vmul.f32 v12, v10;
	v8 =	vld.idx.msk [tilespmem:v8+s20+$0x0], $0xffff  }
0x509: {  	v9 =	vmul.f32 v13, v9;
	v6 =	vld.idx.msk [tilespmem:v6+s20+$0x0], $0xffff  }
0x50a: {  	[tilespmem:s16+$0xFFFFFF60] =	vst v10;
	v5 =	vmul.f32 v14, v5;
	v7 =	vld.idx.msk [tilespmem:v7+s20+$0x0], $0xffff  }
0x50b: {  	v10 =	vld [tilespmem:s4+$0xFFFFFF70];
	[tilespmem:s16+$0xFFFFFFB0] =	vst v9  }
0x50c: {  	v9 =	vld [tilespmem:s4+$0xFFFFFFC0];
	[tilespmem:s16+$0x0] =	vst v5  }
0x50d: {  	v5 =	vld [tilespmem:s4+$0x10]  }
0x50e: {  	v11 =	vld.idx.msk [tilespmem:v11+s20+$0x0], $0xffff  }
0x50f: {  	v6 =	vnsel vm0, $0x0, v6;
	v12 =	vld [tilespmem:s17+$0x60]  }
0x510: {  	v13 =	vld [tilespmem:s17+$0xFFFFFF70];
	[tilespmem:s14+$0x90] =	vst v6  }
0x511: {  	v6 =	vld [tilespmem:s17+$0xFFFFFFC0]  }
0x512: {  	v14 =	vld [tilespmem:s17+$0x10]  }
0x513: {  	v10 =	vld.idx.msk [tilespmem:v10+s20+$0x0], $0xffff  }
0x514: {  	v9 =	vld.idx.msk [tilespmem:v9+s20+$0x0], $0xffff;
	v11 =	vmul.f32 v12, v11  }
0x515: {  	v5 =	vld.idx.msk [tilespmem:v5+s20+$0x0], $0xffff  }
0x516: {  	[tilespmem:s16+$0x60] =	vst v11;
	v11 =	vld.idx.msk [tilespmem:v15+s20+$0x0], $0xffff  }
0x517: {  	v12 =	vld [tilespmem:s4+$0x70]  }
0x518: {  	v15 =	vld [tilespmem:s18+$0xFFFFFF90]  }
0x519: {  	v10 =	vmul.f32 v13, v10;
	v13 =	vld [tilespmem:s18+$0xFFFFFFE0]  }
0x51a: {  	v6 =	vmul.f32 v6, v9;
	v9 =	vld [tilespmem:s18+$0x30];
	s18 =	smov.u32 s17  }
0x51b: {  	v5 =	vmul.f32 v14, v5;
	[tilespmem:s16+$0xFFFFFF70] =	vst v10;
	v2 =	vld.idx.msk [tilespmem:v2+s20+$0x0], $0xffff  }
0x51c: {  	v10 =	vld [tilespmem:s4+$0xFFFFFF80];
	[tilespmem:s16+$0xFFFFFFC0] =	vst v6  }
0x51d: {  	v6 =	vld [tilespmem:s4+$0xFFFFFFD0];
	[tilespmem:s16+$0x10] =	vst v5;
	v5 =	vmul.f32 v15, v8  }
0x51e: {  	v8 =	vld [tilespmem:s4+$0x20];
	v7 =	vmul.f32 v13, v7  }
0x51f: {  	v12 =	vld.idx.msk [tilespmem:v12+s20+$0x0], $0xffff;
	[tilespmem:s14+$0xFFFFFF90] =	vst v5;
	v5 =	vmul.f32 v9, v11  }
0x520: {  	v9 =	vld [tilespmem:s17+$0x70];
	[tilespmem:s14+$0xFFFFFFE0] =	vst v7  }
0x521: {  	v2 =	vnsel vm0, $0x0, v2;
	v7 =	vld [tilespmem:s17+$0xFFFFFF80];
	[tilespmem:s14+$0x30] =	vst v5  }
0x522: {  	v11 =	vld [tilespmem:s17+$0xFFFFFFD0];
	[tilespmem:s13+$0xFFFFFFA0] =	vst v2  }
0x523: {  	v13 =	vld [tilespmem:s17+$0x20]  }
0x524: {  	v10 =	vld.idx.msk [tilespmem:v10+s20+$0x0], $0xffff  }
0x525: {  	v14 =	vld.idx.msk [tilespmem:v6+s20+$0x0], $0xffff;
	v2 =	vmul.f32 v9, v12  }
0x526: {  	v8 =	vld.idx.msk [tilespmem:v8+s20+$0x0], $0xffff  }
0x527: {  	[tilespmem:s16+$0x70] =	vst v2;
	v2 =	vld [tilespmem:s15+$0xFFFFFFA0]  }
.Ltmp8:
0x528: {  	v9 =	vld [tilespmem:s4+$0x80];
	(pc) =	sbr.rel @p1 .LBB2_19-.Ltmp8, $4  }
0x529: {  	v5 =	vld [tilespmem:s15+$0xFFFFFFF0]  }
0x52a: {  	v12 =	vmul.f32 v7, v10;
	v6 =	vld [tilespmem:s15+$0x40];
	s15 =	smov.u32 s4  }
0x52b: {  	v10 =	vmul.f32 v11, v14;
	v7 =	vld.idx.msk [tilespmem:v4+s20+$0x0], $0xffff  }
0x52c: {  	s4 =	sadd.s32 $0x140, s4;
	v4 =	vmul.f32 v13, v8;
	[tilespmem:s16+$0xFFFFFF80] =	vst v12;
	v8 =	vld.idx.msk [tilespmem:v3+s20+$0x0], $0xffff  }
0x52d: {  	_ = 	snop  }
0x52e: {  	[tilespmem:s16+$0xFFFFFFD0] =	vst v10;
	v3 =	vld [tilespmem:s15+$0xFFFFFF90]  }
0x52f: {  	[tilespmem:s16+$0x20] =	vst v4;
	v56 =	vld [tilespmem:s15+$0xFFFFFFE0]  }
0x530: {  	v57 =	vld [tilespmem:s15+$0x30]  }
0x531: {  	v9 =	vld.idx.msk [tilespmem:v9+s20+$0x0], $0xffff  }
0x532: {  	v11 =	vld [tilespmem:s17+$0x80]  }
0x533: {  	v12 =	vld [tilespmem:s18+$0xFFFFFF90]  }
0x534: {  	v58 =	vld [tilespmem:s18+$0xFFFFFFE0]  }
0x535: {  	v13 =	vld [tilespmem:s18+$0x30]  }
0x536: {  	v3 =	vld.idx.msk [tilespmem:v3+s20+$0x0], $0xffff  }
0x537: {  	v4 =	vld.idx.msk [tilespmem:v56+s20+$0x0], $0xffff  }
0x538: {  	v10 =	vld.idx.msk [tilespmem:v57+s20+$0x0], $0xffff;
	_ =	sdelay $0x1  }
0x539: {  	v9 =	vmul.f32 v11, v9  }
0x53a: {  	v3 =	vmul.f32 v12, v3  }
0x53b: {  	[tilespmem:s16+$0x80] =	vst v9;
	v4 =	vmul.f32 v58, v4  }
0x53c: {  	v9 =	vld [tilespmem:s15+$0x90];
	[tilespmem:s16+$0xFFFFFF90] =	vst v3;
	v3 =	vmul.f32 v13, v10  }
0x53d: {  	[tilespmem:s16+$0xFFFFFFE0] =	vst v4;
	v59 =	vld [tilespmem:s15+$0xFFFFFFA0]  }
0x53e: {  	[tilespmem:s16+$0x30] =	vst v3;
	v3 =	vld [tilespmem:s15+$0xFFFFFFF0]  }
0x53f: {  	v60 =	vld [tilespmem:s15+$0x40];
	_ =	sdelay $0x1  }
0x540: {  	v2 =	vld.idx.msk [tilespmem:v2+s20+$0x0], $0xffff  }
0x541: {  	v5 =	vld.idx.msk [tilespmem:v5+s20+$0x0], $0xffff  }
0x542: {  	v6 =	vld.idx.msk [tilespmem:v6+s20+$0x0], $0xffff  }
0x543: {  	v7 =	vnsel vm0, $0x0, v7;
	v9 =	vld.idx.msk [tilespmem:v9+s20+$0x0], $0xffff  }
0x544: {  	[tilespmem:s13+$0xFFFFFFF0] =	vst v7;
	v61 =	vnsel vm0, $0x0, v8;
	v4 =	vld.idx.msk [tilespmem:v59+s20+$0x0], $0xffff  }
0x545: {  	[tilespmem:s13+$0x40] =	vst v61;
	v2 =	vnsel vm0, $0x0, v2;
	v3 =	vld.idx.msk [tilespmem:v3+s20+$0x0], $0xffff  }
0x546: {  	[tilespmem:s14+$0xFFFFFFA0] =	vst v2;
	v2 =	vnsel vm0, $0x0, v5;
	v63 =	vld.idx.msk [tilespmem:v60+s20+$0x0], $0xffff  }
0x547: {  	[tilespmem:s14+$0xFFFFFFF0] =	vst v2;
	v2 =	vnsel vm0, $0x0, v6  }
0x548: {  	[tilespmem:s14+$0x40] =	vst v2;
	v62 =	vnsel vm0, $0x0, v9  }
.Ltmp9:
0x549: {  	[tilespmem:s16+$0x90] =	vst v62;
	v2 =	vnsel vm0, $0x0, v4;
	(pc) =	sbr.rel @p0 .LBB2_22-.Ltmp9, $4  }
0x54a: {  	[tilespmem:s16+$0xFFFFFFA0] =	vst v2;
	v2 =	vnsel vm0, $0x0, v3  }
0x54b: {  	[tilespmem:s16+$0xFFFFFFF0] =	vst v2;
	v2 =	vnsel vm0, $0x0, v63  }
0x54c: {  	s4 =	sadd.s32 $0xEB50, s12;
	[tilespmem:s16+$0x40] =	vst v2  }
0x54d: {  	[spmem:s3] =	stream.indirect.scatter.add.f32 [tilespmem:s0], [sflag:$0x6], $0x50, s4, s26, $0xb8;
	[tilespmem:$0x1D980] =	vst v63  }
.Ltmp10:
0x54e: {  	(pc) =	sbr.rel .LBB2_4-.Ltmp10, $4  }
0x54f: {  	s4 =	sadd.s32 $0xC580, s11  }
0x550: {  	[tilespmem:s22], [sflag:$0x4] =	stream.indirect.gather [hbm4b:s5+s26], $0x50, s4, s26, $0xb8;
	[tilespmem:$0x1D980] =	vst v63  }
0x551: {  	s19 =	sadd.s32 $0xEC90, s11;
	s9 =	sadd.s32 $0x1, s9  }
0x552: {  	[tilespmem:s31], [sflag:$0x4] =	stream.indirect.gather [hbm4b:s2+s26], $0x10, s19, s26, $0xb8;
	[tilespmem:$0x1D980] =	vst v63  }
.LBB2_22:
0x553: {  	_ =	swait.ge [sflag:s1], $0x1900  }
0x554: {  	[sflag:s1] =	ssyncset.done $0x0  }
0x555: {  	[sflag:s1] =	ssyncadd.s32 $0xFFFFE700  }
0x556: {  	_ =	swait.ge [sflag:s1], $0x500  }
0x557: {  	[sflag:s1] =	ssyncset.done $0x0  }
0x558: {  	[sflag:s1] =	ssyncadd.s32 $0xFFFFFB00  }
0x559: {  	_ =	swait.ge [sflag:s24], $0x1900  }
0x55a: {  	[sflag:s24] =	ssyncset.done $0x0  }
0x55b: {  	s4 =	simm.s32 $0x11250;
	[sflag:s24] =	ssyncadd.s32 $0xFFFFE700  }
0x55c: {  	s9 =	simm.s32 $0x17590;
	v2 =	vld [tilespmem:s4+$0x50]  }
0x55d: {  	v3 =	vld [tilespmem:s9+$0x10]  }
0x55e: {  	v5 =	vld [tilespmem:s4+$0xFFFFFFB0]  }
0x55f: {  	v6 =	vld [tilespmem:s9+$0xFFFFFFF0]  }
0x560: {  	v7 =	vld [tilespmem:s4+$0x0]  }
0x561: {  	v8 =	vld [tilespmem:s9+$0x0]  }
0x562: {  	s18 =	simm.s32 $0x11390;
	v4 =	vld [tilespmem:s9+$0xFFFFFFE0]  }
0x563: {  	v10 =	vld [tilespmem:s18+$0x50]  }
0x564: {  	s19 =	simm.s32 $0x175D0;
	v2 =	vadd.f32 v3, v2;
	v3 =	vld [tilespmem:s4+$0xFFFFFF60]  }
0x565: {  	v5 =	vadd.f32 v6, v5;
	v6 =	vld [tilespmem:s19+$0x10]  }
0x566: {  	v7 =	vadd.f32 v8, v7;
	v9 =	vmul.f32 $2.000000030e-01, v2  }
0x567: {  	vm1 =	vgt.f32 v2, $0.0e+00  }
0x568: {  	v12 =	vld [tilespmem:s19+$0xFFFFFFF0];
	vm2 =	vgt.f32 v7, $0.0e+00;
	v11 =	vmul.f32 $2.000000030e-01, v7;
	v2 =	vsel vm1, v2, v9  }
0x569: {  	v8 =	vld [tilespmem:s19+$0xFFFFFFE0];
	v9 =	vmul.f32 $2.000000030e-01, v5;
	v2 =	vsub.f32 v2, v1;
	v3 =	vadd.f32 v4, v3  }
0x56a: {  	vm1 =	vgt.f32 v5, $0.0e+00;
	v7 =	vsel vm2, v7, v11;
	v11 =	vld [tilespmem:s19+$0x0];
	v6 =	vadd.f32 v6, v10  }
0x56b: {  	v4 =	vld [tilespmem:s18+$0xFFFFFFB0];
	v5 =	vsel vm1, v5, v9;
	v2 =	vmul.f32 $1.442695020e+00, v2;
	v13 =	vmul.f32 $2.000000030e-01, v3  }
0x56c: {  	v9 =	vld [tilespmem:s18+$0x0];
	vm3 =	vgt.f32 v3, $0.0e+00;
	v5 =	vsub.f32 v5, v1;
	v10 =	vmul.f32 $2.000000030e-01, v6  }
0x56d: {  	(erf) = vpow2.f32 v2;
	v2 =	vsel vm3, v3, v13;
	v3 =	vsub.f32 v7, v1;
	v7 =	vld [tilespmem:s18+$0xFFFFFF60]  }
0x56e: {  	vm1 =	vgt.f32 v6, $0.0e+00  }
0x56f: {  	s11 =	simm.s32 $0x114D0;
	v5 =	vmul.f32 $1.442695020e+00, v5;
	v6 =	vsel vm1, v6, v10;
	v2 =	vsub.f32 v2, v1  }
0x570: {  	s9 =	simm.s32 $0x17610;
	v6 =	vsub.f32 v6, v1;
	v13 =	vmul.f32 $1.442695020e+00, v3;
	v3 =	vadd.f32 v12, v4;
	v4 =	vld [tilespmem:s11+$0x50]  }
0x571: {  	(erf) = vpow2.f32 v5;
	v5 =	vld [tilespmem:s9+$0x10];
	v2 =	vmul.f32 $1.442695020e+00, v2  }
0x572: {  	v9 =	vadd.f32 v11, v9;
	v6 =	vmul.f32 $1.442695020e+00, v6;
	v8 =	vadd.f32 v8, v7  }
0x573: {  	v14 =	vld [tilespmem:s9+$0xFFFFFFF0];
	v10 =	vmul.f32 $2.000000030e-01, v3;
	vm1 =	vgt.f32 v3, $0.0e+00;
	(erf) = vpow2.f32 v2  }
0x574: {  	v11 =	vld [tilespmem:s11+$0xFFFFFFB0];
	vm2 =	vgt.f32 v9, $0.0e+00;
	v2 =	vmul.f32 $2.000000030e-01, v9;
	v12 =	vmul.f32 $2.000000030e-01, v8  }
0x575: {  	v3 =	vsel vm1, v3, v10;
	(erf) = vpow2.f32 v6;
	v6 =	vld [tilespmem:s9+$0x0];
	vm3 =	vgt.f32 v8, $0.0e+00  }
0x576: {  	v10 =	vsub.f32 v3, v1;
	v3 =	vld [tilespmem:s9+$0xFFFFFFE0];
	v7 =	vadd.f32 v5, v4;
	v5 =	vsel vm3, v8, v12  }
0x577: {  	v2 =	vsel vm2, v9, v2;
	v4 =	vld [tilespmem:s11+$0x0]  }
0x578: {  	(erf) = vpow2.f32 v13;
	v2 =	vsub.f32 v2, v1;
	v8 =	vld [tilespmem:s11+$0xFFFFFF60];
	v9 =	vsub.f32 v5, v1  }
0x579: {  	s4 =	simm.s32 $0x18990;
	v10 =	vmul.f32 $1.442695020e+00, v10;
	v12 =	vmul.f32 $2.000000030e-01, v7;
	vm1 =	vgt.f32 v7, $0.0e+00;
	v5 =	vpop (erf)  }
0x57a: {  	s12 =	simm.s32 $0x8;
	s13 =	simm.s32 $0x11610;
	s11 =	simm.s32 $0x18990;
	v2 =	vmul.f32 $1.442695020e+00, v2;
	v9 =	vmul.f32 $1.442695020e+00, v9;
	[tilespmem:s4+$0x10] =	vst v5;
	v5 =	vadd.f32 v14, v11;
	v11 =	vpop (erf)  }
.LBB2_23:
0x57b: {  	v13 =	vld [tilespmem:s13+$0x50];
	v12 =	vsel vm1, v7, v12;
	s9 =	sadd.s32 $0x40, s9;
	(erf) = vpow2.f32 v10;
	[tilespmem:s4+$0xFFFFFFF0] =	vst v11  }
0x57c: {  	s12 =	sadd.s32 $0x4, s12;
	v10 =	vld [tilespmem:s9+$0x10];
	v16 =	vmul.f32 $2.000000030e-01, v5;
	v6 =	vadd.f32 v6, v4;
	v4 =	vsub.f32 v12, v1;
	v7 =	vpop (erf)  }
0x57d: {  	p0 =	slt.u32 s12, $0x4C;
	vm1 =	vgt.f32 v5, $0.0e+00;
	v8 =	vadd.f32 v3, v8;
	v3 =	vld [tilespmem:s9+$0xFFFFFFE0];
	(erf) = vpow2.f32 v9;
	[tilespmem:s4+$0xFFFFFFE0] =	vst v7  }
0x57e: {  	v9 =	vld [tilespmem:s13+$0xFFFFFFB0];
	vm2 =	vgt.f32 v6, $0.0e+00;
	v7 =	vmul.f32 $2.000000030e-01, v6;
	v17 =	vmul.f32 $1.442695020e+00, v4  }
0x57f: {  	s4 =	sadd.s32 $0x40, s4;
	v5 =	vsel vm1, v5, v16;
	v14 =	vld [tilespmem:s9+$0xFFFFFFF0];
	vm3 =	vgt.f32 v8, $0.0e+00;
	v15 =	vmul.f32 $2.000000030e-01, v8;
	v11 =	vpop (erf)  }
.Ltmp11:
0x580: {  	v5 =	vsub.f32 v5, v1;
	v4 =	vld [tilespmem:s13+$0x0];
	v16 =	vsel vm2, v6, v7;
	(erf) = vpow2.f32 v17;
	[tilespmem:s4+$0x10] =	vst v11;
	(pc) =	sbr.rel @p0 .LBB2_23-.Ltmp11, $4  }
0x581: {  	v6 =	vld [tilespmem:s9+$0x0];
	v7 =	vadd.f32 v10, v13;
	v10 =	vsel vm3, v8, v15;
	v15 =	vsub.f32 v16, v1;
	v12 =	vpop (erf)  }
0x582: {  	v8 =	vld [tilespmem:s13+$0xFFFFFF60];
	v13 =	vsub.f32 v10, v1;
	v10 =	vmul.f32 $1.442695020e+00, v5;
	(erf) = vpow2.f32 v2;
	[tilespmem:s11+$0x0] =	vst v12;
	s11 =	smov.u32 s4  }
0x583: {  	v12 =	vmul.f32 $2.000000030e-01, v7;
	v2 =	vmul.f32 $1.442695020e+00, v15  }
0x584: {  	s13 =	sadd.s32 $0x140, s13;
	vm1 =	vgt.f32 v7, $0.0e+00;
	v5 =	vadd.f32 v14, v9;
	v9 =	vmul.f32 $1.442695020e+00, v13;
	v11 =	vpop (erf)  }
0x585: {  	_ = 	snop  }
0x586: {  	v7 =	vsel vm1, v7, v12  }
0x587: {  	(erf) = vpow2.f32 v10;
	v4 =	vadd.f32 v6, v4;
	v3 =	vadd.f32 v3, v8  }
0x588: {  	v6 =	vmul.f32 $2.000000030e-01, v5;
	v7 =	vsub.f32 v7, v1;
	(erf) = vpow2.f32 v9  }
0x589: {  	vm1 =	vgt.f32 v5, $0.0e+00;
	v10 =	vmul.f32 $2.000000030e-01, v4;
	v8 =	vmul.f32 $2.000000030e-01, v3  }
0x58a: {  	v5 =	vsel vm1, v5, v6;
	v6 =	vmul.f32 $1.442695020e+00, v7;
	vm3 =	vgt.f32 v3, $0.0e+00  }
0x58b: {  	vm2 =	vgt.f32 v4, $0.0e+00;
	v5 =	vsub.f32 v5, v1;
	v3 =	vsel vm3, v3, v8  }
0x58c: {  	v4 =	vsel vm2, v4, v10;
	(erf) = vpow2.f32 v6;
	v3 =	vsub.f32 v3, v1  }
0x58d: {  	(erf) = vpow2.f32 v2;
	v1 =	vsub.f32 v4, v1  }
0x58e: {  	v4 =	vmul.f32 $1.442695020e+00, v5;
	v2 =	vmul.f32 $1.442695020e+00, v3  }
0x58f: {  	v1 =	vmul.f32 $1.442695020e+00, v1  }
0x590: {  	(erf) = vpow2.f32 v4  }
0x591: {  	(erf) = vpow2.f32 v2  }
0x592: {  	[tilespmem:s4+$0xFFFFFFF0] =	vst v11;
	v2 =	vpop (erf);
	(erf) = vpow2.f32 v1  }
0x593: {  	s18 =	sadd.s32 $0x40, s4;
	v1 =	vpop (erf);
	[tilespmem:s4+$0xFFFFFFE0] =	vst v2  }
0x594: {  	v2 =	vpop (erf);
	[tilespmem:s18+$0x10] =	vst v1  }
0x595: {  	v1 =	vpop (erf);
	[tilespmem:s11+$0x0] =	vst v2  }
0x596: {  	v2 =	vpop (erf);
	[tilespmem:s18+$0xFFFFFFF0] =	vst v1  }
0x597: {  	s9 =	sadd.s32 $0x40, s18;
	v1 =	vpop (erf);
	[tilespmem:s18+$0xFFFFFFE0] =	vst v2  }
0x598: {  	[tilespmem:s9+$0x10] =	vst v1;
	v1 =	vpop (erf)  }
0x599: {  	[tilespmem:s18+$0x0] =	vst v1;
	v1 =	vpop (erf)  }
0x59a: {  	[tilespmem:s9+$0xFFFFFFF0] =	vst v1;
	v1 =	vpop (erf)  }
0x59b: {  	[tilespmem:s9+$0xFFFFFFE0] =	vst v1;
	v1 =	vpop (erf)  }
0x59c: {  	s19 =	simm.s32 $0x1C120;
	[tilespmem:s9+$0x0] =	vst v1  }
0x59d: {  	v1 =	vld [tilespmem:s19+$0x50];
	_ =	sdelay $0x2  }
0x59e: {  	s12 =	simm.s32 $0x11210  }
0x59f: {  	v2 =	vld [tilespmem:s12+$0x50]  }
0x5a0: {  	v3 =	vld [tilespmem:s19+$0xFFFFFFB0]  }
0x5a1: {  	v4 =	vld [tilespmem:s19+$0x0]  }
0x5a2: {  	v5 =	vld [tilespmem:s19+$0xFFFFFF60]  }
0x5a3: {  	v1 =	vld.idx.msk [tilespmem:v1+s20+$0x0], $0xffff;
	_ =	sdelay $0x4  }
0x5a4: {  	v1 =	vmul.f32 v2, v1;
	v2 =	vld.idx.msk [tilespmem:v3+s20+$0x0], $0xffff  }
0x5a5: {  	v3 =	vld.idx.msk [tilespmem:v4+s20+$0x0], $0xffff  }
0x5a6: {  	v4 =	vld.idx.msk [tilespmem:v5+s20+$0x0], $0xffff  }
0x5a7: {  	v5 =	vld [tilespmem:s12+$0xFFFFFF60]  }
0x5a8: {  	s9 =	simm.s32 $0x18F10;
	v6 =	vld [tilespmem:s12+$0xFFFFFFB0]  }
0x5a9: {  	v7 =	vld [tilespmem:s12+$0x0];
	[tilespmem:s9+$0x50] =	vst v1  }
0x5aa: {  	v1 =	vld [tilespmem:s19+$0x60]  }
0x5ab: {  	s15 =	simm.s32 $0x1C260  }
0x5ac: {  	v8 =	vld [tilespmem:s15+$0x50];
	v4 =	vmul.f32 v5, v4  }
0x5ad: {  	v9 =	vld [tilespmem:s15+$0xFFFFFFB0];
	v2 =	vmul.f32 v6, v2  }
0x5ae: {  	v5 =	vld [tilespmem:s12+$0x60];
	v3 =	vmul.f32 v7, v3;
	[tilespmem:s9+$0xFFFFFF60] =	vst v4  }
0x5af: {  	[tilespmem:s9+$0xFFFFFFB0] =	vst v2;
	v4 =	vld [tilespmem:s19+$0xFFFFFF70]  }
0x5b0: {  	[tilespmem:s9+$0x0] =	vst v3;
	v2 =	vld [tilespmem:s19+$0xFFFFFFC0]  }
0x5b1: {  	v3 =	vld [tilespmem:s19+$0x10]  }
0x5b2: {  	v1 =	vld.idx.msk [tilespmem:v1+s20+$0x0], $0xffff  }
0x5b3: {  	v10 =	vld [tilespmem:s15+$0x0]  }
0x5b4: {  	v11 =	vld [tilespmem:s15+$0xFFFFFF60]  }
0x5b5: {  	v6 =	vld [tilespmem:s12+$0xFFFFFFC0]  }
0x5b6: {  	v7 =	vld [tilespmem:s12+$0x10]  }
0x5b7: {  	v1 =	vmul.f32 v5, v1;
	v5 =	vld [tilespmem:s12+$0xFFFFFF70]  }
0x5b8: {  	v4 =	vld.idx.msk [tilespmem:v4+s20+$0x0], $0xffff  }
0x5b9: {  	v2 =	vld.idx.msk [tilespmem:v2+s20+$0x0], $0xffff  }
0x5ba: {  	v3 =	vld.idx.msk [tilespmem:v3+s20+$0x0], $0xffff;
	[tilespmem:s9+$0x60] =	vst v1  }
0x5bb: {  	s14 =	simm.s32 $0x11490;
	v1 =	vld [tilespmem:s19+$0x70]  }
0x5bc: {  	v52 =	vld [tilespmem:s14+$0x50]  }
0x5bd: {  	v53 =	vld [tilespmem:s14+$0xFFFFFF60];
	v4 =	vmul.f32 v5, v4  }
0x5be: {  	v54 =	vld [tilespmem:s14+$0xFFFFFFB0];
	v2 =	vmul.f32 v6, v2  }
0x5bf: {  	v5 =	vld [tilespmem:s12+$0x70];
	v3 =	vmul.f32 v7, v3;
	[tilespmem:s9+$0xFFFFFF70] =	vst v4  }
0x5c0: {  	[tilespmem:s9+$0xFFFFFFC0] =	vst v2;
	v4 =	vld [tilespmem:s19+$0xFFFFFF80]  }
0x5c1: {  	[tilespmem:s9+$0x10] =	vst v3;
	v2 =	vld [tilespmem:s19+$0xFFFFFFD0]  }
0x5c2: {  	v3 =	vld [tilespmem:s19+$0x20]  }
0x5c3: {  	v1 =	vld.idx.msk [tilespmem:v1+s20+$0x0], $0xffff  }
0x5c4: {  	v55 =	vld [tilespmem:s14+$0x0]  }
0x5c5: {  	v9 =	vld.idx.msk [tilespmem:v9+s20+$0x0], $0xffff  }
0x5c6: {  	v6 =	vld [tilespmem:s12+$0xFFFFFF80]  }
0x5c7: {  	v7 =	vld [tilespmem:s12+$0x20]  }
0x5c8: {  	v1 =	vmul.f32 v5, v1;
	v5 =	vld [tilespmem:s12+$0xFFFFFFD0]  }
0x5c9: {  	v4 =	vld.idx.msk [tilespmem:v4+s20+$0x0], $0xffff  }
0x5ca: {  	v2 =	vld.idx.msk [tilespmem:v2+s20+$0x0], $0xffff  }
0x5cb: {  	v3 =	vld.idx.msk [tilespmem:v3+s20+$0x0], $0xffff  }
0x5cc: {  	v11 =	vld.idx.msk [tilespmem:v11+s20+$0x0], $0xffff;
	[tilespmem:s9+$0x70] =	vst v1  }
0x5cd: {  	v1 =	vld [tilespmem:s19+$0x80]  }
0x5ce: {  	s16 =	simm.s32 $0x11350;
	v4 =	vmul.f32 v6, v4;
	v6 =	vld.idx.msk [tilespmem:v8+s20+$0x0], $0xffff  }
0x5cf: {  	v2 =	vmul.f32 v5, v2;
	v5 =	vld [tilespmem:s16+$0x50]  }
0x5d0: {  	v3 =	vmul.f32 v7, v3;
	v7 =	vld.idx.msk [tilespmem:v10+s20+$0x0], $0xffff  }
0x5d1: {  	[tilespmem:s9+$0xFFFFFF80] =	vst v4;
	v4 =	vld [tilespmem:s12+$0x80]  }
0x5d2: {  	[tilespmem:s9+$0x20] =	vst v3;
	v3 =	vld [tilespmem:s16+$0x0]  }
0x5d3: {  	[tilespmem:s9+$0xFFFFFFD0] =	vst v2;
	v2 =	vld [tilespmem:s19+$0xFFFFFF90]  }
0x5d4: {  	v8 =	vld [tilespmem:s19+$0xFFFFFFE0]  }
0x5d5: {  	v5 =	vmul.f32 v5, v6;
	v6 =	vld [tilespmem:s16+$0xFFFFFF60]  }
0x5d6: {  	v10 =	vld [tilespmem:s19+$0x30]  }
0x5d7: {  	s11 =	simm.s32 $0x19050;
	v1 =	vld.idx.msk [tilespmem:v1+s20+$0x0], $0xffff  }
0x5d8: {  	v49 =	vld [tilespmem:s12+$0x30];
	[tilespmem:s11+$0x50] =	vst v5;
	v3 =	vmul.f32 v3, v7  }
0x5d9: {  	v5 =	vld [tilespmem:s15+$0x60]  }
0x5da: {  	v7 =	vld [tilespmem:s16+$0x60];
	[tilespmem:s11+$0x0] =	vst v3;
	v6 =	vmul.f32 v6, v11  }
0x5db: {  	v3 =	vld [tilespmem:s15+$0x10]  }
0x5dc: {  	v1 =	vmul.f32 v4, v1;
	v4 =	vld [tilespmem:s16+$0xFFFFFFB0];
	[tilespmem:s11+$0xFFFFFF60] =	vst v6  }
0x5dd: {  	v6 =	vld [tilespmem:s15+$0xFFFFFF70]  }
0x5de: {  	v2 =	vld.idx.msk [tilespmem:v2+s20+$0x0], $0xffff  }
0x5df: {  	v8 =	vld.idx.msk [tilespmem:v8+s20+$0x0], $0xffff;
	[tilespmem:s9+$0x80] =	vst v1  }
0x5e0: {  	v1 =	vld [tilespmem:s19+$0x90]  }
0x5e1: {  	v4 =	vmul.f32 v4, v9;
	v5 =	vld.idx.msk [tilespmem:v5+s20+$0x0], $0xffff  }
0x5e2: {  	v9 =	vld [tilespmem:s16+$0xFFFFFF70]  }
0x5e3: {  	[tilespmem:s11+$0xFFFFFFB0] =	vst v4;
	v3 =	vld.idx.msk [tilespmem:v3+s20+$0x0], $0xffff  }
0x5e4: {  	v4 =	vld [tilespmem:s15+$0xFFFFFFC0]  }
0x5e5: {  	v6 =	vld.idx.msk [tilespmem:v6+s20+$0x0], $0xffff  }
0x5e6: {  	v5 =	vmul.f32 v7, v5;
	v7 =	vld [tilespmem:s16+$0x10]  }
0x5e7: {  	v10 =	vld.idx.msk [tilespmem:v10+s20+$0x0], $0xffff  }
0x5e8: {  	v11 =	vld [tilespmem:s16+$0xFFFFFFC0]  }
0x5e9: {  	v1 =	vld.idx.msk [tilespmem:v1+s20+$0x0], $0xffff;
	[tilespmem:s11+$0x60] =	vst v5  }
0x5ea: {  	v5 =	vld [tilespmem:s15+$0x70];
	v6 =	vmul.f32 v9, v6  }
0x5eb: {  	v9 =	vld [tilespmem:s12+$0xFFFFFF90];
	v3 =	vmul.f32 v7, v3  }
0x5ec: {  	v4 =	vld.idx.msk [tilespmem:v4+s20+$0x0], $0xffff;
	[tilespmem:s11+$0xFFFFFF70] =	vst v6  }
0x5ed: {  	[tilespmem:s11+$0x10] =	vst v3;
	v3 =	vld [tilespmem:s16+$0x70]  }
0x5ee: {  	v6 =	vld [tilespmem:s15+$0xFFFFFF80]  }
0x5ef: {  	v7 =	vld [tilespmem:s15+$0x20]  }
0x5f0: {  	v13 =	vld [tilespmem:s16+$0xFFFFFF80]  }
0x5f1: {  	v15 =	vld [tilespmem:s16+$0x20];
	v2 =	vmul.f32 v9, v2  }
0x5f2: {  	v4 =	vmul.f32 v11, v4;
	v11 =	vld [tilespmem:s12+$0xFFFFFFE0]  }
0x5f3: {  	v5 =	vld.idx.msk [tilespmem:v5+s20+$0x0], $0xffff;
	s12 =	simm.s32 $0x1C3A0;
	[tilespmem:s9+$0xFFFFFF90] =	vst v2  }
0x5f4: {  	v2 =	vmul.f32 v49, v10;
	v9 =	vld [tilespmem:s12+$0xFFFFFFB0];
	[tilespmem:s11+$0xFFFFFFC0] =	vst v4  }
0x5f5: {  	v4 =	vld [tilespmem:s15+$0xFFFFFFD0]  }
0x5f6: {  	v14 =	vld [tilespmem:s16+$0xFFFFFFD0];
	[tilespmem:s9+$0x30] =	vst v2  }
0x5f7: {  	v10 =	vld [tilespmem:s19+$0x40]  }
0x5f8: {  	v3 =	vmul.f32 v3, v5;
	v5 =	vld.idx.msk [tilespmem:v6+s20+$0x0], $0xffff  }
0x5f9: {  	v7 =	vld.idx.msk [tilespmem:v7+s20+$0x0], $0xffff  }
0x5fa: {  	[tilespmem:s11+$0x70] =	vst v3;
	v3 =	vmul.f32 v11, v8;
	v8 =	vld [tilespmem:s12+$0x50]  }
0x5fb: {  	v11 =	vld [tilespmem:s12+$0x0]  }
0x5fc: {  	v6 =	vld [tilespmem:s15+$0x80]  }
0x5fd: {  	v50 =	vld [tilespmem:s16+$0x80]  }
0x5fe: {  	[tilespmem:s9+$0xFFFFFFE0] =	vst v3;
	v3 =	vld [tilespmem:s19+$0xFFFFFFA0];
	v5 =	vmul.f32 v13, v5  }
0x5ff: {  	v9 =	vld.idx.msk [tilespmem:v9+s20+$0x0], $0xffff  }
0x600: {  	[tilespmem:s11+$0xFFFFFF80] =	vst v5;
	v5 =	vld [tilespmem:s12+$0xFFFFFF60]  }
0x601: {  	v2 =	vld [tilespmem:s19+$0xFFFFFFF0]  }
0x602: {  	v7 =	vmul.f32 v15, v7;
	v4 =	vld.idx.msk [tilespmem:v4+s20+$0x0], $0xffff  }
0x603: {  	v60 =	vld [tilespmem:s16+$0xFFFFFF90]  }
0x604: {  	[tilespmem:s11+$0x20] =	vst v7;
	v8 =	vld.idx.msk [tilespmem:v8+s20+$0x0], $0xffff  }
0x605: {  	v62 =	vld [tilespmem:s16+$0x30]  }
0x606: {  	v9 =	vmul.f32 v54, v9;
	v11 =	vld.idx.msk [tilespmem:v11+s20+$0x0], $0xffff  }
0x607: {  	s13 =	simm.s32 $0x19190;
	v6 =	vld.idx.msk [tilespmem:v6+s20+$0x0], $0xffff  }
0x608: {  	[tilespmem:s13+$0xFFFFFFB0] =	vst v9;
	v5 =	vld.idx.msk [tilespmem:v5+s20+$0x0], $0xffff  }
0x609: {  	v9 =	vld [tilespmem:s12+$0xFFFFFFC0];
	v8 =	vmul.f32 v52, v8  }
0x60a: {  	v59 =	vld [tilespmem:s14+$0xFFFFFFC0]  }
0x60b: {  	v4 =	vmul.f32 v14, v4;
	v3 =	vld.idx.msk [tilespmem:v3+s20+$0x0], $0xffff;
	[tilespmem:s13+$0x50] =	vst v8  }
0x60c: {  	v7 =	vld [tilespmem:s12+$0x60]  }
0x60d: {  	[tilespmem:s11+$0xFFFFFFD0] =	vst v4;
	v4 =	vld [tilespmem:s15+$0xFFFFFF90];
	v5 =	vmul.f32 v53, v5  }
0x60e: {  	v51 =	vld [tilespmem:s15+$0xFFFFFFE0]  }
0x60f: {  	v61 =	vld [tilespmem:s16+$0xFFFFFFE0];
	[tilespmem:s13+$0xFFFFFF60] =	vst v5;
	v5 =	vmul.f32 v55, v11  }
0x610: {  	v8 =	vld [tilespmem:s15+$0x30]  }
0x611: {  	v56 =	vld [tilespmem:s12+$0xFFFFFF70];
	[tilespmem:s13+$0x0] =	vst v5  }
0x612: {  	v6 =	vmul.f32 v50, v6;
	v5 =	vld [tilespmem:s12+$0x10]  }
0x613: {  	v57 =	vld [tilespmem:s14+$0x60]  }
0x614: {  	[tilespmem:s11+$0x80] =	vst v6;
	v7 =	vld.idx.msk [tilespmem:v7+s20+$0x0], $0xffff  }
0x615: {  	v6 =	vld [tilespmem:s15+$0x90]  }
0x616: {  	v9 =	vld.idx.msk [tilespmem:v9+s20+$0x0], $0xffff  }
0x617: {  	v58 =	vld [tilespmem:s14+$0xFFFFFF70]  }
0x618: {  	v16 =	vld [tilespmem:s14+$0x10]  }
0x619: {  	v12 =	vld.idx.msk [tilespmem:v56+s20+$0x0], $0xffff;
	v7 =	vmul.f32 v57, v7  }
0x61a: {  	v5 =	vld.idx.msk [tilespmem:v5+s20+$0x0], $0xffff  }
0x61b: {  	v9 =	vmul.f32 v59, v9;
	[tilespmem:s13+$0x60] =	vst v7;
	v7 =	vld.idx.msk [tilespmem:v8+s20+$0x0], $0xffff  }
0x61c: {  	v8 =	vld [tilespmem:s12+$0x70]  }
0x61d: {  	v4 =	vld.idx.msk [tilespmem:v4+s20+$0x0], $0xffff;
	[tilespmem:s13+$0xFFFFFFC0] =	vst v9  }
0x61e: {  	v9 =	vld [tilespmem:s12+$0xFFFFFFD0];
	v12 =	vmul.f32 v58, v12  }
0x61f: {  	v11 =	vld.idx.msk [tilespmem:v51+s20+$0x0], $0xffff;
	v5 =	vmul.f32 v16, v5  }
0x620: {  	v6 =	vld.idx.msk [tilespmem:v6+s20+$0x0], $0xffff;
	[tilespmem:s13+$0xFFFFFF70] =	vst v12  }
0x621: {  	v12 =	vld [tilespmem:s12+$0xFFFFFF80];
	[tilespmem:s13+$0x10] =	vst v5  }
0x622: {  	v5 =	vld [tilespmem:s12+$0x20]  }
0x623: {  	v63 =	vld [tilespmem:s14+$0x70]  }
0x624: {  	v8 =	vld.idx.msk [tilespmem:v8+s20+$0x0], $0xffff  }
0x625: {  	v18 =	vld [tilespmem:s14+$0xFFFFFFD0]  }
0x626: {  	v9 =	vld.idx.msk [tilespmem:v9+s20+$0x0], $0xffff  }
0x627: {  	v17 =	vld [tilespmem:s14+$0xFFFFFF80]  }
0x628: {  	v1 =	vnsel vm0, $0x0, v1;
	v4 =	vmul.f32 v60, v4;
	v19 =	vld [tilespmem:s14+$0x20]  }
0x629: {  	[tilespmem:s9+$0x90] =	vst v1;
	v12 =	vld.idx.msk [tilespmem:v12+s20+$0x0], $0xffff;
	v1 =	vmul.f32 v63, v8  }
0x62a: {  	[tilespmem:s11+$0xFFFFFF90] =	vst v4;
	v8 =	vmul.f32 v61, v11;
	v11 =	vld.idx.msk [tilespmem:v5+s20+$0x0], $0xffff  }
0x62b: {  	v4 =	vmul.f32 v62, v7;
	[tilespmem:s13+$0x70] =	vst v1;
	v1 =	vld [tilespmem:s15+$0xFFFFFFA0]  }
0x62c: {  	[tilespmem:s11+$0xFFFFFFE0] =	vst v8;
	v8 =	vld [tilespmem:s12+$0x80]  }
0x62d: {  	[tilespmem:s11+$0x30] =	vst v4;
	v5 =	vnsel vm0, $0x0, v6;
	v4 =	vld [tilespmem:s15+$0xFFFFFFF0]  }
0x62e: {  	v3 =	vnsel vm0, $0x0, v3;
	[tilespmem:s11+$0x90] =	vst v5;
	v5 =	vld [tilespmem:s15+$0x40];
	v7 =	vmul.f32 v17, v12  }
0x62f: {  	[tilespmem:s9+$0xFFFFFFA0] =	vst v3;
	v9 =	vmul.f32 v18, v9;
	v6 =	vld.idx.msk [tilespmem:v2+s20+$0x0], $0xffff  }
0x630: {  	s4 =	simm.s32 $0x1C4E0;
	s16 =	simm.s32 $0x8;
	s15 =	simm.s32 $0x11490;
	[tilespmem:s13+$0xFFFFFF80] =	vst v7;
	v3 =	vmul.f32 v19, v11;
	v7 =	vld.idx.msk [tilespmem:v10+s20+$0x0], $0xffff  }
.LBB2_25:
0x631: {  	v10 =	vld [tilespmem:s4+$0x50];
	s16 =	sadd.s32 $0x4, s16;
	[tilespmem:s13+$0xFFFFFFD0] =	vst v9  }
0x632: {  	v9 =	vld [tilespmem:s4+$0xFFFFFFB0];
	p0 =	slt.u32 s16, $0x4C;
	[tilespmem:s13+$0x20] =	vst v3;
	v3 =	vmov v4  }
0x633: {  	v4 =	vld [tilespmem:s4+$0x0];
	v2 =	vmov v5  }
0x634: {  	v5 =	vld.idx.msk [tilespmem:v8+s20+$0x0], $0xffff  }
0x635: {  	v6 =	vnsel vm0, $0x0, v6;
	v8 =	vld [tilespmem:s14+$0x80]  }
0x636: {  	v11 =	vld [tilespmem:s4+$0xFFFFFF60];
	[tilespmem:s9+$0xFFFFFFF0] =	vst v6;
	v6 =	vnsel vm0, $0x0, v7  }
0x637: {  	v7 =	vld [tilespmem:s12+$0xFFFFFF90];
	[tilespmem:s9+$0x40] =	vst v6;
	s9 =	smov.u32 s11;
	s11 =	smov.u32 s13  }
0x638: {  	v6 =	vld [tilespmem:s12+$0xFFFFFFE0]  }
0x639: {  	s14 =	sadd.s32 $0x140, s14;
	v10 =	vld.idx.msk [tilespmem:v10+s20+$0x0], $0xffff  }
0x63a: {  	v12 =	vld [tilespmem:s14+$0x50];
	v5 =	vmul.f32 v8, v5  }
0x63b: {  	v8 =	vld.idx.msk [tilespmem:v9+s20+$0x0], $0xffff  }
0x63c: {  	v4 =	vld.idx.msk [tilespmem:v4+s20+$0x0], $0xffff;
	[tilespmem:s13+$0x80] =	vst v5  }
0x63d: {  	v5 =	vld [tilespmem:s12+$0x90]  }
0x63e: {  	v9 =	vld.idx.msk [tilespmem:v11+s20+$0x0], $0xffff  }
0x63f: {  	v11 =	vld [tilespmem:s14+$0xFFFFFF60];
	v10 =	vmul.f32 v12, v10  }
0x640: {  	s13 =	sadd.s32 $0x140, s13;
	v12 =	vld [tilespmem:s14+$0xFFFFFFB0]  }
0x641: {  	v13 =	vld [tilespmem:s14+$0x0];
	[tilespmem:s13+$0x50] =	vst v10  }
0x642: {  	v10 =	vld [tilespmem:s4+$0x60]  }
0x643: {  	v14 =	vld [tilespmem:s12+$0x30]  }
0x644: {  	v9 =	vmul.f32 v11, v9;
	v7 =	vld.idx.msk [tilespmem:v7+s20+$0x0], $0xffff  }
0x645: {  	v8 =	vmul.f32 v12, v8;
	v5 =	vld.idx.msk [tilespmem:v5+s20+$0x0], $0xffff  }
0x646: {  	[tilespmem:s13+$0xFFFFFF60] =	vst v9;
	v4 =	vmul.f32 v13, v4;
	v6 =	vld.idx.msk [tilespmem:v6+s20+$0x0], $0xffff  }
0x647: {  	v9 =	vld [tilespmem:s4+$0xFFFFFF70];
	[tilespmem:s13+$0xFFFFFFB0] =	vst v8  }
0x648: {  	v8 =	vld [tilespmem:s4+$0xFFFFFFC0];
	[tilespmem:s13+$0x0] =	vst v4  }
0x649: {  	v4 =	vld [tilespmem:s4+$0x10]  }
0x64a: {  	v10 =	vld.idx.msk [tilespmem:v10+s20+$0x0], $0xffff  }
0x64b: {  	v5 =	vnsel vm0, $0x0, v5;
	v11 =	vld [tilespmem:s14+$0x60]  }
0x64c: {  	v12 =	vld [tilespmem:s14+$0xFFFFFF70];
	[tilespmem:s11+$0x90] =	vst v5  }
0x64d: {  	v5 =	vld [tilespmem:s14+$0xFFFFFFC0]  }
0x64e: {  	v13 =	vld [tilespmem:s14+$0x10]  }
0x64f: {  	v9 =	vld.idx.msk [tilespmem:v9+s20+$0x0], $0xffff  }
0x650: {  	v8 =	vld.idx.msk [tilespmem:v8+s20+$0x0], $0xffff;
	v10 =	vmul.f32 v11, v10  }
0x651: {  	v4 =	vld.idx.msk [tilespmem:v4+s20+$0x0], $0xffff  }
0x652: {  	[tilespmem:s13+$0x60] =	vst v10;
	v10 =	vld.idx.msk [tilespmem:v14+s20+$0x0], $0xffff  }
0x653: {  	v11 =	vld [tilespmem:s4+$0x70]  }
0x654: {  	v14 =	vld [tilespmem:s15+$0xFFFFFF90]  }
0x655: {  	v9 =	vmul.f32 v12, v9;
	v12 =	vld [tilespmem:s15+$0xFFFFFFE0]  }
0x656: {  	v5 =	vmul.f32 v5, v8;
	v8 =	vld [tilespmem:s15+$0x30];
	s15 =	smov.u32 s14  }
0x657: {  	v4 =	vmul.f32 v13, v4;
	[tilespmem:s13+$0xFFFFFF70] =	vst v9;
	v1 =	vld.idx.msk [tilespmem:v1+s20+$0x0], $0xffff  }
0x658: {  	v9 =	vld [tilespmem:s4+$0xFFFFFF80];
	[tilespmem:s13+$0xFFFFFFC0] =	vst v5  }
0x659: {  	v5 =	vld [tilespmem:s4+$0xFFFFFFD0];
	[tilespmem:s13+$0x10] =	vst v4;
	v4 =	vmul.f32 v14, v7  }
0x65a: {  	v7 =	vld [tilespmem:s4+$0x20];
	v6 =	vmul.f32 v12, v6  }
0x65b: {  	v11 =	vld.idx.msk [tilespmem:v11+s20+$0x0], $0xffff;
	[tilespmem:s11+$0xFFFFFF90] =	vst v4;
	v4 =	vmul.f32 v8, v10  }
0x65c: {  	v8 =	vld [tilespmem:s14+$0x70];
	[tilespmem:s11+$0xFFFFFFE0] =	vst v6  }
0x65d: {  	v1 =	vnsel vm0, $0x0, v1;
	v6 =	vld [tilespmem:s14+$0xFFFFFF80];
	[tilespmem:s11+$0x30] =	vst v4  }
0x65e: {  	v10 =	vld [tilespmem:s14+$0xFFFFFFD0];
	[tilespmem:s9+$0xFFFFFFA0] =	vst v1  }
0x65f: {  	v12 =	vld [tilespmem:s14+$0x20]  }
0x660: {  	v9 =	vld.idx.msk [tilespmem:v9+s20+$0x0], $0xffff  }
0x661: {  	v13 =	vld.idx.msk [tilespmem:v5+s20+$0x0], $0xffff;
	v1 =	vmul.f32 v8, v11  }
0x662: {  	v7 =	vld.idx.msk [tilespmem:v7+s20+$0x0], $0xffff  }
0x663: {  	[tilespmem:s13+$0x70] =	vst v1;
	v1 =	vld [tilespmem:s12+$0xFFFFFFA0]  }
.Ltmp12:
0x664: {  	v8 =	vld [tilespmem:s4+$0x80];
	(pc) =	sbr.rel @p0 .LBB2_25-.Ltmp12, $4  }
0x665: {  	v4 =	vld [tilespmem:s12+$0xFFFFFFF0]  }
0x666: {  	v11 =	vmul.f32 v6, v9;
	v5 =	vld [tilespmem:s12+$0x40];
	s12 =	smov.u32 s4  }
0x667: {  	v9 =	vmul.f32 v10, v13;
	v6 =	vld.idx.msk [tilespmem:v3+s20+$0x0], $0xffff  }
0x668: {  	s4 =	sadd.s32 $0x140, s4;
	v3 =	vmul.f32 v12, v7;
	[tilespmem:s13+$0xFFFFFF80] =	vst v11;
	v7 =	vld.idx.msk [tilespmem:v2+s20+$0x0], $0xffff  }
0x669: {  	_ = 	snop  }
0x66a: {  	[tilespmem:s13+$0xFFFFFFD0] =	vst v9;
	v2 =	vld [tilespmem:s12+$0xFFFFFF90]  }
0x66b: {  	[tilespmem:s13+$0x20] =	vst v3;
	v3 =	vld [tilespmem:s12+$0xFFFFFFE0]  }
0x66c: {  	v58 =	vld [tilespmem:s12+$0x30]  }
0x66d: {  	v8 =	vld.idx.msk [tilespmem:v8+s20+$0x0], $0xffff  }
0x66e: {  	v10 =	vld [tilespmem:s14+$0x80]  }
0x66f: {  	v11 =	vld [tilespmem:s15+$0xFFFFFF90]  }
0x670: {  	v59 =	vld [tilespmem:s15+$0xFFFFFFE0]  }
0x671: {  	v12 =	vld [tilespmem:s15+$0x30]  }
0x672: {  	v2 =	vld.idx.msk [tilespmem:v2+s20+$0x0], $0xffff  }
0x673: {  	v3 =	vld.idx.msk [tilespmem:v3+s20+$0x0], $0xffff  }
0x674: {  	v9 =	vld.idx.msk [tilespmem:v58+s20+$0x0], $0xffff;
	_ =	sdelay $0x1  }
0x675: {  	v8 =	vmul.f32 v10, v8  }
0x676: {  	v2 =	vmul.f32 v11, v2  }
0x677: {  	[tilespmem:s13+$0x80] =	vst v8;
	v3 =	vmul.f32 v59, v3  }
0x678: {  	v8 =	vld [tilespmem:s12+$0x90];
	[tilespmem:s13+$0xFFFFFF90] =	vst v2;
	v2 =	vmul.f32 v12, v9  }
0x679: {  	[tilespmem:s13+$0xFFFFFFE0] =	vst v3;
	v3 =	vld [tilespmem:s12+$0xFFFFFFA0]  }
0x67a: {  	[tilespmem:s13+$0x30] =	vst v2;
	v2 =	vld [tilespmem:s12+$0xFFFFFFF0]  }
0x67b: {  	v60 =	vld [tilespmem:s12+$0x40];
	_ =	sdelay $0x1  }
0x67c: {  	v1 =	vld.idx.msk [tilespmem:v1+s20+$0x0], $0xffff  }
0x67d: {  	v4 =	vld.idx.msk [tilespmem:v4+s20+$0x0], $0xffff  }
0x67e: {  	v5 =	vld.idx.msk [tilespmem:v5+s20+$0x0], $0xffff  }
0x67f: {  	v6 =	vnsel vm0, $0x0, v6;
	v8 =	vld.idx.msk [tilespmem:v8+s20+$0x0], $0xffff  }
0x680: {  	[tilespmem:s9+$0xFFFFFFF0] =	vst v6;
	v61 =	vnsel vm0, $0x0, v7;
	v3 =	vld.idx.msk [tilespmem:v3+s20+$0x0], $0xffff  }
0x681: {  	[tilespmem:s9+$0x40] =	vst v61;
	v1 =	vnsel vm0, $0x0, v1;
	v2 =	vld.idx.msk [tilespmem:v2+s20+$0x0], $0xffff  }
0x682: {  	[tilespmem:s11+$0xFFFFFFA0] =	vst v1;
	v1 =	vnsel vm0, $0x0, v4;
	v63 =	vld.idx.msk [tilespmem:v60+s20+$0x0], $0xffff  }
0x683: {  	[tilespmem:s11+$0xFFFFFFF0] =	vst v1;
	v1 =	vnsel vm0, $0x0, v5  }
0x684: {  	[tilespmem:s11+$0x40] =	vst v1;
	v62 =	vnsel vm0, $0x0, v8  }
0x685: {  	[tilespmem:s13+$0x90] =	vst v62;
	v1 =	vnsel vm0, $0x0, v3  }
0x686: {  	[tilespmem:s13+$0xFFFFFFA0] =	vst v1;
	v1 =	vnsel vm0, $0x0, v2  }
0x687: {  	[tilespmem:s13+$0xFFFFFFF0] =	vst v1;
	v1 =	vnsel vm0, $0x0, v63  }
0x688: {  	s4 =	simm.s32 $0x11120;
	[tilespmem:s13+$0x40] =	vst v1  }
0x689: {  	[spmem:s3] =	stream.indirect.scatter.add.f32 [tilespmem:s25], [sflag:$0x5], $0x50, s4, s26, $0xb8;
	[tilespmem:$0x1D980] =	vst v63  }
0x68a: {  	_ =	swait.ge [sflag:s24], $0x1900  }
0x68b: {  	[sflag:s24] =	ssyncset.done $0x0  }
0x68c: {  	[sflag:s24] =	ssyncadd.s32 $0xFFFFE700  }
0x68d: {  	_ =	swait.ge [sflag:s7], $0x1900  }
0x68e: {  	[sflag:s7] =	ssyncset.done $0x0  }
0x68f: {  	s16 =	stileid.u32;
	[sflag:s7] =	ssyncadd.s32 $0xFFFFE700  }
0x690: {  	s4 =	sshll.u32 s16, $0x6;
	[bflag:$0x0] =	sbarrier.arrive $0xFFFF  }
0x691: {  	s17 =	sshrl.u32 s10, $0x3;
	s4 =	sor.u32 $0x1C07, s4;
	s18 =	rddreg [dreg:$0xf]  }
0x692: {  	[hbm:s18], [sflag:s4] =	dma.local [spmem:s17], $0x186A  }
0x693: {  	_ =	swait.ge [sflag:s21], $0x186A  }
0x694: {  	s8 =	sadd.s32 $0x1, s8;
	s19 =	rddreg [dreg:$0x10]  }
0x695: {  	p0 =	sne.s32 s8, s19  }
.Ltmp13:
0x696: {  	_ = 	snop;
	(pc) =	sbr.rel @p0 .LBB2_1-.Ltmp13, $3  }
0x697: {  	_ =	sdelay $0x1  }
0x698: {  	[sflag:s21] =	ssyncset.done $0x0  }
0x699: {  	s12 =	simm.s32 $0xC350;
	s13 =	simm.s32 $0xEA60;
	[sflag:s21] =	ssyncadd.s32 $0xFFFFE796  }
0x69a: {  	_ =	sfence.sel $0x180000  }
0x69b: {  	[bflag:$0x0] =	sbarrier.arrive $0xFFFF  }
0x69c: {  	_ =	strace $0x90000047  }
0x69d: {  	s0 =	stileid.u32;
	[bflag:$0x2] =	sbarrier.arrive $0xFFFF  }
0x69e: {  	p0 =	sne.s32 s0, $0x0;
	s0 =	rddreg [dreg:$0x3]  }
0x69f: {  	s0 =	sadd.s32 @!p0 $0x100000, s0  }
0x6a0: {  	[sflag:s0] =	ssyncadd.tile.s32 @!p0 $0x1;
	_ =	shalt  }
.Lfunc_end2:
_tile_overlayer_lowered:
.L_overlay_start_2:
0x6a1: {  	(tag) =	ssettag $0x2  }
0x6a2: {  	s0 =	rddreg [dreg:$0x0];
	s2 =	stileid.u32  }
0x6a3: {  	s1 =	rddreg [dreg:$0x1];
	p0 =	sne.s32 s2, $0x0  }
0x6a4: {  	s3 =	rddreg [dreg:$0x2];
	[bflag:$0x3] =	sbarrier.arrive $0xFFFF;
	s2 =	simm.s32 @!p0 $0x1C07  }
0x6a5: {  	[timem:s3], [sflag:s2] =	dma.local @!p0 [hbm:s0], s1  }
0x6a6: {  	s0 =	simm.s32 @!p0 $0x7  }
0x6a7: {  	_ =	swait.ge @!p0 [sflag:s0], s1  }
0x6a8: {  	s1 =	ssub.s32 @!p0 $0x0, s1;
	[sflag:s0] =	ssyncset.done @!p0 $0x0  }
0x6a9: {  	[sflag:s0] =	ssyncadd.s32 @!p0 s1  }
0x6aa: {  	[bflag:$0x3] =	sbarrier.arrive $0xFFFF  }
0x6ab: {  	_ =	shalt  }

</sc_bundles>
